<compile_context>
chip_gen: v7x
topology: tpu7x:2x2x1
jax: 0.10.2.dev20260603
libtpu: 0.0.44.dev20260713+nightly
codegen_flags: <defaults>
</compile_context>

<pallas_src>
import jax
import jax.numpy as jnp
from jax import lax
from jax.experimental import pallas as pl
from jax.experimental.pallas import tpu as pltpu
from jax.experimental.pallas import tpu_sc as plsc

N = 10000
E = 160000
D = 256
K = 2500

KPT = 80
KPAD = 32 * KPT


def _score_body(x_ref, seg_ref, degc_ref, ws_ref, wn_ref, b_ref, wsc_ref, bsc_ref,
                h_ref, score_ref):
    x = x_ref[...]
    sums = seg_ref[...] + x
    deg = degc_ref[...] + 1.0
    nm = sums / deg
    h = jnp.dot(x, ws_ref[...]) + jnp.dot(nm, wn_ref[...]) + b_ref[...]
    h_ref[...] = h
    logit = jnp.dot(h, wsc_ref[...]) + bsc_ref[...]
    score_ref[...] = jax.nn.sigmoid(logit)


def _pool_body(h_hbm, idx_hbm, sc_hbm, out_hbm, ibuf, sbuf, iidx, stag, obuf, sem):
    sid = lax.axis_index("s")
    cid = lax.axis_index("c")
    wid = cid * 16 + sid
    base = wid * KPT

    pltpu.sync_copy(idx_hbm.at[pl.ds(base, KPT)], ibuf)
    pltpu.sync_copy(sc_hbm.at[pl.ds(base, KPT)], sbuf)

    def _group(i, _):
        iidx[0] = ibuf[pl.ds(16 * i, 16)]
        pltpu.sync_copy(h_hbm.at[iidx.at[0]], stag)
        s16 = sbuf[pl.ds(16 * i, 16)]
        for e in range(16):
            se = s16[e]
            for c in range(16):
                obuf[e, pl.ds(16 * c, 16)] = stag[e, pl.ds(16 * c, 16)] * se
        pltpu.sync_copy(obuf, out_hbm.at[pl.ds(base + 16 * i, 16)])
        return 0

    lax.fori_loop(0, KPT // 16, _group, 0)


def _pool(h, idx, sel_scores):
    idx_pad = jnp.concatenate([idx, jnp.zeros((KPAD - K,), jnp.int32)])
    sc_pad = jnp.concatenate([sel_scores, jnp.zeros((KPAD - K,), jnp.float32)])
    mesh = plsc.VectorSubcoreMesh(core_axis_name="c", subcore_axis_name="s")
    f = pl.kernel(
        _pool_body,
        out_type=jax.ShapeDtypeStruct((KPAD, D), jnp.float32),
        mesh=mesh,
        scratch_types=[
            pltpu.VMEM((KPT,), jnp.int32),
            pltpu.VMEM((KPT,), jnp.float32),
            pltpu.VMEM((1, 16), jnp.int32),
            pltpu.VMEM((16, D), jnp.float32),
            pltpu.VMEM((16, D), jnp.float32),
            pltpu.SemaphoreType.DMA,
        ],
    )
    return f(h, idx_pad, sc_pad)[:K]


def kernel(x, edge_index, W_self, W_neigh, b, W_score, b_score, k):
    src = edge_index[0]
    dst = edge_index[1]
    msg = jnp.take(x, src, axis=0)
    seg = jax.ops.segment_sum(msg, dst, num_segments=N)
    degc = jax.ops.segment_sum(jnp.ones((E,), jnp.float32), dst, num_segments=N)

    h, score = pl.pallas_call(
        _score_body,
        out_shape=(
            jax.ShapeDtypeStruct((N, D), jnp.float32),
            jax.ShapeDtypeStruct((N, 1), jnp.float32),
        ),
    )(x, seg, degc[:, None], W_self, W_neigh, b[None, :], W_score, b_score[None, :])

    sel_scores, idx = jax.lax.top_k(score[:, 0], K)
    idx = idx + (jnp.asarray(k, idx.dtype) - K)
    new_val = _pool(h, idx, sel_scores)
    return new_val, idx

# --- scband reference (transcript-rebuilt; emitter-appended) ---
"""Pipeline reference for scband-subgraph-compressor-decompressor-5016521802460 (READ-ONLY COPY).

The authoritative reference and input builder live on the scoring server;
editing this copy changes nothing except your own understanding.
"""

import jax, jax.numpy as jnp
import numpy as np

N = 10000
E = 160000
D = 256
K = 2500


def setup_inputs(seed: int = 0) -> dict:
    key = jax.random.key(seed)
    ks = jax.random.split(key, 8)
    x = jax.random.normal(ks[0], (N, D), dtype=jnp.float32)
    edge_index = jax.random.randint(ks[1], (2, E), 0, N, dtype=jnp.int32)
    s = 1.0 / np.sqrt(D)
    W_self = jax.random.uniform(ks[2], (D, D), minval=-s, maxval=s, dtype=jnp.float32)
    W_neigh = jax.random.uniform(ks[3], (D, D), minval=-s, maxval=s, dtype=jnp.float32)
    b = jax.random.uniform(ks[4], (D,), minval=-s, maxval=s, dtype=jnp.float32)
    W_score = jax.random.uniform(ks[5], (D, 1), minval=-s, maxval=s, dtype=jnp.float32)
    b_score = jax.random.uniform(ks[6], (1,), minval=-s, maxval=s, dtype=jnp.float32)
    return {"x": x, "edge_index": edge_index, "W_self": W_self, "W_neigh": W_neigh,
            "b": b, "W_score": W_score, "b_score": b_score, "k": K}


def reference(x, edge_index, W_self, W_neigh, b, W_score, b_score, k):
    # compress() path for layer 0 on a single shard's tensor:
    # 1) SAGEConv(mean) over the self-loop-augmented induced boundary subgraph
    # 2) scorer = Sigmoid(Linear(f, 1))
    # 3) pool(): top-k by score, gather selected rows, scale by selected scores
    src = edge_index[0]
    dst = edge_index[1]
    msg = jnp.take(x, src, axis=0)                       # gather src features
    sums = jax.ops.segment_sum(msg, dst, num_segments=N) + x   # + self-loop contribution
    deg = jax.ops.segment_sum(jnp.ones((E,), jnp.float32), dst, num_segments=N) + 1.0
    neigh_mean = sums / deg[:, None]
    h = x @ W_self + neigh_mean @ W_neigh + b            # dgl SAGEConv 'mean'
    score = jax.nn.sigmoid(h @ W_score + b_score)        # [N, 1]
    sel_scores, idx = jax.lax.top_k(score[:, 0], K)      # topk(score, k, dim=0)
    idx = idx + (jnp.asarray(k, idx.dtype) - K)
    new_val = jnp.take(h, idx, axis=0) * sel_scores[:, None]  # val[idx] * sel_scores
    return new_val, idx

if __name__ == "__main__":
    import jax
    _d = setup_inputs()
    print(jax.jit(kernel)(*tuple(_d.values())))

</pallas_src>

<mosaic_0001>
#map = affine_map<(d0, d1) -> (0, 0)>
#map1 = affine_map<(d0, d1) -> (0)>
module attributes {stable_mosaic.version = 14 : i64} {
  func.func @_pool_body(%arg0: i32, %arg1: i32, %arg2: memref<10000x256xf32, #tpu.memory_space<hbm>>, %arg3: memref<2560xi32, #tpu.memory_space<hbm>>, %arg4: memref<2560xf32, #tpu.memory_space<hbm>>, %arg5: memref<2560x256xf32, #tpu.memory_space<hbm>>, %arg6: memref<80xi32, #tpu.memory_space<vmem>>, %arg7: memref<80xf32, #tpu.memory_space<vmem>>, %arg8: memref<1x16xi32, #tpu.memory_space<vmem>>, %arg9: memref<16x256xf32, #tpu.memory_space<vmem>>, %arg10: memref<16x256xf32, #tpu.memory_space<vmem>>, %arg11: memref<!tpu.dma_semaphore, #tpu.memory_space<semaphore_mem>>) attributes {dimension_semantics = [#tpu.dimension_semantics<core_parallel>, #tpu.dimension_semantics<subcore_parallel>], iteration_bounds = array<i64: 2, 16>, scalar_prefetch = 0 : i64, scratch_operands = 6 : i64, tpu.core_type = #tpu.core_type<sc_vector_subcore>, window_params = [{transform_indices = #map}, {transform_indices = #map1}, {transform_indices = #map1}, {transform_indices = #map}]} {
    %mul3A = arith.constant 16 : i32
    %mul3A_0 = arith.muli %arg0, %mul3A : i32
    %add3A = arith.addi %mul3A_0, %arg1 : i32
    %mul3A_1 = arith.constant 80 : i32
    %mul3A_2 = arith.muli %add3A, %mul3A_1 : i32
    "tpu.region"() ({
      %run_scoped3A = tpu.sem_alloc : memref<!tpu.dma_semaphore, #tpu.memory_space<semaphore_mem>>
      %dma_start3A = tpu.memref_slice %arg3[%mul3A_2] : memref<2560xi32, #tpu.memory_space<hbm>> -> memref<80xi32, #tpu.memory_space<hbm>>
      %dma_start3A_9 = tpu.memref_slice %arg3[%mul3A_2] : memref<2560xi32, #tpu.memory_space<hbm>> -> memref<80xi32, #tpu.memory_space<hbm>>
      tpu.enqueue_dma source(%dma_start3A_9 : memref<80xi32, #tpu.memory_space<hbm>>) target(%arg6 : memref<80xi32, #tpu.memory_space<vmem>>) target_semaphore(%run_scoped3A : memref<!tpu.dma_semaphore, #tpu.memory_space<semaphore_mem>>)
      %dma_wait3A = tpu.memref_slice %arg3[%mul3A_2] : memref<2560xi32, #tpu.memory_space<hbm>> -> memref<80xi32, #tpu.memory_space<hbm>>
      %dma_wait3A_10 = tpu.memref_slice %arg3[%mul3A_2] : memref<2560xi32, #tpu.memory_space<hbm>> -> memref<80xi32, #tpu.memory_space<hbm>>
      tpu.wait_dma2 semaphore(%run_scoped3A : memref<!tpu.dma_semaphore, #tpu.memory_space<semaphore_mem>>) src(%dma_wait3A_10 : memref<80xi32, #tpu.memory_space<hbm>>) dst(%arg6 : memref<80xi32, #tpu.memory_space<vmem>>)
      tpu.yield
    }) : () -> ()
    "tpu.region"() ({
      %run_scoped3A = tpu.sem_alloc : memref<!tpu.dma_semaphore, #tpu.memory_space<semaphore_mem>>
      %dma_start3A = tpu.memref_slice %arg4[%mul3A_2] : memref<2560xf32, #tpu.memory_space<hbm>> -> memref<80xf32, #tpu.memory_space<hbm>>
      %dma_start3A_9 = tpu.memref_slice %arg4[%mul3A_2] : memref<2560xf32, #tpu.memory_space<hbm>> -> memref<80xf32, #tpu.memory_space<hbm>>
      tpu.enqueue_dma source(%dma_start3A_9 : memref<80xf32, #tpu.memory_space<hbm>>) target(%arg7 : memref<80xf32, #tpu.memory_space<vmem>>) target_semaphore(%run_scoped3A : memref<!tpu.dma_semaphore, #tpu.memory_space<semaphore_mem>>)
      %dma_wait3A = tpu.memref_slice %arg4[%mul3A_2] : memref<2560xf32, #tpu.memory_space<hbm>> -> memref<80xf32, #tpu.memory_space<hbm>>
      %dma_wait3A_10 = tpu.memref_slice %arg4[%mul3A_2] : memref<2560xf32, #tpu.memory_space<hbm>> -> memref<80xf32, #tpu.memory_space<hbm>>
      tpu.wait_dma2 semaphore(%run_scoped3A : memref<!tpu.dma_semaphore, #tpu.memory_space<semaphore_mem>>) src(%dma_wait3A_10 : memref<80xf32, #tpu.memory_space<hbm>>) dst(%arg7 : memref<80xf32, #tpu.memory_space<vmem>>)
      tpu.yield
    }) : () -> ()
    %scan3A = arith.constant 0 : i32
    %scan3A_3 = arith.constant 0 : i32
    %scan3A_4 = arith.constant 5 : i32
    %scan3A_5 = arith.addi %scan3A_3, %scan3A_4 : i32
    %scan3A_6 = arith.constant 1 : i32
    %scan3A_7 = scf.for %scan3A_9 = %scan3A_3 to %scan3A_5 step %scan3A_6 iter_args(%scan3A_10 = %scan3A) -> (i32)  : i32 {
      %mul3A_11 = arith.constant 16 : i32
      %mul3A_12 = arith.muli %mul3A_11, %scan3A_9 : i32
      %get3A = arith.index_cast %mul3A_12 : i32 to index
      %get3A_13 = tpu.vector_load %arg6[%get3A] {strides = array<i32>} : memref<80xi32, #tpu.memory_space<vmem>>, vector<16xi32>,
      %get3A_14 = vector.shape_cast %get3A_13 : vector<16xi32> to vector<16xi32>
      %swap3A = arith.constant 0 : i32
      %swap3A_15 = arith.index_cast %swap3A : i32 to index
      %swap3A_16 = arith.constant 0 : index
      %swap3A_17 = tpu.vector_load %arg8[%swap3A_15, %swap3A_16] {strides = array<i32>} : memref<1x16xi32, #tpu.memory_space<vmem>>, vector<1x16xi32>,
      %swap3A_18 = vector.shape_cast %swap3A_17 : vector<1x16xi32> to vector<16xi32>
      %swap3A_19 = vector.shape_cast %get3A_14 : vector<16xi32> to vector<1x16xi32>
      tpu.vector_store %arg8[%swap3A_15, %swap3A_16], %swap3A_19 {strides = array<i32>} : memref<1x16xi32, #tpu.memory_space<vmem>>, vector<1x16xi32>,
      %run_scoped3A = arith.constant 0 : i32
      "tpu.region"() ({
        %run_scoped3A_3387 = tpu.sem_alloc : memref<!tpu.dma_semaphore, #tpu.memory_space<semaphore_mem>>
        %dma_start3A = arith.constant 0 : i32
        %dma_start3A_3388 = tpu.memref_slice %arg8[%run_scoped3A, %dma_start3A] : memref<1x16xi32, #tpu.memory_space<vmem>> -> memref<1x16xi32, #tpu.memory_space<vmem>>
        %dma_start3A_3389 = tpu.memref_squeeze %dma_start3A_3388 : memref<1x16xi32, #tpu.memory_space<vmem>> -> memref<16xi32, #tpu.memory_space<vmem>>
        %dma_start3A_3390 = arith.constant 0 : i32
        %dma_start3A_3391 = arith.constant 0 : i32
        %dma_start3A_3392 = tpu.memref_slice %arg2[%dma_start3A_3390, %dma_start3A_3391] : memref<10000x256xf32, #tpu.memory_space<hbm>> -> memref<10000x256xf32, #tpu.memory_space<hbm>>
        tpu.enqueue_indirect_dma source(%dma_start3A_3392 : memref<10000x256xf32, #tpu.memory_space<hbm>>) target(%arg9 : memref<16x256xf32, #tpu.memory_space<vmem>>) offsets(%dma_start3A_3389 : memref<16xi32, #tpu.memory_space<vmem>>) semaphore(%run_scoped3A_3387 : memref<!tpu.dma_semaphore, #tpu.memory_space<semaphore_mem>>)
        %dma_wait3A = arith.constant 0 : i32
        %dma_wait3A_3393 = tpu.memref_slice %arg8[%run_scoped3A, %dma_wait3A] : memref<1x16xi32, #tpu.memory_space<vmem>> -> memref<1x16xi32, #tpu.memory_space<vmem>>
        %dma_wait3A_3394 = tpu.memref_squeeze %dma_wait3A_3393 : memref<1x16xi32, #tpu.memory_space<vmem>> -> memref<16xi32, #tpu.memory_space<vmem>>
        %dma_wait3A_3395 = arith.constant 0 : i32
        %dma_wait3A_3396 = arith.constant 0 : i32
        %dma_wait3A_3397 = tpu.memref_slice %arg2[%dma_wait3A_3395, %dma_wait3A_3396] : memref<10000x256xf32, #tpu.memory_space<hbm>> -> memref<10000x256xf32, #tpu.memory_space<hbm>>
        tpu.wait_indirect_dma semaphore(%run_scoped3A_3387 : memref<!tpu.dma_semaphore, #tpu.memory_space<semaphore_mem>>) src(%dma_wait3A_3397 : memref<10000x256xf32, #tpu.memory_space<hbm>>) dst(%arg9 : memref<16x256xf32, #tpu.memory_space<vmem>>)
        tpu.yield
      }) : () -> ()
      %mul3A_20 = arith.constant 16 : i32
      %mul3A_21 = arith.muli %mul3A_20, %scan3A_9 : i32
      %get3A_22 = arith.index_cast %mul3A_21 : i32 to index
      %get3A_23 = tpu.vector_load %arg7[%get3A_22] {strides = array<i32>} : memref<80xf32, #tpu.memory_space<vmem>>, vector<16xf32>,
      %get3A_24 = vector.shape_cast %get3A_23 : vector<16xf32> to vector<16xf32>
      %slice3A = vector.extract_strided_slice %get3A_24 {offsets = [0], sizes = [1], strides = [1]} : vector<16xf32> to vector<1xf32>
      %squeeze3A = vector.extract %slice3A[0] : f32 from vector<1xf32>
      %get3A_25 = arith.constant 0 : i32
      %get3A_26 = arith.index_cast %get3A_25 : i32 to index
      %get3A_27 = arith.constant 0 : index
      %get3A_28 = tpu.vector_load %arg9[%get3A_26, %get3A_27] {strides = array<i32>} : memref<16x256xf32, #tpu.memory_space<vmem>>, vector<1x16xf32>,
      %get3A_29 = vector.shape_cast %get3A_28 : vector<1x16xf32> to vector<16xf32>
      %mul3A_30 = vector.broadcast %squeeze3A : f32 to vector<16xf32>
      %mul3A_31 = arith.mulf %get3A_29, %mul3A_30 : vector<16xf32>
      %swap3A_32 = arith.constant 0 : i32
      %swap3A_33 = arith.index_cast %swap3A_32 : i32 to index
      %swap3A_34 = arith.constant 0 : index
      %swap3A_35 = tpu.vector_load %arg10[%swap3A_33, %swap3A_34] {strides = array<i32>} : memref<16x256xf32, #tpu.memory_space<vmem>>, vector<1x16xf32>,
      %swap3A_36 = vector.shape_cast %swap3A_35 : vector<1x16xf32> to vector<16xf32>
      %swap3A_37 = vector.shape_cast %mul3A_31 : vector<16xf32> to vector<1x16xf32>
      tpu.vector_store %arg10[%swap3A_33, %swap3A_34], %swap3A_37 {strides = array<i32>} : memref<16x256xf32, #tpu.memory_space<vmem>>, vector<1x16xf32>,
      %get3A_38 = arith.constant 0 : i32
      %get3A_39 = arith.index_cast %get3A_38 : i32 to index
      %get3A_40 = arith.constant 16 : index
      %get3A_41 = tpu.vector_load %arg9[%get3A_39, %get3A_40] {strides = array<i32>} : memref<16x256xf32, #tpu.memory_space<vmem>>, vector<1x16xf32>,
      %get3A_42 = vector.shape_cast %get3A_41 : vector<1x16xf32> to vector<16xf32>
      %mul3A_43 = vector.broadcast %squeeze3A : f32 to vector<16xf32>
      %mul3A_44 = arith.mulf %get3A_42, %mul3A_43 : vector<16xf32>
      %swap3A_45 = arith.constant 0 : i32
      %swap3A_46 = arith.index_cast %swap3A_45 : i32 to index
      %swap3A_47 = arith.constant 16 : index
      %swap3A_48 = tpu.vector_load %arg10[%swap3A_46, %swap3A_47] {strides = array<i32>} : memref<16x256xf32, #tpu.memory_space<vmem>>, vector<1x16xf32>,
      %swap3A_49 = vector.shape_cast %swap3A_48 : vector<1x16xf32> to vector<16xf32>
      %swap3A_50 = vector.shape_cast %mul3A_44 : vector<16xf32> to vector<1x16xf32>
      tpu.vector_store %arg10[%swap3A_46, %swap3A_47], %swap3A_50 {strides = array<i32>} : memref<16x256xf32, #tpu.memory_space<vmem>>, vector<1x16xf32>,
      %get3A_51 = arith.constant 0 : i32
      %get3A_52 = arith.index_cast %get3A_51 : i32 to index
      %get3A_53 = arith.constant 32 : index
      %get3A_54 = tpu.vector_load %arg9[%get3A_52, %get3A_53] {strides = array<i32>} : memref<16x256xf32, #tpu.memory_space<vmem>>, vector<1x16xf32>,
      %get3A_55 = vector.shape_cast %get3A_54 : vector<1x16xf32> to vector<16xf32>
      %mul3A_56 = vector.broadcast %squeeze3A : f32 to vector<16xf32>
      %mul3A_57 = arith.mulf %get3A_55, %mul3A_56 : vector<16xf32>
      %swap3A_58 = arith.constant 0 : i32
      %swap3A_59 = arith.index_cast %swap3A_58 : i32 to index
      %swap3A_60 = arith.constant 32 : index
      %swap3A_61 = tpu.vector_load %arg10[%swap3A_59, %swap3A_60] {strides = array<i32>} : memref<16x256xf32, #tpu.memory_space<vmem>>, vector<1x16xf32>,
      %swap3A_62 = vector.shape_cast %swap3A_61 : vector<1x16xf32> to vector<16xf32>
      %swap3A_63 = vector.shape_cast %mul3A_57 : vector<16xf32> to vector<1x16xf32>
      tpu.vector_store %arg10[%swap3A_59, %swap3A_60], %swap3A_63 {strides = array<i32>} : memref<16x256xf32, #tpu.memory_space<vmem>>, vector<1x16xf32>,
      %get3A_64 = arith.constant 0 : i32
      %get3A_65 = arith.index_cast %get3A_64 : i32 to index
      %get3A_66 = arith.constant 48 : index
      %get3A_67 = tpu.vector_load %arg9[%get3A_65, %get3A_66] {strides = array<i32>} : memref<16x256xf32, #tpu.memory_space<vmem>>, vector<1x16xf32>,
      %get3A_68 = vector.shape_cast %get3A_67 : vector<1x16xf32> to vector<16xf32>
      %mul3A_69 = vector.broadcast %squeeze3A : f32 to vector<16xf32>
      %mul3A_70 = arith.mulf %get3A_68, %mul3A_69 : vector<16xf32>
      %swap3A_71 = arith.constant 0 : i32
      %swap3A_72 = arith.index_cast %swap3A_71 : i32 to index
      %swap3A_73 = arith.constant 48 : index
      %swap3A_74 = tpu.vector_load %arg10[%swap3A_72, %swap3A_73] {strides = array<i32>} : memref<16x256xf32, #tpu.memory_space<vmem>>, vector<1x16xf32>,
      %swap3A_75 = vector.shape_cast %swap3A_74 : vector<1x16xf32> to vector<16xf32>
      %swap3A_76 = vector.shape_cast %mul3A_70 : vector<16xf32> to vector<1x16xf32>
      tpu.vector_store %arg10[%swap3A_72, %swap3A_73], %swap3A_76 {strides = array<i32>} : memref<16x256xf32, #tpu.memory_space<vmem>>, vector<1x16xf32>,
      %get3A_77 = arith.constant 0 : i32
      %get3A_78 = arith.index_cast %get3A_77 : i32 to index
      %get3A_79 = arith.constant 64 : index
      %get3A_80 = tpu.vector_load %arg9[%get3A_78, %get3A_79] {strides = array<i32>} : memref<16x256xf32, #tpu.memory_space<vmem>>, vector<1x16xf32>,
      %get3A_81 = vector.shape_cast %get3A_80 : vector<1x16xf32> to vector<16xf32>
      %mul3A_82 = vector.broadcast %squeeze3A : f32 to vector<16xf32>
      %mul3A_83 = arith.mulf %get3A_81, %mul3A_82 : vector<16xf32>
      %swap3A_84 = arith.constant 0 : i32
      %swap3A_85 = arith.index_cast %swap3A_84 : i32 to index
      %swap3A_86 = arith.constant 64 : index
      %swap3A_87 = tpu.vector_load %arg10[%swap3A_85, %swap3A_86] {strides = array<i32>} : memref<16x256xf32, #tpu.memory_space<vmem>>, vector<1x16xf32>,
      %swap3A_88 = vector.shape_cast %swap3A_87 : vector<1x16xf32> to vector<16xf32>
      %swap3A_89 = vector.shape_cast %mul3A_83 : vector<16xf32> to vector<1x16xf32>
      tpu.vector_store %arg10[%swap3A_85, %swap3A_86], %swap3A_89 {strides = array<i32>} : memref<16x256xf32, #tpu.memory_space<vmem>>, vector<1x16xf32>,
      %get3A_90 = arith.constant 0 : i32
      %get3A_91 = arith.index_cast %get3A_90 : i32 to index
      %get3A_92 = arith.constant 80 : index
      %get3A_93 = tpu.vector_load %arg9[%get3A_91, %get3A_92] {strides = array<i32>} : memref<16x256xf32, #tpu.memory_space<vmem>>, vector<1x16xf32>,
      %get3A_94 = vector.shape_cast %get3A_93 : vector<1x16xf32> to vector<16xf32>
      %mul3A_95 = vector.broadcast %squeeze3A : f32 to vector<16xf32>
      %mul3A_96 = arith.mulf %get3A_94, %mul3A_95 : vector<16xf32>
      %swap3A_97 = arith.constant 0 : i32
      %swap3A_98 = arith.index_cast %swap3A_97 : i32 to index
      %swap3A_99 = arith.constant 80 : index
      %swap3A_100 = tpu.vector_load %arg10[%swap3A_98, %swap3A_99] {strides = array<i32>} : memref<16x256xf32, #tpu.memory_space<vmem>>, vector<1x16xf32>,
      %swap3A_101 = vector.shape_cast %swap3A_100 : vector<1x16xf32> to vector<16xf32>
      %swap3A_102 = vector.shape_cast %mul3A_96 : vector<16xf32> to vector<1x16xf32>
      tpu.vector_store %arg10[%swap3A_98, %swap3A_99], %swap3A_102 {strides = array<i32>} : memref<16x256xf32, #tpu.memory_space<vmem>>, vector<1x16xf32>,
      %get3A_103 = arith.constant 0 : i32
      %get3A_104 = arith.index_cast %get3A_103 : i32 to index
      %get3A_105 = arith.constant 96 : index
      %get3A_106 = tpu.vector_load %arg9[%get3A_104, %get3A_105] {strides = array<i32>} : memref<16x256xf32, #tpu.memory_space<vmem>>, vector<1x16xf32>,
      %get3A_107 = vector.shape_cast %get3A_106 : vector<1x16xf32> to vector<16xf32>
      %mul3A_108 = vector.broadcast %squeeze3A : f32 to vector<16xf32>
      %mul3A_109 = arith.mulf %get3A_107, %mul3A_108 : vector<16xf32>
      %swap3A_110 = arith.constant 0 : i32
      %swap3A_111 = arith.index_cast %swap3A_110 : i32 to index
      %swap3A_112 = arith.constant 96 : index
      %swap3A_113 = tpu.vector_load %arg10[%swap3A_111, %swap3A_112] {strides = array<i32>} : memref<16x256xf32, #tpu.memory_space<vmem>>, vector<1x16xf32>,
      %swap3A_114 = vector.shape_cast %swap3A_113 : vector<1x16xf32> to vector<16xf32>
      %swap3A_115 = vector.shape_cast %mul3A_109 : vector<16xf32> to vector<1x16xf32>
      tpu.vector_store %arg10[%swap3A_111, %swap3A_112], %swap3A_115 {strides = array<i32>} : memref<16x256xf32, #tpu.memory_space<vmem>>, vector<1x16xf32>,
      %get3A_116 = arith.constant 0 : i32
      %get3A_117 = arith.index_cast %get3A_116 : i32 to index
      %get3A_118 = arith.constant 112 : index
      %get3A_119 = tpu.vector_load %arg9[%get3A_117, %get3A_118] {strides = array<i32>} : memref<16x256xf32, #tpu.memory_space<vmem>>, vector<1x16xf32>,
      %get3A_120 = vector.shape_cast %get3A_119 : vector<1x16xf32> to vector<16xf32>
      %mul3A_121 = vector.broadcast %squeeze3A : f32 to vector<16xf32>
      %mul3A_122 = arith.mulf %get3A_120, %mul3A_121 : vector<16xf32>
      %swap3A_123 = arith.constant 0 : i32
      %swap3A_124 = arith.index_cast %swap3A_123 : i32 to index
      %swap3A_125 = arith.constant 112 : index
      %swap3A_126 = tpu.vector_load %arg10[%swap3A_124, %swap3A_125] {strides = array<i32>} : memref<16x256xf32, #tpu.memory_space<vmem>>, vector<1x16xf32>,
      %swap3A_127 = vector.shape_cast %swap3A_126 : vector<1x16xf32> to vector<16xf32>
      %swap3A_128 = vector.shape_cast %mul3A_122 : vector<16xf32> to vector<1x16xf32>
      tpu.vector_store %arg10[%swap3A_124, %swap3A_125], %swap3A_128 {strides = array<i32>} : memref<16x256xf32, #tpu.memory_space<vmem>>, vector<1x16xf32>,
      %get3A_129 = arith.constant 0 : i32
      %get3A_130 = arith.index_cast %get3A_129 : i32 to index
      %get3A_131 = arith.constant 128 : index
      %get3A_132 = tpu.vector_load %arg9[%get3A_130, %get3A_131] {strides = array<i32>} : memref<16x256xf32, #tpu.memory_space<vmem>>, vector<1x16xf32>,
      %get3A_133 = vector.shape_cast %get3A_132 : vector<1x16xf32> to vector<16xf32>
      %mul3A_134 = vector.broadcast %squeeze3A : f32 to vector<16xf32>
      %mul3A_135 = arith.mulf %get3A_133, %mul3A_134 : vector<16xf32>
      %swap3A_136 = arith.constant 0 : i32
      %swap3A_137 = arith.index_cast %swap3A_136 : i32 to index
      %swap3A_138 = arith.constant 128 : index
      %swap3A_139 = tpu.vector_load %arg10[%swap3A_137, %swap3A_138] {strides = array<i32>} : memref<16x256xf32, #tpu.memory_space<vmem>>, vector<1x16xf32>,
      %swap3A_140 = vector.shape_cast %swap3A_139 : vector<1x16xf32> to vector<16xf32>
      %swap3A_141 = vector.shape_cast %mul3A_135 : vector<16xf32> to vector<1x16xf32>
      tpu.vector_store %arg10[%swap3A_137, %swap3A_138], %swap3A_141 {strides = array<i32>} : memref<16x256xf32, #tpu.memory_space<vmem>>, vector<1x16xf32>,
      %get3A_142 = arith.constant 0 : i32
      %get3A_143 = arith.index_cast %get3A_142 : i32 to index
      %get3A_144 = arith.constant 144 : index
      %get3A_145 = tpu.vector_load %arg9[%get3A_143, %get3A_144] {strides = array<i32>} : memref<16x256xf32, #tpu.memory_space<vmem>>, vector<1x16xf32>,
      %get3A_146 = vector.shape_cast %get3A_145 : vector<1x16xf32> to vector<16xf32>
      %mul3A_147 = vector.broadcast %squeeze3A : f32 to vector<16xf32>
      %mul3A_148 = arith.mulf %get3A_146, %mul3A_147 : vector<16xf32>
      %swap3A_149 = arith.constant 0 : i32
      %swap3A_150 = arith.index_cast %swap3A_149 : i32 to index
      %swap3A_151 = arith.constant 144 : index
      %swap3A_152 = tpu.vector_load %arg10[%swap3A_150, %swap3A_151] {strides = array<i32>} : memref<16x256xf32, #tpu.memory_space<vmem>>, vector<1x16xf32>,
      %swap3A_153 = vector.shape_cast %swap3A_152 : vector<1x16xf32> to vector<16xf32>
      %swap3A_154 = vector.shape_cast %mul3A_148 : vector<16xf32> to vector<1x16xf32>
      tpu.vector_store %arg10[%swap3A_150, %swap3A_151], %swap3A_154 {strides = array<i32>} : memref<16x256xf32, #tpu.memory_space<vmem>>, vector<1x16xf32>,
      %get3A_155 = arith.constant 0 : i32
      %get3A_156 = arith.index_cast %get3A_155 : i32 to index
      %get3A_157 = arith.constant 160 : index
      %get3A_158 = tpu.vector_load %arg9[%get3A_156, %get3A_157] {strides = array<i32>} : memref<16x256xf32, #tpu.memory_space<vmem>>, vector<1x16xf32>,
      %get3A_159 = vector.shape_cast %get3A_158 : vector<1x16xf32> to vector<16xf32>
      %mul3A_160 = vector.broadcast %squeeze3A : f32 to vector<16xf32>
      %mul3A_161 = arith.mulf %get3A_159, %mul3A_160 : vector<16xf32>
      %swap3A_162 = arith.constant 0 : i32
      %swap3A_163 = arith.index_cast %swap3A_162 : i32 to index
      %swap3A_164 = arith.constant 160 : index
      %swap3A_165 = tpu.vector_load %arg10[%swap3A_163, %swap3A_164] {strides = array<i32>} : memref<16x256xf32, #tpu.memory_space<vmem>>, vector<1x16xf32>,
      %swap3A_166 = vector.shape_cast %swap3A_165 : vector<1x16xf32> to vector<16xf32>
      %swap3A_167 = vector.shape_cast %mul3A_161 : vector<16xf32> to vector<1x16xf32>
      tpu.vector_store %arg10[%swap3A_163, %swap3A_164], %swap3A_167 {strides = array<i32>} : memref<16x256xf32, #tpu.memory_space<vmem>>, vector<1x16xf32>,
      %get3A_168 = arith.constant 0 : i32
      %get3A_169 = arith.index_cast %get3A_168 : i32 to index
      %get3A_170 = arith.constant 176 : index
      %get3A_171 = tpu.vector_load %arg9[%get3A_169, %get3A_170] {strides = array<i32>} : memref<16x256xf32, #tpu.memory_space<vmem>>, vector<1x16xf32>,
      %get3A_172 = vector.shape_cast %get3A_171 : vector<1x16xf32> to vector<16xf32>
      %mul3A_173 = vector.broadcast %squeeze3A : f32 to vector<16xf32>
      %mul3A_174 = arith.mulf %get3A_172, %mul3A_173 : vector<16xf32>
      %swap3A_175 = arith.constant 0 : i32
      %swap3A_176 = arith.index_cast %swap3A_175 : i32 to index
      %swap3A_177 = arith.constant 176 : index
      %swap3A_178 = tpu.vector_load %arg10[%swap3A_176, %swap3A_177] {strides = array<i32>} : memref<16x256xf32, #tpu.memory_space<vmem>>, vector<1x16xf32>,
      %swap3A_179 = vector.shape_cast %swap3A_178 : vector<1x16xf32> to vector<16xf32>
      %swap3A_180 = vector.shape_cast %mul3A_174 : vector<16xf32> to vector<1x16xf32>
      tpu.vector_store %arg10[%swap3A_176, %swap3A_177], %swap3A_180 {strides = array<i32>} : memref<16x256xf32, #tpu.memory_space<vmem>>, vector<1x16xf32>,
      %get3A_181 = arith.constant 0 : i32
      %get3A_182 = arith.index_cast %get3A_181 : i32 to index
      %get3A_183 = arith.constant 192 : index
      %get3A_184 = tpu.vector_load %arg9[%get3A_182, %get3A_183] {strides = array<i32>} : memref<16x256xf32, #tpu.memory_space<vmem>>, vector<1x16xf32>,
      %get3A_185 = vector.shape_cast %get3A_184 : vector<1x16xf32> to vector<16xf32>
      %mul3A_186 = vector.broadcast %squeeze3A : f32 to vector<16xf32>
      %mul3A_187 = arith.mulf %get3A_185, %mul3A_186 : vector<16xf32>
      %swap3A_188 = arith.constant 0 : i32
      %swap3A_189 = arith.index_cast %swap3A_188 : i32 to index
      %swap3A_190 = arith.constant 192 : index
      %swap3A_191 = tpu.vector_load %arg10[%swap3A_189, %swap3A_190] {strides = array<i32>} : memref<16x256xf32, #tpu.memory_space<vmem>>, vector<1x16xf32>,
      %swap3A_192 = vector.shape_cast %swap3A_191 : vector<1x16xf32> to vector<16xf32>
      %swap3A_193 = vector.shape_cast %mul3A_187 : vector<16xf32> to vector<1x16xf32>
      tpu.vector_store %arg10[%swap3A_189, %swap3A_190], %swap3A_193 {strides = array<i32>} : memref<16x256xf32, #tpu.memory_space<vmem>>, vector<1x16xf32>,
      %get3A_194 = arith.constant 0 : i32
      %get3A_195 = arith.index_cast %get3A_194 : i32 to index
      %get3A_196 = arith.constant 208 : index
      %get3A_197 = tpu.vector_load %arg9[%get3A_195, %get3A_196] {strides = array<i32>} : memref<16x256xf32, #tpu.memory_space<vmem>>, vector<1x16xf32>,
      %get3A_198 = vector.shape_cast %get3A_197 : vector<1x16xf32> to vector<16xf32>
      %mul3A_199 = vector.broadcast %squeeze3A : f32 to vector<16xf32>
      %mul3A_200 = arith.mulf %get3A_198, %mul3A_199 : vector<16xf32>
      %swap3A_201 = arith.constant 0 : i32
      %swap3A_202 = arith.index_cast %swap3A_201 : i32 to index
      %swap3A_203 = arith.constant 208 : index
      %swap3A_204 = tpu.vector_load %arg10[%swap3A_202, %swap3A_203] {strides = array<i32>} : memref<16x256xf32, #tpu.memory_space<vmem>>, vector<1x16xf32>,
      %swap3A_205 = vector.shape_cast %swap3A_204 : vector<1x16xf32> to vector<16xf32>
      %swap3A_206 = vector.shape_cast %mul3A_200 : vector<16xf32> to vector<1x16xf32>
      tpu.vector_store %arg10[%swap3A_202, %swap3A_203], %swap3A_206 {strides = array<i32>} : memref<16x256xf32, #tpu.memory_space<vmem>>, vector<1x16xf32>,
      %get3A_207 = arith.constant 0 : i32
      %get3A_208 = arith.index_cast %get3A_207 : i32 to index
      %get3A_209 = arith.constant 224 : index
      %get3A_210 = tpu.vector_load %arg9[%get3A_208, %get3A_209] {strides = array<i32>} : memref<16x256xf32, #tpu.memory_space<vmem>>, vector<1x16xf32>,
      %get3A_211 = vector.shape_cast %get3A_210 : vector<1x16xf32> to vector<16xf32>
      %mul3A_212 = vector.broadcast %squeeze3A : f32 to vector<16xf32>
      %mul3A_213 = arith.mulf %get3A_211, %mul3A_212 : vector<16xf32>
      %swap3A_214 = arith.constant 0 : i32
      %swap3A_215 = arith.index_cast %swap3A_214 : i32 to index
      %swap3A_216 = arith.constant 224 : index
      %swap3A_217 = tpu.vector_load %arg10[%swap3A_215, %swap3A_216] {strides = array<i32>} : memref<16x256xf32, #tpu.memory_space<vmem>>, vector<1x16xf32>,
      %swap3A_218 = vector.shape_cast %swap3A_217 : vector<1x16xf32> to vector<16xf32>
      %swap3A_219 = vector.shape_cast %mul3A_213 : vector<16xf32> to vector<1x16xf32>
      tpu.vector_store %arg10[%swap3A_215, %swap3A_216], %swap3A_219 {strides = array<i32>} : memref<16x256xf32, #tpu.memory_space<vmem>>, vector<1x16xf32>,
      %get3A_220 = arith.constant 0 : i32
      %get3A_221 = arith.index_cast %get3A_220 : i32 to index
      %get3A_222 = arith.constant 240 : index
      %get3A_223 = tpu.vector_load %arg9[%get3A_221, %get3A_222] {strides = array<i32>} : memref<16x256xf32, #tpu.memory_space<vmem>>, vector<1x16xf32>,
      %get3A_224 = vector.shape_cast %get3A_223 : vector<1x16xf32> to vector<16xf32>
      %mul3A_225 = vector.broadcast %squeeze3A : f32 to vector<16xf32>
      %mul3A_226 = arith.mulf %get3A_224, %mul3A_225 : vector<16xf32>
      %swap3A_227 = arith.constant 0 : i32
      %swap3A_228 = arith.index_cast %swap3A_227 : i32 to index
      %swap3A_229 = arith.constant 240 : index
      %swap3A_230 = tpu.vector_load %arg10[%swap3A_228, %swap3A_229] {strides = array<i32>} : memref<16x256xf32, #tpu.memory_space<vmem>>, vector<1x16xf32>,
      %swap3A_231 = vector.shape_cast %swap3A_230 : vector<1x16xf32> to vector<16xf32>
      %swap3A_232 = vector.shape_cast %mul3A_226 : vector<16xf32> to vector<1x16xf32>
      tpu.vector_store %arg10[%swap3A_228, %swap3A_229], %swap3A_232 {strides = array<i32>} : memref<16x256xf32, #tpu.memory_space<vmem>>, vector<1x16xf32>,
      %slice3A_233 = vector.extract_strided_slice %get3A_24 {offsets = [1], sizes = [1], strides = [1]} : vector<16xf32> to vector<1xf32>
      %squeeze3A_234 = vector.extract %slice3A_233[0] : f32 from vector<1xf32>
      %get3A_235 = arith.constant 1 : i32
      %get3A_236 = arith.index_cast %get3A_235 : i32 to index
      %get3A_237 = arith.constant 0 : index
      %get3A_238 = tpu.vector_load %arg9[%get3A_236, %get3A_237] {strides = array<i32>} : memref<16x256xf32, #tpu.memory_space<vmem>>, vector<1x16xf32>,
      %get3A_239 = vector.shape_cast %get3A_238 : vector<1x16xf32> to vector<16xf32>
      %mul3A_240 = vector.broadcast %squeeze3A_234 : f32 to vector<16xf32>
      %mul3A_241 = arith.mulf %get3A_239, %mul3A_240 : vector<16xf32>
      %swap3A_242 = arith.constant 1 : i32
      %swap3A_243 = arith.index_cast %swap3A_242 : i32 to index
      %swap3A_244 = arith.constant 0 : index
      %swap3A_245 = tpu.vector_load %arg10[%swap3A_243, %swap3A_244] {strides = array<i32>} : memref<16x256xf32, #tpu.memory_space<vmem>>, vector<1x16xf32>,
      %swap3A_246 = vector.shape_cast %swap3A_245 : vector<1x16xf32> to vector<16xf32>
      %swap3A_247 = vector.shape_cast %mul3A_241 : vector<16xf32> to vector<1x16xf32>
      tpu.vector_store %arg10[%swap3A_243, %swap3A_244], %swap3A_247 {strides = array<i32>} : memref<16x256xf32, #tpu.memory_space<vmem>>, vector<1x16xf32>,
      %get3A_248 = arith.constant 1 : i32
      %get3A_249 = arith.index_cast %get3A_248 : i32 to index
      %get3A_250 = arith.constant 16 : index
      %get3A_251 = tpu.vector_load %arg9[%get3A_249, %get3A_250] {strides = array<i32>} : memref<16x256xf32, #tpu.memory_space<vmem>>, vector<1x16xf32>,
      %get3A_252 = vector.shape_cast %get3A_251 : vector<1x16xf32> to vector<16xf32>
      %mul3A_253 = vector.broadcast %squeeze3A_234 : f32 to vector<16xf32>
      %mul3A_254 = arith.mulf %get3A_252, %mul3A_253 : vector<16xf32>
      %swap3A_255 = arith.constant 1 : i32
      %swap3A_256 = arith.index_cast %swap3A_255 : i32 to index
      %swap3A_257 = arith.constant 16 : index
      %swap3A_258 = tpu.vector_load %arg10[%swap3A_256, %swap3A_257] {strides = array<i32>} : memref<16x256xf32, #tpu.memory_space<vmem>>, vector<1x16xf32>,
      %swap3A_259 = vector.shape_cast %swap3A_258 : vector<1x16xf32> to vector<16xf32>
      %swap3A_260 = vector.shape_cast %mul3A_254 : vector<16xf32> to vector<1x16xf32>
      tpu.vector_store %arg10[%swap3A_256, %swap3A_257], %swap3A_260 {strides = array<i32>} : memref<16x256xf32, #tpu.memory_space<vmem>>, vector<1x16xf32>,
      %get3A_261 = arith.constant 1 : i32
      %get3A_262 = arith.index_cast %get3A_261 : i32 to index
      %get3A_263 = arith.constant 32 : index
      %get3A_264 = tpu.vector_load %arg9[%get3A_262, %get3A_263] {strides = array<i32>} : memref<16x256xf32, #tpu.memory_space<vmem>>, vector<1x16xf32>,
      %get3A_265 = vector.shape_cast %get3A_264 : vector<1x16xf32> to vector<16xf32>
      %mul3A_266 = vector.broadcast %squeeze3A_234 : f32 to vector<16xf32>
      %mul3A_267 = arith.mulf %get3A_265, %mul3A_266 : vector<16xf32>
      %swap3A_268 = arith.constant 1 : i32
      %swap3A_269 = arith.index_cast %swap3A_268 : i32 to index
      %swap3A_270 = arith.constant 32 : index
      %swap3A_271 = tpu.vector_load %arg10[%swap3A_269, %swap3A_270] {strides = array<i32>} : memref<16x256xf32, #tpu.memory_space<vmem>>, vector<1x16xf32>,
      %swap3A_272 = vector.shape_cast %swap3A_271 : vector<1x16xf32> to vector<16xf32>
      %swap3A_273 = vector.shape_cast %mul3A_267 : vector<16xf32> to vector<1x16xf32>
      tpu.vector_store %arg10[%swap3A_269, %swap3A_270], %swap3A_273 {strides = array<i32>} : memref<16x256xf32, #tpu.memory_space<vmem>>, vector<1x16xf32>,
      %get3A_274 = arith.constant 1 : i32
      %get3A_275 = arith.index_cast %get3A_274 : i32 to index
      %get3A_276 = arith.constant 48 : index
      %get3A_277 = tpu.vector_load %arg9[%get3A_275, %get3A_276] {strides = array<i32>} : memref<16x256xf32, #tpu.memory_space<vmem>>, vector<1x16xf32>,
      %get3A_278 = vector.shape_cast %get3A_277 : vector<1x16xf32> to vector<16xf32>
      %mul3A_279 = vector.broadcast %squeeze3A_234 : f32 to vector<16xf32>
      %mul3A_280 = arith.mulf %get3A_278, %mul3A_279 : vector<16xf32>
      %swap3A_281 = arith.constant 1 : i32
      %swap3A_282 = arith.index_cast %swap3A_281 : i32 to index
      %swap3A_283 = arith.constant 48 : index
      %swap3A_284 = tpu.vector_load %arg10[%swap3A_282, %swap3A_283] {strides = array<i32>} : memref<16x256xf32, #tpu.memory_space<vmem>>, vector<1x16xf32>,
      %swap3A_285 = vector.shape_cast %swap3A_284 : vector<1x16xf32> to vector<16xf32>
      %swap3A_286 = vector.shape_cast %mul3A_280 : vector<16xf32> to vector<1x16xf32>
      tpu.vector_store %arg10[%swap3A_282, %swap3A_283], %swap3A_286 {strides = array<i32>} : memref<16x256xf32, #tpu.memory_space<vmem>>, vector<1x16xf32>,
      %get3A_287 = arith.constant 1 : i32
      %get3A_288 = arith.index_cast %get3A_287 : i32 to index
      %get3A_289 = arith.constant 64 : index
      %get3A_290 = tpu.vector_load %arg9[%get3A_288, %get3A_289] {strides = array<i32>} : memref<16x256xf32, #tpu.memory_space<vmem>>, vector<1x16xf32>,
      %get3A_291 = vector.shape_cast %get3A_290 : vector<1x16xf32> to vector<16xf32>
      %mul3A_292 = vector.broadcast %squeeze3A_234 : f32 to vector<16xf32>
      %mul3A_293 = arith.mulf %get3A_291, %mul3A_292 : vector<16xf32>
      %swap3A_294 = arith.constant 1 : i32
      %swap3A_295 = arith.index_cast %swap3A_294 : i32 to index
      %swap3A_296 = arith.constant 64 : index
      %swap3A_297 = tpu.vector_load %arg10[%swap3A_295, %swap3A_296] {strides = array<i32>} : memref<16x256xf32, #tpu.memory_space<vmem>>, vector<1x16xf32>,
      %swap3A_298 = vector.shape_cast %swap3A_297 : vector<1x16xf32> to vector<16xf32>
      %swap3A_299 = vector.shape_cast %mul3A_293 : vector<16xf32> to vector<1x16xf32>
      tpu.vector_store %arg10[%swap3A_295, %swap3A_296], %swap3A_299 {strides = array<i32>} : memref<16x256xf32, #tpu.memory_space<vmem>>, vector<1x16xf32>,
      %get3A_300 = arith.constant 1 : i32
      %get3A_301 = arith.index_cast %get3A_300 : i32 to index
      %get3A_302 = arith.constant 80 : index
      %get3A_303 = tpu.vector_load %arg9[%get3A_301, %get3A_302] {strides = array<i32>} : memref<16x256xf32, #tpu.memory_space<vmem>>, vector<1x16xf32>,
      %get3A_304 = vector.shape_cast %get3A_303 : vector<1x16xf32> to vector<16xf32>
      %mul3A_305 = vector.broadcast %squeeze3A_234 : f32 to vector<16xf32>
      %mul3A_306 = arith.mulf %get3A_304, %mul3A_305 : vector<16xf32>
      %swap3A_307 = arith.constant 1 : i32
      %swap3A_308 = arith.index_cast %swap3A_307 : i32 to index
      %swap3A_309 = arith.constant 80 : index
      %swap3A_310 = tpu.vector_load %arg10[%swap3A_308, %swap3A_309] {strides = array<i32>} : memref<16x256xf32, #tpu.memory_space<vmem>>, vector<1x16xf32>,
      %swap3A_311 = vector.shape_cast %swap3A_310 : vector<1x16xf32> to vector<16xf32>
      %swap3A_312 = vector.shape_cast %mul3A_306 : vector<16xf32> to vector<1x16xf32>
      tpu.vector_store %arg10[%swap3A_308, %swap3A_309], %swap3A_312 {strides = array<i32>} : memref<16x256xf32, #tpu.memory_space<vmem>>, vector<1x16xf32>,
      %get3A_313 = arith.constant 1 : i32
      %get3A_314 = arith.index_cast %get3A_313 : i32 to index
      %get3A_315 = arith.constant 96 : index
      %get3A_316 = tpu.vector_load %arg9[%get3A_314, %get3A_315] {strides = array<i32>} : memref<16x256xf32, #tpu.memory_space<vmem>>, vector<1x16xf32>,
      %get3A_317 = vector.shape_cast %get3A_316 : vector<1x16xf32> to vector<16xf32>
      %mul3A_318 = vector.broadcast %squeeze3A_234 : f32 to vector<16xf32>
      %mul3A_319 = arith.mulf %get3A_317, %mul3A_318 : vector<16xf32>
      %swap3A_320 = arith.constant 1 : i32
      %swap3A_321 = arith.index_cast %swap3A_320 : i32 to index
      %swap3A_322 = arith.constant 96 : index
      %swap3A_323 = tpu.vector_load %arg10[%swap3A_321, %swap3A_322] {strides = array<i32>} : memref<16x256xf32, #tpu.memory_space<vmem>>, vector<1x16xf32>,
      %swap3A_324 = vector.shape_cast %swap3A_323 : vector<1x16xf32> to vector<16xf32>
      %swap3A_325 = vector.shape_cast %mul3A_319 : vector<16xf32> to vector<1x16xf32>
      tpu.vector_store %arg10[%swap3A_321, %swap3A_322], %swap3A_325 {strides = array<i32>} : memref<16x256xf32, #tpu.memory_space<vmem>>, vector<1x16xf32>,
      %get3A_326 = arith.constant 1 : i32
      %get3A_327 = arith.index_cast %get3A_326 : i32 to index
      %get3A_328 = arith.constant 112 : index
      %get3A_329 = tpu.vector_load %arg9[%get3A_327, %get3A_328] {strides = array<i32>} : memref<16x256xf32, #tpu.memory_space<vmem>>, vector<1x16xf32>,
      %get3A_330 = vector.shape_cast %get3A_329 : vector<1x16xf32> to vector<16xf32>
      %mul3A_331 = vector.broadcast %squeeze3A_234 : f32 to vector<16xf32>
      %mul3A_332 = arith.mulf %get3A_330, %mul3A_331 : vector<16xf32>
      %swap3A_333 = arith.constant 1 : i32
      %swap3A_334 = arith.index_cast %swap3A_333 : i32 to index
      %swap3A_335 = arith.constant 112 : index
      %swap3A_336 = tpu.vector_load %arg10[%swap3A_334, %swap3A_335] {strides = array<i32>} : memref<16x256xf32, #tpu.memory_space<vmem>>, vector<1x16xf32>,
      %swap3A_337 = vector.shape_cast %swap3A_336 : vector<1x16xf32> to vector<16xf32>
      %swap3A_338 = vector.shape_cast %mul3A_332 : vector<16xf32> to vector<1x16xf32>
      tpu.vector_store %arg10[%swap3A_334, %swap3A_335], %swap3A_338 {strides = array<i32>} : memref<16x256xf32, #tpu.memory_space<vmem>>, vector<1x16xf32>,
      %get3A_339 = arith.constant 1 : i32
      %get3A_340 = arith.index_cast %get3A_339 : i32 to index
      %get3A_341 = arith.constant 128 : index
      %get3A_342 = tpu.vector_load %arg9[%get3A_340, %get3A_341] {strides = array<i32>} : memref<16x256xf32, #tpu.memory_space<vmem>>, vector<1x16xf32>,
      %get3A_343 = vector.shape_cast %get3A_342 : vector<1x16xf32> to vector<16xf32>
      %mul3A_344 = vector.broadcast %squeeze3A_234 : f32 to vector<16xf32>
      %mul3A_345 = arith.mulf %get3A_343, %mul3A_344 : vector<16xf32>
      %swap3A_346 = arith.constant 1 : i32
      %swap3A_347 = arith.index_cast %swap3A_346 : i32 to index
      %swap3A_348 = arith.constant 128 : index
      %swap3A_349 = tpu.vector_load %arg10[%swap3A_347, %swap3A_348] {strides = array<i32>} : memref<16x256xf32, #tpu.memory_space<vmem>>, vector<1x16xf32>,
      %swap3A_350 = vector.shape_cast %swap3A_349 : vector<1x16xf32> to vector<16xf32>
      %swap3A_351 = vector.shape_cast %mul3A_345 : vector<16xf32> to vector<1x16xf32>
      tpu.vector_store %arg10[%swap3A_347, %swap3A_348], %swap3A_351 {strides = array<i32>} : memref<16x256xf32, #tpu.memory_space<vmem>>, vector<1x16xf32>,
      %get3A_352 = arith.constant 1 : i32
      %get3A_353 = arith.index_cast %get3A_352 : i32 to index
      %get3A_354 = arith.constant 144 : index
      %get3A_355 = tpu.vector_load %arg9[%get3A_353, %get3A_354] {strides = array<i32>} : memref<16x256xf32, #tpu.memory_space<vmem>>, vector<1x16xf32>,
      %get3A_356 = vector.shape_cast %get3A_355 : vector<1x16xf32> to vector<16xf32>
      %mul3A_357 = vector.broadcast %squeeze3A_234 : f32 to vector<16xf32>
      %mul3A_358 = arith.mulf %get3A_356, %mul3A_357 : vector<16xf32>
      %swap3A_359 = arith.constant 1 : i32
      %swap3A_360 = arith.index_cast %swap3A_359 : i32 to index
      %swap3A_361 = arith.constant 144 : index
      %swap3A_362 = tpu.vector_load %arg10[%swap3A_360, %swap3A_361] {strides = array<i32>} : memref<16x256xf32, #tpu.memory_space<vmem>>, vector<1x16xf32>,
      %swap3A_363 = vector.shape_cast %swap3A_362 : vector<1x16xf32> to vector<16xf32>
      %swap3A_364 = vector.shape_cast %mul3A_358 : vector<16xf32> to vector<1x16xf32>
      tpu.vector_store %arg10[%swap3A_360, %swap3A_361], %swap3A_364 {strides = array<i32>} : memref<16x256xf32, #tpu.memory_space<vmem>>, vector<1x16xf32>,
      %get3A_365 = arith.constant 1 : i32
      %get3A_366 = arith.index_cast %get3A_365 : i32 to index
      %get3A_367 = arith.constant 160 : index
      %get3A_368 = tpu.vector_load %arg9[%get3A_366, %get3A_367] {strides = array<i32>} : memref<16x256xf32, #tpu.memory_space<vmem>>, vector<1x16xf32>,
      %get3A_369 = vector.shape_cast %get3A_368 : vector<1x16xf32> to vector<16xf32>
      %mul3A_370 = vector.broadcast %squeeze3A_234 : f32 to vector<16xf32>
      %mul3A_371 = arith.mulf %get3A_369, %mul3A_370 : vector<16xf32>
      %swap3A_372 = arith.constant 1 : i32
      %swap3A_373 = arith.index_cast %swap3A_372 : i32 to index
      %swap3A_374 = arith.constant 160 : index
      %swap3A_375 = tpu.vector_load %arg10[%swap3A_373, %swap3A_374] {strides = array<i32>} : memref<16x256xf32, #tpu.memory_space<vmem>>, vector<1x16xf32>,
      %swap3A_376 = vector.shape_cast %swap3A_375 : vector<1x16xf32> to vector<16xf32>
      %swap3A_377 = vector.shape_cast %mul3A_371 : vector<16xf32> to vector<1x16xf32>
      tpu.vector_store %arg10[%swap3A_373, %swap3A_374], %swap3A_377 {strides = array<i32>} : memref<16x256xf32, #tpu.memory_space<vmem>>, vector<1x16xf32>,
      %get3A_378 = arith.constant 1 : i32
      %get3A_379 = arith.index_cast %get3A_378 : i32 to index
      %get3A_380 = arith.constant 176 : index
      %get3A_381 = tpu.vector_load %arg9[%get3A_379, %get3A_380] {strides = array<i32>} : memref<16x256xf32, #tpu.memory_space<vmem>>, vector<1x16xf32>,
      %get3A_382 = vector.shape_cast %get3A_381 : vector<1x16xf32> to vector<16xf32>
      %mul3A_383 = vector.broadcast %squeeze3A_234 : f32 to vector<16xf32>
      %mul3A_384 = arith.mulf %get3A_382, %mul3A_383 : vector<16xf32>
      %swap3A_385 = arith.constant 1 : i32
      %swap3A_386 = arith.index_cast %swap3A_385 : i32 to index
      %swap3A_387 = arith.constant 176 : index
      %swap3A_388 = tpu.vector_load %arg10[%swap3A_386, %swap3A_387] {strides = array<i32>} : memref<16x256xf32, #tpu.memory_space<vmem>>, vector<1x16xf32>,
      %swap3A_389 = vector.shape_cast %swap3A_388 : vector<1x16xf32> to vector<16xf32>
      %swap3A_390 = vector.shape_cast %mul3A_384 : vector<16xf32> to vector<1x16xf32>
      tpu.vector_store %arg10[%swap3A_386, %swap3A_387], %swap3A_390 {strides = array<i32>} : memref<16x256xf32, #tpu.memory_space<vmem>>, vector<1x16xf32>,
      %get3A_391 = arith.constant 1 : i32
      %get3A_392 = arith.index_cast %get3A_391 : i32 to index
      %get3A_393 = arith.constant 192 : index
      %get3A_394 = tpu.vector_load %arg9[%get3A_392, %get3A_393] {strides = array<i32>} : memref<16x256xf32, #tpu.memory_space<vmem>>, vector<1x16xf32>,
      %get3A_395 = vector.shape_cast %get3A_394 : vector<1x16xf32> to vector<16xf32>
      %mul3A_396 = vector.broadcast %squeeze3A_234 : f32 to vector<16xf32>
      %mul3A_397 = arith.mulf %get3A_395, %mul3A_396 : vector<16xf32>
      %swap3A_398 = arith.constant 1 : i32
      %swap3A_399 = arith.index_cast %swap3A_398 : i32 to index
      %swap3A_400 = arith.constant 192 : index
      %swap3A_401 = tpu.vector_load %arg10[%swap3A_399, %swap3A_400] {strides = array<i32>} : memref<16x256xf32, #tpu.memory_space<vmem>>, vector<1x16xf32>,
      %swap3A_402 = vector.shape_cast %swap3A_401 : vector<1x16xf32> to vector<16xf32>
      %swap3A_403 = vector.shape_cast %mul3A_397 : vector<16xf32> to vector<1x16xf32>
      tpu.vector_store %arg10[%swap3A_399, %swap3A_400], %swap3A_403 {strides = array<i32>} : memref<16x256xf32, #tpu.memory_space<vmem>>, vector<1x16xf32>,
      %get3A_404 = arith.constant 1 : i32
      %get3A_405 = arith.index_cast %get3A_404 : i32 to index
      %get3A_406 = arith.constant 208 : index
      %get3A_407 = tpu.vector_load %arg9[%get3A_405, %get3A_406] {strides = array<i32>} : memref<16x256xf32, #tpu.memory_space<vmem>>, vector<1x16xf32>,
      %get3A_408 = vector.shape_cast %get3A_407 : vector<1x16xf32> to vector<16xf32>
      %mul3A_409 = vector.broadcast %squeeze3A_234 : f32 to vector<16xf32>
      %mul3A_410 = arith.mulf %get3A_408, %mul3A_409 : vector<16xf32>
      %swap3A_411 = arith.constant 1 : i32
      %swap3A_412 = arith.index_cast %swap3A_411 : i32 to index
      %swap3A_413 = arith.constant 208 : index
      %swap3A_414 = tpu.vector_load %arg10[%swap3A_412, %swap3A_413] {strides = array<i32>} : memref<16x256xf32, #tpu.memory_space<vmem>>, vector<1x16xf32>,
      %swap3A_415 = vector.shape_cast %swap3A_414 : vector<1x16xf32> to vector<16xf32>
      %swap3A_416 = vector.shape_cast %mul3A_410 : vector<16xf32> to vector<1x16xf32>
      tpu.vector_store %arg10[%swap3A_412, %swap3A_413], %swap3A_416 {strides = array<i32>} : memref<16x256xf32, #tpu.memory_space<vmem>>, vector<1x16xf32>,
      %get3A_417 = arith.constant 1 : i32
      %get3A_418 = arith.index_cast %get3A_417 : i32 to index
      %get3A_419 = arith.constant 224 : index
      %get3A_420 = tpu.vector_load %arg9[%get3A_418, %get3A_419] {strides = array<i32>} : memref<16x256xf32, #tpu.memory_space<vmem>>, vector<1x16xf32>,
      %get3A_421 = vector.shape_cast %get3A_420 : vector<1x16xf32> to vector<16xf32>
      %mul3A_422 = vector.broadcast %squeeze3A_234 : f32 to vector<16xf32>
      %mul3A_423 = arith.mulf %get3A_421, %mul3A_422 : vector<16xf32>
      %swap3A_424 = arith.constant 1 : i32
      %swap3A_425 = arith.index_cast %swap3A_424 : i32 to index
      %swap3A_426 = arith.constant 224 : index
      %swap3A_427 = tpu.vector_load %arg10[%swap3A_425, %swap3A_426] {strides = array<i32>} : memref<16x256xf32, #tpu.memory_space<vmem>>, vector<1x16xf32>,
      %swap3A_428 = vector.shape_cast %swap3A_427 : vector<1x16xf32> to vector<16xf32>
      %swap3A_429 = vector.shape_cast %mul3A_423 : vector<16xf32> to vector<1x16xf32>
      tpu.vector_store %arg10[%swap3A_425, %swap3A_426], %swap3A_429 {strides = array<i32>} : memref<16x256xf32, #tpu.memory_space<vmem>>, vector<1x16xf32>,
      %get3A_430 = arith.constant 1 : i32
      %get3A_431 = arith.index_cast %get3A_430 : i32 to index
      %get3A_432 = arith.constant 240 : index
      %get3A_433 = tpu.vector_load %arg9[%get3A_431, %get3A_432] {strides = array<i32>} : memref<16x256xf32, #tpu.memory_space<vmem>>, vector<1x16xf32>,
      %get3A_434 = vector.shape_cast %get3A_433 : vector<1x16xf32> to vector<16xf32>
      %mul3A_435 = vector.broadcast %squeeze3A_234 : f32 to vector<16xf32>
      %mul3A_436 = arith.mulf %get3A_434, %mul3A_435 : vector<16xf32>
      %swap3A_437 = arith.constant 1 : i32
      %swap3A_438 = arith.index_cast %swap3A_437 : i32 to index
      %swap3A_439 = arith.constant 240 : index
      %swap3A_440 = tpu.vector_load %arg10[%swap3A_438, %swap3A_439] {strides = array<i32>} : memref<16x256xf32, #tpu.memory_space<vmem>>, vector<1x16xf32>,
      %swap3A_441 = vector.shape_cast %swap3A_440 : vector<1x16xf32> to vector<16xf32>
      %swap3A_442 = vector.shape_cast %mul3A_436 : vector<16xf32> to vector<1x16xf32>
      tpu.vector_store %arg10[%swap3A_438, %swap3A_439], %swap3A_442 {strides = array<i32>} : memref<16x256xf32, #tpu.memory_space<vmem>>, vector<1x16xf32>,
      %slice3A_443 = vector.extract_strided_slice %get3A_24 {offsets = [2], sizes = [1], strides = [1]} : vector<16xf32> to vector<1xf32>
      %squeeze3A_444 = vector.extract %slice3A_443[0] : f32 from vector<1xf32>
      %get3A_445 = arith.constant 2 : i32
      %get3A_446 = arith.index_cast %get3A_445 : i32 to index
      %get3A_447 = arith.constant 0 : index
      %get3A_448 = tpu.vector_load %arg9[%get3A_446, %get3A_447] {strides = array<i32>} : memref<16x256xf32, #tpu.memory_space<vmem>>, vector<1x16xf32>,
      %get3A_449 = vector.shape_cast %get3A_448 : vector<1x16xf32> to vector<16xf32>
      %mul3A_450 = vector.broadcast %squeeze3A_444 : f32 to vector<16xf32>
      %mul3A_451 = arith.mulf %get3A_449, %mul3A_450 : vector<16xf32>
      %swap3A_452 = arith.constant 2 : i32
      %swap3A_453 = arith.index_cast %swap3A_452 : i32 to index
      %swap3A_454 = arith.constant 0 : index
      %swap3A_455 = tpu.vector_load %arg10[%swap3A_453, %swap3A_454] {strides = array<i32>} : memref<16x256xf32, #tpu.memory_space<vmem>>, vector<1x16xf32>,
      %swap3A_456 = vector.shape_cast %swap3A_455 : vector<1x16xf32> to vector<16xf32>
      %swap3A_457 = vector.shape_cast %mul3A_451 : vector<16xf32> to vector<1x16xf32>
      tpu.vector_store %arg10[%swap3A_453, %swap3A_454], %swap3A_457 {strides = array<i32>} : memref<16x256xf32, #tpu.memory_space<vmem>>, vector<1x16xf32>,
      %get3A_458 = arith.constant 2 : i32
      %get3A_459 = arith.index_cast %get3A_458 : i32 to index
      %get3A_460 = arith.constant 16 : index
      %get3A_461 = tpu.vector_load %arg9[%get3A_459, %get3A_460] {strides = array<i32>} : memref<16x256xf32, #tpu.memory_space<vmem>>, vector<1x16xf32>,
      %get3A_462 = vector.shape_cast %get3A_461 : vector<1x16xf32> to vector<16xf32>
      %mul3A_463 = vector.broadcast %squeeze3A_444 : f32 to vector<16xf32>
      %mul3A_464 = arith.mulf %get3A_462, %mul3A_463 : vector<16xf32>
      %swap3A_465 = arith.constant 2 : i32
      %swap3A_466 = arith.index_cast %swap3A_465 : i32 to index
      %swap3A_467 = arith.constant 16 : index
      %swap3A_468 = tpu.vector_load %arg10[%swap3A_466, %swap3A_467] {strides = array<i32>} : memref<16x256xf32, #tpu.memory_space<vmem>>, vector<1x16xf32>,
      %swap3A_469 = vector.shape_cast %swap3A_468 : vector<1x16xf32> to vector<16xf32>
      %swap3A_470 = vector.shape_cast %mul3A_464 : vector<16xf32> to vector<1x16xf32>
      tpu.vector_store %arg10[%swap3A_466, %swap3A_467], %swap3A_470 {strides = array<i32>} : memref<16x256xf32, #tpu.memory_space<vmem>>, vector<1x16xf32>,
      %get3A_471 = arith.constant 2 : i32
      %get3A_472 = arith.index_cast %get3A_471 : i32 to index
      %get3A_473 = arith.constant 32 : index
      %get3A_474 = tpu.vector_load %arg9[%get3A_472, %get3A_473] {strides = array<i32>} : memref<16x256xf32, #tpu.memory_space<vmem>>, vector<1x16xf32>,
      %get3A_475 = vector.shape_cast %get3A_474 : vector<1x16xf32> to vector<16xf32>
      %mul3A_476 = vector.broadcast %squeeze3A_444 : f32 to vector<16xf32>
      %mul3A_477 = arith.mulf %get3A_475, %mul3A_476 : vector<16xf32>
      %swap3A_478 = arith.constant 2 : i32
      %swap3A_479 = arith.index_cast %swap3A_478 : i32 to index
      %swap3A_480 = arith.constant 32 : index
      %swap3A_481 = tpu.vector_load %arg10[%swap3A_479, %swap3A_480] {strides = array<i32>} : memref<16x256xf32, #tpu.memory_space<vmem>>, vector<1x16xf32>,
      %swap3A_482 = vector.shape_cast %swap3A_481 : vector<1x16xf32> to vector<16xf32>
      %swap3A_483 = vector.shape_cast %mul3A_477 : vector<16xf32> to vector<1x16xf32>
      tpu.vector_store %arg10[%swap3A_479, %swap3A_480], %swap3A_483 {strides = array<i32>} : memref<16x256xf32, #tpu.memory_space<vmem>>, vector<1x16xf32>,
      %get3A_484 = arith.constant 2 : i32
      %get3A_485 = arith.index_cast %get3A_484 : i32 to index
      %get3A_486 = arith.constant 48 : index
      %get3A_487 = tpu.vector_load %arg9[%get3A_485, %get3A_486] {strides = array<i32>} : memref<16x256xf32, #tpu.memory_space<vmem>>, vector<1x16xf32>,
      %get3A_488 = vector.shape_cast %get3A_487 : vector<1x16xf32> to vector<16xf32>
      %mul3A_489 = vector.broadcast %squeeze3A_444 : f32 to vector<16xf32>
      %mul3A_490 = arith.mulf %get3A_488, %mul3A_489 : vector<16xf32>
      %swap3A_491 = arith.constant 2 : i32
      %swap3A_492 = arith.index_cast %swap3A_491 : i32 to index
      %swap3A_493 = arith.constant 48 : index
      %swap3A_494 = tpu.vector_load %arg10[%swap3A_492, %swap3A_493] {strides = array<i32>} : memref<16x256xf32, #tpu.memory_space<vmem>>, vector<1x16xf32>,
      %swap3A_495 = vector.shape_cast %swap3A_494 : vector<1x16xf32> to vector<16xf32>
      %swap3A_496 = vector.shape_cast %mul3A_490 : vector<16xf32> to vector<1x16xf32>
      tpu.vector_store %arg10[%swap3A_492, %swap3A_493], %swap3A_496 {strides = array<i32>} : memref<16x256xf32, #tpu.memory_space<vmem>>, vector<1x16xf32>,
      %get3A_497 = arith.constant 2 : i32
      %get3A_498 = arith.index_cast %get3A_497 : i32 to index
      %get3A_499 = arith.constant 64 : index
      %get3A_500 = tpu.vector_load %arg9[%get3A_498, %get3A_499] {strides = array<i32>} : memref<16x256xf32, #tpu.memory_space<vmem>>, vector<1x16xf32>,
      %get3A_501 = vector.shape_cast %get3A_500 : vector<1x16xf32> to vector<16xf32>
      %mul3A_502 = vector.broadcast %squeeze3A_444 : f32 to vector<16xf32>
      %mul3A_503 = arith.mulf %get3A_501, %mul3A_502 : vector<16xf32>
      %swap3A_504 = arith.constant 2 : i32
      %swap3A_505 = arith.index_cast %swap3A_504 : i32 to index
      %swap3A_506 = arith.constant 64 : index
      %swap3A_507 = tpu.vector_load %arg10[%swap3A_505, %swap3A_506] {strides = array<i32>} : memref<16x256xf32, #tpu.memory_space<vmem>>, vector<1x16xf32>,
      %swap3A_508 = vector.shape_cast %swap3A_507 : vector<1x16xf32> to vector<16xf32>
      %swap3A_509 = vector.shape_cast %mul3A_503 : vector<16xf32> to vector<1x16xf32>
      tpu.vector_store %arg10[%swap3A_505, %swap3A_506], %swap3A_509 {strides = array<i32>} : memref<16x256xf32, #tpu.memory_space<vmem>>, vector<1x16xf32>,
      %get3A_510 = arith.constant 2 : i32
      %get3A_511 = arith.index_cast %get3A_510 : i32 to index
      %get3A_512 = arith.constant 80 : index
      %get3A_513 = tpu.vector_load %arg9[%get3A_511, %get3A_512] {strides = array<i32>} : memref<16x256xf32, #tpu.memory_space<vmem>>, vector<1x16xf32>,
      %get3A_514 = vector.shape_cast %get3A_513 : vector<1x16xf32> to vector<16xf32>
      %mul3A_515 = vector.broadcast %squeeze3A_444 : f32 to vector<16xf32>
      %mul3A_516 = arith.mulf %get3A_514, %mul3A_515 : vector<16xf32>
      %swap3A_517 = arith.constant 2 : i32
      %swap3A_518 = arith.index_cast %swap3A_517 : i32 to index
      %swap3A_519 = arith.constant 80 : index
      %swap3A_520 = tpu.vector_load %arg10[%swap3A_518, %swap3A_519] {strides = array<i32>} : memref<16x256xf32, #tpu.memory_space<vmem>>, vector<1x16xf32>,
      %swap3A_521 = vector.shape_cast %swap3A_520 : vector<1x16xf32> to vector<16xf32>
      %swap3A_522 = vector.shape_cast %mul3A_516 : vector<16xf32> to vector<1x16xf32>
      tpu.vector_store %arg10[%swap3A_518, %swap3A_519], %swap3A_522 {strides = array<i32>} : memref<16x256xf32, #tpu.memory_space<vmem>>, vector<1x16xf32>,
      %get3A_523 = arith.constant 2 : i32
      %get3A_524 = arith.index_cast %get3A_523 : i32 to index
      %get3A_525 = arith.constant 96 : index
      %get3A_526 = tpu.vector_load %arg9[%get3A_524, %get3A_525] {strides = array<i32>} : memref<16x256xf32, #tpu.memory_space<vmem>>, vector<1x16xf32>,
      %get3A_527 = vector.shape_cast %get3A_526 : vector<1x16xf32> to vector<16xf32>
      %mul3A_528 = vector.broadcast %squeeze3A_444 : f32 to vector<16xf32>
      %mul3A_529 = arith.mulf %get3A_527, %mul3A_528 : vector<16xf32>
      %swap3A_530 = arith.constant 2 : i32
      %swap3A_531 = arith.index_cast %swap3A_530 : i32 to index
      %swap3A_532 = arith.constant 96 : index
      %swap3A_533 = tpu.vector_load %arg10[%swap3A_531, %swap3A_532] {strides = array<i32>} : memref<16x256xf32, #tpu.memory_space<vmem>>, vector<1x16xf32>,
      %swap3A_534 = vector.shape_cast %swap3A_533 : vector<1x16xf32> to vector<16xf32>
      %swap3A_535 = vector.shape_cast %mul3A_529 : vector<16xf32> to vector<1x16xf32>
      tpu.vector_store %arg10[%swap3A_531, %swap3A_532], %swap3A_535 {strides = array<i32>} : memref<16x256xf32, #tpu.memory_space<vmem>>, vector<1x16xf32>,
      %get3A_536 = arith.constant 2 : i32
      %get3A_537 = arith.index_cast %get3A_536 : i32 to index
      %get3A_538 = arith.constant 112 : index
      %get3A_539 = tpu.vector_load %arg9[%get3A_537, %get3A_538] {strides = array<i32>} : memref<16x256xf32, #tpu.memory_space<vmem>>, vector<1x16xf32>,
      %get3A_540 = vector.shape_cast %get3A_539 : vector<1x16xf32> to vector<16xf32>
      %mul3A_541 = vector.broadcast %squeeze3A_444 : f32 to vector<16xf32>
      %mul3A_542 = arith.mulf %get3A_540, %mul3A_541 : vector<16xf32>
      %swap3A_543 = arith.constant 2 : i32
      %swap3A_544 = arith.index_cast %swap3A_543 : i32 to index
      %swap3A_545 = arith.constant 112 : index
      %swap3A_546 = tpu.vector_load %arg10[%swap3A_544, %swap3A_545] {strides = array<i32>} : memref<16x256xf32, #tpu.memory_space<vmem>>, vector<1x16xf32>,
      %swap3A_547 = vector.shape_cast %swap3A_546 : vector<1x16xf32> to vector<16xf32>
      %swap3A_548 = vector.shape_cast %mul3A_542 : vector<16xf32> to vector<1x16xf32>
      tpu.vector_store %arg10[%swap3A_544, %swap3A_545], %swap3A_548 {strides = array<i32>} : memref<16x256xf32, #tpu.memory_space<vmem>>, vector<1x16xf32>,
      %get3A_549 = arith.constant 2 : i32
      %get3A_550 = arith.index_cast %get3A_549 : i32 to index
      %get3A_551 = arith.constant 128 : index
      %get3A_552 = tpu.vector_load %arg9[%get3A_550, %get3A_551] {strides = array<i32>} : memref<16x256xf32, #tpu.memory_space<vmem>>, vector<1x16xf32>,
      %get3A_553 = vector.shape_cast %get3A_552 : vector<1x16xf32> to vector<16xf32>
      %mul3A_554 = vector.broadcast %squeeze3A_444 : f32 to vector<16xf32>
      %mul3A_555 = arith.mulf %get3A_553, %mul3A_554 : vector<16xf32>
      %swap3A_556 = arith.constant 2 : i32
      %swap3A_557 = arith.index_cast %swap3A_556 : i32 to index
      %swap3A_558 = arith.constant 128 : index
      %swap3A_559 = tpu.vector_load %arg10[%swap3A_557, %swap3A_558] {strides = array<i32>} : memref<16x256xf32, #tpu.memory_space<vmem>>, vector<1x16xf32>,
      %swap3A_560 = vector.shape_cast %swap3A_559 : vector<1x16xf32> to vector<16xf32>
      %swap3A_561 = vector.shape_cast %mul3A_555 : vector<16xf32> to vector<1x16xf32>
      tpu.vector_store %arg10[%swap3A_557, %swap3A_558], %swap3A_561 {strides = array<i32>} : memref<16x256xf32, #tpu.memory_space<vmem>>, vector<1x16xf32>,
      %get3A_562 = arith.constant 2 : i32
      %get3A_563 = arith.index_cast %get3A_562 : i32 to index
      %get3A_564 = arith.constant 144 : index
      %get3A_565 = tpu.vector_load %arg9[%get3A_563, %get3A_564] {strides = array<i32>} : memref<16x256xf32, #tpu.memory_space<vmem>>, vector<1x16xf32>,
      %get3A_566 = vector.shape_cast %get3A_565 : vector<1x16xf32> to vector<16xf32>
      %mul3A_567 = vector.broadcast %squeeze3A_444 : f32 to vector<16xf32>
      %mul3A_568 = arith.mulf %get3A_566, %mul3A_567 : vector<16xf32>
      %swap3A_569 = arith.constant 2 : i32
      %swap3A_570 = arith.index_cast %swap3A_569 : i32 to index
      %swap3A_571 = arith.constant 144 : index
      %swap3A_572 = tpu.vector_load %arg10[%swap3A_570, %swap3A_571] {strides = array<i32>} : memref<16x256xf32, #tpu.memory_space<vmem>>, vector<1x16xf32>,
      %swap3A_573 = vector.shape_cast %swap3A_572 : vector<1x16xf32> to vector<16xf32>
      %swap3A_574 = vector.shape_cast %mul3A_568 : vector<16xf32> to vector<1x16xf32>
      tpu.vector_store %arg10[%swap3A_570, %swap3A_571], %swap3A_574 {strides = array<i32>} : memref<16x256xf32, #tpu.memory_space<vmem>>, vector<1x16xf32>,
      %get3A_575 = arith.constant 2 : i32
      %get3A_576 = arith.index_cast %get3A_575 : i32 to index
      %get3A_577 = arith.constant 160 : index
      %get3A_578 = tpu.vector_load %arg9[%get3A_576, %get3A_577] {strides = array<i32>} : memref<16x256xf32, #tpu.memory_space<vmem>>, vector<1x16xf32>,
      %get3A_579 = vector.shape_cast %get3A_578 : vector<1x16xf32> to vector<16xf32>
      %mul3A_580 = vector.broadcast %squeeze3A_444 : f32 to vector<16xf32>
      %mul3A_581 = arith.mulf %get3A_579, %mul3A_580 : vector<16xf32>
      %swap3A_582 = arith.constant 2 : i32
      %swap3A_583 = arith.index_cast %swap3A_582 : i32 to index
      %swap3A_584 = arith.constant 160 : index
      %swap3A_585 = tpu.vector_load %arg10[%swap3A_583, %swap3A_584] {strides = array<i32>} : memref<16x256xf32, #tpu.memory_space<vmem>>, vector<1x16xf32>,
      %swap3A_586 = vector.shape_cast %swap3A_585 : vector<1x16xf32> to vector<16xf32>
      %swap3A_587 = vector.shape_cast %mul3A_581 : vector<16xf32> to vector<1x16xf32>
      tpu.vector_store %arg10[%swap3A_583, %swap3A_584], %swap3A_587 {strides = array<i32>} : memref<16x256xf32, #tpu.memory_space<vmem>>, vector<1x16xf32>,
      %get3A_588 = arith.constant 2 : i32
      %get3A_589 = arith.index_cast %get3A_588 : i32 to index
      %get3A_590 = arith.constant 176 : index
      %get3A_591 = tpu.vector_load %arg9[%get3A_589, %get3A_590] {strides = array<i32>} : memref<16x256xf32, #tpu.memory_space<vmem>>, vector<1x16xf32>,
      %get3A_592 = vector.shape_cast %get3A_591 : vector<1x16xf32> to vector<16xf32>
      %mul3A_593 = vector.broadcast %squeeze3A_444 : f32 to vector<16xf32>
      %mul3A_594 = arith.mulf %get3A_592, %mul3A_593 : vector<16xf32>
      %swap3A_595 = arith.constant 2 : i32
      %swap3A_596 = arith.index_cast %swap3A_595 : i32 to index
      %swap3A_597 = arith.constant 176 : index
      %swap3A_598 = tpu.vector_load %arg10[%swap3A_596, %swap3A_597] {strides = array<i32>} : memref<16x256xf32, #tpu.memory_space<vmem>>, vector<1x16xf32>,
      %swap3A_599 = vector.shape_cast %swap3A_598 : vector<1x16xf32> to vector<16xf32>
      %swap3A_600 = vector.shape_cast %mul3A_594 : vector<16xf32> to vector<1x16xf32>
      tpu.vector_store %arg10[%swap3A_596, %swap3A_597], %swap3A_600 {strides = array<i32>} : memref<16x256xf32, #tpu.memory_space<vmem>>, vector<1x16xf32>,
      %get3A_601 = arith.constant 2 : i32
      %get3A_602 = arith.index_cast %get3A_601 : i32 to index
      %get3A_603 = arith.constant 192 : index
      %get3A_604 = tpu.vector_load %arg9[%get3A_602, %get3A_603] {strides = array<i32>} : memref<16x256xf32, #tpu.memory_space<vmem>>, vector<1x16xf32>,
      %get3A_605 = vector.shape_cast %get3A_604 : vector<1x16xf32> to vector<16xf32>
      %mul3A_606 = vector.broadcast %squeeze3A_444 : f32 to vector<16xf32>
      %mul3A_607 = arith.mulf %get3A_605, %mul3A_606 : vector<16xf32>
      %swap3A_608 = arith.constant 2 : i32
      %swap3A_609 = arith.index_cast %swap3A_608 : i32 to index
      %swap3A_610 = arith.constant 192 : index
      %swap3A_611 = tpu.vector_load %arg10[%swap3A_609, %swap3A_610] {strides = array<i32>} : memref<16x256xf32, #tpu.memory_space<vmem>>, vector<1x16xf32>,
      %swap3A_612 = vector.shape_cast %swap3A_611 : vector<1x16xf32> to vector<16xf32>
      %swap3A_613 = vector.shape_cast %mul3A_607 : vector<16xf32> to vector<1x16xf32>
      tpu.vector_store %arg10[%swap3A_609, %swap3A_610], %swap3A_613 {strides = array<i32>} : memref<16x256xf32, #tpu.memory_space<vmem>>, vector<1x16xf32>,
      %get3A_614 = arith.constant 2 : i32
      %get3A_615 = arith.index_cast %get3A_614 : i32 to index
      %get3A_616 = arith.constant 208 : index
      %get3A_617 = tpu.vector_load %arg9[%get3A_615, %get3A_616] {strides = array<i32>} : memref<16x256xf32, #tpu.memory_space<vmem>>, vector<1x16xf32>,
      %get3A_618 = vector.shape_cast %get3A_617 : vector<1x16xf32> to vector<16xf32>
      %mul3A_619 = vector.broadcast %squeeze3A_444 : f32 to vector<16xf32>
      %mul3A_620 = arith.mulf %get3A_618, %mul3A_619 : vector<16xf32>
      %swap3A_621 = arith.constant 2 : i32
      %swap3A_622 = arith.index_cast %swap3A_621 : i32 to index
      %swap3A_623 = arith.constant 208 : index
      %swap3A_624 = tpu.vector_load %arg10[%swap3A_622, %swap3A_623] {strides = array<i32>} : memref<16x256xf32, #tpu.memory_space<vmem>>, vector<1x16xf32>,
      %swap3A_625 = vector.shape_cast %swap3A_624 : vector<1x16xf32> to vector<16xf32>
      %swap3A_626 = vector.shape_cast %mul3A_620 : vector<16xf32> to vector<1x16xf32>
      tpu.vector_store %arg10[%swap3A_622, %swap3A_623], %swap3A_626 {strides = array<i32>} : memref<16x256xf32, #tpu.memory_space<vmem>>, vector<1x16xf32>,
      %get3A_627 = arith.constant 2 : i32
      %get3A_628 = arith.index_cast %get3A_627 : i32 to index
      %get3A_629 = arith.constant 224 : index
      %get3A_630 = tpu.vector_load %arg9[%get3A_628, %get3A_629] {strides = array<i32>} : memref<16x256xf32, #tpu.memory_space<vmem>>, vector<1x16xf32>,
      %get3A_631 = vector.shape_cast %get3A_630 : vector<1x16xf32> to vector<16xf32>
      %mul3A_632 = vector.broadcast %squeeze3A_444 : f32 to vector<16xf32>
      %mul3A_633 = arith.mulf %get3A_631, %mul3A_632 : vector<16xf32>
      %swap3A_634 = arith.constant 2 : i32
      %swap3A_635 = arith.index_cast %swap3A_634 : i32 to index
      %swap3A_636 = arith.constant 224 : index
      %swap3A_637 = tpu.vector_load %arg10[%swap3A_635, %swap3A_636] {strides = array<i32>} : memref<16x256xf32, #tpu.memory_space<vmem>>, vector<1x16xf32>,
      %swap3A_638 = vector.shape_cast %swap3A_637 : vector<1x16xf32> to vector<16xf32>
      %swap3A_639 = vector.shape_cast %mul3A_633 : vector<16xf32> to vector<1x16xf32>
      tpu.vector_store %arg10[%swap3A_635, %swap3A_636], %swap3A_639 {strides = array<i32>} : memref<16x256xf32, #tpu.memory_space<vmem>>, vector<1x16xf32>,
      %get3A_640 = arith.constant 2 : i32
      %get3A_641 = arith.index_cast %get3A_640 : i32 to index
      %get3A_642 = arith.constant 240 : index
      %get3A_643 = tpu.vector_load %arg9[%get3A_641, %get3A_642] {strides = array<i32>} : memref<16x256xf32, #tpu.memory_space<vmem>>, vector<1x16xf32>,
      %get3A_644 = vector.shape_cast %get3A_643 : vector<1x16xf32> to vector<16xf32>
      %mul3A_645 = vector.broadcast %squeeze3A_444 : f32 to vector<16xf32>
      %mul3A_646 = arith.mulf %get3A_644, %mul3A_645 : vector<16xf32>
      %swap3A_647 = arith.constant 2 : i32
      %swap3A_648 = arith.index_cast %swap3A_647 : i32 to index
      %swap3A_649 = arith.constant 240 : index
      %swap3A_650 = tpu.vector_load %arg10[%swap3A_648, %swap3A_649] {strides = array<i32>} : memref<16x256xf32, #tpu.memory_space<vmem>>, vector<1x16xf32>,
      %swap3A_651 = vector.shape_cast %swap3A_650 : vector<1x16xf32> to vector<16xf32>
      %swap3A_652 = vector.shape_cast %mul3A_646 : vector<16xf32> to vector<1x16xf32>
      tpu.vector_store %arg10[%swap3A_648, %swap3A_649], %swap3A_652 {strides = array<i32>} : memref<16x256xf32, #tpu.memory_space<vmem>>, vector<1x16xf32>,
      %slice3A_653 = vector.extract_strided_slice %get3A_24 {offsets = [3], sizes = [1], strides = [1]} : vector<16xf32> to vector<1xf32>
      %squeeze3A_654 = vector.extract %slice3A_653[0] : f32 from vector<1xf32>
      %get3A_655 = arith.constant 3 : i32
      %get3A_656 = arith.index_cast %get3A_655 : i32 to index
      %get3A_657 = arith.constant 0 : index
      %get3A_658 = tpu.vector_load %arg9[%get3A_656, %get3A_657] {strides = array<i32>} : memref<16x256xf32, #tpu.memory_space<vmem>>, vector<1x16xf32>,
      %get3A_659 = vector.shape_cast %get3A_658 : vector<1x16xf32> to vector<16xf32>
      %mul3A_660 = vector.broadcast %squeeze3A_654 : f32 to vector<16xf32>
      %mul3A_661 = arith.mulf %get3A_659, %mul3A_660 : vector<16xf32>
      %swap3A_662 = arith.constant 3 : i32
      %swap3A_663 = arith.index_cast %swap3A_662 : i32 to index
      %swap3A_664 = arith.constant 0 : index
      %swap3A_665 = tpu.vector_load %arg10[%swap3A_663, %swap3A_664] {strides = array<i32>} : memref<16x256xf32, #tpu.memory_space<vmem>>, vector<1x16xf32>,
      %swap3A_666 = vector.shape_cast %swap3A_665 : vector<1x16xf32> to vector<16xf32>
      %swap3A_667 = vector.shape_cast %mul3A_661 : vector<16xf32> to vector<1x16xf32>
      tpu.vector_store %arg10[%swap3A_663, %swap3A_664], %swap3A_667 {strides = array<i32>} : memref<16x256xf32, #tpu.memory_space<vmem>>, vector<1x16xf32>,
      %get3A_668 = arith.constant 3 : i32
      %get3A_669 = arith.index_cast %get3A_668 : i32 to index
      %get3A_670 = arith.constant 16 : index
      %get3A_671 = tpu.vector_load %arg9[%get3A_669, %get3A_670] {strides = array<i32>} : memref<16x256xf32, #tpu.memory_space<vmem>>, vector<1x16xf32>,
      %get3A_672 = vector.shape_cast %get3A_671 : vector<1x16xf32> to vector<16xf32>
      %mul3A_673 = vector.broadcast %squeeze3A_654 : f32 to vector<16xf32>
      %mul3A_674 = arith.mulf %get3A_672, %mul3A_673 : vector<16xf32>
      %swap3A_675 = arith.constant 3 : i32
      %swap3A_676 = arith.index_cast %swap3A_675 : i32 to index
      %swap3A_677 = arith.constant 16 : index
      %swap3A_678 = tpu.vector_load %arg10[%swap3A_676, %swap3A_677] {strides = array<i32>} : memref<16x256xf32, #tpu.memory_space<vmem>>, vector<1x16xf32>,
      %swap3A_679 = vector.shape_cast %swap3A_678 : vector<1x16xf32> to vector<16xf32>
      %swap3A_680 = vector.shape_cast %mul3A_674 : vector<16xf32> to vector<1x16xf32>
      tpu.vector_store %arg10[%swap3A_676, %swap3A_677], %swap3A_680 {strides = array<i32>} : memref<16x256xf32, #tpu.memory_space<vmem>>, vector<1x16xf32>,
      %get3A_681 = arith.constant 3 : i32
      %get3A_682 = arith.index_cast %get3A_681 : i32 to index
      %get3A_683 = arith.constant 32 : index
      %get3A_684 = tpu.vector_load %arg9[%get3A_682, %get3A_683] {strides = array<i32>} : memref<16x256xf32, #tpu.memory_space<vmem>>, vector<1x16xf32>,
      %get3A_685 = vector.shape_cast %get3A_684 : vector<1x16xf32> to vector<16xf32>
      %mul3A_686 = vector.broadcast %squeeze3A_654 : f32 to vector<16xf32>
      %mul3A_687 = arith.mulf %get3A_685, %mul3A_686 : vector<16xf32>
      %swap3A_688 = arith.constant 3 : i32
      %swap3A_689 = arith.index_cast %swap3A_688 : i32 to index
      %swap3A_690 = arith.constant 32 : index
      %swap3A_691 = tpu.vector_load %arg10[%swap3A_689, %swap3A_690] {strides = array<i32>} : memref<16x256xf32, #tpu.memory_space<vmem>>, vector<1x16xf32>,
      %swap3A_692 = vector.shape_cast %swap3A_691 : vector<1x16xf32> to vector<16xf32>
      %swap3A_693 = vector.shape_cast %mul3A_687 : vector<16xf32> to vector<1x16xf32>
      tpu.vector_store %arg10[%swap3A_689, %swap3A_690], %swap3A_693 {strides = array<i32>} : memref<16x256xf32, #tpu.memory_space<vmem>>, vector<1x16xf32>,
      %get3A_694 = arith.constant 3 : i32
      %get3A_695 = arith.index_cast %get3A_694 : i32 to index
      %get3A_696 = arith.constant 48 : index
      %get3A_697 = tpu.vector_load %arg9[%get3A_695, %get3A_696] {strides = array<i32>} : memref<16x256xf32, #tpu.memory_space<vmem>>, vector<1x16xf32>,
      %get3A_698 = vector.shape_cast %get3A_697 : vector<1x16xf32> to vector<16xf32>
      %mul3A_699 = vector.broadcast %squeeze3A_654 : f32 to vector<16xf32>
      %mul3A_700 = arith.mulf %get3A_698, %mul3A_699 : vector<16xf32>
      %swap3A_701 = arith.constant 3 : i32
      %swap3A_702 = arith.index_cast %swap3A_701 : i32 to index
      %swap3A_703 = arith.constant 48 : index
      %swap3A_704 = tpu.vector_load %arg10[%swap3A_702, %swap3A_703] {strides = array<i32>} : memref<16x256xf32, #tpu.memory_space<vmem>>, vector<1x16xf32>,
      %swap3A_705 = vector.shape_cast %swap3A_704 : vector<1x16xf32> to vector<16xf32>
      %swap3A_706 = vector.shape_cast %mul3A_700 : vector<16xf32> to vector<1x16xf32>
      tpu.vector_store %arg10[%swap3A_702, %swap3A_703], %swap3A_706 {strides = array<i32>} : memref<16x256xf32, #tpu.memory_space<vmem>>, vector<1x16xf32>,
      %get3A_707 = arith.constant 3 : i32
      %get3A_708 = arith.index_cast %get3A_707 : i32 to index
      %get3A_709 = arith.constant 64 : index
      %get3A_710 = tpu.vector_load %arg9[%get3A_708, %get3A_709] {strides = array<i32>} : memref<16x256xf32, #tpu.memory_space<vmem>>, vector<1x16xf32>,
      %get3A_711 = vector.shape_cast %get3A_710 : vector<1x16xf32> to vector<16xf32>
      %mul3A_712 = vector.broadcast %squeeze3A_654 : f32 to vector<16xf32>
      %mul3A_713 = arith.mulf %get3A_711, %mul3A_712 : vector<16xf32>
      %swap3A_714 = arith.constant 3 : i32
      %swap3A_715 = arith.index_cast %swap3A_714 : i32 to index
      %swap3A_716 = arith.constant 64 : index
      %swap3A_717 = tpu.vector_load %arg10[%swap3A_715, %swap3A_716] {strides = array<i32>} : memref<16x256xf32, #tpu.memory_space<vmem>>, vector<1x16xf32>,
      %swap3A_718 = vector.shape_cast %swap3A_717 : vector<1x16xf32> to vector<16xf32>
      %swap3A_719 = vector.shape_cast %mul3A_713 : vector<16xf32> to vector<1x16xf32>
      tpu.vector_store %arg10[%swap3A_715, %swap3A_716], %swap3A_719 {strides = array<i32>} : memref<16x256xf32, #tpu.memory_space<vmem>>, vector<1x16xf32>,
      %get3A_720 = arith.constant 3 : i32
      %get3A_721 = arith.index_cast %get3A_720 : i32 to index
      %get3A_722 = arith.constant 80 : index
      %get3A_723 = tpu.vector_load %arg9[%get3A_721, %get3A_722] {strides = array<i32>} : memref<16x256xf32, #tpu.memory_space<vmem>>, vector<1x16xf32>,
      %get3A_724 = vector.shape_cast %get3A_723 : vector<1x16xf32> to vector<16xf32>
      %mul3A_725 = vector.broadcast %squeeze3A_654 : f32 to vector<16xf32>
      %mul3A_726 = arith.mulf %get3A_724, %mul3A_725 : vector<16xf32>
      %swap3A_727 = arith.constant 3 : i32
      %swap3A_728 = arith.index_cast %swap3A_727 : i32 to index
      %swap3A_729 = arith.constant 80 : index
      %swap3A_730 = tpu.vector_load %arg10[%swap3A_728, %swap3A_729] {strides = array<i32>} : memref<16x256xf32, #tpu.memory_space<vmem>>, vector<1x16xf32>,
      %swap3A_731 = vector.shape_cast %swap3A_730 : vector<1x16xf32> to vector<16xf32>
      %swap3A_732 = vector.shape_cast %mul3A_726 : vector<16xf32> to vector<1x16xf32>
      tpu.vector_store %arg10[%swap3A_728, %swap3A_729], %swap3A_732 {strides = array<i32>} : memref<16x256xf32, #tpu.memory_space<vmem>>, vector<1x16xf32>,
      %get3A_733 = arith.constant 3 : i32
      %get3A_734 = arith.index_cast %get3A_733 : i32 to index
      %get3A_735 = arith.constant 96 : index
      %get3A_736 = tpu.vector_load %arg9[%get3A_734, %get3A_735] {strides = array<i32>} : memref<16x256xf32, #tpu.memory_space<vmem>>, vector<1x16xf32>,
      %get3A_737 = vector.shape_cast %get3A_736 : vector<1x16xf32> to vector<16xf32>
      %mul3A_738 = vector.broadcast %squeeze3A_654 : f32 to vector<16xf32>
      %mul3A_739 = arith.mulf %get3A_737, %mul3A_738 : vector<16xf32>
      %swap3A_740 = arith.constant 3 : i32
      %swap3A_741 = arith.index_cast %swap3A_740 : i32 to index
      %swap3A_742 = arith.constant 96 : index
      %swap3A_743 = tpu.vector_load %arg10[%swap3A_741, %swap3A_742] {strides = array<i32>} : memref<16x256xf32, #tpu.memory_space<vmem>>, vector<1x16xf32>,
      %swap3A_744 = vector.shape_cast %swap3A_743 : vector<1x16xf32> to vector<16xf32>
      %swap3A_745 = vector.shape_cast %mul3A_739 : vector<16xf32> to vector<1x16xf32>
      tpu.vector_store %arg10[%swap3A_741, %swap3A_742], %swap3A_745 {strides = array<i32>} : memref<16x256xf32, #tpu.memory_space<vmem>>, vector<1x16xf32>,
      %get3A_746 = arith.constant 3 : i32
      %get3A_747 = arith.index_cast %get3A_746 : i32 to index
      %get3A_748 = arith.constant 112 : index
      %get3A_749 = tpu.vector_load %arg9[%get3A_747, %get3A_748] {strides = array<i32>} : memref<16x256xf32, #tpu.memory_space<vmem>>, vector<1x16xf32>,
      %get3A_750 = vector.shape_cast %get3A_749 : vector<1x16xf32> to vector<16xf32>
      %mul3A_751 = vector.broadcast %squeeze3A_654 : f32 to vector<16xf32>
      %mul3A_752 = arith.mulf %get3A_750, %mul3A_751 : vector<16xf32>
      %swap3A_753 = arith.constant 3 : i32
      %swap3A_754 = arith.index_cast %swap3A_753 : i32 to index
      %swap3A_755 = arith.constant 112 : index
      %swap3A_756 = tpu.vector_load %arg10[%swap3A_754, %swap3A_755] {strides = array<i32>} : memref<16x256xf32, #tpu.memory_space<vmem>>, vector<1x16xf32>,
      %swap3A_757 = vector.shape_cast %swap3A_756 : vector<1x16xf32> to vector<16xf32>
      %swap3A_758 = vector.shape_cast %mul3A_752 : vector<16xf32> to vector<1x16xf32>
      tpu.vector_store %arg10[%swap3A_754, %swap3A_755], %swap3A_758 {strides = array<i32>} : memref<16x256xf32, #tpu.memory_space<vmem>>, vector<1x16xf32>,
      %get3A_759 = arith.constant 3 : i32
      %get3A_760 = arith.index_cast %get3A_759 : i32 to index
      %get3A_761 = arith.constant 128 : index
      %get3A_762 = tpu.vector_load %arg9[%get3A_760, %get3A_761] {strides = array<i32>} : memref<16x256xf32, #tpu.memory_space<vmem>>, vector<1x16xf32>,
      %get3A_763 = vector.shape_cast %get3A_762 : vector<1x16xf32> to vector<16xf32>
      %mul3A_764 = vector.broadcast %squeeze3A_654 : f32 to vector<16xf32>
      %mul3A_765 = arith.mulf %get3A_763, %mul3A_764 : vector<16xf32>
      %swap3A_766 = arith.constant 3 : i32
      %swap3A_767 = arith.index_cast %swap3A_766 : i32 to index
      %swap3A_768 = arith.constant 128 : index
      %swap3A_769 = tpu.vector_load %arg10[%swap3A_767, %swap3A_768] {strides = array<i32>} : memref<16x256xf32, #tpu.memory_space<vmem>>, vector<1x16xf32>,
      %swap3A_770 = vector.shape_cast %swap3A_769 : vector<1x16xf32> to vector<16xf32>
      %swap3A_771 = vector.shape_cast %mul3A_765 : vector<16xf32> to vector<1x16xf32>
      tpu.vector_store %arg10[%swap3A_767, %swap3A_768], %swap3A_771 {strides = array<i32>} : memref<16x256xf32, #tpu.memory_space<vmem>>, vector<1x16xf32>,
      %get3A_772 = arith.constant 3 : i32
      %get3A_773 = arith.index_cast %get3A_772 : i32 to index
      %get3A_774 = arith.constant 144 : index
      %get3A_775 = tpu.vector_load %arg9[%get3A_773, %get3A_774] {strides = array<i32>} : memref<16x256xf32, #tpu.memory_space<vmem>>, vector<1x16xf32>,
      %get3A_776 = vector.shape_cast %get3A_775 : vector<1x16xf32> to vector<16xf32>
      %mul3A_777 = vector.broadcast %squeeze3A_654 : f32 to vector<16xf32>
      %mul3A_778 = arith.mulf %get3A_776, %mul3A_777 : vector<16xf32>
      %swap3A_779 = arith.constant 3 : i32
      %swap3A_780 = arith.index_cast %swap3A_779 : i32 to index
      %swap3A_781 = arith.constant 144 : index
      %swap3A_782 = tpu.vector_load %arg10[%swap3A_780, %swap3A_781] {strides = array<i32>} : memref<16x256xf32, #tpu.memory_space<vmem>>, vector<1x16xf32>,
      %swap3A_783 = vector.shape_cast %swap3A_782 : vector<1x16xf32> to vector<16xf32>
      %swap3A_784 = vector.shape_cast %mul3A_778 : vector<16xf32> to vector<1x16xf32>
      tpu.vector_store %arg10[%swap3A_780, %swap3A_781], %swap3A_784 {strides = array<i32>} : memref<16x256xf32, #tpu.memory_space<vmem>>, vector<1x16xf32>,
      %get3A_785 = arith.constant 3 : i32
      %get3A_786 = arith.index_cast %get3A_785 : i32 to index
      %get3A_787 = arith.constant 160 : index
      %get3A_788 = tpu.vector_load %arg9[%get3A_786, %get3A_787] {strides = array<i32>} : memref<16x256xf32, #tpu.memory_space<vmem>>, vector<1x16xf32>,
      %get3A_789 = vector.shape_cast %get3A_788 : vector<1x16xf32> to vector<16xf32>
      %mul3A_790 = vector.broadcast %squeeze3A_654 : f32 to vector<16xf32>
      %mul3A_791 = arith.mulf %get3A_789, %mul3A_790 : vector<16xf32>
      %swap3A_792 = arith.constant 3 : i32
      %swap3A_793 = arith.index_cast %swap3A_792 : i32 to index
      %swap3A_794 = arith.constant 160 : index
      %swap3A_795 = tpu.vector_load %arg10[%swap3A_793, %swap3A_794] {strides = array<i32>} : memref<16x256xf32, #tpu.memory_space<vmem>>, vector<1x16xf32>,
      %swap3A_796 = vector.shape_cast %swap3A_795 : vector<1x16xf32> to vector<16xf32>
      %swap3A_797 = vector.shape_cast %mul3A_791 : vector<16xf32> to vector<1x16xf32>
      tpu.vector_store %arg10[%swap3A_793, %swap3A_794], %swap3A_797 {strides = array<i32>} : memref<16x256xf32, #tpu.memory_space<vmem>>, vector<1x16xf32>,
      %get3A_798 = arith.constant 3 : i32
      %get3A_799 = arith.index_cast %get3A_798 : i32 to index
      %get3A_800 = arith.constant 176 : index
      %get3A_801 = tpu.vector_load %arg9[%get3A_799, %get3A_800] {strides = array<i32>} : memref<16x256xf32, #tpu.memory_space<vmem>>, vector<1x16xf32>,
      %get3A_802 = vector.shape_cast %get3A_801 : vector<1x16xf32> to vector<16xf32>
      %mul3A_803 = vector.broadcast %squeeze3A_654 : f32 to vector<16xf32>
      %mul3A_804 = arith.mulf %get3A_802, %mul3A_803 : vector<16xf32>
      %swap3A_805 = arith.constant 3 : i32
      %swap3A_806 = arith.index_cast %swap3A_805 : i32 to index
      %swap3A_807 = arith.constant 176 : index
      %swap3A_808 = tpu.vector_load %arg10[%swap3A_806, %swap3A_807] {strides = array<i32>} : memref<16x256xf32, #tpu.memory_space<vmem>>, vector<1x16xf32>,
      %swap3A_809 = vector.shape_cast %swap3A_808 : vector<1x16xf32> to vector<16xf32>
      %swap3A_810 = vector.shape_cast %mul3A_804 : vector<16xf32> to vector<1x16xf32>
      tpu.vector_store %arg10[%swap3A_806, %swap3A_807], %swap3A_810 {strides = array<i32>} : memref<16x256xf32, #tpu.memory_space<vmem>>, vector<1x16xf32>,
      %get3A_811 = arith.constant 3 : i32
      %get3A_812 = arith.index_cast %get3A_811 : i32 to index
      %get3A_813 = arith.constant 192 : index
      %get3A_814 = tpu.vector_load %arg9[%get3A_812, %get3A_813] {strides = array<i32>} : memref<16x256xf32, #tpu.memory_space<vmem>>, vector<1x16xf32>,
      %get3A_815 = vector.shape_cast %get3A_814 : vector<1x16xf32> to vector<16xf32>
      %mul3A_816 = vector.broadcast %squeeze3A_654 : f32 to vector<16xf32>
      %mul3A_817 = arith.mulf %get3A_815, %mul3A_816 : vector<16xf32>
      %swap3A_818 = arith.constant 3 : i32
      %swap3A_819 = arith.index_cast %swap3A_818 : i32 to index
      %swap3A_820 = arith.constant 192 : index
      %swap3A_821 = tpu.vector_load %arg10[%swap3A_819, %swap3A_820] {strides = array<i32>} : memref<16x256xf32, #tpu.memory_space<vmem>>, vector<1x16xf32>,
      %swap3A_822 = vector.shape_cast %swap3A_821 : vector<1x16xf32> to vector<16xf32>
      %swap3A_823 = vector.shape_cast %mul3A_817 : vector<16xf32> to vector<1x16xf32>
      tpu.vector_store %arg10[%swap3A_819, %swap3A_820], %swap3A_823 {strides = array<i32>} : memref<16x256xf32, #tpu.memory_space<vmem>>, vector<1x16xf32>,
      %get3A_824 = arith.constant 3 : i32
      %get3A_825 = arith.index_cast %get3A_824 : i32 to index
      %get3A_826 = arith.constant 208 : index
      %get3A_827 = tpu.vector_load %arg9[%get3A_825, %get3A_826] {strides = array<i32>} : memref<16x256xf32, #tpu.memory_space<vmem>>, vector<1x16xf32>,
      %get3A_828 = vector.shape_cast %get3A_827 : vector<1x16xf32> to vector<16xf32>
      %mul3A_829 = vector.broadcast %squeeze3A_654 : f32 to vector<16xf32>
      %mul3A_830 = arith.mulf %get3A_828, %mul3A_829 : vector<16xf32>
      %swap3A_831 = arith.constant 3 : i32
      %swap3A_832 = arith.index_cast %swap3A_831 : i32 to index
      %swap3A_833 = arith.constant 208 : index
      %swap3A_834 = tpu.vector_load %arg10[%swap3A_832, %swap3A_833] {strides = array<i32>} : memref<16x256xf32, #tpu.memory_space<vmem>>, vector<1x16xf32>,
      %swap3A_835 = vector.shape_cast %swap3A_834 : vector<1x16xf32> to vector<16xf32>
      %swap3A_836 = vector.shape_cast %mul3A_830 : vector<16xf32> to vector<1x16xf32>
      tpu.vector_store %arg10[%swap3A_832, %swap3A_833], %swap3A_836 {strides = array<i32>} : memref<16x256xf32, #tpu.memory_space<vmem>>, vector<1x16xf32>,
      %get3A_837 = arith.constant 3 : i32
      %get3A_838 = arith.index_cast %get3A_837 : i32 to index
      %get3A_839 = arith.constant 224 : index
      %get3A_840 = tpu.vector_load %arg9[%get3A_838, %get3A_839] {strides = array<i32>} : memref<16x256xf32, #tpu.memory_space<vmem>>, vector<1x16xf32>,
      %get3A_841 = vector.shape_cast %get3A_840 : vector<1x16xf32> to vector<16xf32>
      %mul3A_842 = vector.broadcast %squeeze3A_654 : f32 to vector<16xf32>
      %mul3A_843 = arith.mulf %get3A_841, %mul3A_842 : vector<16xf32>
      %swap3A_844 = arith.constant 3 : i32
      %swap3A_845 = arith.index_cast %swap3A_844 : i32 to index
      %swap3A_846 = arith.constant 224 : index
      %swap3A_847 = tpu.vector_load %arg10[%swap3A_845, %swap3A_846] {strides = array<i32>} : memref<16x256xf32, #tpu.memory_space<vmem>>, vector<1x16xf32>,
      %swap3A_848 = vector.shape_cast %swap3A_847 : vector<1x16xf32> to vector<16xf32>
      %swap3A_849 = vector.shape_cast %mul3A_843 : vector<16xf32> to vector<1x16xf32>
      tpu.vector_store %arg10[%swap3A_845, %swap3A_846], %swap3A_849 {strides = array<i32>} : memref<16x256xf32, #tpu.memory_space<vmem>>, vector<1x16xf32>,
      %get3A_850 = arith.constant 3 : i32
      %get3A_851 = arith.index_cast %get3A_850 : i32 to index
      %get3A_852 = arith.constant 240 : index
      %get3A_853 = tpu.vector_load %arg9[%get3A_851, %get3A_852] {strides = array<i32>} : memref<16x256xf32, #tpu.memory_space<vmem>>, vector<1x16xf32>,
      %get3A_854 = vector.shape_cast %get3A_853 : vector<1x16xf32> to vector<16xf32>
      %mul3A_855 = vector.broadcast %squeeze3A_654 : f32 to vector<16xf32>
      %mul3A_856 = arith.mulf %get3A_854, %mul3A_855 : vector<16xf32>
      %swap3A_857 = arith.constant 3 : i32
      %swap3A_858 = arith.index_cast %swap3A_857 : i32 to index
      %swap3A_859 = arith.constant 240 : index
      %swap3A_860 = tpu.vector_load %arg10[%swap3A_858, %swap3A_859] {strides = array<i32>} : memref<16x256xf32, #tpu.memory_space<vmem>>, vector<1x16xf32>,
      %swap3A_861 = vector.shape_cast %swap3A_860 : vector<1x16xf32> to vector<16xf32>
      %swap3A_862 = vector.shape_cast %mul3A_856 : vector<16xf32> to vector<1x16xf32>
      tpu.vector_store %arg10[%swap3A_858, %swap3A_859], %swap3A_862 {strides = array<i32>} : memref<16x256xf32, #tpu.memory_space<vmem>>, vector<1x16xf32>,
      %slice3A_863 = vector.extract_strided_slice %get3A_24 {offsets = [4], sizes = [1], strides = [1]} : vector<16xf32> to vector<1xf32>
      %squeeze3A_864 = vector.extract %slice3A_863[0] : f32 from vector<1xf32>
      %get3A_865 = arith.constant 4 : i32
      %get3A_866 = arith.index_cast %get3A_865 : i32 to index
      %get3A_867 = arith.constant 0 : index
      %get3A_868 = tpu.vector_load %arg9[%get3A_866, %get3A_867] {strides = array<i32>} : memref<16x256xf32, #tpu.memory_space<vmem>>, vector<1x16xf32>,
      %get3A_869 = vector.shape_cast %get3A_868 : vector<1x16xf32> to vector<16xf32>
      %mul3A_870 = vector.broadcast %squeeze3A_864 : f32 to vector<16xf32>
      %mul3A_871 = arith.mulf %get3A_869, %mul3A_870 : vector<16xf32>
      %swap3A_872 = arith.constant 4 : i32
      %swap3A_873 = arith.index_cast %swap3A_872 : i32 to index
      %swap3A_874 = arith.constant 0 : index
      %swap3A_875 = tpu.vector_load %arg10[%swap3A_873, %swap3A_874] {strides = array<i32>} : memref<16x256xf32, #tpu.memory_space<vmem>>, vector<1x16xf32>,
      %swap3A_876 = vector.shape_cast %swap3A_875 : vector<1x16xf32> to vector<16xf32>
      %swap3A_877 = vector.shape_cast %mul3A_871 : vector<16xf32> to vector<1x16xf32>
      tpu.vector_store %arg10[%swap3A_873, %swap3A_874], %swap3A_877 {strides = array<i32>} : memref<16x256xf32, #tpu.memory_space<vmem>>, vector<1x16xf32>,
      %get3A_878 = arith.constant 4 : i32
      %get3A_879 = arith.index_cast %get3A_878 : i32 to index
      %get3A_880 = arith.constant 16 : index
      %get3A_881 = tpu.vector_load %arg9[%get3A_879, %get3A_880] {strides = array<i32>} : memref<16x256xf32, #tpu.memory_space<vmem>>, vector<1x16xf32>,
      %get3A_882 = vector.shape_cast %get3A_881 : vector<1x16xf32> to vector<16xf32>
      %mul3A_883 = vector.broadcast %squeeze3A_864 : f32 to vector<16xf32>
      %mul3A_884 = arith.mulf %get3A_882, %mul3A_883 : vector<16xf32>
      %swap3A_885 = arith.constant 4 : i32
      %swap3A_886 = arith.index_cast %swap3A_885 : i32 to index
      %swap3A_887 = arith.constant 16 : index
      %swap3A_888 = tpu.vector_load %arg10[%swap3A_886, %swap3A_887] {strides = array<i32>} : memref<16x256xf32, #tpu.memory_space<vmem>>, vector<1x16xf32>,
      %swap3A_889 = vector.shape_cast %swap3A_888 : vector<1x16xf32> to vector<16xf32>
      %swap3A_890 = vector.shape_cast %mul3A_884 : vector<16xf32> to vector<1x16xf32>
      tpu.vector_store %arg10[%swap3A_886, %swap3A_887], %swap3A_890 {strides = array<i32>} : memref<16x256xf32, #tpu.memory_space<vmem>>, vector<1x16xf32>,
      %get3A_891 = arith.constant 4 : i32
      %get3A_892 = arith.index_cast %get3A_891 : i32 to index
      %get3A_893 = arith.constant 32 : index
      %get3A_894 = tpu.vector_load %arg9[%get3A_892, %get3A_893] {strides = array<i32>} : memref<16x256xf32, #tpu.memory_space<vmem>>, vector<1x16xf32>,
      %get3A_895 = vector.shape_cast %get3A_894 : vector<1x16xf32> to vector<16xf32>
      %mul3A_896 = vector.broadcast %squeeze3A_864 : f32 to vector<16xf32>
      %mul3A_897 = arith.mulf %get3A_895, %mul3A_896 : vector<16xf32>
      %swap3A_898 = arith.constant 4 : i32
      %swap3A_899 = arith.index_cast %swap3A_898 : i32 to index
      %swap3A_900 = arith.constant 32 : index
      %swap3A_901 = tpu.vector_load %arg10[%swap3A_899, %swap3A_900] {strides = array<i32>} : memref<16x256xf32, #tpu.memory_space<vmem>>, vector<1x16xf32>,
      %swap3A_902 = vector.shape_cast %swap3A_901 : vector<1x16xf32> to vector<16xf32>
      %swap3A_903 = vector.shape_cast %mul3A_897 : vector<16xf32> to vector<1x16xf32>
      tpu.vector_store %arg10[%swap3A_899, %swap3A_900], %swap3A_903 {strides = array<i32>} : memref<16x256xf32, #tpu.memory_space<vmem>>, vector<1x16xf32>,
      %get3A_904 = arith.constant 4 : i32
      %get3A_905 = arith.index_cast %get3A_904 : i32 to index
      %get3A_906 = arith.constant 48 : index
      %get3A_907 = tpu.vector_load %arg9[%get3A_905, %get3A_906] {strides = array<i32>} : memref<16x256xf32, #tpu.memory_space<vmem>>, vector<1x16xf32>,
      %get3A_908 = vector.shape_cast %get3A_907 : vector<1x16xf32> to vector<16xf32>
      %mul3A_909 = vector.broadcast %squeeze3A_864 : f32 to vector<16xf32>
      %mul3A_910 = arith.mulf %get3A_908, %mul3A_909 : vector<16xf32>
      %swap3A_911 = arith.constant 4 : i32
      %swap3A_912 = arith.index_cast %swap3A_911 : i32 to index
      %swap3A_913 = arith.constant 48 : index
      %swap3A_914 = tpu.vector_load %arg10[%swap3A_912, %swap3A_913] {strides = array<i32>} : memref<16x256xf32, #tpu.memory_space<vmem>>, vector<1x16xf32>,
      %swap3A_915 = vector.shape_cast %swap3A_914 : vector<1x16xf32> to vector<16xf32>
      %swap3A_916 = vector.shape_cast %mul3A_910 : vector<16xf32> to vector<1x16xf32>
      tpu.vector_store %arg10[%swap3A_912, %swap3A_913], %swap3A_916 {strides = array<i32>} : memref<16x256xf32, #tpu.memory_space<vmem>>, vector<1x16xf32>,
      %get3A_917 = arith.constant 4 : i32
      %get3A_918 = arith.index_cast %get3A_917 : i32 to index
      %get3A_919 = arith.constant 64 : index
      %get3A_920 = tpu.vector_load %arg9[%get3A_918, %get3A_919] {strides = array<i32>} : memref<16x256xf32, #tpu.memory_space<vmem>>, vector<1x16xf32>,
      %get3A_921 = vector.shape_cast %get3A_920 : vector<1x16xf32> to vector<16xf32>
      %mul3A_922 = vector.broadcast %squeeze3A_864 : f32 to vector<16xf32>
      %mul3A_923 = arith.mulf %get3A_921, %mul3A_922 : vector<16xf32>
      %swap3A_924 = arith.constant 4 : i32
      %swap3A_925 = arith.index_cast %swap3A_924 : i32 to index
      %swap3A_926 = arith.constant 64 : index
      %swap3A_927 = tpu.vector_load %arg10[%swap3A_925, %swap3A_926] {strides = array<i32>} : memref<16x256xf32, #tpu.memory_space<vmem>>, vector<1x16xf32>,
      %swap3A_928 = vector.shape_cast %swap3A_927 : vector<1x16xf32> to vector<16xf32>
      %swap3A_929 = vector.shape_cast %mul3A_923 : vector<16xf32> to vector<1x16xf32>
      tpu.vector_store %arg10[%swap3A_925, %swap3A_926], %swap3A_929 {strides = array<i32>} : memref<16x256xf32, #tpu.memory_space<vmem>>, vector<1x16xf32>,
      %get3A_930 = arith.constant 4 : i32
      %get3A_931 = arith.index_cast %get3A_930 : i32 to index
      %get3A_932 = arith.constant 80 : index
      %get3A_933 = tpu.vector_load %arg9[%get3A_931, %get3A_932] {strides = array<i32>} : memref<16x256xf32, #tpu.memory_space<vmem>>, vector<1x16xf32>,
      %get3A_934 = vector.shape_cast %get3A_933 : vector<1x16xf32> to vector<16xf32>
      %mul3A_935 = vector.broadcast %squeeze3A_864 : f32 to vector<16xf32>
      %mul3A_936 = arith.mulf %get3A_934, %mul3A_935 : vector<16xf32>
      %swap3A_937 = arith.constant 4 : i32
      %swap3A_938 = arith.index_cast %swap3A_937 : i32 to index
      %swap3A_939 = arith.constant 80 : index
      %swap3A_940 = tpu.vector_load %arg10[%swap3A_938, %swap3A_939] {strides = array<i32>} : memref<16x256xf32, #tpu.memory_space<vmem>>, vector<1x16xf32>,
      %swap3A_941 = vector.shape_cast %swap3A_940 : vector<1x16xf32> to vector<16xf32>
      %swap3A_942 = vector.shape_cast %mul3A_936 : vector<16xf32> to vector<1x16xf32>
      tpu.vector_store %arg10[%swap3A_938, %swap3A_939], %swap3A_942 {strides = array<i32>} : memref<16x256xf32, #tpu.memory_space<vmem>>, vector<1x16xf32>,
      %get3A_943 = arith.constant 4 : i32
      %get3A_944 = arith.index_cast %get3A_943 : i32 to index
      %get3A_945 = arith.constant 96 : index
      %get3A_946 = tpu.vector_load %arg9[%get3A_944, %get3A_945] {strides = array<i32>} : memref<16x256xf32, #tpu.memory_space<vmem>>, vector<1x16xf32>,
      %get3A_947 = vector.shape_cast %get3A_946 : vector<1x16xf32> to vector<16xf32>
      %mul3A_948 = vector.broadcast %squeeze3A_864 : f32 to vector<16xf32>
      %mul3A_949 = arith.mulf %get3A_947, %mul3A_948 : vector<16xf32>
      %swap3A_950 = arith.constant 4 : i32
      %swap3A_951 = arith.index_cast %swap3A_950 : i32 to index
      %swap3A_952 = arith.constant 96 : index
      %swap3A_953 = tpu.vector_load %arg10[%swap3A_951, %swap3A_952] {strides = array<i32>} : memref<16x256xf32, #tpu.memory_space<vmem>>, vector<1x16xf32>,
      %swap3A_954 = vector.shape_cast %swap3A_953 : vector<1x16xf32> to vector<16xf32>
      %swap3A_955 = vector.shape_cast %mul3A_949 : vector<16xf32> to vector<1x16xf32>
      tpu.vector_store %arg10[%swap3A_951, %swap3A_952], %swap3A_955 {strides = array<i32>} : memref<16x256xf32, #tpu.memory_space<vmem>>, vector<1x16xf32>,
      %get3A_956 = arith.constant 4 : i32
      %get3A_957 = arith.index_cast %get3A_956 : i32 to index
      %get3A_958 = arith.constant 112 : index
      %get3A_959 = tpu.vector_load %arg9[%get3A_957, %get3A_958] {strides = array<i32>} : memref<16x256xf32, #tpu.memory_space<vmem>>, vector<1x16xf32>,
      %get3A_960 = vector.shape_cast %get3A_959 : vector<1x16xf32> to vector<16xf32>
      %mul3A_961 = vector.broadcast %squeeze3A_864 : f32 to vector<16xf32>
      %mul3A_962 = arith.mulf %get3A_960, %mul3A_961 : vector<16xf32>
      %swap3A_963 = arith.constant 4 : i32
      %swap3A_964 = arith.index_cast %swap3A_963 : i32 to index
      %swap3A_965 = arith.constant 112 : index
      %swap3A_966 = tpu.vector_load %arg10[%swap3A_964, %swap3A_965] {strides = array<i32>} : memref<16x256xf32, #tpu.memory_space<vmem>>, vector<1x16xf32>,
      %swap3A_967 = vector.shape_cast %swap3A_966 : vector<1x16xf32> to vector<16xf32>
      %swap3A_968 = vector.shape_cast %mul3A_962 : vector<16xf32> to vector<1x16xf32>
      tpu.vector_store %arg10[%swap3A_964, %swap3A_965], %swap3A_968 {strides = array<i32>} : memref<16x256xf32, #tpu.memory_space<vmem>>, vector<1x16xf32>,
      %get3A_969 = arith.constant 4 : i32
      %get3A_970 = arith.index_cast %get3A_969 : i32 to index
      %get3A_971 = arith.constant 128 : index
      %get3A_972 = tpu.vector_load %arg9[%get3A_970, %get3A_971] {strides = array<i32>} : memref<16x256xf32, #tpu.memory_space<vmem>>, vector<1x16xf32>,
      %get3A_973 = vector.shape_cast %get3A_972 : vector<1x16xf32> to vector<16xf32>
      %mul3A_974 = vector.broadcast %squeeze3A_864 : f32 to vector<16xf32>
      %mul3A_975 = arith.mulf %get3A_973, %mul3A_974 : vector<16xf32>
      %swap3A_976 = arith.constant 4 : i32
      %swap3A_977 = arith.index_cast %swap3A_976 : i32 to index
      %swap3A_978 = arith.constant 128 : index
      %swap3A_979 = tpu.vector_load %arg10[%swap3A_977, %swap3A_978] {strides = array<i32>} : memref<16x256xf32, #tpu.memory_space<vmem>>, vector<1x16xf32>,
      %swap3A_980 = vector.shape_cast %swap3A_979 : vector<1x16xf32> to vector<16xf32>
      %swap3A_981 = vector.shape_cast %mul3A_975 : vector<16xf32> to vector<1x16xf32>
      tpu.vector_store %arg10[%swap3A_977, %swap3A_978], %swap3A_981 {strides = array<i32>} : memref<16x256xf32, #tpu.memory_space<vmem>>, vector<1x16xf32>,
      %get3A_982 = arith.constant 4 : i32
      %get3A_983 = arith.index_cast %get3A_982 : i32 to index
      %get3A_984 = arith.constant 144 : index
      %get3A_985 = tpu.vector_load %arg9[%get3A_983, %get3A_984] {strides = array<i32>} : memref<16x256xf32, #tpu.memory_space<vmem>>, vector<1x16xf32>,
      %get3A_986 = vector.shape_cast %get3A_985 : vector<1x16xf32> to vector<16xf32>
      %mul3A_987 = vector.broadcast %squeeze3A_864 : f32 to vector<16xf32>
      %mul3A_988 = arith.mulf %get3A_986, %mul3A_987 : vector<16xf32>
      %swap3A_989 = arith.constant 4 : i32
      %swap3A_990 = arith.index_cast %swap3A_989 : i32 to index
      %swap3A_991 = arith.constant 144 : index
      %swap3A_992 = tpu.vector_load %arg10[%swap3A_990, %swap3A_991] {strides = array<i32>} : memref<16x256xf32, #tpu.memory_space<vmem>>, vector<1x16xf32>,
      %swap3A_993 = vector.shape_cast %swap3A_992 : vector<1x16xf32> to vector<16xf32>
      %swap3A_994 = vector.shape_cast %mul3A_988 : vector<16xf32> to vector<1x16xf32>
      tpu.vector_store %arg10[%swap3A_990, %swap3A_991], %swap3A_994 {strides = array<i32>} : memref<16x256xf32, #tpu.memory_space<vmem>>, vector<1x16xf32>,
      %get3A_995 = arith.constant 4 : i32
      %get3A_996 = arith.index_cast %get3A_995 : i32 to index
      %get3A_997 = arith.constant 160 : index
      %get3A_998 = tpu.vector_load %arg9[%get3A_996, %get3A_997] {strides = array<i32>} : memref<16x256xf32, #tpu.memory_space<vmem>>, vector<1x16xf32>,
      %get3A_999 = vector.shape_cast %get3A_998 : vector<1x16xf32> to vector<16xf32>
      %mul3A_1000 = vector.broadcast %squeeze3A_864 : f32 to vector<16xf32>
      %mul3A_1001 = arith.mulf %get3A_999, %mul3A_1000 : vector<16xf32>
      %swap3A_1002 = arith.constant 4 : i32
      %swap3A_1003 = arith.index_cast %swap3A_1002 : i32 to index
      %swap3A_1004 = arith.constant 160 : index
      %swap3A_1005 = tpu.vector_load %arg10[%swap3A_1003, %swap3A_1004] {strides = array<i32>} : memref<16x256xf32, #tpu.memory_space<vmem>>, vector<1x16xf32>,
      %swap3A_1006 = vector.shape_cast %swap3A_1005 : vector<1x16xf32> to vector<16xf32>
      %swap3A_1007 = vector.shape_cast %mul3A_1001 : vector<16xf32> to vector<1x16xf32>
      tpu.vector_store %arg10[%swap3A_1003, %swap3A_1004], %swap3A_1007 {strides = array<i32>} : memref<16x256xf32, #tpu.memory_space<vmem>>, vector<1x16xf32>,
      %get3A_1008 = arith.constant 4 : i32
      %get3A_1009 = arith.index_cast %get3A_1008 : i32 to index
      %get3A_1010 = arith.constant 176 : index
      %get3A_1011 = tpu.vector_load %arg9[%get3A_1009, %get3A_1010] {strides = array<i32>} : memref<16x256xf32, #tpu.memory_space<vmem>>, vector<1x16xf32>,
      %get3A_1012 = vector.shape_cast %get3A_1011 : vector<1x16xf32> to vector<16xf32>
      %mul3A_1013 = vector.broadcast %squeeze3A_864 : f32 to vector<16xf32>
      %mul3A_1014 = arith.mulf %get3A_1012, %mul3A_1013 : vector<16xf32>
      %swap3A_1015 = arith.constant 4 : i32
      %swap3A_1016 = arith.index_cast %swap3A_1015 : i32 to index
      %swap3A_1017 = arith.constant 176 : index
      %swap3A_1018 = tpu.vector_load %arg10[%swap3A_1016, %swap3A_1017] {strides = array<i32>} : memref<16x256xf32, #tpu.memory_space<vmem>>, vector<1x16xf32>,
      %swap3A_1019 = vector.shape_cast %swap3A_1018 : vector<1x16xf32> to vector<16xf32>
      %swap3A_1020 = vector.shape_cast %mul3A_1014 : vector<16xf32> to vector<1x16xf32>
      tpu.vector_store %arg10[%swap3A_1016, %swap3A_1017], %swap3A_1020 {strides = array<i32>} : memref<16x256xf32, #tpu.memory_space<vmem>>, vector<1x16xf32>,
      %get3A_1021 = arith.constant 4 : i32
      %get3A_1022 = arith.index_cast %get3A_1021 : i32 to index
      %get3A_1023 = arith.constant 192 : index
      %get3A_1024 = tpu.vector_load %arg9[%get3A_1022, %get3A_1023] {strides = array<i32>} : memref<16x256xf32, #tpu.memory_space<vmem>>, vector<1x16xf32>,
      %get3A_1025 = vector.shape_cast %get3A_1024 : vector<1x16xf32> to vector<16xf32>
      %mul3A_1026 = vector.broadcast %squeeze3A_864 : f32 to vector<16xf32>
      %mul3A_1027 = arith.mulf %get3A_1025, %mul3A_1026 : vector<16xf32>
      %swap3A_1028 = arith.constant 4 : i32
      %swap3A_1029 = arith.index_cast %swap3A_1028 : i32 to index
      %swap3A_1030 = arith.constant 192 : index
      %swap3A_1031 = tpu.vector_load %arg10[%swap3A_1029, %swap3A_1030] {strides = array<i32>} : memref<16x256xf32, #tpu.memory_space<vmem>>, vector<1x16xf32>,
      %swap3A_1032 = vector.shape_cast %swap3A_1031 : vector<1x16xf32> to vector<16xf32>
      %swap3A_1033 = vector.shape_cast %mul3A_1027 : vector<16xf32> to vector<1x16xf32>
      tpu.vector_store %arg10[%swap3A_1029, %swap3A_1030], %swap3A_1033 {strides = array<i32>} : memref<16x256xf32, #tpu.memory_space<vmem>>, vector<1x16xf32>,
      %get3A_1034 = arith.constant 4 : i32
      %get3A_1035 = arith.index_cast %get3A_1034 : i32 to index
      %get3A_1036 = arith.constant 208 : index
      %get3A_1037 = tpu.vector_load %arg9[%get3A_1035, %get3A_1036] {strides = array<i32>} : memref<16x256xf32, #tpu.memory_space<vmem>>, vector<1x16xf32>,
      %get3A_1038 = vector.shape_cast %get3A_1037 : vector<1x16xf32> to vector<16xf32>
      %mul3A_1039 = vector.broadcast %squeeze3A_864 : f32 to vector<16xf32>
      %mul3A_1040 = arith.mulf %get3A_1038, %mul3A_1039 : vector<16xf32>
      %swap3A_1041 = arith.constant 4 : i32
      %swap3A_1042 = arith.index_cast %swap3A_1041 : i32 to index
      %swap3A_1043 = arith.constant 208 : index
      %swap3A_1044 = tpu.vector_load %arg10[%swap3A_1042, %swap3A_1043] {strides = array<i32>} : memref<16x256xf32, #tpu.memory_space<vmem>>, vector<1x16xf32>,
      %swap3A_1045 = vector.shape_cast %swap3A_1044 : vector<1x16xf32> to vector<16xf32>
      %swap3A_1046 = vector.shape_cast %mul3A_1040 : vector<16xf32> to vector<1x16xf32>
      tpu.vector_store %arg10[%swap3A_1042, %swap3A_1043], %swap3A_1046 {strides = array<i32>} : memref<16x256xf32, #tpu.memory_space<vmem>>, vector<1x16xf32>,
      %get3A_1047 = arith.constant 4 : i32
      %get3A_1048 = arith.index_cast %get3A_1047 : i32 to index
      %get3A_1049 = arith.constant 224 : index
      %get3A_1050 = tpu.vector_load %arg9[%get3A_1048, %get3A_1049] {strides = array<i32>} : memref<16x256xf32, #tpu.memory_space<vmem>>, vector<1x16xf32>,
      %get3A_1051 = vector.shape_cast %get3A_1050 : vector<1x16xf32> to vector<16xf32>
      %mul3A_1052 = vector.broadcast %squeeze3A_864 : f32 to vector<16xf32>
      %mul3A_1053 = arith.mulf %get3A_1051, %mul3A_1052 : vector<16xf32>
      %swap3A_1054 = arith.constant 4 : i32
      %swap3A_1055 = arith.index_cast %swap3A_1054 : i32 to index
      %swap3A_1056 = arith.constant 224 : index
      %swap3A_1057 = tpu.vector_load %arg10[%swap3A_1055, %swap3A_1056] {strides = array<i32>} : memref<16x256xf32, #tpu.memory_space<vmem>>, vector<1x16xf32>,
      %swap3A_1058 = vector.shape_cast %swap3A_1057 : vector<1x16xf32> to vector<16xf32>
      %swap3A_1059 = vector.shape_cast %mul3A_1053 : vector<16xf32> to vector<1x16xf32>
      tpu.vector_store %arg10[%swap3A_1055, %swap3A_1056], %swap3A_1059 {strides = array<i32>} : memref<16x256xf32, #tpu.memory_space<vmem>>, vector<1x16xf32>,
      %get3A_1060 = arith.constant 4 : i32
      %get3A_1061 = arith.index_cast %get3A_1060 : i32 to index
      %get3A_1062 = arith.constant 240 : index
      %get3A_1063 = tpu.vector_load %arg9[%get3A_1061, %get3A_1062] {strides = array<i32>} : memref<16x256xf32, #tpu.memory_space<vmem>>, vector<1x16xf32>,
      %get3A_1064 = vector.shape_cast %get3A_1063 : vector<1x16xf32> to vector<16xf32>
      %mul3A_1065 = vector.broadcast %squeeze3A_864 : f32 to vector<16xf32>
      %mul3A_1066 = arith.mulf %get3A_1064, %mul3A_1065 : vector<16xf32>
      %swap3A_1067 = arith.constant 4 : i32
      %swap3A_1068 = arith.index_cast %swap3A_1067 : i32 to index
      %swap3A_1069 = arith.constant 240 : index
      %swap3A_1070 = tpu.vector_load %arg10[%swap3A_1068, %swap3A_1069] {strides = array<i32>} : memref<16x256xf32, #tpu.memory_space<vmem>>, vector<1x16xf32>,
      %swap3A_1071 = vector.shape_cast %swap3A_1070 : vector<1x16xf32> to vector<16xf32>
      %swap3A_1072 = vector.shape_cast %mul3A_1066 : vector<16xf32> to vector<1x16xf32>
      tpu.vector_store %arg10[%swap3A_1068, %swap3A_1069], %swap3A_1072 {strides = array<i32>} : memref<16x256xf32, #tpu.memory_space<vmem>>, vector<1x16xf32>,
      %slice3A_1073 = vector.extract_strided_slice %get3A_24 {offsets = [5], sizes = [1], strides = [1]} : vector<16xf32> to vector<1xf32>
      %squeeze3A_1074 = vector.extract %slice3A_1073[0] : f32 from vector<1xf32>
      %get3A_1075 = arith.constant 5 : i32
      %get3A_1076 = arith.index_cast %get3A_1075 : i32 to index
      %get3A_1077 = arith.constant 0 : index
      %get3A_1078 = tpu.vector_load %arg9[%get3A_1076, %get3A_1077] {strides = array<i32>} : memref<16x256xf32, #tpu.memory_space<vmem>>, vector<1x16xf32>,
      %get3A_1079 = vector.shape_cast %get3A_1078 : vector<1x16xf32> to vector<16xf32>
      %mul3A_1080 = vector.broadcast %squeeze3A_1074 : f32 to vector<16xf32>
      %mul3A_1081 = arith.mulf %get3A_1079, %mul3A_1080 : vector<16xf32>
      %swap3A_1082 = arith.constant 5 : i32
      %swap3A_1083 = arith.index_cast %swap3A_1082 : i32 to index
      %swap3A_1084 = arith.constant 0 : index
      %swap3A_1085 = tpu.vector_load %arg10[%swap3A_1083, %swap3A_1084] {strides = array<i32>} : memref<16x256xf32, #tpu.memory_space<vmem>>, vector<1x16xf32>,
      %swap3A_1086 = vector.shape_cast %swap3A_1085 : vector<1x16xf32> to vector<16xf32>
      %swap3A_1087 = vector.shape_cast %mul3A_1081 : vector<16xf32> to vector<1x16xf32>
      tpu.vector_store %arg10[%swap3A_1083, %swap3A_1084], %swap3A_1087 {strides = array<i32>} : memref<16x256xf32, #tpu.memory_space<vmem>>, vector<1x16xf32>,
      %get3A_1088 = arith.constant 5 : i32
      %get3A_1089 = arith.index_cast %get3A_1088 : i32 to index
      %get3A_1090 = arith.constant 16 : index
      %get3A_1091 = tpu.vector_load %arg9[%get3A_1089, %get3A_1090] {strides = array<i32>} : memref<16x256xf32, #tpu.memory_space<vmem>>, vector<1x16xf32>,
      %get3A_1092 = vector.shape_cast %get3A_1091 : vector<1x16xf32> to vector<16xf32>
      %mul3A_1093 = vector.broadcast %squeeze3A_1074 : f32 to vector<16xf32>
      %mul3A_1094 = arith.mulf %get3A_1092, %mul3A_1093 : vector<16xf32>
      %swap3A_1095 = arith.constant 5 : i32
      %swap3A_1096 = arith.index_cast %swap3A_1095 : i32 to index
      %swap3A_1097 = arith.constant 16 : index
      %swap3A_1098 = tpu.vector_load %arg10[%swap3A_1096, %swap3A_1097] {strides = array<i32>} : memref<16x256xf32, #tpu.memory_space<vmem>>, vector<1x16xf32>,
      %swap3A_1099 = vector.shape_cast %swap3A_1098 : vector<1x16xf32> to vector<16xf32>
      %swap3A_1100 = vector.shape_cast %mul3A_1094 : vector<16xf32> to vector<1x16xf32>
      tpu.vector_store %arg10[%swap3A_1096, %swap3A_1097], %swap3A_1100 {strides = array<i32>} : memref<16x256xf32, #tpu.memory_space<vmem>>, vector<1x16xf32>,
      %get3A_1101 = arith.constant 5 : i32
      %get3A_1102 = arith.index_cast %get3A_1101 : i32 to index
      %get3A_1103 = arith.constant 32 : index
      %get3A_1104 = tpu.vector_load %arg9[%get3A_1102, %get3A_1103] {strides = array<i32>} : memref<16x256xf32, #tpu.memory_space<vmem>>, vector<1x16xf32>,
      %get3A_1105 = vector.shape_cast %get3A_1104 : vector<1x16xf32> to vector<16xf32>
      %mul3A_1106 = vector.broadcast %squeeze3A_1074 : f32 to vector<16xf32>
      %mul3A_1107 = arith.mulf %get3A_1105, %mul3A_1106 : vector<16xf32>
      %swap3A_1108 = arith.constant 5 : i32
      %swap3A_1109 = arith.index_cast %swap3A_1108 : i32 to index
      %swap3A_1110 = arith.constant 32 : index
      %swap3A_1111 = tpu.vector_load %arg10[%swap3A_1109, %swap3A_1110] {strides = array<i32>} : memref<16x256xf32, #tpu.memory_space<vmem>>, vector<1x16xf32>,
      %swap3A_1112 = vector.shape_cast %swap3A_1111 : vector<1x16xf32> to vector<16xf32>
      %swap3A_1113 = vector.shape_cast %mul3A_1107 : vector<16xf32> to vector<1x16xf32>
      tpu.vector_store %arg10[%swap3A_1109, %swap3A_1110], %swap3A_1113 {strides = array<i32>} : memref<16x256xf32, #tpu.memory_space<vmem>>, vector<1x16xf32>,
      %get3A_1114 = arith.constant 5 : i32
      %get3A_1115 = arith.index_cast %get3A_1114 : i32 to index
      %get3A_1116 = arith.constant 48 : index
      %get3A_1117 = tpu.vector_load %arg9[%get3A_1115, %get3A_1116] {strides = array<i32>} : memref<16x256xf32, #tpu.memory_space<vmem>>, vector<1x16xf32>,
      %get3A_1118 = vector.shape_cast %get3A_1117 : vector<1x16xf32> to vector<16xf32>
      %mul3A_1119 = vector.broadcast %squeeze3A_1074 : f32 to vector<16xf32>
      %mul3A_1120 = arith.mulf %get3A_1118, %mul3A_1119 : vector<16xf32>
      %swap3A_1121 = arith.constant 5 : i32
      %swap3A_1122 = arith.index_cast %swap3A_1121 : i32 to index
      %swap3A_1123 = arith.constant 48 : index
      %swap3A_1124 = tpu.vector_load %arg10[%swap3A_1122, %swap3A_1123] {strides = array<i32>} : memref<16x256xf32, #tpu.memory_space<vmem>>, vector<1x16xf32>,
      %swap3A_1125 = vector.shape_cast %swap3A_1124 : vector<1x16xf32> to vector<16xf32>
      %swap3A_1126 = vector.shape_cast %mul3A_1120 : vector<16xf32> to vector<1x16xf32>
      tpu.vector_store %arg10[%swap3A_1122, %swap3A_1123], %swap3A_1126 {strides = array<i32>} : memref<16x256xf32, #tpu.memory_space<vmem>>, vector<1x16xf32>,
      %get3A_1127 = arith.constant 5 : i32
      %get3A_1128 = arith.index_cast %get3A_1127 : i32 to index
      %get3A_1129 = arith.constant 64 : index
      %get3A_1130 = tpu.vector_load %arg9[%get3A_1128, %get3A_1129] {strides = array<i32>} : memref<16x256xf32, #tpu.memory_space<vmem>>, vector<1x16xf32>,
      %get3A_1131 = vector.shape_cast %get3A_1130 : vector<1x16xf32> to vector<16xf32>
      %mul3A_1132 = vector.broadcast %squeeze3A_1074 : f32 to vector<16xf32>
      %mul3A_1133 = arith.mulf %get3A_1131, %mul3A_1132 : vector<16xf32>
      %swap3A_1134 = arith.constant 5 : i32
      %swap3A_1135 = arith.index_cast %swap3A_1134 : i32 to index
      %swap3A_1136 = arith.constant 64 : index
      %swap3A_1137 = tpu.vector_load %arg10[%swap3A_1135, %swap3A_1136] {strides = array<i32>} : memref<16x256xf32, #tpu.memory_space<vmem>>, vector<1x16xf32>,
      %swap3A_1138 = vector.shape_cast %swap3A_1137 : vector<1x16xf32> to vector<16xf32>
      %swap3A_1139 = vector.shape_cast %mul3A_1133 : vector<16xf32> to vector<1x16xf32>
      tpu.vector_store %arg10[%swap3A_1135, %swap3A_1136], %swap3A_1139 {strides = array<i32>} : memref<16x256xf32, #tpu.memory_space<vmem>>, vector<1x16xf32>,
      %get3A_1140 = arith.constant 5 : i32
      %get3A_1141 = arith.index_cast %get3A_1140 : i32 to index
      %get3A_1142 = arith.constant 80 : index
      %get3A_1143 = tpu.vector_load %arg9[%get3A_1141, %get3A_1142] {strides = array<i32>} : memref<16x256xf32, #tpu.memory_space<vmem>>, vector<1x16xf32>,
      %get3A_1144 = vector.shape_cast %get3A_1143 : vector<1x16xf32> to vector<16xf32>
      %mul3A_1145 = vector.broadcast %squeeze3A_1074 : f32 to vector<16xf32>
      %mul3A_1146 = arith.mulf %get3A_1144, %mul3A_1145 : vector<16xf32>
      %swap3A_1147 = arith.constant 5 : i32
      %swap3A_1148 = arith.index_cast %swap3A_1147 : i32 to index
      %swap3A_1149 = arith.constant 80 : index
      %swap3A_1150 = tpu.vector_load %arg10[%swap3A_1148, %swap3A_1149] {strides = array<i32>} : memref<16x256xf32, #tpu.memory_space<vmem>>, vector<1x16xf32>,
      %swap3A_1151 = vector.shape_cast %swap3A_1150 : vector<1x16xf32> to vector<16xf32>
      %swap3A_1152 = vector.shape_cast %mul3A_1146 : vector<16xf32> to vector<1x16xf32>
      tpu.vector_store %arg10[%swap3A_1148, %swap3A_1149], %swap3A_1152 {strides = array<i32>} : memref<16x256xf32, #tpu.memory_space<vmem>>, vector<1x16xf32>,
      %get3A_1153 = arith.constant 5 : i32
      %get3A_1154 = arith.index_cast %get3A_1153 : i32 to index
      %get3A_1155 = arith.constant 96 : index
      %get3A_1156 = tpu.vector_load %arg9[%get3A_1154, %get3A_1155] {strides = array<i32>} : memref<16x256xf32, #tpu.memory_space<vmem>>, vector<1x16xf32>,
      %get3A_1157 = vector.shape_cast %get3A_1156 : vector<1x16xf32> to vector<16xf32>
      %mul3A_1158 = vector.broadcast %squeeze3A_1074 : f32 to vector<16xf32>
      %mul3A_1159 = arith.mulf %get3A_1157, %mul3A_1158 : vector<16xf32>
      %swap3A_1160 = arith.constant 5 : i32
      %swap3A_1161 = arith.index_cast %swap3A_1160 : i32 to index
      %swap3A_1162 = arith.constant 96 : index
      %swap3A_1163 = tpu.vector_load %arg10[%swap3A_1161, %swap3A_1162] {strides = array<i32>} : memref<16x256xf32, #tpu.memory_space<vmem>>, vector<1x16xf32>,
      %swap3A_1164 = vector.shape_cast %swap3A_1163 : vector<1x16xf32> to vector<16xf32>
      %swap3A_1165 = vector.shape_cast %mul3A_1159 : vector<16xf32> to vector<1x16xf32>
      tpu.vector_store %arg10[%swap3A_1161, %swap3A_1162], %swap3A_1165 {strides = array<i32>} : memref<16x256xf32, #tpu.memory_space<vmem>>, vector<1x16xf32>,
      %get3A_1166 = arith.constant 5 : i32
      %get3A_1167 = arith.index_cast %get3A_1166 : i32 to index
      %get3A_1168 = arith.constant 112 : index
      %get3A_1169 = tpu.vector_load %arg9[%get3A_1167, %get3A_1168] {strides = array<i32>} : memref<16x256xf32, #tpu.memory_space<vmem>>, vector<1x16xf32>,
      %get3A_1170 = vector.shape_cast %get3A_1169 : vector<1x16xf32> to vector<16xf32>
      %mul3A_1171 = vector.broadcast %squeeze3A_1074 : f32 to vector<16xf32>
      %mul3A_1172 = arith.mulf %get3A_1170, %mul3A_1171 : vector<16xf32>
      %swap3A_1173 = arith.constant 5 : i32
      %swap3A_1174 = arith.index_cast %swap3A_1173 : i32 to index
      %swap3A_1175 = arith.constant 112 : index
      %swap3A_1176 = tpu.vector_load %arg10[%swap3A_1174, %swap3A_1175] {strides = array<i32>} : memref<16x256xf32, #tpu.memory_space<vmem>>, vector<1x16xf32>,
      %swap3A_1177 = vector.shape_cast %swap3A_1176 : vector<1x16xf32> to vector<16xf32>
      %swap3A_1178 = vector.shape_cast %mul3A_1172 : vector<16xf32> to vector<1x16xf32>
      tpu.vector_store %arg10[%swap3A_1174, %swap3A_1175], %swap3A_1178 {strides = array<i32>} : memref<16x256xf32, #tpu.memory_space<vmem>>, vector<1x16xf32>,
      %get3A_1179 = arith.constant 5 : i32
      %get3A_1180 = arith.index_cast %get3A_1179 : i32 to index
      %get3A_1181 = arith.constant 128 : index
      %get3A_1182 = tpu.vector_load %arg9[%get3A_1180, %get3A_1181] {strides = array<i32>} : memref<16x256xf32, #tpu.memory_space<vmem>>, vector<1x16xf32>,
      %get3A_1183 = vector.shape_cast %get3A_1182 : vector<1x16xf32> to vector<16xf32>
      %mul3A_1184 = vector.broadcast %squeeze3A_1074 : f32 to vector<16xf32>
      %mul3A_1185 = arith.mulf %get3A_1183, %mul3A_1184 : vector<16xf32>
      %swap3A_1186 = arith.constant 5 : i32
      %swap3A_1187 = arith.index_cast %swap3A_1186 : i32 to index
      %swap3A_1188 = arith.constant 128 : index
      %swap3A_1189 = tpu.vector_load %arg10[%swap3A_1187, %swap3A_1188] {strides = array<i32>} : memref<16x256xf32, #tpu.memory_space<vmem>>, vector<1x16xf32>,
      %swap3A_1190 = vector.shape_cast %swap3A_1189 : vector<1x16xf32> to vector<16xf32>
      %swap3A_1191 = vector.shape_cast %mul3A_1185 : vector<16xf32> to vector<1x16xf32>
      tpu.vector_store %arg10[%swap3A_1187, %swap3A_1188], %swap3A_1191 {strides = array<i32>} : memref<16x256xf32, #tpu.memory_space<vmem>>, vector<1x16xf32>,
      %get3A_1192 = arith.constant 5 : i32
      %get3A_1193 = arith.index_cast %get3A_1192 : i32 to index
      %get3A_1194 = arith.constant 144 : index
      %get3A_1195 = tpu.vector_load %arg9[%get3A_1193, %get3A_1194] {strides = array<i32>} : memref<16x256xf32, #tpu.memory_space<vmem>>, vector<1x16xf32>,
      %get3A_1196 = vector.shape_cast %get3A_1195 : vector<1x16xf32> to vector<16xf32>
      %mul3A_1197 = vector.broadcast %squeeze3A_1074 : f32 to vector<16xf32>
      %mul3A_1198 = arith.mulf %get3A_1196, %mul3A_1197 : vector<16xf32>
      %swap3A_1199 = arith.constant 5 : i32
      %swap3A_1200 = arith.index_cast %swap3A_1199 : i32 to index
      %swap3A_1201 = arith.constant 144 : index
      %swap3A_1202 = tpu.vector_load %arg10[%swap3A_1200, %swap3A_1201] {strides = array<i32>} : memref<16x256xf32, #tpu.memory_space<vmem>>, vector<1x16xf32>,
      %swap3A_1203 = vector.shape_cast %swap3A_1202 : vector<1x16xf32> to vector<16xf32>
      %swap3A_1204 = vector.shape_cast %mul3A_1198 : vector<16xf32> to vector<1x16xf32>
      tpu.vector_store %arg10[%swap3A_1200, %swap3A_1201], %swap3A_1204 {strides = array<i32>} : memref<16x256xf32, #tpu.memory_space<vmem>>, vector<1x16xf32>,
      %get3A_1205 = arith.constant 5 : i32
      %get3A_1206 = arith.index_cast %get3A_1205 : i32 to index
      %get3A_1207 = arith.constant 160 : index
      %get3A_1208 = tpu.vector_load %arg9[%get3A_1206, %get3A_1207] {strides = array<i32>} : memref<16x256xf32, #tpu.memory_space<vmem>>, vector<1x16xf32>,
      %get3A_1209 = vector.shape_cast %get3A_1208 : vector<1x16xf32> to vector<16xf32>
      %mul3A_1210 = vector.broadcast %squeeze3A_1074 : f32 to vector<16xf32>
      %mul3A_1211 = arith.mulf %get3A_1209, %mul3A_1210 : vector<16xf32>
      %swap3A_1212 = arith.constant 5 : i32
      %swap3A_1213 = arith.index_cast %swap3A_1212 : i32 to index
      %swap3A_1214 = arith.constant 160 : index
      %swap3A_1215 = tpu.vector_load %arg10[%swap3A_1213, %swap3A_1214] {strides = array<i32>} : memref<16x256xf32, #tpu.memory_space<vmem>>, vector<1x16xf32>,
      %swap3A_1216 = vector.shape_cast %swap3A_1215 : vector<1x16xf32> to vector<16xf32>
      %swap3A_1217 = vector.shape_cast %mul3A_1211 : vector<16xf32> to vector<1x16xf32>
      tpu.vector_store %arg10[%swap3A_1213, %swap3A_1214], %swap3A_1217 {strides = array<i32>} : memref<16x256xf32, #tpu.memory_space<vmem>>, vector<1x16xf32>,
      %get3A_1218 = arith.constant 5 : i32
      %get3A_1219 = arith.index_cast %get3A_1218 : i32 to index
      %get3A_1220 = arith.constant 176 : index
      %get3A_1221 = tpu.vector_load %arg9[%get3A_1219, %get3A_1220] {strides = array<i32>} : memref<16x256xf32, #tpu.memory_space<vmem>>, vector<1x16xf32>,
      %get3A_1222 = vector.shape_cast %get3A_1221 : vector<1x16xf32> to vector<16xf32>
      %mul3A_1223 = vector.broadcast %squeeze3A_1074 : f32 to vector<16xf32>
      %mul3A_1224 = arith.mulf %get3A_1222, %mul3A_1223 : vector<16xf32>
      %swap3A_1225 = arith.constant 5 : i32
      %swap3A_1226 = arith.index_cast %swap3A_1225 : i32 to index
      %swap3A_1227 = arith.constant 176 : index
      %swap3A_1228 = tpu.vector_load %arg10[%swap3A_1226, %swap3A_1227] {strides = array<i32>} : memref<16x256xf32, #tpu.memory_space<vmem>>, vector<1x16xf32>,
      %swap3A_1229 = vector.shape_cast %swap3A_1228 : vector<1x16xf32> to vector<16xf32>
      %swap3A_1230 = vector.shape_cast %mul3A_1224 : vector<16xf32> to vector<1x16xf32>
      tpu.vector_store %arg10[%swap3A_1226, %swap3A_1227], %swap3A_1230 {strides = array<i32>} : memref<16x256xf32, #tpu.memory_space<vmem>>, vector<1x16xf32>,
      %get3A_1231 = arith.constant 5 : i32
      %get3A_1232 = arith.index_cast %get3A_1231 : i32 to index
      %get3A_1233 = arith.constant 192 : index
      %get3A_1234 = tpu.vector_load %arg9[%get3A_1232, %get3A_1233] {strides = array<i32>} : memref<16x256xf32, #tpu.memory_space<vmem>>, vector<1x16xf32>,
      %get3A_1235 = vector.shape_cast %get3A_1234 : vector<1x16xf32> to vector<16xf32>
      %mul3A_1236 = vector.broadcast %squeeze3A_1074 : f32 to vector<16xf32>
      %mul3A_1237 = arith.mulf %get3A_1235, %mul3A_1236 : vector<16xf32>
      %swap3A_1238 = arith.constant 5 : i32
      %swap3A_1239 = arith.index_cast %swap3A_1238 : i32 to index
      %swap3A_1240 = arith.constant 192 : index
      %swap3A_1241 = tpu.vector_load %arg10[%swap3A_1239, %swap3A_1240] {strides = array<i32>} : memref<16x256xf32, #tpu.memory_space<vmem>>, vector<1x16xf32>,
      %swap3A_1242 = vector.shape_cast %swap3A_1241 : vector<1x16xf32> to vector<16xf32>
      %swap3A_1243 = vector.shape_cast %mul3A_1237 : vector<16xf32> to vector<1x16xf32>
      tpu.vector_store %arg10[%swap3A_1239, %swap3A_1240], %swap3A_1243 {strides = array<i32>} : memref<16x256xf32, #tpu.memory_space<vmem>>, vector<1x16xf32>,
      %get3A_1244 = arith.constant 5 : i32
      %get3A_1245 = arith.index_cast %get3A_1244 : i32 to index
      %get3A_1246 = arith.constant 208 : index
      %get3A_1247 = tpu.vector_load %arg9[%get3A_1245, %get3A_1246] {strides = array<i32>} : memref<16x256xf32, #tpu.memory_space<vmem>>, vector<1x16xf32>,
      %get3A_1248 = vector.shape_cast %get3A_1247 : vector<1x16xf32> to vector<16xf32>
      %mul3A_1249 = vector.broadcast %squeeze3A_1074 : f32 to vector<16xf32>
      %mul3A_1250 = arith.mulf %get3A_1248, %mul3A_1249 : vector<16xf32>
      %swap3A_1251 = arith.constant 5 : i32
      %swap3A_1252 = arith.index_cast %swap3A_1251 : i32 to index
      %swap3A_1253 = arith.constant 208 : index
      %swap3A_1254 = tpu.vector_load %arg10[%swap3A_1252, %swap3A_1253] {strides = array<i32>} : memref<16x256xf32, #tpu.memory_space<vmem>>, vector<1x16xf32>,
      %swap3A_1255 = vector.shape_cast %swap3A_1254 : vector<1x16xf32> to vector<16xf32>
      %swap3A_1256 = vector.shape_cast %mul3A_1250 : vector<16xf32> to vector<1x16xf32>
      tpu.vector_store %arg10[%swap3A_1252, %swap3A_1253], %swap3A_1256 {strides = array<i32>} : memref<16x256xf32, #tpu.memory_space<vmem>>, vector<1x16xf32>,
      %get3A_1257 = arith.constant 5 : i32
      %get3A_1258 = arith.index_cast %get3A_1257 : i32 to index
      %get3A_1259 = arith.constant 224 : index
      %get3A_1260 = tpu.vector_load %arg9[%get3A_1258, %get3A_1259] {strides = array<i32>} : memref<16x256xf32, #tpu.memory_space<vmem>>, vector<1x16xf32>,
      %get3A_1261 = vector.shape_cast %get3A_1260 : vector<1x16xf32> to vector<16xf32>
      %mul3A_1262 = vector.broadcast %squeeze3A_1074 : f32 to vector<16xf32>
      %mul3A_1263 = arith.mulf %get3A_1261, %mul3A_1262 : vector<16xf32>
      %swap3A_1264 = arith.constant 5 : i32
      %swap3A_1265 = arith.index_cast %swap3A_1264 : i32 to index
      %swap3A_1266 = arith.constant 224 : index
      %swap3A_1267 = tpu.vector_load %arg10[%swap3A_1265, %swap3A_1266] {strides = array<i32>} : memref<16x256xf32, #tpu.memory_space<vmem>>, vector<1x16xf32>,
      %swap3A_1268 = vector.shape_cast %swap3A_1267 : vector<1x16xf32> to vector<16xf32>
      %swap3A_1269 = vector.shape_cast %mul3A_1263 : vector<16xf32> to vector<1x16xf32>
      tpu.vector_store %arg10[%swap3A_1265, %swap3A_1266], %swap3A_1269 {strides = array<i32>} : memref<16x256xf32, #tpu.memory_space<vmem>>, vector<1x16xf32>,
      %get3A_1270 = arith.constant 5 : i32
      %get3A_1271 = arith.index_cast %get3A_1270 : i32 to index
      %get3A_1272 = arith.constant 240 : index
      %get3A_1273 = tpu.vector_load %arg9[%get3A_1271, %get3A_1272] {strides = array<i32>} : memref<16x256xf32, #tpu.memory_space<vmem>>, vector<1x16xf32>,
      %get3A_1274 = vector.shape_cast %get3A_1273 : vector<1x16xf32> to vector<16xf32>
      %mul3A_1275 = vector.broadcast %squeeze3A_1074 : f32 to vector<16xf32>
      %mul3A_1276 = arith.mulf %get3A_1274, %mul3A_1275 : vector<16xf32>
      %swap3A_1277 = arith.constant 5 : i32
      %swap3A_1278 = arith.index_cast %swap3A_1277 : i32 to index
      %swap3A_1279 = arith.constant 240 : index
      %swap3A_1280 = tpu.vector_load %arg10[%swap3A_1278, %swap3A_1279] {strides = array<i32>} : memref<16x256xf32, #tpu.memory_space<vmem>>, vector<1x16xf32>,
      %swap3A_1281 = vector.shape_cast %swap3A_1280 : vector<1x16xf32> to vector<16xf32>
      %swap3A_1282 = vector.shape_cast %mul3A_1276 : vector<16xf32> to vector<1x16xf32>
      tpu.vector_store %arg10[%swap3A_1278, %swap3A_1279], %swap3A_1282 {strides = array<i32>} : memref<16x256xf32, #tpu.memory_space<vmem>>, vector<1x16xf32>,
      %slice3A_1283 = vector.extract_strided_slice %get3A_24 {offsets = [6], sizes = [1], strides = [1]} : vector<16xf32> to vector<1xf32>
      %squeeze3A_1284 = vector.extract %slice3A_1283[0] : f32 from vector<1xf32>
      %get3A_1285 = arith.constant 6 : i32
      %get3A_1286 = arith.index_cast %get3A_1285 : i32 to index
      %get3A_1287 = arith.constant 0 : index
      %get3A_1288 = tpu.vector_load %arg9[%get3A_1286, %get3A_1287] {strides = array<i32>} : memref<16x256xf32, #tpu.memory_space<vmem>>, vector<1x16xf32>,
      %get3A_1289 = vector.shape_cast %get3A_1288 : vector<1x16xf32> to vector<16xf32>
      %mul3A_1290 = vector.broadcast %squeeze3A_1284 : f32 to vector<16xf32>
      %mul3A_1291 = arith.mulf %get3A_1289, %mul3A_1290 : vector<16xf32>
      %swap3A_1292 = arith.constant 6 : i32
      %swap3A_1293 = arith.index_cast %swap3A_1292 : i32 to index
      %swap3A_1294 = arith.constant 0 : index
      %swap3A_1295 = tpu.vector_load %arg10[%swap3A_1293, %swap3A_1294] {strides = array<i32>} : memref<16x256xf32, #tpu.memory_space<vmem>>, vector<1x16xf32>,
      %swap3A_1296 = vector.shape_cast %swap3A_1295 : vector<1x16xf32> to vector<16xf32>
      %swap3A_1297 = vector.shape_cast %mul3A_1291 : vector<16xf32> to vector<1x16xf32>
      tpu.vector_store %arg10[%swap3A_1293, %swap3A_1294], %swap3A_1297 {strides = array<i32>} : memref<16x256xf32, #tpu.memory_space<vmem>>, vector<1x16xf32>,
      %get3A_1298 = arith.constant 6 : i32
      %get3A_1299 = arith.index_cast %get3A_1298 : i32 to index
      %get3A_1300 = arith.constant 16 : index
      %get3A_1301 = tpu.vector_load %arg9[%get3A_1299, %get3A_1300] {strides = array<i32>} : memref<16x256xf32, #tpu.memory_space<vmem>>, vector<1x16xf32>,
      %get3A_1302 = vector.shape_cast %get3A_1301 : vector<1x16xf32> to vector<16xf32>
      %mul3A_1303 = vector.broadcast %squeeze3A_1284 : f32 to vector<16xf32>
      %mul3A_1304 = arith.mulf %get3A_1302, %mul3A_1303 : vector<16xf32>
      %swap3A_1305 = arith.constant 6 : i32
      %swap3A_1306 = arith.index_cast %swap3A_1305 : i32 to index
      %swap3A_1307 = arith.constant 16 : index
      %swap3A_1308 = tpu.vector_load %arg10[%swap3A_1306, %swap3A_1307] {strides = array<i32>} : memref<16x256xf32, #tpu.memory_space<vmem>>, vector<1x16xf32>,
      %swap3A_1309 = vector.shape_cast %swap3A_1308 : vector<1x16xf32> to vector<16xf32>
      %swap3A_1310 = vector.shape_cast %mul3A_1304 : vector<16xf32> to vector<1x16xf32>
      tpu.vector_store %arg10[%swap3A_1306, %swap3A_1307], %swap3A_1310 {strides = array<i32>} : memref<16x256xf32, #tpu.memory_space<vmem>>, vector<1x16xf32>,
      %get3A_1311 = arith.constant 6 : i32
      %get3A_1312 = arith.index_cast %get3A_1311 : i32 to index
      %get3A_1313 = arith.constant 32 : index
      %get3A_1314 = tpu.vector_load %arg9[%get3A_1312, %get3A_1313] {strides = array<i32>} : memref<16x256xf32, #tpu.memory_space<vmem>>, vector<1x16xf32>,
      %get3A_1315 = vector.shape_cast %get3A_1314 : vector<1x16xf32> to vector<16xf32>
      %mul3A_1316 = vector.broadcast %squeeze3A_1284 : f32 to vector<16xf32>
      %mul3A_1317 = arith.mulf %get3A_1315, %mul3A_1316 : vector<16xf32>
      %swap3A_1318 = arith.constant 6 : i32
      %swap3A_1319 = arith.index_cast %swap3A_1318 : i32 to index
      %swap3A_1320 = arith.constant 32 : index
      %swap3A_1321 = tpu.vector_load %arg10[%swap3A_1319, %swap3A_1320] {strides = array<i32>} : memref<16x256xf32, #tpu.memory_space<vmem>>, vector<1x16xf32>,
      %swap3A_1322 = vector.shape_cast %swap3A_1321 : vector<1x16xf32> to vector<16xf32>
      %swap3A_1323 = vector.shape_cast %mul3A_1317 : vector<16xf32> to vector<1x16xf32>
      tpu.vector_store %arg10[%swap3A_1319, %swap3A_1320], %swap3A_1323 {strides = array<i32>} : memref<16x256xf32, #tpu.memory_space<vmem>>, vector<1x16xf32>,
      %get3A_1324 = arith.constant 6 : i32
      %get3A_1325 = arith.index_cast %get3A_1324 : i32 to index
      %get3A_1326 = arith.constant 48 : index
      %get3A_1327 = tpu.vector_load %arg9[%get3A_1325, %get3A_1326] {strides = array<i32>} : memref<16x256xf32, #tpu.memory_space<vmem>>, vector<1x16xf32>,
      %get3A_1328 = vector.shape_cast %get3A_1327 : vector<1x16xf32> to vector<16xf32>
      %mul3A_1329 = vector.broadcast %squeeze3A_1284 : f32 to vector<16xf32>
      %mul3A_1330 = arith.mulf %get3A_1328, %mul3A_1329 : vector<16xf32>
      %swap3A_1331 = arith.constant 6 : i32
      %swap3A_1332 = arith.index_cast %swap3A_1331 : i32 to index
      %swap3A_1333 = arith.constant 48 : index
      %swap3A_1334 = tpu.vector_load %arg10[%swap3A_1332, %swap3A_1333] {strides = array<i32>} : memref<16x256xf32, #tpu.memory_space<vmem>>, vector<1x16xf32>,
      %swap3A_1335 = vector.shape_cast %swap3A_1334 : vector<1x16xf32> to vector<16xf32>
      %swap3A_1336 = vector.shape_cast %mul3A_1330 : vector<16xf32> to vector<1x16xf32>
      tpu.vector_store %arg10[%swap3A_1332, %swap3A_1333], %swap3A_1336 {strides = array<i32>} : memref<16x256xf32, #tpu.memory_space<vmem>>, vector<1x16xf32>,
      %get3A_1337 = arith.constant 6 : i32
      %get3A_1338 = arith.index_cast %get3A_1337 : i32 to index
      %get3A_1339 = arith.constant 64 : index
      %get3A_1340 = tpu.vector_load %arg9[%get3A_1338, %get3A_1339] {strides = array<i32>} : memref<16x256xf32, #tpu.memory_space<vmem>>, vector<1x16xf32>,
      %get3A_1341 = vector.shape_cast %get3A_1340 : vector<1x16xf32> to vector<16xf32>
      %mul3A_1342 = vector.broadcast %squeeze3A_1284 : f32 to vector<16xf32>
      %mul3A_1343 = arith.mulf %get3A_1341, %mul3A_1342 : vector<16xf32>
      %swap3A_1344 = arith.constant 6 : i32
      %swap3A_1345 = arith.index_cast %swap3A_1344 : i32 to index
      %swap3A_1346 = arith.constant 64 : index
      %swap3A_1347 = tpu.vector_load %arg10[%swap3A_1345, %swap3A_1346] {strides = array<i32>} : memref<16x256xf32, #tpu.memory_space<vmem>>, vector<1x16xf32>,
      %swap3A_1348 = vector.shape_cast %swap3A_1347 : vector<1x16xf32> to vector<16xf32>
      %swap3A_1349 = vector.shape_cast %mul3A_1343 : vector<16xf32> to vector<1x16xf32>
      tpu.vector_store %arg10[%swap3A_1345, %swap3A_1346], %swap3A_1349 {strides = array<i32>} : memref<16x256xf32, #tpu.memory_space<vmem>>, vector<1x16xf32>,
      %get3A_1350 = arith.constant 6 : i32
      %get3A_1351 = arith.index_cast %get3A_1350 : i32 to index
      %get3A_1352 = arith.constant 80 : index
      %get3A_1353 = tpu.vector_load %arg9[%get3A_1351, %get3A_1352] {strides = array<i32>} : memref<16x256xf32, #tpu.memory_space<vmem>>, vector<1x16xf32>,
      %get3A_1354 = vector.shape_cast %get3A_1353 : vector<1x16xf32> to vector<16xf32>
      %mul3A_1355 = vector.broadcast %squeeze3A_1284 : f32 to vector<16xf32>
      %mul3A_1356 = arith.mulf %get3A_1354, %mul3A_1355 : vector<16xf32>
      %swap3A_1357 = arith.constant 6 : i32
      %swap3A_1358 = arith.index_cast %swap3A_1357 : i32 to index
      %swap3A_1359 = arith.constant 80 : index
      %swap3A_1360 = tpu.vector_load %arg10[%swap3A_1358, %swap3A_1359] {strides = array<i32>} : memref<16x256xf32, #tpu.memory_space<vmem>>, vector<1x16xf32>,
      %swap3A_1361 = vector.shape_cast %swap3A_1360 : vector<1x16xf32> to vector<16xf32>
      %swap3A_1362 = vector.shape_cast %mul3A_1356 : vector<16xf32> to vector<1x16xf32>
      tpu.vector_store %arg10[%swap3A_1358, %swap3A_1359], %swap3A_1362 {strides = array<i32>} : memref<16x256xf32, #tpu.memory_space<vmem>>, vector<1x16xf32>,
      %get3A_1363 = arith.constant 6 : i32
      %get3A_1364 = arith.index_cast %get3A_1363 : i32 to index
      %get3A_1365 = arith.constant 96 : index
      %get3A_1366 = tpu.vector_load %arg9[%get3A_1364, %get3A_1365] {strides = array<i32>} : memref<16x256xf32, #tpu.memory_space<vmem>>, vector<1x16xf32>,
      %get3A_1367 = vector.shape_cast %get3A_1366 : vector<1x16xf32> to vector<16xf32>
      %mul3A_1368 = vector.broadcast %squeeze3A_1284 : f32 to vector<16xf32>
      %mul3A_1369 = arith.mulf %get3A_1367, %mul3A_1368 : vector<16xf32>
      %swap3A_1370 = arith.constant 6 : i32
      %swap3A_1371 = arith.index_cast %swap3A_1370 : i32 to index
      %swap3A_1372 = arith.constant 96 : index
      %swap3A_1373 = tpu.vector_load %arg10[%swap3A_1371, %swap3A_1372] {strides = array<i32>} : memref<16x256xf32, #tpu.memory_space<vmem>>, vector<1x16xf32>,
      %swap3A_1374 = vector.shape_cast %swap3A_1373 : vector<1x16xf32> to vector<16xf32>
      %swap3A_1375 = vector.shape_cast %mul3A_1369 : vector<16xf32> to vector<1x16xf32>
      tpu.vector_store %arg10[%swap3A_1371, %swap3A_1372], %swap3A_1375 {strides = array<i32>} : memref<16x256xf32, #tpu.memory_space<vmem>>, vector<1x16xf32>,
      %get3A_1376 = arith.constant 6 : i32
      %get3A_1377 = arith.index_cast %get3A_1376 : i32 to index
      %get3A_1378 = arith.constant 112 : index
      %get3A_1379 = tpu.vector_load %arg9[%get3A_1377, %get3A_1378] {strides = array<i32>} : memref<16x256xf32, #tpu.memory_space<vmem>>, vector<1x16xf32>,
      %get3A_1380 = vector.shape_cast %get3A_1379 : vector<1x16xf32> to vector<16xf32>
      %mul3A_1381 = vector.broadcast %squeeze3A_1284 : f32 to vector<16xf32>
      %mul3A_1382 = arith.mulf %get3A_1380, %mul3A_1381 : vector<16xf32>
      %swap3A_1383 = arith.constant 6 : i32
      %swap3A_1384 = arith.index_cast %swap3A_1383 : i32 to index
      %swap3A_1385 = arith.constant 112 : index
      %swap3A_1386 = tpu.vector_load %arg10[%swap3A_1384, %swap3A_1385] {strides = array<i32>} : memref<16x256xf32, #tpu.memory_space<vmem>>, vector<1x16xf32>,
      %swap3A_1387 = vector.shape_cast %swap3A_1386 : vector<1x16xf32> to vector<16xf32>
      %swap3A_1388 = vector.shape_cast %mul3A_1382 : vector<16xf32> to vector<1x16xf32>
      tpu.vector_store %arg10[%swap3A_1384, %swap3A_1385], %swap3A_1388 {strides = array<i32>} : memref<16x256xf32, #tpu.memory_space<vmem>>, vector<1x16xf32>,
      %get3A_1389 = arith.constant 6 : i32
      %get3A_1390 = arith.index_cast %get3A_1389 : i32 to index
      %get3A_1391 = arith.constant 128 : index
      %get3A_1392 = tpu.vector_load %arg9[%get3A_1390, %get3A_1391] {strides = array<i32>} : memref<16x256xf32, #tpu.memory_space<vmem>>, vector<1x16xf32>,
      %get3A_1393 = vector.shape_cast %get3A_1392 : vector<1x16xf32> to vector<16xf32>
      %mul3A_1394 = vector.broadcast %squeeze3A_1284 : f32 to vector<16xf32>
      %mul3A_1395 = arith.mulf %get3A_1393, %mul3A_1394 : vector<16xf32>
      %swap3A_1396 = arith.constant 6 : i32
      %swap3A_1397 = arith.index_cast %swap3A_1396 : i32 to index
      %swap3A_1398 = arith.constant 128 : index
      %swap3A_1399 = tpu.vector_load %arg10[%swap3A_1397, %swap3A_1398] {strides = array<i32>} : memref<16x256xf32, #tpu.memory_space<vmem>>, vector<1x16xf32>,
      %swap3A_1400 = vector.shape_cast %swap3A_1399 : vector<1x16xf32> to vector<16xf32>
      %swap3A_1401 = vector.shape_cast %mul3A_1395 : vector<16xf32> to vector<1x16xf32>
      tpu.vector_store %arg10[%swap3A_1397, %swap3A_1398], %swap3A_1401 {strides = array<i32>} : memref<16x256xf32, #tpu.memory_space<vmem>>, vector<1x16xf32>,
      %get3A_1402 = arith.constant 6 : i32
      %get3A_1403 = arith.index_cast %get3A_1402 : i32 to index
      %get3A_1404 = arith.constant 144 : index
      %get3A_1405 = tpu.vector_load %arg9[%get3A_1403, %get3A_1404] {strides = array<i32>} : memref<16x256xf32, #tpu.memory_space<vmem>>, vector<1x16xf32>,
      %get3A_1406 = vector.shape_cast %get3A_1405 : vector<1x16xf32> to vector<16xf32>
      %mul3A_1407 = vector.broadcast %squeeze3A_1284 : f32 to vector<16xf32>
      %mul3A_1408 = arith.mulf %get3A_1406, %mul3A_1407 : vector<16xf32>
      %swap3A_1409 = arith.constant 6 : i32
      %swap3A_1410 = arith.index_cast %swap3A_1409 : i32 to index
      %swap3A_1411 = arith.constant 144 : index
      %swap3A_1412 = tpu.vector_load %arg10[%swap3A_1410, %swap3A_1411] {strides = array<i32>} : memref<16x256xf32, #tpu.memory_space<vmem>>, vector<1x16xf32>,
      %swap3A_1413 = vector.shape_cast %swap3A_1412 : vector<1x16xf32> to vector<16xf32>
      %swap3A_1414 = vector.shape_cast %mul3A_1408 : vector<16xf32> to vector<1x16xf32>
      tpu.vector_store %arg10[%swap3A_1410, %swap3A_1411], %swap3A_1414 {strides = array<i32>} : memref<16x256xf32, #tpu.memory_space<vmem>>, vector<1x16xf32>,
      %get3A_1415 = arith.constant 6 : i32
      %get3A_1416 = arith.index_cast %get3A_1415 : i32 to index
      %get3A_1417 = arith.constant 160 : index
      %get3A_1418 = tpu.vector_load %arg9[%get3A_1416, %get3A_1417] {strides = array<i32>} : memref<16x256xf32, #tpu.memory_space<vmem>>, vector<1x16xf32>,
      %get3A_1419 = vector.shape_cast %get3A_1418 : vector<1x16xf32> to vector<16xf32>
      %mul3A_1420 = vector.broadcast %squeeze3A_1284 : f32 to vector<16xf32>
      %mul3A_1421 = arith.mulf %get3A_1419, %mul3A_1420 : vector<16xf32>
      %swap3A_1422 = arith.constant 6 : i32
      %swap3A_1423 = arith.index_cast %swap3A_1422 : i32 to index
      %swap3A_1424 = arith.constant 160 : index
      %swap3A_1425 = tpu.vector_load %arg10[%swap3A_1423, %swap3A_1424] {strides = array<i32>} : memref<16x256xf32, #tpu.memory_space<vmem>>, vector<1x16xf32>,
      %swap3A_1426 = vector.shape_cast %swap3A_1425 : vector<1x16xf32> to vector<16xf32>
      %swap3A_1427 = vector.shape_cast %mul3A_1421 : vector<16xf32> to vector<1x16xf32>
      tpu.vector_store %arg10[%swap3A_1423, %swap3A_1424], %swap3A_1427 {strides = array<i32>} : memref<16x256xf32, #tpu.memory_space<vmem>>, vector<1x16xf32>,
      %get3A_1428 = arith.constant 6 : i32
      %get3A_1429 = arith.index_cast %get3A_1428 : i32 to index
      %get3A_1430 = arith.constant 176 : index
      %get3A_1431 = tpu.vector_load %arg9[%get3A_1429, %get3A_1430] {strides = array<i32>} : memref<16x256xf32, #tpu.memory_space<vmem>>, vector<1x16xf32>,
      %get3A_1432 = vector.shape_cast %get3A_1431 : vector<1x16xf32> to vector<16xf32>
      %mul3A_1433 = vector.broadcast %squeeze3A_1284 : f32 to vector<16xf32>
      %mul3A_1434 = arith.mulf %get3A_1432, %mul3A_1433 : vector<16xf32>
      %swap3A_1435 = arith.constant 6 : i32
      %swap3A_1436 = arith.index_cast %swap3A_1435 : i32 to index
      %swap3A_1437 = arith.constant 176 : index
      %swap3A_1438 = tpu.vector_load %arg10[%swap3A_1436, %swap3A_1437] {strides = array<i32>} : memref<16x256xf32, #tpu.memory_space<vmem>>, vector<1x16xf32>,
      %swap3A_1439 = vector.shape_cast %swap3A_1438 : vector<1x16xf32> to vector<16xf32>
      %swap3A_1440 = vector.shape_cast %mul3A_1434 : vector<16xf32> to vector<1x16xf32>
      tpu.vector_store %arg10[%swap3A_1436, %swap3A_1437], %swap3A_1440 {strides = array<i32>} : memref<16x256xf32, #tpu.memory_space<vmem>>, vector<1x16xf32>,
      %get3A_1441 = arith.constant 6 : i32
      %get3A_1442 = arith.index_cast %get3A_1441 : i32 to index
      %get3A_1443 = arith.constant 192 : index
      %get3A_1444 = tpu.vector_load %arg9[%get3A_1442, %get3A_1443] {strides = array<i32>} : memref<16x256xf32, #tpu.memory_space<vmem>>, vector<1x16xf32>,
      %get3A_1445 = vector.shape_cast %get3A_1444 : vector<1x16xf32> to vector<16xf32>
      %mul3A_1446 = vector.broadcast %squeeze3A_1284 : f32 to vector<16xf32>
      %mul3A_1447 = arith.mulf %get3A_1445, %mul3A_1446 : vector<16xf32>
      %swap3A_1448 = arith.constant 6 : i32
      %swap3A_1449 = arith.index_cast %swap3A_1448 : i32 to index
      %swap3A_1450 = arith.constant 192 : index
      %swap3A_1451 = tpu.vector_load %arg10[%swap3A_1449, %swap3A_1450] {strides = array<i32>} : memref<16x256xf32, #tpu.memory_space<vmem>>, vector<1x16xf32>,
      %swap3A_1452 = vector.shape_cast %swap3A_1451 : vector<1x16xf32> to vector<16xf32>
      %swap3A_1453 = vector.shape_cast %mul3A_1447 : vector<16xf32> to vector<1x16xf32>
      tpu.vector_store %arg10[%swap3A_1449, %swap3A_1450], %swap3A_1453 {strides = array<i32>} : memref<16x256xf32, #tpu.memory_space<vmem>>, vector<1x16xf32>,
      %get3A_1454 = arith.constant 6 : i32
      %get3A_1455 = arith.index_cast %get3A_1454 : i32 to index
      %get3A_1456 = arith.constant 208 : index
      %get3A_1457 = tpu.vector_load %arg9[%get3A_1455, %get3A_1456] {strides = array<i32>} : memref<16x256xf32, #tpu.memory_space<vmem>>, vector<1x16xf32>,
      %get3A_1458 = vector.shape_cast %get3A_1457 : vector<1x16xf32> to vector<16xf32>
      %mul3A_1459 = vector.broadcast %squeeze3A_1284 : f32 to vector<16xf32>
      %mul3A_1460 = arith.mulf %get3A_1458, %mul3A_1459 : vector<16xf32>
      %swap3A_1461 = arith.constant 6 : i32
      %swap3A_1462 = arith.index_cast %swap3A_1461 : i32 to index
      %swap3A_1463 = arith.constant 208 : index
      %swap3A_1464 = tpu.vector_load %arg10[%swap3A_1462, %swap3A_1463] {strides = array<i32>} : memref<16x256xf32, #tpu.memory_space<vmem>>, vector<1x16xf32>,
      %swap3A_1465 = vector.shape_cast %swap3A_1464 : vector<1x16xf32> to vector<16xf32>
      %swap3A_1466 = vector.shape_cast %mul3A_1460 : vector<16xf32> to vector<1x16xf32>
      tpu.vector_store %arg10[%swap3A_1462, %swap3A_1463], %swap3A_1466 {strides = array<i32>} : memref<16x256xf32, #tpu.memory_space<vmem>>, vector<1x16xf32>,
      %get3A_1467 = arith.constant 6 : i32
      %get3A_1468 = arith.index_cast %get3A_1467 : i32 to index
      %get3A_1469 = arith.constant 224 : index
      %get3A_1470 = tpu.vector_load %arg9[%get3A_1468, %get3A_1469] {strides = array<i32>} : memref<16x256xf32, #tpu.memory_space<vmem>>, vector<1x16xf32>,
      %get3A_1471 = vector.shape_cast %get3A_1470 : vector<1x16xf32> to vector<16xf32>
      %mul3A_1472 = vector.broadcast %squeeze3A_1284 : f32 to vector<16xf32>
      %mul3A_1473 = arith.mulf %get3A_1471, %mul3A_1472 : vector<16xf32>
      %swap3A_1474 = arith.constant 6 : i32
      %swap3A_1475 = arith.index_cast %swap3A_1474 : i32 to index
      %swap3A_1476 = arith.constant 224 : index
      %swap3A_1477 = tpu.vector_load %arg10[%swap3A_1475, %swap3A_1476] {strides = array<i32>} : memref<16x256xf32, #tpu.memory_space<vmem>>, vector<1x16xf32>,
      %swap3A_1478 = vector.shape_cast %swap3A_1477 : vector<1x16xf32> to vector<16xf32>
      %swap3A_1479 = vector.shape_cast %mul3A_1473 : vector<16xf32> to vector<1x16xf32>
      tpu.vector_store %arg10[%swap3A_1475, %swap3A_1476], %swap3A_1479 {strides = array<i32>} : memref<16x256xf32, #tpu.memory_space<vmem>>, vector<1x16xf32>,
      %get3A_1480 = arith.constant 6 : i32
      %get3A_1481 = arith.index_cast %get3A_1480 : i32 to index
      %get3A_1482 = arith.constant 240 : index
      %get3A_1483 = tpu.vector_load %arg9[%get3A_1481, %get3A_1482] {strides = array<i32>} : memref<16x256xf32, #tpu.memory_space<vmem>>, vector<1x16xf32>,
      %get3A_1484 = vector.shape_cast %get3A_1483 : vector<1x16xf32> to vector<16xf32>
      %mul3A_1485 = vector.broadcast %squeeze3A_1284 : f32 to vector<16xf32>
      %mul3A_1486 = arith.mulf %get3A_1484, %mul3A_1485 : vector<16xf32>
      %swap3A_1487 = arith.constant 6 : i32
      %swap3A_1488 = arith.index_cast %swap3A_1487 : i32 to index
      %swap3A_1489 = arith.constant 240 : index
      %swap3A_1490 = tpu.vector_load %arg10[%swap3A_1488, %swap3A_1489] {strides = array<i32>} : memref<16x256xf32, #tpu.memory_space<vmem>>, vector<1x16xf32>,
      %swap3A_1491 = vector.shape_cast %swap3A_1490 : vector<1x16xf32> to vector<16xf32>
      %swap3A_1492 = vector.shape_cast %mul3A_1486 : vector<16xf32> to vector<1x16xf32>
      tpu.vector_store %arg10[%swap3A_1488, %swap3A_1489], %swap3A_1492 {strides = array<i32>} : memref<16x256xf32, #tpu.memory_space<vmem>>, vector<1x16xf32>,
      %slice3A_1493 = vector.extract_strided_slice %get3A_24 {offsets = [7], sizes = [1], strides = [1]} : vector<16xf32> to vector<1xf32>
      %squeeze3A_1494 = vector.extract %slice3A_1493[0] : f32 from vector<1xf32>
      %get3A_1495 = arith.constant 7 : i32
      %get3A_1496 = arith.index_cast %get3A_1495 : i32 to index
      %get3A_1497 = arith.constant 0 : index
      %get3A_1498 = tpu.vector_load %arg9[%get3A_1496, %get3A_1497] {strides = array<i32>} : memref<16x256xf32, #tpu.memory_space<vmem>>, vector<1x16xf32>,
      %get3A_1499 = vector.shape_cast %get3A_1498 : vector<1x16xf32> to vector<16xf32>
      %mul3A_1500 = vector.broadcast %squeeze3A_1494 : f32 to vector<16xf32>
      %mul3A_1501 = arith.mulf %get3A_1499, %mul3A_1500 : vector<16xf32>
      %swap3A_1502 = arith.constant 7 : i32
      %swap3A_1503 = arith.index_cast %swap3A_1502 : i32 to index
      %swap3A_1504 = arith.constant 0 : index
      %swap3A_1505 = tpu.vector_load %arg10[%swap3A_1503, %swap3A_1504] {strides = array<i32>} : memref<16x256xf32, #tpu.memory_space<vmem>>, vector<1x16xf32>,
      %swap3A_1506 = vector.shape_cast %swap3A_1505 : vector<1x16xf32> to vector<16xf32>
      %swap3A_1507 = vector.shape_cast %mul3A_1501 : vector<16xf32> to vector<1x16xf32>
      tpu.vector_store %arg10[%swap3A_1503, %swap3A_1504], %swap3A_1507 {strides = array<i32>} : memref<16x256xf32, #tpu.memory_space<vmem>>, vector<1x16xf32>,
      %get3A_1508 = arith.constant 7 : i32
      %get3A_1509 = arith.index_cast %get3A_1508 : i32 to index
      %get3A_1510 = arith.constant 16 : index
      %get3A_1511 = tpu.vector_load %arg9[%get3A_1509, %get3A_1510] {strides = array<i32>} : memref<16x256xf32, #tpu.memory_space<vmem>>, vector<1x16xf32>,
      %get3A_1512 = vector.shape_cast %get3A_1511 : vector<1x16xf32> to vector<16xf32>
      %mul3A_1513 = vector.broadcast %squeeze3A_1494 : f32 to vector<16xf32>
      %mul3A_1514 = arith.mulf %get3A_1512, %mul3A_1513 : vector<16xf32>
      %swap3A_1515 = arith.constant 7 : i32
      %swap3A_1516 = arith.index_cast %swap3A_1515 : i32 to index
      %swap3A_1517 = arith.constant 16 : index
      %swap3A_1518 = tpu.vector_load %arg10[%swap3A_1516, %swap3A_1517] {strides = array<i32>} : memref<16x256xf32, #tpu.memory_space<vmem>>, vector<1x16xf32>,
      %swap3A_1519 = vector.shape_cast %swap3A_1518 : vector<1x16xf32> to vector<16xf32>
      %swap3A_1520 = vector.shape_cast %mul3A_1514 : vector<16xf32> to vector<1x16xf32>
      tpu.vector_store %arg10[%swap3A_1516, %swap3A_1517], %swap3A_1520 {strides = array<i32>} : memref<16x256xf32, #tpu.memory_space<vmem>>, vector<1x16xf32>,
      %get3A_1521 = arith.constant 7 : i32
      %get3A_1522 = arith.index_cast %get3A_1521 : i32 to index
      %get3A_1523 = arith.constant 32 : index
      %get3A_1524 = tpu.vector_load %arg9[%get3A_1522, %get3A_1523] {strides = array<i32>} : memref<16x256xf32, #tpu.memory_space<vmem>>, vector<1x16xf32>,
      %get3A_1525 = vector.shape_cast %get3A_1524 : vector<1x16xf32> to vector<16xf32>
      %mul3A_1526 = vector.broadcast %squeeze3A_1494 : f32 to vector<16xf32>
      %mul3A_1527 = arith.mulf %get3A_1525, %mul3A_1526 : vector<16xf32>
      %swap3A_1528 = arith.constant 7 : i32
      %swap3A_1529 = arith.index_cast %swap3A_1528 : i32 to index
      %swap3A_1530 = arith.constant 32 : index
      %swap3A_1531 = tpu.vector_load %arg10[%swap3A_1529, %swap3A_1530] {strides = array<i32>} : memref<16x256xf32, #tpu.memory_space<vmem>>, vector<1x16xf32>,
      %swap3A_1532 = vector.shape_cast %swap3A_1531 : vector<1x16xf32> to vector<16xf32>
      %swap3A_1533 = vector.shape_cast %mul3A_1527 : vector<16xf32> to vector<1x16xf32>
      tpu.vector_store %arg10[%swap3A_1529, %swap3A_1530], %swap3A_1533 {strides = array<i32>} : memref<16x256xf32, #tpu.memory_space<vmem>>, vector<1x16xf32>,
      %get3A_1534 = arith.constant 7 : i32
      %get3A_1535 = arith.index_cast %get3A_1534 : i32 to index
      %get3A_1536 = arith.constant 48 : index
      %get3A_1537 = tpu.vector_load %arg9[%get3A_1535, %get3A_1536] {strides = array<i32>} : memref<16x256xf32, #tpu.memory_space<vmem>>, vector<1x16xf32>,
      %get3A_1538 = vector.shape_cast %get3A_1537 : vector<1x16xf32> to vector<16xf32>
      %mul3A_1539 = vector.broadcast %squeeze3A_1494 : f32 to vector<16xf32>
      %mul3A_1540 = arith.mulf %get3A_1538, %mul3A_1539 : vector<16xf32>
      %swap3A_1541 = arith.constant 7 : i32
      %swap3A_1542 = arith.index_cast %swap3A_1541 : i32 to index
      %swap3A_1543 = arith.constant 48 : index
      %swap3A_1544 = tpu.vector_load %arg10[%swap3A_1542, %swap3A_1543] {strides = array<i32>} : memref<16x256xf32, #tpu.memory_space<vmem>>, vector<1x16xf32>,
      %swap3A_1545 = vector.shape_cast %swap3A_1544 : vector<1x16xf32> to vector<16xf32>
      %swap3A_1546 = vector.shape_cast %mul3A_1540 : vector<16xf32> to vector<1x16xf32>
      tpu.vector_store %arg10[%swap3A_1542, %swap3A_1543], %swap3A_1546 {strides = array<i32>} : memref<16x256xf32, #tpu.memory_space<vmem>>, vector<1x16xf32>,
      %get3A_1547 = arith.constant 7 : i32
      %get3A_1548 = arith.index_cast %get3A_1547 : i32 to index
      %get3A_1549 = arith.constant 64 : index
      %get3A_1550 = tpu.vector_load %arg9[%get3A_1548, %get3A_1549] {strides = array<i32>} : memref<16x256xf32, #tpu.memory_space<vmem>>, vector<1x16xf32>,
      %get3A_1551 = vector.shape_cast %get3A_1550 : vector<1x16xf32> to vector<16xf32>
      %mul3A_1552 = vector.broadcast %squeeze3A_1494 : f32 to vector<16xf32>
      %mul3A_1553 = arith.mulf %get3A_1551, %mul3A_1552 : vector<16xf32>
      %swap3A_1554 = arith.constant 7 : i32
      %swap3A_1555 = arith.index_cast %swap3A_1554 : i32 to index
      %swap3A_1556 = arith.constant 64 : index
      %swap3A_1557 = tpu.vector_load %arg10[%swap3A_1555, %swap3A_1556] {strides = array<i32>} : memref<16x256xf32, #tpu.memory_space<vmem>>, vector<1x16xf32>,
      %swap3A_1558 = vector.shape_cast %swap3A_1557 : vector<1x16xf32> to vector<16xf32>
      %swap3A_1559 = vector.shape_cast %mul3A_1553 : vector<16xf32> to vector<1x16xf32>
      tpu.vector_store %arg10[%swap3A_1555, %swap3A_1556], %swap3A_1559 {strides = array<i32>} : memref<16x256xf32, #tpu.memory_space<vmem>>, vector<1x16xf32>,
      %get3A_1560 = arith.constant 7 : i32
      %get3A_1561 = arith.index_cast %get3A_1560 : i32 to index
      %get3A_1562 = arith.constant 80 : index
      %get3A_1563 = tpu.vector_load %arg9[%get3A_1561, %get3A_1562] {strides = array<i32>} : memref<16x256xf32, #tpu.memory_space<vmem>>, vector<1x16xf32>,
      %get3A_1564 = vector.shape_cast %get3A_1563 : vector<1x16xf32> to vector<16xf32>
      %mul3A_1565 = vector.broadcast %squeeze3A_1494 : f32 to vector<16xf32>
      %mul3A_1566 = arith.mulf %get3A_1564, %mul3A_1565 : vector<16xf32>
      %swap3A_1567 = arith.constant 7 : i32
      %swap3A_1568 = arith.index_cast %swap3A_1567 : i32 to index
      %swap3A_1569 = arith.constant 80 : index
      %swap3A_1570 = tpu.vector_load %arg10[%swap3A_1568, %swap3A_1569] {strides = array<i32>} : memref<16x256xf32, #tpu.memory_space<vmem>>, vector<1x16xf32>,
      %swap3A_1571 = vector.shape_cast %swap3A_1570 : vector<1x16xf32> to vector<16xf32>
      %swap3A_1572 = vector.shape_cast %mul3A_1566 : vector<16xf32> to vector<1x16xf32>
      tpu.vector_store %arg10[%swap3A_1568, %swap3A_1569], %swap3A_1572 {strides = array<i32>} : memref<16x256xf32, #tpu.memory_space<vmem>>, vector<1x16xf32>,
      %get3A_1573 = arith.constant 7 : i32
      %get3A_1574 = arith.index_cast %get3A_1573 : i32 to index
      %get3A_1575 = arith.constant 96 : index
      %get3A_1576 = tpu.vector_load %arg9[%get3A_1574, %get3A_1575] {strides = array<i32>} : memref<16x256xf32, #tpu.memory_space<vmem>>, vector<1x16xf32>,
      %get3A_1577 = vector.shape_cast %get3A_1576 : vector<1x16xf32> to vector<16xf32>
      %mul3A_1578 = vector.broadcast %squeeze3A_1494 : f32 to vector<16xf32>
      %mul3A_1579 = arith.mulf %get3A_1577, %mul3A_1578 : vector<16xf32>
      %swap3A_1580 = arith.constant 7 : i32
      %swap3A_1581 = arith.index_cast %swap3A_1580 : i32 to index
      %swap3A_1582 = arith.constant 96 : index
      %swap3A_1583 = tpu.vector_load %arg10[%swap3A_1581, %swap3A_1582] {strides = array<i32>} : memref<16x256xf32, #tpu.memory_space<vmem>>, vector<1x16xf32>,
      %swap3A_1584 = vector.shape_cast %swap3A_1583 : vector<1x16xf32> to vector<16xf32>
      %swap3A_1585 = vector.shape_cast %mul3A_1579 : vector<16xf32> to vector<1x16xf32>
      tpu.vector_store %arg10[%swap3A_1581, %swap3A_1582], %swap3A_1585 {strides = array<i32>} : memref<16x256xf32, #tpu.memory_space<vmem>>, vector<1x16xf32>,
      %get3A_1586 = arith.constant 7 : i32
      %get3A_1587 = arith.index_cast %get3A_1586 : i32 to index
      %get3A_1588 = arith.constant 112 : index
      %get3A_1589 = tpu.vector_load %arg9[%get3A_1587, %get3A_1588] {strides = array<i32>} : memref<16x256xf32, #tpu.memory_space<vmem>>, vector<1x16xf32>,
      %get3A_1590 = vector.shape_cast %get3A_1589 : vector<1x16xf32> to vector<16xf32>
      %mul3A_1591 = vector.broadcast %squeeze3A_1494 : f32 to vector<16xf32>
      %mul3A_1592 = arith.mulf %get3A_1590, %mul3A_1591 : vector<16xf32>
      %swap3A_1593 = arith.constant 7 : i32
      %swap3A_1594 = arith.index_cast %swap3A_1593 : i32 to index
      %swap3A_1595 = arith.constant 112 : index
      %swap3A_1596 = tpu.vector_load %arg10[%swap3A_1594, %swap3A_1595] {strides = array<i32>} : memref<16x256xf32, #tpu.memory_space<vmem>>, vector<1x16xf32>,
      %swap3A_1597 = vector.shape_cast %swap3A_1596 : vector<1x16xf32> to vector<16xf32>
      %swap3A_1598 = vector.shape_cast %mul3A_1592 : vector<16xf32> to vector<1x16xf32>
      tpu.vector_store %arg10[%swap3A_1594, %swap3A_1595], %swap3A_1598 {strides = array<i32>} : memref<16x256xf32, #tpu.memory_space<vmem>>, vector<1x16xf32>,
      %get3A_1599 = arith.constant 7 : i32
      %get3A_1600 = arith.index_cast %get3A_1599 : i32 to index
      %get3A_1601 = arith.constant 128 : index
      %get3A_1602 = tpu.vector_load %arg9[%get3A_1600, %get3A_1601] {strides = array<i32>} : memref<16x256xf32, #tpu.memory_space<vmem>>, vector<1x16xf32>,
      %get3A_1603 = vector.shape_cast %get3A_1602 : vector<1x16xf32> to vector<16xf32>
      %mul3A_1604 = vector.broadcast %squeeze3A_1494 : f32 to vector<16xf32>
      %mul3A_1605 = arith.mulf %get3A_1603, %mul3A_1604 : vector<16xf32>
      %swap3A_1606 = arith.constant 7 : i32
      %swap3A_1607 = arith.index_cast %swap3A_1606 : i32 to index
      %swap3A_1608 = arith.constant 128 : index
      %swap3A_1609 = tpu.vector_load %arg10[%swap3A_1607, %swap3A_1608] {strides = array<i32>} : memref<16x256xf32, #tpu.memory_space<vmem>>, vector<1x16xf32>,
      %swap3A_1610 = vector.shape_cast %swap3A_1609 : vector<1x16xf32> to vector<16xf32>
      %swap3A_1611 = vector.shape_cast %mul3A_1605 : vector<16xf32> to vector<1x16xf32>
      tpu.vector_store %arg10[%swap3A_1607, %swap3A_1608], %swap3A_1611 {strides = array<i32>} : memref<16x256xf32, #tpu.memory_space<vmem>>, vector<1x16xf32>,
      %get3A_1612 = arith.constant 7 : i32
      %get3A_1613 = arith.index_cast %get3A_1612 : i32 to index
      %get3A_1614 = arith.constant 144 : index
      %get3A_1615 = tpu.vector_load %arg9[%get3A_1613, %get3A_1614] {strides = array<i32>} : memref<16x256xf32, #tpu.memory_space<vmem>>, vector<1x16xf32>,
      %get3A_1616 = vector.shape_cast %get3A_1615 : vector<1x16xf32> to vector<16xf32>
      %mul3A_1617 = vector.broadcast %squeeze3A_1494 : f32 to vector<16xf32>
      %mul3A_1618 = arith.mulf %get3A_1616, %mul3A_1617 : vector<16xf32>
      %swap3A_1619 = arith.constant 7 : i32
      %swap3A_1620 = arith.index_cast %swap3A_1619 : i32 to index
      %swap3A_1621 = arith.constant 144 : index
      %swap3A_1622 = tpu.vector_load %arg10[%swap3A_1620, %swap3A_1621] {strides = array<i32>} : memref<16x256xf32, #tpu.memory_space<vmem>>, vector<1x16xf32>,
      %swap3A_1623 = vector.shape_cast %swap3A_1622 : vector<1x16xf32> to vector<16xf32>
      %swap3A_1624 = vector.shape_cast %mul3A_1618 : vector<16xf32> to vector<1x16xf32>
      tpu.vector_store %arg10[%swap3A_1620, %swap3A_1621], %swap3A_1624 {strides = array<i32>} : memref<16x256xf32, #tpu.memory_space<vmem>>, vector<1x16xf32>,
      %get3A_1625 = arith.constant 7 : i32
      %get3A_1626 = arith.index_cast %get3A_1625 : i32 to index
      %get3A_1627 = arith.constant 160 : index
      %get3A_1628 = tpu.vector_load %arg9[%get3A_1626, %get3A_1627] {strides = array<i32>} : memref<16x256xf32, #tpu.memory_space<vmem>>, vector<1x16xf32>,
      %get3A_1629 = vector.shape_cast %get3A_1628 : vector<1x16xf32> to vector<16xf32>
      %mul3A_1630 = vector.broadcast %squeeze3A_1494 : f32 to vector<16xf32>
      %mul3A_1631 = arith.mulf %get3A_1629, %mul3A_1630 : vector<16xf32>
      %swap3A_1632 = arith.constant 7 : i32
      %swap3A_1633 = arith.index_cast %swap3A_1632 : i32 to index
      %swap3A_1634 = arith.constant 160 : index
      %swap3A_1635 = tpu.vector_load %arg10[%swap3A_1633, %swap3A_1634] {strides = array<i32>} : memref<16x256xf32, #tpu.memory_space<vmem>>, vector<1x16xf32>,
      %swap3A_1636 = vector.shape_cast %swap3A_1635 : vector<1x16xf32> to vector<16xf32>
      %swap3A_1637 = vector.shape_cast %mul3A_1631 : vector<16xf32> to vector<1x16xf32>
      tpu.vector_store %arg10[%swap3A_1633, %swap3A_1634], %swap3A_1637 {strides = array<i32>} : memref<16x256xf32, #tpu.memory_space<vmem>>, vector<1x16xf32>,
      %get3A_1638 = arith.constant 7 : i32
      %get3A_1639 = arith.index_cast %get3A_1638 : i32 to index
      %get3A_1640 = arith.constant 176 : index
      %get3A_1641 = tpu.vector_load %arg9[%get3A_1639, %get3A_1640] {strides = array<i32>} : memref<16x256xf32, #tpu.memory_space<vmem>>, vector<1x16xf32>,
      %get3A_1642 = vector.shape_cast %get3A_1641 : vector<1x16xf32> to vector<16xf32>
      %mul3A_1643 = vector.broadcast %squeeze3A_1494 : f32 to vector<16xf32>
      %mul3A_1644 = arith.mulf %get3A_1642, %mul3A_1643 : vector<16xf32>
      %swap3A_1645 = arith.constant 7 : i32
      %swap3A_1646 = arith.index_cast %swap3A_1645 : i32 to index
      %swap3A_1647 = arith.constant 176 : index
      %swap3A_1648 = tpu.vector_load %arg10[%swap3A_1646, %swap3A_1647] {strides = array<i32>} : memref<16x256xf32, #tpu.memory_space<vmem>>, vector<1x16xf32>,
      %swap3A_1649 = vector.shape_cast %swap3A_1648 : vector<1x16xf32> to vector<16xf32>
      %swap3A_1650 = vector.shape_cast %mul3A_1644 : vector<16xf32> to vector<1x16xf32>
      tpu.vector_store %arg10[%swap3A_1646, %swap3A_1647], %swap3A_1650 {strides = array<i32>} : memref<16x256xf32, #tpu.memory_space<vmem>>, vector<1x16xf32>,
      %get3A_1651 = arith.constant 7 : i32
      %get3A_1652 = arith.index_cast %get3A_1651 : i32 to index
      %get3A_1653 = arith.constant 192 : index
      %get3A_1654 = tpu.vector_load %arg9[%get3A_1652, %get3A_1653] {strides = array<i32>} : memref<16x256xf32, #tpu.memory_space<vmem>>, vector<1x16xf32>,
      %get3A_1655 = vector.shape_cast %get3A_1654 : vector<1x16xf32> to vector<16xf32>
      %mul3A_1656 = vector.broadcast %squeeze3A_1494 : f32 to vector<16xf32>
      %mul3A_1657 = arith.mulf %get3A_1655, %mul3A_1656 : vector<16xf32>
      %swap3A_1658 = arith.constant 7 : i32
      %swap3A_1659 = arith.index_cast %swap3A_1658 : i32 to index
      %swap3A_1660 = arith.constant 192 : index
      %swap3A_1661 = tpu.vector_load %arg10[%swap3A_1659, %swap3A_1660] {strides = array<i32>} : memref<16x256xf32, #tpu.memory_space<vmem>>, vector<1x16xf32>,
      %swap3A_1662 = vector.shape_cast %swap3A_1661 : vector<1x16xf32> to vector<16xf32>
      %swap3A_1663 = vector.shape_cast %mul3A_1657 : vector<16xf32> to vector<1x16xf32>
      tpu.vector_store %arg10[%swap3A_1659, %swap3A_1660], %swap3A_1663 {strides = array<i32>} : memref<16x256xf32, #tpu.memory_space<vmem>>, vector<1x16xf32>,
      %get3A_1664 = arith.constant 7 : i32
      %get3A_1665 = arith.index_cast %get3A_1664 : i32 to index
      %get3A_1666 = arith.constant 208 : index
      %get3A_1667 = tpu.vector_load %arg9[%get3A_1665, %get3A_1666] {strides = array<i32>} : memref<16x256xf32, #tpu.memory_space<vmem>>, vector<1x16xf32>,
      %get3A_1668 = vector.shape_cast %get3A_1667 : vector<1x16xf32> to vector<16xf32>
      %mul3A_1669 = vector.broadcast %squeeze3A_1494 : f32 to vector<16xf32>
      %mul3A_1670 = arith.mulf %get3A_1668, %mul3A_1669 : vector<16xf32>
      %swap3A_1671 = arith.constant 7 : i32
      %swap3A_1672 = arith.index_cast %swap3A_1671 : i32 to index
      %swap3A_1673 = arith.constant 208 : index
      %swap3A_1674 = tpu.vector_load %arg10[%swap3A_1672, %swap3A_1673] {strides = array<i32>} : memref<16x256xf32, #tpu.memory_space<vmem>>, vector<1x16xf32>,
      %swap3A_1675 = vector.shape_cast %swap3A_1674 : vector<1x16xf32> to vector<16xf32>
      %swap3A_1676 = vector.shape_cast %mul3A_1670 : vector<16xf32> to vector<1x16xf32>
      tpu.vector_store %arg10[%swap3A_1672, %swap3A_1673], %swap3A_1676 {strides = array<i32>} : memref<16x256xf32, #tpu.memory_space<vmem>>, vector<1x16xf32>,
      %get3A_1677 = arith.constant 7 : i32
      %get3A_1678 = arith.index_cast %get3A_1677 : i32 to index
      %get3A_1679 = arith.constant 224 : index
      %get3A_1680 = tpu.vector_load %arg9[%get3A_1678, %get3A_1679] {strides = array<i32>} : memref<16x256xf32, #tpu.memory_space<vmem>>, vector<1x16xf32>,
      %get3A_1681 = vector.shape_cast %get3A_1680 : vector<1x16xf32> to vector<16xf32>
      %mul3A_1682 = vector.broadcast %squeeze3A_1494 : f32 to vector<16xf32>
      %mul3A_1683 = arith.mulf %get3A_1681, %mul3A_1682 : vector<16xf32>
      %swap3A_1684 = arith.constant 7 : i32
      %swap3A_1685 = arith.index_cast %swap3A_1684 : i32 to index
      %swap3A_1686 = arith.constant 224 : index
      %swap3A_1687 = tpu.vector_load %arg10[%swap3A_1685, %swap3A_1686] {strides = array<i32>} : memref<16x256xf32, #tpu.memory_space<vmem>>, vector<1x16xf32>,
      %swap3A_1688 = vector.shape_cast %swap3A_1687 : vector<1x16xf32> to vector<16xf32>
      %swap3A_1689 = vector.shape_cast %mul3A_1683 : vector<16xf32> to vector<1x16xf32>
      tpu.vector_store %arg10[%swap3A_1685, %swap3A_1686], %swap3A_1689 {strides = array<i32>} : memref<16x256xf32, #tpu.memory_space<vmem>>, vector<1x16xf32>,
      %get3A_1690 = arith.constant 7 : i32
      %get3A_1691 = arith.index_cast %get3A_1690 : i32 to index
      %get3A_1692 = arith.constant 240 : index
      %get3A_1693 = tpu.vector_load %arg9[%get3A_1691, %get3A_1692] {strides = array<i32>} : memref<16x256xf32, #tpu.memory_space<vmem>>, vector<1x16xf32>,
      %get3A_1694 = vector.shape_cast %get3A_1693 : vector<1x16xf32> to vector<16xf32>
      %mul3A_1695 = vector.broadcast %squeeze3A_1494 : f32 to vector<16xf32>
      %mul3A_1696 = arith.mulf %get3A_1694, %mul3A_1695 : vector<16xf32>
      %swap3A_1697 = arith.constant 7 : i32
      %swap3A_1698 = arith.index_cast %swap3A_1697 : i32 to index
      %swap3A_1699 = arith.constant 240 : index
      %swap3A_1700 = tpu.vector_load %arg10[%swap3A_1698, %swap3A_1699] {strides = array<i32>} : memref<16x256xf32, #tpu.memory_space<vmem>>, vector<1x16xf32>,
      %swap3A_1701 = vector.shape_cast %swap3A_1700 : vector<1x16xf32> to vector<16xf32>
      %swap3A_1702 = vector.shape_cast %mul3A_1696 : vector<16xf32> to vector<1x16xf32>
      tpu.vector_store %arg10[%swap3A_1698, %swap3A_1699], %swap3A_1702 {strides = array<i32>} : memref<16x256xf32, #tpu.memory_space<vmem>>, vector<1x16xf32>,
      %slice3A_1703 = vector.extract_strided_slice %get3A_24 {offsets = [8], sizes = [1], strides = [1]} : vector<16xf32> to vector<1xf32>
      %squeeze3A_1704 = vector.extract %slice3A_1703[0] : f32 from vector<1xf32>
      %get3A_1705 = arith.constant 8 : i32
      %get3A_1706 = arith.index_cast %get3A_1705 : i32 to index
      %get3A_1707 = arith.constant 0 : index
      %get3A_1708 = tpu.vector_load %arg9[%get3A_1706, %get3A_1707] {strides = array<i32>} : memref<16x256xf32, #tpu.memory_space<vmem>>, vector<1x16xf32>,
      %get3A_1709 = vector.shape_cast %get3A_1708 : vector<1x16xf32> to vector<16xf32>
      %mul3A_1710 = vector.broadcast %squeeze3A_1704 : f32 to vector<16xf32>
      %mul3A_1711 = arith.mulf %get3A_1709, %mul3A_1710 : vector<16xf32>
      %swap3A_1712 = arith.constant 8 : i32
      %swap3A_1713 = arith.index_cast %swap3A_1712 : i32 to index
      %swap3A_1714 = arith.constant 0 : index
      %swap3A_1715 = tpu.vector_load %arg10[%swap3A_1713, %swap3A_1714] {strides = array<i32>} : memref<16x256xf32, #tpu.memory_space<vmem>>, vector<1x16xf32>,
      %swap3A_1716 = vector.shape_cast %swap3A_1715 : vector<1x16xf32> to vector<16xf32>
      %swap3A_1717 = vector.shape_cast %mul3A_1711 : vector<16xf32> to vector<1x16xf32>
      tpu.vector_store %arg10[%swap3A_1713, %swap3A_1714], %swap3A_1717 {strides = array<i32>} : memref<16x256xf32, #tpu.memory_space<vmem>>, vector<1x16xf32>,
      %get3A_1718 = arith.constant 8 : i32
      %get3A_1719 = arith.index_cast %get3A_1718 : i32 to index
      %get3A_1720 = arith.constant 16 : index
      %get3A_1721 = tpu.vector_load %arg9[%get3A_1719, %get3A_1720] {strides = array<i32>} : memref<16x256xf32, #tpu.memory_space<vmem>>, vector<1x16xf32>,
      %get3A_1722 = vector.shape_cast %get3A_1721 : vector<1x16xf32> to vector<16xf32>
      %mul3A_1723 = vector.broadcast %squeeze3A_1704 : f32 to vector<16xf32>
      %mul3A_1724 = arith.mulf %get3A_1722, %mul3A_1723 : vector<16xf32>
      %swap3A_1725 = arith.constant 8 : i32
      %swap3A_1726 = arith.index_cast %swap3A_1725 : i32 to index
      %swap3A_1727 = arith.constant 16 : index
      %swap3A_1728 = tpu.vector_load %arg10[%swap3A_1726, %swap3A_1727] {strides = array<i32>} : memref<16x256xf32, #tpu.memory_space<vmem>>, vector<1x16xf32>,
      %swap3A_1729 = vector.shape_cast %swap3A_1728 : vector<1x16xf32> to vector<16xf32>
      %swap3A_1730 = vector.shape_cast %mul3A_1724 : vector<16xf32> to vector<1x16xf32>
      tpu.vector_store %arg10[%swap3A_1726, %swap3A_1727], %swap3A_1730 {strides = array<i32>} : memref<16x256xf32, #tpu.memory_space<vmem>>, vector<1x16xf32>,
      %get3A_1731 = arith.constant 8 : i32
      %get3A_1732 = arith.index_cast %get3A_1731 : i32 to index
      %get3A_1733 = arith.constant 32 : index
      %get3A_1734 = tpu.vector_load %arg9[%get3A_1732, %get3A_1733] {strides = array<i32>} : memref<16x256xf32, #tpu.memory_space<vmem>>, vector<1x16xf32>,
      %get3A_1735 = vector.shape_cast %get3A_1734 : vector<1x16xf32> to vector<16xf32>
      %mul3A_1736 = vector.broadcast %squeeze3A_1704 : f32 to vector<16xf32>
      %mul3A_1737 = arith.mulf %get3A_1735, %mul3A_1736 : vector<16xf32>
      %swap3A_1738 = arith.constant 8 : i32
      %swap3A_1739 = arith.index_cast %swap3A_1738 : i32 to index
      %swap3A_1740 = arith.constant 32 : index
      %swap3A_1741 = tpu.vector_load %arg10[%swap3A_1739, %swap3A_1740] {strides = array<i32>} : memref<16x256xf32, #tpu.memory_space<vmem>>, vector<1x16xf32>,
      %swap3A_1742 = vector.shape_cast %swap3A_1741 : vector<1x16xf32> to vector<16xf32>
      %swap3A_1743 = vector.shape_cast %mul3A_1737 : vector<16xf32> to vector<1x16xf32>
      tpu.vector_store %arg10[%swap3A_1739, %swap3A_1740], %swap3A_1743 {strides = array<i32>} : memref<16x256xf32, #tpu.memory_space<vmem>>, vector<1x16xf32>,
      %get3A_1744 = arith.constant 8 : i32
      %get3A_1745 = arith.index_cast %get3A_1744 : i32 to index
      %get3A_1746 = arith.constant 48 : index
      %get3A_1747 = tpu.vector_load %arg9[%get3A_1745, %get3A_1746] {strides = array<i32>} : memref<16x256xf32, #tpu.memory_space<vmem>>, vector<1x16xf32>,
      %get3A_1748 = vector.shape_cast %get3A_1747 : vector<1x16xf32> to vector<16xf32>
      %mul3A_1749 = vector.broadcast %squeeze3A_1704 : f32 to vector<16xf32>
      %mul3A_1750 = arith.mulf %get3A_1748, %mul3A_1749 : vector<16xf32>
      %swap3A_1751 = arith.constant 8 : i32
      %swap3A_1752 = arith.index_cast %swap3A_1751 : i32 to index
      %swap3A_1753 = arith.constant 48 : index
      %swap3A_1754 = tpu.vector_load %arg10[%swap3A_1752, %swap3A_1753] {strides = array<i32>} : memref<16x256xf32, #tpu.memory_space<vmem>>, vector<1x16xf32>,
      %swap3A_1755 = vector.shape_cast %swap3A_1754 : vector<1x16xf32> to vector<16xf32>
      %swap3A_1756 = vector.shape_cast %mul3A_1750 : vector<16xf32> to vector<1x16xf32>
      tpu.vector_store %arg10[%swap3A_1752, %swap3A_1753], %swap3A_1756 {strides = array<i32>} : memref<16x256xf32, #tpu.memory_space<vmem>>, vector<1x16xf32>,
      %get3A_1757 = arith.constant 8 : i32
      %get3A_1758 = arith.index_cast %get3A_1757 : i32 to index
      %get3A_1759 = arith.constant 64 : index
      %get3A_1760 = tpu.vector_load %arg9[%get3A_1758, %get3A_1759] {strides = array<i32>} : memref<16x256xf32, #tpu.memory_space<vmem>>, vector<1x16xf32>,
      %get3A_1761 = vector.shape_cast %get3A_1760 : vector<1x16xf32> to vector<16xf32>
      %mul3A_1762 = vector.broadcast %squeeze3A_1704 : f32 to vector<16xf32>
      %mul3A_1763 = arith.mulf %get3A_1761, %mul3A_1762 : vector<16xf32>
      %swap3A_1764 = arith.constant 8 : i32
      %swap3A_1765 = arith.index_cast %swap3A_1764 : i32 to index
      %swap3A_1766 = arith.constant 64 : index
      %swap3A_1767 = tpu.vector_load %arg10[%swap3A_1765, %swap3A_1766] {strides = array<i32>} : memref<16x256xf32, #tpu.memory_space<vmem>>, vector<1x16xf32>,
      %swap3A_1768 = vector.shape_cast %swap3A_1767 : vector<1x16xf32> to vector<16xf32>
      %swap3A_1769 = vector.shape_cast %mul3A_1763 : vector<16xf32> to vector<1x16xf32>
      tpu.vector_store %arg10[%swap3A_1765, %swap3A_1766], %swap3A_1769 {strides = array<i32>} : memref<16x256xf32, #tpu.memory_space<vmem>>, vector<1x16xf32>,
      %get3A_1770 = arith.constant 8 : i32
      %get3A_1771 = arith.index_cast %get3A_1770 : i32 to index
      %get3A_1772 = arith.constant 80 : index
      %get3A_1773 = tpu.vector_load %arg9[%get3A_1771, %get3A_1772] {strides = array<i32>} : memref<16x256xf32, #tpu.memory_space<vmem>>, vector<1x16xf32>,
      %get3A_1774 = vector.shape_cast %get3A_1773 : vector<1x16xf32> to vector<16xf32>
      %mul3A_1775 = vector.broadcast %squeeze3A_1704 : f32 to vector<16xf32>
      %mul3A_1776 = arith.mulf %get3A_1774, %mul3A_1775 : vector<16xf32>
      %swap3A_1777 = arith.constant 8 : i32
      %swap3A_1778 = arith.index_cast %swap3A_1777 : i32 to index
      %swap3A_1779 = arith.constant 80 : index
      %swap3A_1780 = tpu.vector_load %arg10[%swap3A_1778, %swap3A_1779] {strides = array<i32>} : memref<16x256xf32, #tpu.memory_space<vmem>>, vector<1x16xf32>,
      %swap3A_1781 = vector.shape_cast %swap3A_1780 : vector<1x16xf32> to vector<16xf32>
      %swap3A_1782 = vector.shape_cast %mul3A_1776 : vector<16xf32> to vector<1x16xf32>
      tpu.vector_store %arg10[%swap3A_1778, %swap3A_1779], %swap3A_1782 {strides = array<i32>} : memref<16x256xf32, #tpu.memory_space<vmem>>, vector<1x16xf32>,
      %get3A_1783 = arith.constant 8 : i32
      %get3A_1784 = arith.index_cast %get3A_1783 : i32 to index
      %get3A_1785 = arith.constant 96 : index
      %get3A_1786 = tpu.vector_load %arg9[%get3A_1784, %get3A_1785] {strides = array<i32>} : memref<16x256xf32, #tpu.memory_space<vmem>>, vector<1x16xf32>,
      %get3A_1787 = vector.shape_cast %get3A_1786 : vector<1x16xf32> to vector<16xf32>
      %mul3A_1788 = vector.broadcast %squeeze3A_1704 : f32 to vector<16xf32>
      %mul3A_1789 = arith.mulf %get3A_1787, %mul3A_1788 : vector<16xf32>
      %swap3A_1790 = arith.constant 8 : i32
      %swap3A_1791 = arith.index_cast %swap3A_1790 : i32 to index
      %swap3A_1792 = arith.constant 96 : index
      %swap3A_1793 = tpu.vector_load %arg10[%swap3A_1791, %swap3A_1792] {strides = array<i32>} : memref<16x256xf32, #tpu.memory_space<vmem>>, vector<1x16xf32>,
      %swap3A_1794 = vector.shape_cast %swap3A_1793 : vector<1x16xf32> to vector<16xf32>
      %swap3A_1795 = vector.shape_cast %mul3A_1789 : vector<16xf32> to vector<1x16xf32>
      tpu.vector_store %arg10[%swap3A_1791, %swap3A_1792], %swap3A_1795 {strides = array<i32>} : memref<16x256xf32, #tpu.memory_space<vmem>>, vector<1x16xf32>,
      %get3A_1796 = arith.constant 8 : i32
      %get3A_1797 = arith.index_cast %get3A_1796 : i32 to index
      %get3A_1798 = arith.constant 112 : index
      %get3A_1799 = tpu.vector_load %arg9[%get3A_1797, %get3A_1798] {strides = array<i32>} : memref<16x256xf32, #tpu.memory_space<vmem>>, vector<1x16xf32>,
      %get3A_1800 = vector.shape_cast %get3A_1799 : vector<1x16xf32> to vector<16xf32>
      %mul3A_1801 = vector.broadcast %squeeze3A_1704 : f32 to vector<16xf32>
      %mul3A_1802 = arith.mulf %get3A_1800, %mul3A_1801 : vector<16xf32>
      %swap3A_1803 = arith.constant 8 : i32
      %swap3A_1804 = arith.index_cast %swap3A_1803 : i32 to index
      %swap3A_1805 = arith.constant 112 : index
      %swap3A_1806 = tpu.vector_load %arg10[%swap3A_1804, %swap3A_1805] {strides = array<i32>} : memref<16x256xf32, #tpu.memory_space<vmem>>, vector<1x16xf32>,
      %swap3A_1807 = vector.shape_cast %swap3A_1806 : vector<1x16xf32> to vector<16xf32>
      %swap3A_1808 = vector.shape_cast %mul3A_1802 : vector<16xf32> to vector<1x16xf32>
      tpu.vector_store %arg10[%swap3A_1804, %swap3A_1805], %swap3A_1808 {strides = array<i32>} : memref<16x256xf32, #tpu.memory_space<vmem>>, vector<1x16xf32>,
      %get3A_1809 = arith.constant 8 : i32
      %get3A_1810 = arith.index_cast %get3A_1809 : i32 to index
      %get3A_1811 = arith.constant 128 : index
      %get3A_1812 = tpu.vector_load %arg9[%get3A_1810, %get3A_1811] {strides = array<i32>} : memref<16x256xf32, #tpu.memory_space<vmem>>, vector<1x16xf32>,
      %get3A_1813 = vector.shape_cast %get3A_1812 : vector<1x16xf32> to vector<16xf32>
      %mul3A_1814 = vector.broadcast %squeeze3A_1704 : f32 to vector<16xf32>
      %mul3A_1815 = arith.mulf %get3A_1813, %mul3A_1814 : vector<16xf32>
      %swap3A_1816 = arith.constant 8 : i32
      %swap3A_1817 = arith.index_cast %swap3A_1816 : i32 to index
      %swap3A_1818 = arith.constant 128 : index
      %swap3A_1819 = tpu.vector_load %arg10[%swap3A_1817, %swap3A_1818] {strides = array<i32>} : memref<16x256xf32, #tpu.memory_space<vmem>>, vector<1x16xf32>,
      %swap3A_1820 = vector.shape_cast %swap3A_1819 : vector<1x16xf32> to vector<16xf32>
      %swap3A_1821 = vector.shape_cast %mul3A_1815 : vector<16xf32> to vector<1x16xf32>
      tpu.vector_store %arg10[%swap3A_1817, %swap3A_1818], %swap3A_1821 {strides = array<i32>} : memref<16x256xf32, #tpu.memory_space<vmem>>, vector<1x16xf32>,
      %get3A_1822 = arith.constant 8 : i32
      %get3A_1823 = arith.index_cast %get3A_1822 : i32 to index
      %get3A_1824 = arith.constant 144 : index
      %get3A_1825 = tpu.vector_load %arg9[%get3A_1823, %get3A_1824] {strides = array<i32>} : memref<16x256xf32, #tpu.memory_space<vmem>>, vector<1x16xf32>,
      %get3A_1826 = vector.shape_cast %get3A_1825 : vector<1x16xf32> to vector<16xf32>
      %mul3A_1827 = vector.broadcast %squeeze3A_1704 : f32 to vector<16xf32>
      %mul3A_1828 = arith.mulf %get3A_1826, %mul3A_1827 : vector<16xf32>
      %swap3A_1829 = arith.constant 8 : i32
      %swap3A_1830 = arith.index_cast %swap3A_1829 : i32 to index
      %swap3A_1831 = arith.constant 144 : index
      %swap3A_1832 = tpu.vector_load %arg10[%swap3A_1830, %swap3A_1831] {strides = array<i32>} : memref<16x256xf32, #tpu.memory_space<vmem>>, vector<1x16xf32>,
      %swap3A_1833 = vector.shape_cast %swap3A_1832 : vector<1x16xf32> to vector<16xf32>
      %swap3A_1834 = vector.shape_cast %mul3A_1828 : vector<16xf32> to vector<1x16xf32>
      tpu.vector_store %arg10[%swap3A_1830, %swap3A_1831], %swap3A_1834 {strides = array<i32>} : memref<16x256xf32, #tpu.memory_space<vmem>>, vector<1x16xf32>,
      %get3A_1835 = arith.constant 8 : i32
      %get3A_1836 = arith.index_cast %get3A_1835 : i32 to index
      %get3A_1837 = arith.constant 160 : index
      %get3A_1838 = tpu.vector_load %arg9[%get3A_1836, %get3A_1837] {strides = array<i32>} : memref<16x256xf32, #tpu.memory_space<vmem>>, vector<1x16xf32>,
      %get3A_1839 = vector.shape_cast %get3A_1838 : vector<1x16xf32> to vector<16xf32>
      %mul3A_1840 = vector.broadcast %squeeze3A_1704 : f32 to vector<16xf32>
      %mul3A_1841 = arith.mulf %get3A_1839, %mul3A_1840 : vector<16xf32>
      %swap3A_1842 = arith.constant 8 : i32
      %swap3A_1843 = arith.index_cast %swap3A_1842 : i32 to index
      %swap3A_1844 = arith.constant 160 : index
      %swap3A_1845 = tpu.vector_load %arg10[%swap3A_1843, %swap3A_1844] {strides = array<i32>} : memref<16x256xf32, #tpu.memory_space<vmem>>, vector<1x16xf32>,
      %swap3A_1846 = vector.shape_cast %swap3A_1845 : vector<1x16xf32> to vector<16xf32>
      %swap3A_1847 = vector.shape_cast %mul3A_1841 : vector<16xf32> to vector<1x16xf32>
      tpu.vector_store %arg10[%swap3A_1843, %swap3A_1844], %swap3A_1847 {strides = array<i32>} : memref<16x256xf32, #tpu.memory_space<vmem>>, vector<1x16xf32>,
      %get3A_1848 = arith.constant 8 : i32
      %get3A_1849 = arith.index_cast %get3A_1848 : i32 to index
      %get3A_1850 = arith.constant 176 : index
      %get3A_1851 = tpu.vector_load %arg9[%get3A_1849, %get3A_1850] {strides = array<i32>} : memref<16x256xf32, #tpu.memory_space<vmem>>, vector<1x16xf32>,
      %get3A_1852 = vector.shape_cast %get3A_1851 : vector<1x16xf32> to vector<16xf32>
      %mul3A_1853 = vector.broadcast %squeeze3A_1704 : f32 to vector<16xf32>
      %mul3A_1854 = arith.mulf %get3A_1852, %mul3A_1853 : vector<16xf32>
      %swap3A_1855 = arith.constant 8 : i32
      %swap3A_1856 = arith.index_cast %swap3A_1855 : i32 to index
      %swap3A_1857 = arith.constant 176 : index
      %swap3A_1858 = tpu.vector_load %arg10[%swap3A_1856, %swap3A_1857] {strides = array<i32>} : memref<16x256xf32, #tpu.memory_space<vmem>>, vector<1x16xf32>,
      %swap3A_1859 = vector.shape_cast %swap3A_1858 : vector<1x16xf32> to vector<16xf32>
      %swap3A_1860 = vector.shape_cast %mul3A_1854 : vector<16xf32> to vector<1x16xf32>
      tpu.vector_store %arg10[%swap3A_1856, %swap3A_1857], %swap3A_1860 {strides = array<i32>} : memref<16x256xf32, #tpu.memory_space<vmem>>, vector<1x16xf32>,
      %get3A_1861 = arith.constant 8 : i32
      %get3A_1862 = arith.index_cast %get3A_1861 : i32 to index
      %get3A_1863 = arith.constant 192 : index
      %get3A_1864 = tpu.vector_load %arg9[%get3A_1862, %get3A_1863] {strides = array<i32>} : memref<16x256xf32, #tpu.memory_space<vmem>>, vector<1x16xf32>,
      %get3A_1865 = vector.shape_cast %get3A_1864 : vector<1x16xf32> to vector<16xf32>
      %mul3A_1866 = vector.broadcast %squeeze3A_1704 : f32 to vector<16xf32>
      %mul3A_1867 = arith.mulf %get3A_1865, %mul3A_1866 : vector<16xf32>
      %swap3A_1868 = arith.constant 8 : i32
      %swap3A_1869 = arith.index_cast %swap3A_1868 : i32 to index
      %swap3A_1870 = arith.constant 192 : index
      %swap3A_1871 = tpu.vector_load %arg10[%swap3A_1869, %swap3A_1870] {strides = array<i32>} : memref<16x256xf32, #tpu.memory_space<vmem>>, vector<1x16xf32>,
      %swap3A_1872 = vector.shape_cast %swap3A_1871 : vector<1x16xf32> to vector<16xf32>
      %swap3A_1873 = vector.shape_cast %mul3A_1867 : vector<16xf32> to vector<1x16xf32>
      tpu.vector_store %arg10[%swap3A_1869, %swap3A_1870], %swap3A_1873 {strides = array<i32>} : memref<16x256xf32, #tpu.memory_space<vmem>>, vector<1x16xf32>,
      %get3A_1874 = arith.constant 8 : i32
      %get3A_1875 = arith.index_cast %get3A_1874 : i32 to index
      %get3A_1876 = arith.constant 208 : index
      %get3A_1877 = tpu.vector_load %arg9[%get3A_1875, %get3A_1876] {strides = array<i32>} : memref<16x256xf32, #tpu.memory_space<vmem>>, vector<1x16xf32>,
      %get3A_1878 = vector.shape_cast %get3A_1877 : vector<1x16xf32> to vector<16xf32>
      %mul3A_1879 = vector.broadcast %squeeze3A_1704 : f32 to vector<16xf32>
      %mul3A_1880 = arith.mulf %get3A_1878, %mul3A_1879 : vector<16xf32>
      %swap3A_1881 = arith.constant 8 : i32
      %swap3A_1882 = arith.index_cast %swap3A_1881 : i32 to index
      %swap3A_1883 = arith.constant 208 : index
      %swap3A_1884 = tpu.vector_load %arg10[%swap3A_1882, %swap3A_1883] {strides = array<i32>} : memref<16x256xf32, #tpu.memory_space<vmem>>, vector<1x16xf32>,
      %swap3A_1885 = vector.shape_cast %swap3A_1884 : vector<1x16xf32> to vector<16xf32>
      %swap3A_1886 = vector.shape_cast %mul3A_1880 : vector<16xf32> to vector<1x16xf32>
      tpu.vector_store %arg10[%swap3A_1882, %swap3A_1883], %swap3A_1886 {strides = array<i32>} : memref<16x256xf32, #tpu.memory_space<vmem>>, vector<1x16xf32>,
      %get3A_1887 = arith.constant 8 : i32
      %get3A_1888 = arith.index_cast %get3A_1887 : i32 to index
      %get3A_1889 = arith.constant 224 : index
      %get3A_1890 = tpu.vector_load %arg9[%get3A_1888, %get3A_1889] {strides = array<i32>} : memref<16x256xf32, #tpu.memory_space<vmem>>, vector<1x16xf32>,
      %get3A_1891 = vector.shape_cast %get3A_1890 : vector<1x16xf32> to vector<16xf32>
      %mul3A_1892 = vector.broadcast %squeeze3A_1704 : f32 to vector<16xf32>
      %mul3A_1893 = arith.mulf %get3A_1891, %mul3A_1892 : vector<16xf32>
      %swap3A_1894 = arith.constant 8 : i32
      %swap3A_1895 = arith.index_cast %swap3A_1894 : i32 to index
      %swap3A_1896 = arith.constant 224 : index
      %swap3A_1897 = tpu.vector_load %arg10[%swap3A_1895, %swap3A_1896] {strides = array<i32>} : memref<16x256xf32, #tpu.memory_space<vmem>>, vector<1x16xf32>,
      %swap3A_1898 = vector.shape_cast %swap3A_1897 : vector<1x16xf32> to vector<16xf32>
      %swap3A_1899 = vector.shape_cast %mul3A_1893 : vector<16xf32> to vector<1x16xf32>
      tpu.vector_store %arg10[%swap3A_1895, %swap3A_1896], %swap3A_1899 {strides = array<i32>} : memref<16x256xf32, #tpu.memory_space<vmem>>, vector<1x16xf32>,
      %get3A_1900 = arith.constant 8 : i32
      %get3A_1901 = arith.index_cast %get3A_1900 : i32 to index
      %get3A_1902 = arith.constant 240 : index
      %get3A_1903 = tpu.vector_load %arg9[%get3A_1901, %get3A_1902] {strides = array<i32>} : memref<16x256xf32, #tpu.memory_space<vmem>>, vector<1x16xf32>,
      %get3A_1904 = vector.shape_cast %get3A_1903 : vector<1x16xf32> to vector<16xf32>
      %mul3A_1905 = vector.broadcast %squeeze3A_1704 : f32 to vector<16xf32>
      %mul3A_1906 = arith.mulf %get3A_1904, %mul3A_1905 : vector<16xf32>
      %swap3A_1907 = arith.constant 8 : i32
      %swap3A_1908 = arith.index_cast %swap3A_1907 : i32 to index
      %swap3A_1909 = arith.constant 240 : index
      %swap3A_1910 = tpu.vector_load %arg10[%swap3A_1908, %swap3A_1909] {strides = array<i32>} : memref<16x256xf32, #tpu.memory_space<vmem>>, vector<1x16xf32>,
      %swap3A_1911 = vector.shape_cast %swap3A_1910 : vector<1x16xf32> to vector<16xf32>
      %swap3A_1912 = vector.shape_cast %mul3A_1906 : vector<16xf32> to vector<1x16xf32>
      tpu.vector_store %arg10[%swap3A_1908, %swap3A_1909], %swap3A_1912 {strides = array<i32>} : memref<16x256xf32, #tpu.memory_space<vmem>>, vector<1x16xf32>,
      %slice3A_1913 = vector.extract_strided_slice %get3A_24 {offsets = [9], sizes = [1], strides = [1]} : vector<16xf32> to vector<1xf32>
      %squeeze3A_1914 = vector.extract %slice3A_1913[0] : f32 from vector<1xf32>
      %get3A_1915 = arith.constant 9 : i32
      %get3A_1916 = arith.index_cast %get3A_1915 : i32 to index
      %get3A_1917 = arith.constant 0 : index
      %get3A_1918 = tpu.vector_load %arg9[%get3A_1916, %get3A_1917] {strides = array<i32>} : memref<16x256xf32, #tpu.memory_space<vmem>>, vector<1x16xf32>,
      %get3A_1919 = vector.shape_cast %get3A_1918 : vector<1x16xf32> to vector<16xf32>
      %mul3A_1920 = vector.broadcast %squeeze3A_1914 : f32 to vector<16xf32>
      %mul3A_1921 = arith.mulf %get3A_1919, %mul3A_1920 : vector<16xf32>
      %swap3A_1922 = arith.constant 9 : i32
      %swap3A_1923 = arith.index_cast %swap3A_1922 : i32 to index
      %swap3A_1924 = arith.constant 0 : index
      %swap3A_1925 = tpu.vector_load %arg10[%swap3A_1923, %swap3A_1924] {strides = array<i32>} : memref<16x256xf32, #tpu.memory_space<vmem>>, vector<1x16xf32>,
      %swap3A_1926 = vector.shape_cast %swap3A_1925 : vector<1x16xf32> to vector<16xf32>
      %swap3A_1927 = vector.shape_cast %mul3A_1921 : vector<16xf32> to vector<1x16xf32>
      tpu.vector_store %arg10[%swap3A_1923, %swap3A_1924], %swap3A_1927 {strides = array<i32>} : memref<16x256xf32, #tpu.memory_space<vmem>>, vector<1x16xf32>,
      %get3A_1928 = arith.constant 9 : i32
      %get3A_1929 = arith.index_cast %get3A_1928 : i32 to index
      %get3A_1930 = arith.constant 16 : index
      %get3A_1931 = tpu.vector_load %arg9[%get3A_1929, %get3A_1930] {strides = array<i32>} : memref<16x256xf32, #tpu.memory_space<vmem>>, vector<1x16xf32>,
      %get3A_1932 = vector.shape_cast %get3A_1931 : vector<1x16xf32> to vector<16xf32>
      %mul3A_1933 = vector.broadcast %squeeze3A_1914 : f32 to vector<16xf32>
      %mul3A_1934 = arith.mulf %get3A_1932, %mul3A_1933 : vector<16xf32>
      %swap3A_1935 = arith.constant 9 : i32
      %swap3A_1936 = arith.index_cast %swap3A_1935 : i32 to index
      %swap3A_1937 = arith.constant 16 : index
      %swap3A_1938 = tpu.vector_load %arg10[%swap3A_1936, %swap3A_1937] {strides = array<i32>} : memref<16x256xf32, #tpu.memory_space<vmem>>, vector<1x16xf32>,
      %swap3A_1939 = vector.shape_cast %swap3A_1938 : vector<1x16xf32> to vector<16xf32>
      %swap3A_1940 = vector.shape_cast %mul3A_1934 : vector<16xf32> to vector<1x16xf32>
      tpu.vector_store %arg10[%swap3A_1936, %swap3A_1937], %swap3A_1940 {strides = array<i32>} : memref<16x256xf32, #tpu.memory_space<vmem>>, vector<1x16xf32>,
      %get3A_1941 = arith.constant 9 : i32
      %get3A_1942 = arith.index_cast %get3A_1941 : i32 to index
      %get3A_1943 = arith.constant 32 : index
      %get3A_1944 = tpu.vector_load %arg9[%get3A_1942, %get3A_1943] {strides = array<i32>} : memref<16x256xf32, #tpu.memory_space<vmem>>, vector<1x16xf32>,
      %get3A_1945 = vector.shape_cast %get3A_1944 : vector<1x16xf32> to vector<16xf32>
      %mul3A_1946 = vector.broadcast %squeeze3A_1914 : f32 to vector<16xf32>
      %mul3A_1947 = arith.mulf %get3A_1945, %mul3A_1946 : vector<16xf32>
      %swap3A_1948 = arith.constant 9 : i32
      %swap3A_1949 = arith.index_cast %swap3A_1948 : i32 to index
      %swap3A_1950 = arith.constant 32 : index
      %swap3A_1951 = tpu.vector_load %arg10[%swap3A_1949, %swap3A_1950] {strides = array<i32>} : memref<16x256xf32, #tpu.memory_space<vmem>>, vector<1x16xf32>,
      %swap3A_1952 = vector.shape_cast %swap3A_1951 : vector<1x16xf32> to vector<16xf32>
      %swap3A_1953 = vector.shape_cast %mul3A_1947 : vector<16xf32> to vector<1x16xf32>
      tpu.vector_store %arg10[%swap3A_1949, %swap3A_1950], %swap3A_1953 {strides = array<i32>} : memref<16x256xf32, #tpu.memory_space<vmem>>, vector<1x16xf32>,
      %get3A_1954 = arith.constant 9 : i32
      %get3A_1955 = arith.index_cast %get3A_1954 : i32 to index
      %get3A_1956 = arith.constant 48 : index
      %get3A_1957 = tpu.vector_load %arg9[%get3A_1955, %get3A_1956] {strides = array<i32>} : memref<16x256xf32, #tpu.memory_space<vmem>>, vector<1x16xf32>,
      %get3A_1958 = vector.shape_cast %get3A_1957 : vector<1x16xf32> to vector<16xf32>
      %mul3A_1959 = vector.broadcast %squeeze3A_1914 : f32 to vector<16xf32>
      %mul3A_1960 = arith.mulf %get3A_1958, %mul3A_1959 : vector<16xf32>
      %swap3A_1961 = arith.constant 9 : i32
      %swap3A_1962 = arith.index_cast %swap3A_1961 : i32 to index
      %swap3A_1963 = arith.constant 48 : index
      %swap3A_1964 = tpu.vector_load %arg10[%swap3A_1962, %swap3A_1963] {strides = array<i32>} : memref<16x256xf32, #tpu.memory_space<vmem>>, vector<1x16xf32>,
      %swap3A_1965 = vector.shape_cast %swap3A_1964 : vector<1x16xf32> to vector<16xf32>
      %swap3A_1966 = vector.shape_cast %mul3A_1960 : vector<16xf32> to vector<1x16xf32>
      tpu.vector_store %arg10[%swap3A_1962, %swap3A_1963], %swap3A_1966 {strides = array<i32>} : memref<16x256xf32, #tpu.memory_space<vmem>>, vector<1x16xf32>,
      %get3A_1967 = arith.constant 9 : i32
      %get3A_1968 = arith.index_cast %get3A_1967 : i32 to index
      %get3A_1969 = arith.constant 64 : index
      %get3A_1970 = tpu.vector_load %arg9[%get3A_1968, %get3A_1969] {strides = array<i32>} : memref<16x256xf32, #tpu.memory_space<vmem>>, vector<1x16xf32>,
      %get3A_1971 = vector.shape_cast %get3A_1970 : vector<1x16xf32> to vector<16xf32>
      %mul3A_1972 = vector.broadcast %squeeze3A_1914 : f32 to vector<16xf32>
      %mul3A_1973 = arith.mulf %get3A_1971, %mul3A_1972 : vector<16xf32>
      %swap3A_1974 = arith.constant 9 : i32
      %swap3A_1975 = arith.index_cast %swap3A_1974 : i32 to index
      %swap3A_1976 = arith.constant 64 : index
      %swap3A_1977 = tpu.vector_load %arg10[%swap3A_1975, %swap3A_1976] {strides = array<i32>} : memref<16x256xf32, #tpu.memory_space<vmem>>, vector<1x16xf32>,
      %swap3A_1978 = vector.shape_cast %swap3A_1977 : vector<1x16xf32> to vector<16xf32>
      %swap3A_1979 = vector.shape_cast %mul3A_1973 : vector<16xf32> to vector<1x16xf32>
      tpu.vector_store %arg10[%swap3A_1975, %swap3A_1976], %swap3A_1979 {strides = array<i32>} : memref<16x256xf32, #tpu.memory_space<vmem>>, vector<1x16xf32>,
      %get3A_1980 = arith.constant 9 : i32
      %get3A_1981 = arith.index_cast %get3A_1980 : i32 to index
      %get3A_1982 = arith.constant 80 : index
      %get3A_1983 = tpu.vector_load %arg9[%get3A_1981, %get3A_1982] {strides = array<i32>} : memref<16x256xf32, #tpu.memory_space<vmem>>, vector<1x16xf32>,
      %get3A_1984 = vector.shape_cast %get3A_1983 : vector<1x16xf32> to vector<16xf32>
      %mul3A_1985 = vector.broadcast %squeeze3A_1914 : f32 to vector<16xf32>
      %mul3A_1986 = arith.mulf %get3A_1984, %mul3A_1985 : vector<16xf32>
      %swap3A_1987 = arith.constant 9 : i32
      %swap3A_1988 = arith.index_cast %swap3A_1987 : i32 to index
      %swap3A_1989 = arith.constant 80 : index
      %swap3A_1990 = tpu.vector_load %arg10[%swap3A_1988, %swap3A_1989] {strides = array<i32>} : memref<16x256xf32, #tpu.memory_space<vmem>>, vector<1x16xf32>,
      %swap3A_1991 = vector.shape_cast %swap3A_1990 : vector<1x16xf32> to vector<16xf32>
      %swap3A_1992 = vector.shape_cast %mul3A_1986 : vector<16xf32> to vector<1x16xf32>
      tpu.vector_store %arg10[%swap3A_1988, %swap3A_1989], %swap3A_1992 {strides = array<i32>} : memref<16x256xf32, #tpu.memory_space<vmem>>, vector<1x16xf32>,
      %get3A_1993 = arith.constant 9 : i32
      %get3A_1994 = arith.index_cast %get3A_1993 : i32 to index
      %get3A_1995 = arith.constant 96 : index
      %get3A_1996 = tpu.vector_load %arg9[%get3A_1994, %get3A_1995] {strides = array<i32>} : memref<16x256xf32, #tpu.memory_space<vmem>>, vector<1x16xf32>,
      %get3A_1997 = vector.shape_cast %get3A_1996 : vector<1x16xf32> to vector<16xf32>
      %mul3A_1998 = vector.broadcast %squeeze3A_1914 : f32 to vector<16xf32>
      %mul3A_1999 = arith.mulf %get3A_1997, %mul3A_1998 : vector<16xf32>
      %swap3A_2000 = arith.constant 9 : i32
      %swap3A_2001 = arith.index_cast %swap3A_2000 : i32 to index
      %swap3A_2002 = arith.constant 96 : index
      %swap3A_2003 = tpu.vector_load %arg10[%swap3A_2001, %swap3A_2002] {strides = array<i32>} : memref<16x256xf32, #tpu.memory_space<vmem>>, vector<1x16xf32>,
      %swap3A_2004 = vector.shape_cast %swap3A_2003 : vector<1x16xf32> to vector<16xf32>
      %swap3A_2005 = vector.shape_cast %mul3A_1999 : vector<16xf32> to vector<1x16xf32>
      tpu.vector_store %arg10[%swap3A_2001, %swap3A_2002], %swap3A_2005 {strides = array<i32>} : memref<16x256xf32, #tpu.memory_space<vmem>>, vector<1x16xf32>,
      %get3A_2006 = arith.constant 9 : i32
      %get3A_2007 = arith.index_cast %get3A_2006 : i32 to index
      %get3A_2008 = arith.constant 112 : index
      %get3A_2009 = tpu.vector_load %arg9[%get3A_2007, %get3A_2008] {strides = array<i32>} : memref<16x256xf32, #tpu.memory_space<vmem>>, vector<1x16xf32>,
      %get3A_2010 = vector.shape_cast %get3A_2009 : vector<1x16xf32> to vector<16xf32>
      %mul3A_2011 = vector.broadcast %squeeze3A_1914 : f32 to vector<16xf32>
      %mul3A_2012 = arith.mulf %get3A_2010, %mul3A_2011 : vector<16xf32>
      %swap3A_2013 = arith.constant 9 : i32
      %swap3A_2014 = arith.index_cast %swap3A_2013 : i32 to index
      %swap3A_2015 = arith.constant 112 : index
      %swap3A_2016 = tpu.vector_load %arg10[%swap3A_2014, %swap3A_2015] {strides = array<i32>} : memref<16x256xf32, #tpu.memory_space<vmem>>, vector<1x16xf32>,
      %swap3A_2017 = vector.shape_cast %swap3A_2016 : vector<1x16xf32> to vector<16xf32>
      %swap3A_2018 = vector.shape_cast %mul3A_2012 : vector<16xf32> to vector<1x16xf32>
      tpu.vector_store %arg10[%swap3A_2014, %swap3A_2015], %swap3A_2018 {strides = array<i32>} : memref<16x256xf32, #tpu.memory_space<vmem>>, vector<1x16xf32>,
      %get3A_2019 = arith.constant 9 : i32
      %get3A_2020 = arith.index_cast %get3A_2019 : i32 to index
      %get3A_2021 = arith.constant 128 : index
      %get3A_2022 = tpu.vector_load %arg9[%get3A_2020, %get3A_2021] {strides = array<i32>} : memref<16x256xf32, #tpu.memory_space<vmem>>, vector<1x16xf32>,
      %get3A_2023 = vector.shape_cast %get3A_2022 : vector<1x16xf32> to vector<16xf32>
      %mul3A_2024 = vector.broadcast %squeeze3A_1914 : f32 to vector<16xf32>
      %mul3A_2025 = arith.mulf %get3A_2023, %mul3A_2024 : vector<16xf32>
      %swap3A_2026 = arith.constant 9 : i32
      %swap3A_2027 = arith.index_cast %swap3A_2026 : i32 to index
      %swap3A_2028 = arith.constant 128 : index
      %swap3A_2029 = tpu.vector_load %arg10[%swap3A_2027, %swap3A_2028] {strides = array<i32>} : memref<16x256xf32, #tpu.memory_space<vmem>>, vector<1x16xf32>,
      %swap3A_2030 = vector.shape_cast %swap3A_2029 : vector<1x16xf32> to vector<16xf32>
      %swap3A_2031 = vector.shape_cast %mul3A_2025 : vector<16xf32> to vector<1x16xf32>
      tpu.vector_store %arg10[%swap3A_2027, %swap3A_2028], %swap3A_2031 {strides = array<i32>} : memref<16x256xf32, #tpu.memory_space<vmem>>, vector<1x16xf32>,
      %get3A_2032 = arith.constant 9 : i32
      %get3A_2033 = arith.index_cast %get3A_2032 : i32 to index
      %get3A_2034 = arith.constant 144 : index
      %get3A_2035 = tpu.vector_load %arg9[%get3A_2033, %get3A_2034] {strides = array<i32>} : memref<16x256xf32, #tpu.memory_space<vmem>>, vector<1x16xf32>,
      %get3A_2036 = vector.shape_cast %get3A_2035 : vector<1x16xf32> to vector<16xf32>
      %mul3A_2037 = vector.broadcast %squeeze3A_1914 : f32 to vector<16xf32>
      %mul3A_2038 = arith.mulf %get3A_2036, %mul3A_2037 : vector<16xf32>
      %swap3A_2039 = arith.constant 9 : i32
      %swap3A_2040 = arith.index_cast %swap3A_2039 : i32 to index
      %swap3A_2041 = arith.constant 144 : index
      %swap3A_2042 = tpu.vector_load %arg10[%swap3A_2040, %swap3A_2041] {strides = array<i32>} : memref<16x256xf32, #tpu.memory_space<vmem>>, vector<1x16xf32>,
      %swap3A_2043 = vector.shape_cast %swap3A_2042 : vector<1x16xf32> to vector<16xf32>
      %swap3A_2044 = vector.shape_cast %mul3A_2038 : vector<16xf32> to vector<1x16xf32>
      tpu.vector_store %arg10[%swap3A_2040, %swap3A_2041], %swap3A_2044 {strides = array<i32>} : memref<16x256xf32, #tpu.memory_space<vmem>>, vector<1x16xf32>,
      %get3A_2045 = arith.constant 9 : i32
      %get3A_2046 = arith.index_cast %get3A_2045 : i32 to index
      %get3A_2047 = arith.constant 160 : index
      %get3A_2048 = tpu.vector_load %arg9[%get3A_2046, %get3A_2047] {strides = array<i32>} : memref<16x256xf32, #tpu.memory_space<vmem>>, vector<1x16xf32>,
      %get3A_2049 = vector.shape_cast %get3A_2048 : vector<1x16xf32> to vector<16xf32>
      %mul3A_2050 = vector.broadcast %squeeze3A_1914 : f32 to vector<16xf32>
      %mul3A_2051 = arith.mulf %get3A_2049, %mul3A_2050 : vector<16xf32>
      %swap3A_2052 = arith.constant 9 : i32
      %swap3A_2053 = arith.index_cast %swap3A_2052 : i32 to index
      %swap3A_2054 = arith.constant 160 : index
      %swap3A_2055 = tpu.vector_load %arg10[%swap3A_2053, %swap3A_2054] {strides = array<i32>} : memref<16x256xf32, #tpu.memory_space<vmem>>, vector<1x16xf32>,
      %swap3A_2056 = vector.shape_cast %swap3A_2055 : vector<1x16xf32> to vector<16xf32>
      %swap3A_2057 = vector.shape_cast %mul3A_2051 : vector<16xf32> to vector<1x16xf32>
      tpu.vector_store %arg10[%swap3A_2053, %swap3A_2054], %swap3A_2057 {strides = array<i32>} : memref<16x256xf32, #tpu.memory_space<vmem>>, vector<1x16xf32>,
      %get3A_2058 = arith.constant 9 : i32
      %get3A_2059 = arith.index_cast %get3A_2058 : i32 to index
      %get3A_2060 = arith.constant 176 : index
      %get3A_2061 = tpu.vector_load %arg9[%get3A_2059, %get3A_2060] {strides = array<i32>} : memref<16x256xf32, #tpu.memory_space<vmem>>, vector<1x16xf32>,
      %get3A_2062 = vector.shape_cast %get3A_2061 : vector<1x16xf32> to vector<16xf32>
      %mul3A_2063 = vector.broadcast %squeeze3A_1914 : f32 to vector<16xf32>
      %mul3A_2064 = arith.mulf %get3A_2062, %mul3A_2063 : vector<16xf32>
      %swap3A_2065 = arith.constant 9 : i32
      %swap3A_2066 = arith.index_cast %swap3A_2065 : i32 to index
      %swap3A_2067 = arith.constant 176 : index
      %swap3A_2068 = tpu.vector_load %arg10[%swap3A_2066, %swap3A_2067] {strides = array<i32>} : memref<16x256xf32, #tpu.memory_space<vmem>>, vector<1x16xf32>,
      %swap3A_2069 = vector.shape_cast %swap3A_2068 : vector<1x16xf32> to vector<16xf32>
      %swap3A_2070 = vector.shape_cast %mul3A_2064 : vector<16xf32> to vector<1x16xf32>
      tpu.vector_store %arg10[%swap3A_2066, %swap3A_2067], %swap3A_2070 {strides = array<i32>} : memref<16x256xf32, #tpu.memory_space<vmem>>, vector<1x16xf32>,
      %get3A_2071 = arith.constant 9 : i32
      %get3A_2072 = arith.index_cast %get3A_2071 : i32 to index
      %get3A_2073 = arith.constant 192 : index
      %get3A_2074 = tpu.vector_load %arg9[%get3A_2072, %get3A_2073] {strides = array<i32>} : memref<16x256xf32, #tpu.memory_space<vmem>>, vector<1x16xf32>,
      %get3A_2075 = vector.shape_cast %get3A_2074 : vector<1x16xf32> to vector<16xf32>
      %mul3A_2076 = vector.broadcast %squeeze3A_1914 : f32 to vector<16xf32>
      %mul3A_2077 = arith.mulf %get3A_2075, %mul3A_2076 : vector<16xf32>
      %swap3A_2078 = arith.constant 9 : i32
      %swap3A_2079 = arith.index_cast %swap3A_2078 : i32 to index
      %swap3A_2080 = arith.constant 192 : index
      %swap3A_2081 = tpu.vector_load %arg10[%swap3A_2079, %swap3A_2080] {strides = array<i32>} : memref<16x256xf32, #tpu.memory_space<vmem>>, vector<1x16xf32>,
      %swap3A_2082 = vector.shape_cast %swap3A_2081 : vector<1x16xf32> to vector<16xf32>
      %swap3A_2083 = vector.shape_cast %mul3A_2077 : vector<16xf32> to vector<1x16xf32>
      tpu.vector_store %arg10[%swap3A_2079, %swap3A_2080], %swap3A_2083 {strides = array<i32>} : memref<16x256xf32, #tpu.memory_space<vmem>>, vector<1x16xf32>,
      %get3A_2084 = arith.constant 9 : i32
      %get3A_2085 = arith.index_cast %get3A_2084 : i32 to index
      %get3A_2086 = arith.constant 208 : index
      %get3A_2087 = tpu.vector_load %arg9[%get3A_2085, %get3A_2086] {strides = array<i32>} : memref<16x256xf32, #tpu.memory_space<vmem>>, vector<1x16xf32>,
      %get3A_2088 = vector.shape_cast %get3A_2087 : vector<1x16xf32> to vector<16xf32>
      %mul3A_2089 = vector.broadcast %squeeze3A_1914 : f32 to vector<16xf32>
      %mul3A_2090 = arith.mulf %get3A_2088, %mul3A_2089 : vector<16xf32>
      %swap3A_2091 = arith.constant 9 : i32
      %swap3A_2092 = arith.index_cast %swap3A_2091 : i32 to index
      %swap3A_2093 = arith.constant 208 : index
      %swap3A_2094 = tpu.vector_load %arg10[%swap3A_2092, %swap3A_2093] {strides = array<i32>} : memref<16x256xf32, #tpu.memory_space<vmem>>, vector<1x16xf32>,
      %swap3A_2095 = vector.shape_cast %swap3A_2094 : vector<1x16xf32> to vector<16xf32>
      %swap3A_2096 = vector.shape_cast %mul3A_2090 : vector<16xf32> to vector<1x16xf32>
      tpu.vector_store %arg10[%swap3A_2092, %swap3A_2093], %swap3A_2096 {strides = array<i32>} : memref<16x256xf32, #tpu.memory_space<vmem>>, vector<1x16xf32>,
      %get3A_2097 = arith.constant 9 : i32
      %get3A_2098 = arith.index_cast %get3A_2097 : i32 to index
      %get3A_2099 = arith.constant 224 : index
      %get3A_2100 = tpu.vector_load %arg9[%get3A_2098, %get3A_2099] {strides = array<i32>} : memref<16x256xf32, #tpu.memory_space<vmem>>, vector<1x16xf32>,
      %get3A_2101 = vector.shape_cast %get3A_2100 : vector<1x16xf32> to vector<16xf32>
      %mul3A_2102 = vector.broadcast %squeeze3A_1914 : f32 to vector<16xf32>
      %mul3A_2103 = arith.mulf %get3A_2101, %mul3A_2102 : vector<16xf32>
      %swap3A_2104 = arith.constant 9 : i32
      %swap3A_2105 = arith.index_cast %swap3A_2104 : i32 to index
      %swap3A_2106 = arith.constant 224 : index
      %swap3A_2107 = tpu.vector_load %arg10[%swap3A_2105, %swap3A_2106] {strides = array<i32>} : memref<16x256xf32, #tpu.memory_space<vmem>>, vector<1x16xf32>,
      %swap3A_2108 = vector.shape_cast %swap3A_2107 : vector<1x16xf32> to vector<16xf32>
      %swap3A_2109 = vector.shape_cast %mul3A_2103 : vector<16xf32> to vector<1x16xf32>
      tpu.vector_store %arg10[%swap3A_2105, %swap3A_2106], %swap3A_2109 {strides = array<i32>} : memref<16x256xf32, #tpu.memory_space<vmem>>, vector<1x16xf32>,
      %get3A_2110 = arith.constant 9 : i32
      %get3A_2111 = arith.index_cast %get3A_2110 : i32 to index
      %get3A_2112 = arith.constant 240 : index
      %get3A_2113 = tpu.vector_load %arg9[%get3A_2111, %get3A_2112] {strides = array<i32>} : memref<16x256xf32, #tpu.memory_space<vmem>>, vector<1x16xf32>,
      %get3A_2114 = vector.shape_cast %get3A_2113 : vector<1x16xf32> to vector<16xf32>
      %mul3A_2115 = vector.broadcast %squeeze3A_1914 : f32 to vector<16xf32>
      %mul3A_2116 = arith.mulf %get3A_2114, %mul3A_2115 : vector<16xf32>
      %swap3A_2117 = arith.constant 9 : i32
      %swap3A_2118 = arith.index_cast %swap3A_2117 : i32 to index
      %swap3A_2119 = arith.constant 240 : index
      %swap3A_2120 = tpu.vector_load %arg10[%swap3A_2118, %swap3A_2119] {strides = array<i32>} : memref<16x256xf32, #tpu.memory_space<vmem>>, vector<1x16xf32>,
      %swap3A_2121 = vector.shape_cast %swap3A_2120 : vector<1x16xf32> to vector<16xf32>
      %swap3A_2122 = vector.shape_cast %mul3A_2116 : vector<16xf32> to vector<1x16xf32>
      tpu.vector_store %arg10[%swap3A_2118, %swap3A_2119], %swap3A_2122 {strides = array<i32>} : memref<16x256xf32, #tpu.memory_space<vmem>>, vector<1x16xf32>,
      %slice3A_2123 = vector.extract_strided_slice %get3A_24 {offsets = [10], sizes = [1], strides = [1]} : vector<16xf32> to vector<1xf32>
      %squeeze3A_2124 = vector.extract %slice3A_2123[0] : f32 from vector<1xf32>
      %get3A_2125 = arith.constant 10 : i32
      %get3A_2126 = arith.index_cast %get3A_2125 : i32 to index
      %get3A_2127 = arith.constant 0 : index
      %get3A_2128 = tpu.vector_load %arg9[%get3A_2126, %get3A_2127] {strides = array<i32>} : memref<16x256xf32, #tpu.memory_space<vmem>>, vector<1x16xf32>,
      %get3A_2129 = vector.shape_cast %get3A_2128 : vector<1x16xf32> to vector<16xf32>
      %mul3A_2130 = vector.broadcast %squeeze3A_2124 : f32 to vector<16xf32>
      %mul3A_2131 = arith.mulf %get3A_2129, %mul3A_2130 : vector<16xf32>
      %swap3A_2132 = arith.constant 10 : i32
      %swap3A_2133 = arith.index_cast %swap3A_2132 : i32 to index
      %swap3A_2134 = arith.constant 0 : index
      %swap3A_2135 = tpu.vector_load %arg10[%swap3A_2133, %swap3A_2134] {strides = array<i32>} : memref<16x256xf32, #tpu.memory_space<vmem>>, vector<1x16xf32>,
      %swap3A_2136 = vector.shape_cast %swap3A_2135 : vector<1x16xf32> to vector<16xf32>
      %swap3A_2137 = vector.shape_cast %mul3A_2131 : vector<16xf32> to vector<1x16xf32>
      tpu.vector_store %arg10[%swap3A_2133, %swap3A_2134], %swap3A_2137 {strides = array<i32>} : memref<16x256xf32, #tpu.memory_space<vmem>>, vector<1x16xf32>,
      %get3A_2138 = arith.constant 10 : i32
      %get3A_2139 = arith.index_cast %get3A_2138 : i32 to index
      %get3A_2140 = arith.constant 16 : index
      %get3A_2141 = tpu.vector_load %arg9[%get3A_2139, %get3A_2140] {strides = array<i32>} : memref<16x256xf32, #tpu.memory_space<vmem>>, vector<1x16xf32>,
      %get3A_2142 = vector.shape_cast %get3A_2141 : vector<1x16xf32> to vector<16xf32>
      %mul3A_2143 = vector.broadcast %squeeze3A_2124 : f32 to vector<16xf32>
      %mul3A_2144 = arith.mulf %get3A_2142, %mul3A_2143 : vector<16xf32>
      %swap3A_2145 = arith.constant 10 : i32
      %swap3A_2146 = arith.index_cast %swap3A_2145 : i32 to index
      %swap3A_2147 = arith.constant 16 : index
      %swap3A_2148 = tpu.vector_load %arg10[%swap3A_2146, %swap3A_2147] {strides = array<i32>} : memref<16x256xf32, #tpu.memory_space<vmem>>, vector<1x16xf32>,
      %swap3A_2149 = vector.shape_cast %swap3A_2148 : vector<1x16xf32> to vector<16xf32>
      %swap3A_2150 = vector.shape_cast %mul3A_2144 : vector<16xf32> to vector<1x16xf32>
      tpu.vector_store %arg10[%swap3A_2146, %swap3A_2147], %swap3A_2150 {strides = array<i32>} : memref<16x256xf32, #tpu.memory_space<vmem>>, vector<1x16xf32>,
      %get3A_2151 = arith.constant 10 : i32
      %get3A_2152 = arith.index_cast %get3A_2151 : i32 to index
      %get3A_2153 = arith.constant 32 : index
      %get3A_2154 = tpu.vector_load %arg9[%get3A_2152, %get3A_2153] {strides = array<i32>} : memref<16x256xf32, #tpu.memory_space<vmem>>, vector<1x16xf32>,
      %get3A_2155 = vector.shape_cast %get3A_2154 : vector<1x16xf32> to vector<16xf32>
      %mul3A_2156 = vector.broadcast %squeeze3A_2124 : f32 to vector<16xf32>
      %mul3A_2157 = arith.mulf %get3A_2155, %mul3A_2156 : vector<16xf32>
      %swap3A_2158 = arith.constant 10 : i32
      %swap3A_2159 = arith.index_cast %swap3A_2158 : i32 to index
      %swap3A_2160 = arith.constant 32 : index
      %swap3A_2161 = tpu.vector_load %arg10[%swap3A_2159, %swap3A_2160] {strides = array<i32>} : memref<16x256xf32, #tpu.memory_space<vmem>>, vector<1x16xf32>,
      %swap3A_2162 = vector.shape_cast %swap3A_2161 : vector<1x16xf32> to vector<16xf32>
      %swap3A_2163 = vector.shape_cast %mul3A_2157 : vector<16xf32> to vector<1x16xf32>
      tpu.vector_store %arg10[%swap3A_2159, %swap3A_2160], %swap3A_2163 {strides = array<i32>} : memref<16x256xf32, #tpu.memory_space<vmem>>, vector<1x16xf32>,
      %get3A_2164 = arith.constant 10 : i32
      %get3A_2165 = arith.index_cast %get3A_2164 : i32 to index
      %get3A_2166 = arith.constant 48 : index
      %get3A_2167 = tpu.vector_load %arg9[%get3A_2165, %get3A_2166] {strides = array<i32>} : memref<16x256xf32, #tpu.memory_space<vmem>>, vector<1x16xf32>,
      %get3A_2168 = vector.shape_cast %get3A_2167 : vector<1x16xf32> to vector<16xf32>
      %mul3A_2169 = vector.broadcast %squeeze3A_2124 : f32 to vector<16xf32>
      %mul3A_2170 = arith.mulf %get3A_2168, %mul3A_2169 : vector<16xf32>
      %swap3A_2171 = arith.constant 10 : i32
      %swap3A_2172 = arith.index_cast %swap3A_2171 : i32 to index
      %swap3A_2173 = arith.constant 48 : index
      %swap3A_2174 = tpu.vector_load %arg10[%swap3A_2172, %swap3A_2173] {strides = array<i32>} : memref<16x256xf32, #tpu.memory_space<vmem>>, vector<1x16xf32>,
      %swap3A_2175 = vector.shape_cast %swap3A_2174 : vector<1x16xf32> to vector<16xf32>
      %swap3A_2176 = vector.shape_cast %mul3A_2170 : vector<16xf32> to vector<1x16xf32>
      tpu.vector_store %arg10[%swap3A_2172, %swap3A_2173], %swap3A_2176 {strides = array<i32>} : memref<16x256xf32, #tpu.memory_space<vmem>>, vector<1x16xf32>,
      %get3A_2177 = arith.constant 10 : i32
      %get3A_2178 = arith.index_cast %get3A_2177 : i32 to index
      %get3A_2179 = arith.constant 64 : index
      %get3A_2180 = tpu.vector_load %arg9[%get3A_2178, %get3A_2179] {strides = array<i32>} : memref<16x256xf32, #tpu.memory_space<vmem>>, vector<1x16xf32>,
      %get3A_2181 = vector.shape_cast %get3A_2180 : vector<1x16xf32> to vector<16xf32>
      %mul3A_2182 = vector.broadcast %squeeze3A_2124 : f32 to vector<16xf32>
      %mul3A_2183 = arith.mulf %get3A_2181, %mul3A_2182 : vector<16xf32>
      %swap3A_2184 = arith.constant 10 : i32
      %swap3A_2185 = arith.index_cast %swap3A_2184 : i32 to index
      %swap3A_2186 = arith.constant 64 : index
      %swap3A_2187 = tpu.vector_load %arg10[%swap3A_2185, %swap3A_2186] {strides = array<i32>} : memref<16x256xf32, #tpu.memory_space<vmem>>, vector<1x16xf32>,
      %swap3A_2188 = vector.shape_cast %swap3A_2187 : vector<1x16xf32> to vector<16xf32>
      %swap3A_2189 = vector.shape_cast %mul3A_2183 : vector<16xf32> to vector<1x16xf32>
      tpu.vector_store %arg10[%swap3A_2185, %swap3A_2186], %swap3A_2189 {strides = array<i32>} : memref<16x256xf32, #tpu.memory_space<vmem>>, vector<1x16xf32>,
      %get3A_2190 = arith.constant 10 : i32
      %get3A_2191 = arith.index_cast %get3A_2190 : i32 to index
      %get3A_2192 = arith.constant 80 : index
      %get3A_2193 = tpu.vector_load %arg9[%get3A_2191, %get3A_2192] {strides = array<i32>} : memref<16x256xf32, #tpu.memory_space<vmem>>, vector<1x16xf32>,
      %get3A_2194 = vector.shape_cast %get3A_2193 : vector<1x16xf32> to vector<16xf32>
      %mul3A_2195 = vector.broadcast %squeeze3A_2124 : f32 to vector<16xf32>
      %mul3A_2196 = arith.mulf %get3A_2194, %mul3A_2195 : vector<16xf32>
      %swap3A_2197 = arith.constant 10 : i32
      %swap3A_2198 = arith.index_cast %swap3A_2197 : i32 to index
      %swap3A_2199 = arith.constant 80 : index
      %swap3A_2200 = tpu.vector_load %arg10[%swap3A_2198, %swap3A_2199] {strides = array<i32>} : memref<16x256xf32, #tpu.memory_space<vmem>>, vector<1x16xf32>,
      %swap3A_2201 = vector.shape_cast %swap3A_2200 : vector<1x16xf32> to vector<16xf32>
      %swap3A_2202 = vector.shape_cast %mul3A_2196 : vector<16xf32> to vector<1x16xf32>
      tpu.vector_store %arg10[%swap3A_2198, %swap3A_2199], %swap3A_2202 {strides = array<i32>} : memref<16x256xf32, #tpu.memory_space<vmem>>, vector<1x16xf32>,
      %get3A_2203 = arith.constant 10 : i32
      %get3A_2204 = arith.index_cast %get3A_2203 : i32 to index
      %get3A_2205 = arith.constant 96 : index
      %get3A_2206 = tpu.vector_load %arg9[%get3A_2204, %get3A_2205] {strides = array<i32>} : memref<16x256xf32, #tpu.memory_space<vmem>>, vector<1x16xf32>,
      %get3A_2207 = vector.shape_cast %get3A_2206 : vector<1x16xf32> to vector<16xf32>
      %mul3A_2208 = vector.broadcast %squeeze3A_2124 : f32 to vector<16xf32>
      %mul3A_2209 = arith.mulf %get3A_2207, %mul3A_2208 : vector<16xf32>
      %swap3A_2210 = arith.constant 10 : i32
      %swap3A_2211 = arith.index_cast %swap3A_2210 : i32 to index
      %swap3A_2212 = arith.constant 96 : index
      %swap3A_2213 = tpu.vector_load %arg10[%swap3A_2211, %swap3A_2212] {strides = array<i32>} : memref<16x256xf32, #tpu.memory_space<vmem>>, vector<1x16xf32>,
      %swap3A_2214 = vector.shape_cast %swap3A_2213 : vector<1x16xf32> to vector<16xf32>
      %swap3A_2215 = vector.shape_cast %mul3A_2209 : vector<16xf32> to vector<1x16xf32>
      tpu.vector_store %arg10[%swap3A_2211, %swap3A_2212], %swap3A_2215 {strides = array<i32>} : memref<16x256xf32, #tpu.memory_space<vmem>>, vector<1x16xf32>,
      %get3A_2216 = arith.constant 10 : i32
      %get3A_2217 = arith.index_cast %get3A_2216 : i32 to index
      %get3A_2218 = arith.constant 112 : index
      %get3A_2219 = tpu.vector_load %arg9[%get3A_2217, %get3A_2218] {strides = array<i32>} : memref<16x256xf32, #tpu.memory_space<vmem>>, vector<1x16xf32>,
      %get3A_2220 = vector.shape_cast %get3A_2219 : vector<1x16xf32> to vector<16xf32>
      %mul3A_2221 = vector.broadcast %squeeze3A_2124 : f32 to vector<16xf32>
      %mul3A_2222 = arith.mulf %get3A_2220, %mul3A_2221 : vector<16xf32>
      %swap3A_2223 = arith.constant 10 : i32
      %swap3A_2224 = arith.index_cast %swap3A_2223 : i32 to index
      %swap3A_2225 = arith.constant 112 : index
      %swap3A_2226 = tpu.vector_load %arg10[%swap3A_2224, %swap3A_2225] {strides = array<i32>} : memref<16x256xf32, #tpu.memory_space<vmem>>, vector<1x16xf32>,
      %swap3A_2227 = vector.shape_cast %swap3A_2226 : vector<1x16xf32> to vector<16xf32>
      %swap3A_2228 = vector.shape_cast %mul3A_2222 : vector<16xf32> to vector<1x16xf32>
      tpu.vector_store %arg10[%swap3A_2224, %swap3A_2225], %swap3A_2228 {strides = array<i32>} : memref<16x256xf32, #tpu.memory_space<vmem>>, vector<1x16xf32>,
      %get3A_2229 = arith.constant 10 : i32
      %get3A_2230 = arith.index_cast %get3A_2229 : i32 to index
      %get3A_2231 = arith.constant 128 : index
      %get3A_2232 = tpu.vector_load %arg9[%get3A_2230, %get3A_2231] {strides = array<i32>} : memref<16x256xf32, #tpu.memory_space<vmem>>, vector<1x16xf32>,
      %get3A_2233 = vector.shape_cast %get3A_2232 : vector<1x16xf32> to vector<16xf32>
      %mul3A_2234 = vector.broadcast %squeeze3A_2124 : f32 to vector<16xf32>
      %mul3A_2235 = arith.mulf %get3A_2233, %mul3A_2234 : vector<16xf32>
      %swap3A_2236 = arith.constant 10 : i32
      %swap3A_2237 = arith.index_cast %swap3A_2236 : i32 to index
      %swap3A_2238 = arith.constant 128 : index
      %swap3A_2239 = tpu.vector_load %arg10[%swap3A_2237, %swap3A_2238] {strides = array<i32>} : memref<16x256xf32, #tpu.memory_space<vmem>>, vector<1x16xf32>,
      %swap3A_2240 = vector.shape_cast %swap3A_2239 : vector<1x16xf32> to vector<16xf32>
      %swap3A_2241 = vector.shape_cast %mul3A_2235 : vector<16xf32> to vector<1x16xf32>
      tpu.vector_store %arg10[%swap3A_2237, %swap3A_2238], %swap3A_2241 {strides = array<i32>} : memref<16x256xf32, #tpu.memory_space<vmem>>, vector<1x16xf32>,
      %get3A_2242 = arith.constant 10 : i32
      %get3A_2243 = arith.index_cast %get3A_2242 : i32 to index
      %get3A_2244 = arith.constant 144 : index
      %get3A_2245 = tpu.vector_load %arg9[%get3A_2243, %get3A_2244] {strides = array<i32>} : memref<16x256xf32, #tpu.memory_space<vmem>>, vector<1x16xf32>,
      %get3A_2246 = vector.shape_cast %get3A_2245 : vector<1x16xf32> to vector<16xf32>
      %mul3A_2247 = vector.broadcast %squeeze3A_2124 : f32 to vector<16xf32>
      %mul3A_2248 = arith.mulf %get3A_2246, %mul3A_2247 : vector<16xf32>
      %swap3A_2249 = arith.constant 10 : i32
      %swap3A_2250 = arith.index_cast %swap3A_2249 : i32 to index
      %swap3A_2251 = arith.constant 144 : index
      %swap3A_2252 = tpu.vector_load %arg10[%swap3A_2250, %swap3A_2251] {strides = array<i32>} : memref<16x256xf32, #tpu.memory_space<vmem>>, vector<1x16xf32>,
      %swap3A_2253 = vector.shape_cast %swap3A_2252 : vector<1x16xf32> to vector<16xf32>
      %swap3A_2254 = vector.shape_cast %mul3A_2248 : vector<16xf32> to vector<1x16xf32>
      tpu.vector_store %arg10[%swap3A_2250, %swap3A_2251], %swap3A_2254 {strides = array<i32>} : memref<16x256xf32, #tpu.memory_space<vmem>>, vector<1x16xf32>,
      %get3A_2255 = arith.constant 10 : i32
      %get3A_2256 = arith.index_cast %get3A_2255 : i32 to index
      %get3A_2257 = arith.constant 160 : index
      %get3A_2258 = tpu.vector_load %arg9[%get3A_2256, %get3A_2257] {strides = array<i32>} : memref<16x256xf32, #tpu.memory_space<vmem>>, vector<1x16xf32>,
      %get3A_2259 = vector.shape_cast %get3A_2258 : vector<1x16xf32> to vector<16xf32>
      %mul3A_2260 = vector.broadcast %squeeze3A_2124 : f32 to vector<16xf32>
      %mul3A_2261 = arith.mulf %get3A_2259, %mul3A_2260 : vector<16xf32>
      %swap3A_2262 = arith.constant 10 : i32
      %swap3A_2263 = arith.index_cast %swap3A_2262 : i32 to index
      %swap3A_2264 = arith.constant 160 : index
      %swap3A_2265 = tpu.vector_load %arg10[%swap3A_2263, %swap3A_2264] {strides = array<i32>} : memref<16x256xf32, #tpu.memory_space<vmem>>, vector<1x16xf32>,
      %swap3A_2266 = vector.shape_cast %swap3A_2265 : vector<1x16xf32> to vector<16xf32>
      %swap3A_2267 = vector.shape_cast %mul3A_2261 : vector<16xf32> to vector<1x16xf32>
      tpu.vector_store %arg10[%swap3A_2263, %swap3A_2264], %swap3A_2267 {strides = array<i32>} : memref<16x256xf32, #tpu.memory_space<vmem>>, vector<1x16xf32>,
      %get3A_2268 = arith.constant 10 : i32
      %get3A_2269 = arith.index_cast %get3A_2268 : i32 to index
      %get3A_2270 = arith.constant 176 : index
      %get3A_2271 = tpu.vector_load %arg9[%get3A_2269, %get3A_2270] {strides = array<i32>} : memref<16x256xf32, #tpu.memory_space<vmem>>, vector<1x16xf32>,
      %get3A_2272 = vector.shape_cast %get3A_2271 : vector<1x16xf32> to vector<16xf32>
      %mul3A_2273 = vector.broadcast %squeeze3A_2124 : f32 to vector<16xf32>
      %mul3A_2274 = arith.mulf %get3A_2272, %mul3A_2273 : vector<16xf32>
      %swap3A_2275 = arith.constant 10 : i32
      %swap3A_2276 = arith.index_cast %swap3A_2275 : i32 to index
      %swap3A_2277 = arith.constant 176 : index
      %swap3A_2278 = tpu.vector_load %arg10[%swap3A_2276, %swap3A_2277] {strides = array<i32>} : memref<16x256xf32, #tpu.memory_space<vmem>>, vector<1x16xf32>,
      %swap3A_2279 = vector.shape_cast %swap3A_2278 : vector<1x16xf32> to vector<16xf32>
      %swap3A_2280 = vector.shape_cast %mul3A_2274 : vector<16xf32> to vector<1x16xf32>
      tpu.vector_store %arg10[%swap3A_2276, %swap3A_2277], %swap3A_2280 {strides = array<i32>} : memref<16x256xf32, #tpu.memory_space<vmem>>, vector<1x16xf32>,
      %get3A_2281 = arith.constant 10 : i32
      %get3A_2282 = arith.index_cast %get3A_2281 : i32 to index
      %get3A_2283 = arith.constant 192 : index
      %get3A_2284 = tpu.vector_load %arg9[%get3A_2282, %get3A_2283] {strides = array<i32>} : memref<16x256xf32, #tpu.memory_space<vmem>>, vector<1x16xf32>,
      %get3A_2285 = vector.shape_cast %get3A_2284 : vector<1x16xf32> to vector<16xf32>
      %mul3A_2286 = vector.broadcast %squeeze3A_2124 : f32 to vector<16xf32>
      %mul3A_2287 = arith.mulf %get3A_2285, %mul3A_2286 : vector<16xf32>
      %swap3A_2288 = arith.constant 10 : i32
      %swap3A_2289 = arith.index_cast %swap3A_2288 : i32 to index
      %swap3A_2290 = arith.constant 192 : index
      %swap3A_2291 = tpu.vector_load %arg10[%swap3A_2289, %swap3A_2290] {strides = array<i32>} : memref<16x256xf32, #tpu.memory_space<vmem>>, vector<1x16xf32>,
      %swap3A_2292 = vector.shape_cast %swap3A_2291 : vector<1x16xf32> to vector<16xf32>
      %swap3A_2293 = vector.shape_cast %mul3A_2287 : vector<16xf32> to vector<1x16xf32>
      tpu.vector_store %arg10[%swap3A_2289, %swap3A_2290], %swap3A_2293 {strides = array<i32>} : memref<16x256xf32, #tpu.memory_space<vmem>>, vector<1x16xf32>,
      %get3A_2294 = arith.constant 10 : i32
      %get3A_2295 = arith.index_cast %get3A_2294 : i32 to index
      %get3A_2296 = arith.constant 208 : index
      %get3A_2297 = tpu.vector_load %arg9[%get3A_2295, %get3A_2296] {strides = array<i32>} : memref<16x256xf32, #tpu.memory_space<vmem>>, vector<1x16xf32>,
      %get3A_2298 = vector.shape_cast %get3A_2297 : vector<1x16xf32> to vector<16xf32>
      %mul3A_2299 = vector.broadcast %squeeze3A_2124 : f32 to vector<16xf32>
      %mul3A_2300 = arith.mulf %get3A_2298, %mul3A_2299 : vector<16xf32>
      %swap3A_2301 = arith.constant 10 : i32
      %swap3A_2302 = arith.index_cast %swap3A_2301 : i32 to index
      %swap3A_2303 = arith.constant 208 : index
      %swap3A_2304 = tpu.vector_load %arg10[%swap3A_2302, %swap3A_2303] {strides = array<i32>} : memref<16x256xf32, #tpu.memory_space<vmem>>, vector<1x16xf32>,
      %swap3A_2305 = vector.shape_cast %swap3A_2304 : vector<1x16xf32> to vector<16xf32>
      %swap3A_2306 = vector.shape_cast %mul3A_2300 : vector<16xf32> to vector<1x16xf32>
      tpu.vector_store %arg10[%swap3A_2302, %swap3A_2303], %swap3A_2306 {strides = array<i32>} : memref<16x256xf32, #tpu.memory_space<vmem>>, vector<1x16xf32>,
      %get3A_2307 = arith.constant 10 : i32
      %get3A_2308 = arith.index_cast %get3A_2307 : i32 to index
      %get3A_2309 = arith.constant 224 : index
      %get3A_2310 = tpu.vector_load %arg9[%get3A_2308, %get3A_2309] {strides = array<i32>} : memref<16x256xf32, #tpu.memory_space<vmem>>, vector<1x16xf32>,
      %get3A_2311 = vector.shape_cast %get3A_2310 : vector<1x16xf32> to vector<16xf32>
      %mul3A_2312 = vector.broadcast %squeeze3A_2124 : f32 to vector<16xf32>
      %mul3A_2313 = arith.mulf %get3A_2311, %mul3A_2312 : vector<16xf32>
      %swap3A_2314 = arith.constant 10 : i32
      %swap3A_2315 = arith.index_cast %swap3A_2314 : i32 to index
      %swap3A_2316 = arith.constant 224 : index
      %swap3A_2317 = tpu.vector_load %arg10[%swap3A_2315, %swap3A_2316] {strides = array<i32>} : memref<16x256xf32, #tpu.memory_space<vmem>>, vector<1x16xf32>,
      %swap3A_2318 = vector.shape_cast %swap3A_2317 : vector<1x16xf32> to vector<16xf32>
      %swap3A_2319 = vector.shape_cast %mul3A_2313 : vector<16xf32> to vector<1x16xf32>
      tpu.vector_store %arg10[%swap3A_2315, %swap3A_2316], %swap3A_2319 {strides = array<i32>} : memref<16x256xf32, #tpu.memory_space<vmem>>, vector<1x16xf32>,
      %get3A_2320 = arith.constant 10 : i32
      %get3A_2321 = arith.index_cast %get3A_2320 : i32 to index
      %get3A_2322 = arith.constant 240 : index
      %get3A_2323 = tpu.vector_load %arg9[%get3A_2321, %get3A_2322] {strides = array<i32>} : memref<16x256xf32, #tpu.memory_space<vmem>>, vector<1x16xf32>,
      %get3A_2324 = vector.shape_cast %get3A_2323 : vector<1x16xf32> to vector<16xf32>
      %mul3A_2325 = vector.broadcast %squeeze3A_2124 : f32 to vector<16xf32>
      %mul3A_2326 = arith.mulf %get3A_2324, %mul3A_2325 : vector<16xf32>
      %swap3A_2327 = arith.constant 10 : i32
      %swap3A_2328 = arith.index_cast %swap3A_2327 : i32 to index
      %swap3A_2329 = arith.constant 240 : index
      %swap3A_2330 = tpu.vector_load %arg10[%swap3A_2328, %swap3A_2329] {strides = array<i32>} : memref<16x256xf32, #tpu.memory_space<vmem>>, vector<1x16xf32>,
      %swap3A_2331 = vector.shape_cast %swap3A_2330 : vector<1x16xf32> to vector<16xf32>
      %swap3A_2332 = vector.shape_cast %mul3A_2326 : vector<16xf32> to vector<1x16xf32>
      tpu.vector_store %arg10[%swap3A_2328, %swap3A_2329], %swap3A_2332 {strides = array<i32>} : memref<16x256xf32, #tpu.memory_space<vmem>>, vector<1x16xf32>,
      %slice3A_2333 = vector.extract_strided_slice %get3A_24 {offsets = [11], sizes = [1], strides = [1]} : vector<16xf32> to vector<1xf32>
      %squeeze3A_2334 = vector.extract %slice3A_2333[0] : f32 from vector<1xf32>
      %get3A_2335 = arith.constant 11 : i32
      %get3A_2336 = arith.index_cast %get3A_2335 : i32 to index
      %get3A_2337 = arith.constant 0 : index
      %get3A_2338 = tpu.vector_load %arg9[%get3A_2336, %get3A_2337] {strides = array<i32>} : memref<16x256xf32, #tpu.memory_space<vmem>>, vector<1x16xf32>,
      %get3A_2339 = vector.shape_cast %get3A_2338 : vector<1x16xf32> to vector<16xf32>
      %mul3A_2340 = vector.broadcast %squeeze3A_2334 : f32 to vector<16xf32>
      %mul3A_2341 = arith.mulf %get3A_2339, %mul3A_2340 : vector<16xf32>
      %swap3A_2342 = arith.constant 11 : i32
      %swap3A_2343 = arith.index_cast %swap3A_2342 : i32 to index
      %swap3A_2344 = arith.constant 0 : index
      %swap3A_2345 = tpu.vector_load %arg10[%swap3A_2343, %swap3A_2344] {strides = array<i32>} : memref<16x256xf32, #tpu.memory_space<vmem>>, vector<1x16xf32>,
      %swap3A_2346 = vector.shape_cast %swap3A_2345 : vector<1x16xf32> to vector<16xf32>
      %swap3A_2347 = vector.shape_cast %mul3A_2341 : vector<16xf32> to vector<1x16xf32>
      tpu.vector_store %arg10[%swap3A_2343, %swap3A_2344], %swap3A_2347 {strides = array<i32>} : memref<16x256xf32, #tpu.memory_space<vmem>>, vector<1x16xf32>,
      %get3A_2348 = arith.constant 11 : i32
      %get3A_2349 = arith.index_cast %get3A_2348 : i32 to index
      %get3A_2350 = arith.constant 16 : index
      %get3A_2351 = tpu.vector_load %arg9[%get3A_2349, %get3A_2350] {strides = array<i32>} : memref<16x256xf32, #tpu.memory_space<vmem>>, vector<1x16xf32>,
      %get3A_2352 = vector.shape_cast %get3A_2351 : vector<1x16xf32> to vector<16xf32>
      %mul3A_2353 = vector.broadcast %squeeze3A_2334 : f32 to vector<16xf32>
      %mul3A_2354 = arith.mulf %get3A_2352, %mul3A_2353 : vector<16xf32>
      %swap3A_2355 = arith.constant 11 : i32
      %swap3A_2356 = arith.index_cast %swap3A_2355 : i32 to index
      %swap3A_2357 = arith.constant 16 : index
      %swap3A_2358 = tpu.vector_load %arg10[%swap3A_2356, %swap3A_2357] {strides = array<i32>} : memref<16x256xf32, #tpu.memory_space<vmem>>, vector<1x16xf32>,
      %swap3A_2359 = vector.shape_cast %swap3A_2358 : vector<1x16xf32> to vector<16xf32>
      %swap3A_2360 = vector.shape_cast %mul3A_2354 : vector<16xf32> to vector<1x16xf32>
      tpu.vector_store %arg10[%swap3A_2356, %swap3A_2357], %swap3A_2360 {strides = array<i32>} : memref<16x256xf32, #tpu.memory_space<vmem>>, vector<1x16xf32>,
      %get3A_2361 = arith.constant 11 : i32
      %get3A_2362 = arith.index_cast %get3A_2361 : i32 to index
      %get3A_2363 = arith.constant 32 : index
      %get3A_2364 = tpu.vector_load %arg9[%get3A_2362, %get3A_2363] {strides = array<i32>} : memref<16x256xf32, #tpu.memory_space<vmem>>, vector<1x16xf32>,
      %get3A_2365 = vector.shape_cast %get3A_2364 : vector<1x16xf32> to vector<16xf32>
      %mul3A_2366 = vector.broadcast %squeeze3A_2334 : f32 to vector<16xf32>
      %mul3A_2367 = arith.mulf %get3A_2365, %mul3A_2366 : vector<16xf32>
      %swap3A_2368 = arith.constant 11 : i32
      %swap3A_2369 = arith.index_cast %swap3A_2368 : i32 to index
      %swap3A_2370 = arith.constant 32 : index
      %swap3A_2371 = tpu.vector_load %arg10[%swap3A_2369, %swap3A_2370] {strides = array<i32>} : memref<16x256xf32, #tpu.memory_space<vmem>>, vector<1x16xf32>,
      %swap3A_2372 = vector.shape_cast %swap3A_2371 : vector<1x16xf32> to vector<16xf32>
      %swap3A_2373 = vector.shape_cast %mul3A_2367 : vector<16xf32> to vector<1x16xf32>
      tpu.vector_store %arg10[%swap3A_2369, %swap3A_2370], %swap3A_2373 {strides = array<i32>} : memref<16x256xf32, #tpu.memory_space<vmem>>, vector<1x16xf32>,
      %get3A_2374 = arith.constant 11 : i32
      %get3A_2375 = arith.index_cast %get3A_2374 : i32 to index
      %get3A_2376 = arith.constant 48 : index
      %get3A_2377 = tpu.vector_load %arg9[%get3A_2375, %get3A_2376] {strides = array<i32>} : memref<16x256xf32, #tpu.memory_space<vmem>>, vector<1x16xf32>,
      %get3A_2378 = vector.shape_cast %get3A_2377 : vector<1x16xf32> to vector<16xf32>
      %mul3A_2379 = vector.broadcast %squeeze3A_2334 : f32 to vector<16xf32>
      %mul3A_2380 = arith.mulf %get3A_2378, %mul3A_2379 : vector<16xf32>
      %swap3A_2381 = arith.constant 11 : i32
      %swap3A_2382 = arith.index_cast %swap3A_2381 : i32 to index
      %swap3A_2383 = arith.constant 48 : index
      %swap3A_2384 = tpu.vector_load %arg10[%swap3A_2382, %swap3A_2383] {strides = array<i32>} : memref<16x256xf32, #tpu.memory_space<vmem>>, vector<1x16xf32>,
      %swap3A_2385 = vector.shape_cast %swap3A_2384 : vector<1x16xf32> to vector<16xf32>
      %swap3A_2386 = vector.shape_cast %mul3A_2380 : vector<16xf32> to vector<1x16xf32>
      tpu.vector_store %arg10[%swap3A_2382, %swap3A_2383], %swap3A_2386 {strides = array<i32>} : memref<16x256xf32, #tpu.memory_space<vmem>>, vector<1x16xf32>,
      %get3A_2387 = arith.constant 11 : i32
      %get3A_2388 = arith.index_cast %get3A_2387 : i32 to index
      %get3A_2389 = arith.constant 64 : index
      %get3A_2390 = tpu.vector_load %arg9[%get3A_2388, %get3A_2389] {strides = array<i32>} : memref<16x256xf32, #tpu.memory_space<vmem>>, vector<1x16xf32>,
      %get3A_2391 = vector.shape_cast %get3A_2390 : vector<1x16xf32> to vector<16xf32>
      %mul3A_2392 = vector.broadcast %squeeze3A_2334 : f32 to vector<16xf32>
      %mul3A_2393 = arith.mulf %get3A_2391, %mul3A_2392 : vector<16xf32>
      %swap3A_2394 = arith.constant 11 : i32
      %swap3A_2395 = arith.index_cast %swap3A_2394 : i32 to index
      %swap3A_2396 = arith.constant 64 : index
      %swap3A_2397 = tpu.vector_load %arg10[%swap3A_2395, %swap3A_2396] {strides = array<i32>} : memref<16x256xf32, #tpu.memory_space<vmem>>, vector<1x16xf32>,
      %swap3A_2398 = vector.shape_cast %swap3A_2397 : vector<1x16xf32> to vector<16xf32>
      %swap3A_2399 = vector.shape_cast %mul3A_2393 : vector<16xf32> to vector<1x16xf32>
      tpu.vector_store %arg10[%swap3A_2395, %swap3A_2396], %swap3A_2399 {strides = array<i32>} : memref<16x256xf32, #tpu.memory_space<vmem>>, vector<1x16xf32>,
      %get3A_2400 = arith.constant 11 : i32
      %get3A_2401 = arith.index_cast %get3A_2400 : i32 to index
      %get3A_2402 = arith.constant 80 : index
      %get3A_2403 = tpu.vector_load %arg9[%get3A_2401, %get3A_2402] {strides = array<i32>} : memref<16x256xf32, #tpu.memory_space<vmem>>, vector<1x16xf32>,
      %get3A_2404 = vector.shape_cast %get3A_2403 : vector<1x16xf32> to vector<16xf32>
      %mul3A_2405 = vector.broadcast %squeeze3A_2334 : f32 to vector<16xf32>
      %mul3A_2406 = arith.mulf %get3A_2404, %mul3A_2405 : vector<16xf32>
      %swap3A_2407 = arith.constant 11 : i32
      %swap3A_2408 = arith.index_cast %swap3A_2407 : i32 to index
      %swap3A_2409 = arith.constant 80 : index
      %swap3A_2410 = tpu.vector_load %arg10[%swap3A_2408, %swap3A_2409] {strides = array<i32>} : memref<16x256xf32, #tpu.memory_space<vmem>>, vector<1x16xf32>,
      %swap3A_2411 = vector.shape_cast %swap3A_2410 : vector<1x16xf32> to vector<16xf32>
      %swap3A_2412 = vector.shape_cast %mul3A_2406 : vector<16xf32> to vector<1x16xf32>
      tpu.vector_store %arg10[%swap3A_2408, %swap3A_2409], %swap3A_2412 {strides = array<i32>} : memref<16x256xf32, #tpu.memory_space<vmem>>, vector<1x16xf32>,
      %get3A_2413 = arith.constant 11 : i32
      %get3A_2414 = arith.index_cast %get3A_2413 : i32 to index
      %get3A_2415 = arith.constant 96 : index
      %get3A_2416 = tpu.vector_load %arg9[%get3A_2414, %get3A_2415] {strides = array<i32>} : memref<16x256xf32, #tpu.memory_space<vmem>>, vector<1x16xf32>,
      %get3A_2417 = vector.shape_cast %get3A_2416 : vector<1x16xf32> to vector<16xf32>
      %mul3A_2418 = vector.broadcast %squeeze3A_2334 : f32 to vector<16xf32>
      %mul3A_2419 = arith.mulf %get3A_2417, %mul3A_2418 : vector<16xf32>
      %swap3A_2420 = arith.constant 11 : i32
      %swap3A_2421 = arith.index_cast %swap3A_2420 : i32 to index
      %swap3A_2422 = arith.constant 96 : index
      %swap3A_2423 = tpu.vector_load %arg10[%swap3A_2421, %swap3A_2422] {strides = array<i32>} : memref<16x256xf32, #tpu.memory_space<vmem>>, vector<1x16xf32>,
      %swap3A_2424 = vector.shape_cast %swap3A_2423 : vector<1x16xf32> to vector<16xf32>
      %swap3A_2425 = vector.shape_cast %mul3A_2419 : vector<16xf32> to vector<1x16xf32>
      tpu.vector_store %arg10[%swap3A_2421, %swap3A_2422], %swap3A_2425 {strides = array<i32>} : memref<16x256xf32, #tpu.memory_space<vmem>>, vector<1x16xf32>,
      %get3A_2426 = arith.constant 11 : i32
      %get3A_2427 = arith.index_cast %get3A_2426 : i32 to index
      %get3A_2428 = arith.constant 112 : index
      %get3A_2429 = tpu.vector_load %arg9[%get3A_2427, %get3A_2428] {strides = array<i32>} : memref<16x256xf32, #tpu.memory_space<vmem>>, vector<1x16xf32>,
      %get3A_2430 = vector.shape_cast %get3A_2429 : vector<1x16xf32> to vector<16xf32>
      %mul3A_2431 = vector.broadcast %squeeze3A_2334 : f32 to vector<16xf32>
      %mul3A_2432 = arith.mulf %get3A_2430, %mul3A_2431 : vector<16xf32>
      %swap3A_2433 = arith.constant 11 : i32
      %swap3A_2434 = arith.index_cast %swap3A_2433 : i32 to index
      %swap3A_2435 = arith.constant 112 : index
      %swap3A_2436 = tpu.vector_load %arg10[%swap3A_2434, %swap3A_2435] {strides = array<i32>} : memref<16x256xf32, #tpu.memory_space<vmem>>, vector<1x16xf32>,
      %swap3A_2437 = vector.shape_cast %swap3A_2436 : vector<1x16xf32> to vector<16xf32>
      %swap3A_2438 = vector.shape_cast %mul3A_2432 : vector<16xf32> to vector<1x16xf32>
      tpu.vector_store %arg10[%swap3A_2434, %swap3A_2435], %swap3A_2438 {strides = array<i32>} : memref<16x256xf32, #tpu.memory_space<vmem>>, vector<1x16xf32>,
      %get3A_2439 = arith.constant 11 : i32
      %get3A_2440 = arith.index_cast %get3A_2439 : i32 to index
      %get3A_2441 = arith.constant 128 : index
      %get3A_2442 = tpu.vector_load %arg9[%get3A_2440, %get3A_2441] {strides = array<i32>} : memref<16x256xf32, #tpu.memory_space<vmem>>, vector<1x16xf32>,
      %get3A_2443 = vector.shape_cast %get3A_2442 : vector<1x16xf32> to vector<16xf32>
      %mul3A_2444 = vector.broadcast %squeeze3A_2334 : f32 to vector<16xf32>
      %mul3A_2445 = arith.mulf %get3A_2443, %mul3A_2444 : vector<16xf32>
      %swap3A_2446 = arith.constant 11 : i32
      %swap3A_2447 = arith.index_cast %swap3A_2446 : i32 to index
      %swap3A_2448 = arith.constant 128 : index
      %swap3A_2449 = tpu.vector_load %arg10[%swap3A_2447, %swap3A_2448] {strides = array<i32>} : memref<16x256xf32, #tpu.memory_space<vmem>>, vector<1x16xf32>,
      %swap3A_2450 = vector.shape_cast %swap3A_2449 : vector<1x16xf32> to vector<16xf32>
      %swap3A_2451 = vector.shape_cast %mul3A_2445 : vector<16xf32> to vector<1x16xf32>
      tpu.vector_store %arg10[%swap3A_2447, %swap3A_2448], %swap3A_2451 {strides = array<i32>} : memref<16x256xf32, #tpu.memory_space<vmem>>, vector<1x16xf32>,
      %get3A_2452 = arith.constant 11 : i32
      %get3A_2453 = arith.index_cast %get3A_2452 : i32 to index
      %get3A_2454 = arith.constant 144 : index
      %get3A_2455 = tpu.vector_load %arg9[%get3A_2453, %get3A_2454] {strides = array<i32>} : memref<16x256xf32, #tpu.memory_space<vmem>>, vector<1x16xf32>,
      %get3A_2456 = vector.shape_cast %get3A_2455 : vector<1x16xf32> to vector<16xf32>
      %mul3A_2457 = vector.broadcast %squeeze3A_2334 : f32 to vector<16xf32>
      %mul3A_2458 = arith.mulf %get3A_2456, %mul3A_2457 : vector<16xf32>
      %swap3A_2459 = arith.constant 11 : i32
      %swap3A_2460 = arith.index_cast %swap3A_2459 : i32 to index
      %swap3A_2461 = arith.constant 144 : index
      %swap3A_2462 = tpu.vector_load %arg10[%swap3A_2460, %swap3A_2461] {strides = array<i32>} : memref<16x256xf32, #tpu.memory_space<vmem>>, vector<1x16xf32>,
      %swap3A_2463 = vector.shape_cast %swap3A_2462 : vector<1x16xf32> to vector<16xf32>
      %swap3A_2464 = vector.shape_cast %mul3A_2458 : vector<16xf32> to vector<1x16xf32>
      tpu.vector_store %arg10[%swap3A_2460, %swap3A_2461], %swap3A_2464 {strides = array<i32>} : memref<16x256xf32, #tpu.memory_space<vmem>>, vector<1x16xf32>,
      %get3A_2465 = arith.constant 11 : i32
      %get3A_2466 = arith.index_cast %get3A_2465 : i32 to index
      %get3A_2467 = arith.constant 160 : index
      %get3A_2468 = tpu.vector_load %arg9[%get3A_2466, %get3A_2467] {strides = array<i32>} : memref<16x256xf32, #tpu.memory_space<vmem>>, vector<1x16xf32>,
      %get3A_2469 = vector.shape_cast %get3A_2468 : vector<1x16xf32> to vector<16xf32>
      %mul3A_2470 = vector.broadcast %squeeze3A_2334 : f32 to vector<16xf32>
      %mul3A_2471 = arith.mulf %get3A_2469, %mul3A_2470 : vector<16xf32>
      %swap3A_2472 = arith.constant 11 : i32
      %swap3A_2473 = arith.index_cast %swap3A_2472 : i32 to index
      %swap3A_2474 = arith.constant 160 : index
      %swap3A_2475 = tpu.vector_load %arg10[%swap3A_2473, %swap3A_2474] {strides = array<i32>} : memref<16x256xf32, #tpu.memory_space<vmem>>, vector<1x16xf32>,
      %swap3A_2476 = vector.shape_cast %swap3A_2475 : vector<1x16xf32> to vector<16xf32>
      %swap3A_2477 = vector.shape_cast %mul3A_2471 : vector<16xf32> to vector<1x16xf32>
      tpu.vector_store %arg10[%swap3A_2473, %swap3A_2474], %swap3A_2477 {strides = array<i32>} : memref<16x256xf32, #tpu.memory_space<vmem>>, vector<1x16xf32>,
      %get3A_2478 = arith.constant 11 : i32
      %get3A_2479 = arith.index_cast %get3A_2478 : i32 to index
      %get3A_2480 = arith.constant 176 : index
      %get3A_2481 = tpu.vector_load %arg9[%get3A_2479, %get3A_2480] {strides = array<i32>} : memref<16x256xf32, #tpu.memory_space<vmem>>, vector<1x16xf32>,
      %get3A_2482 = vector.shape_cast %get3A_2481 : vector<1x16xf32> to vector<16xf32>
      %mul3A_2483 = vector.broadcast %squeeze3A_2334 : f32 to vector<16xf32>
      %mul3A_2484 = arith.mulf %get3A_2482, %mul3A_2483 : vector<16xf32>
      %swap3A_2485 = arith.constant 11 : i32
      %swap3A_2486 = arith.index_cast %swap3A_2485 : i32 to index
      %swap3A_2487 = arith.constant 176 : index
      %swap3A_2488 = tpu.vector_load %arg10[%swap3A_2486, %swap3A_2487] {strides = array<i32>} : memref<16x256xf32, #tpu.memory_space<vmem>>, vector<1x16xf32>,
      %swap3A_2489 = vector.shape_cast %swap3A_2488 : vector<1x16xf32> to vector<16xf32>
      %swap3A_2490 = vector.shape_cast %mul3A_2484 : vector<16xf32> to vector<1x16xf32>
      tpu.vector_store %arg10[%swap3A_2486, %swap3A_2487], %swap3A_2490 {strides = array<i32>} : memref<16x256xf32, #tpu.memory_space<vmem>>, vector<1x16xf32>,
      %get3A_2491 = arith.constant 11 : i32
      %get3A_2492 = arith.index_cast %get3A_2491 : i32 to index
      %get3A_2493 = arith.constant 192 : index
      %get3A_2494 = tpu.vector_load %arg9[%get3A_2492, %get3A_2493] {strides = array<i32>} : memref<16x256xf32, #tpu.memory_space<vmem>>, vector<1x16xf32>,
      %get3A_2495 = vector.shape_cast %get3A_2494 : vector<1x16xf32> to vector<16xf32>
      %mul3A_2496 = vector.broadcast %squeeze3A_2334 : f32 to vector<16xf32>
      %mul3A_2497 = arith.mulf %get3A_2495, %mul3A_2496 : vector<16xf32>
      %swap3A_2498 = arith.constant 11 : i32
      %swap3A_2499 = arith.index_cast %swap3A_2498 : i32 to index
      %swap3A_2500 = arith.constant 192 : index
      %swap3A_2501 = tpu.vector_load %arg10[%swap3A_2499, %swap3A_2500] {strides = array<i32>} : memref<16x256xf32, #tpu.memory_space<vmem>>, vector<1x16xf32>,
      %swap3A_2502 = vector.shape_cast %swap3A_2501 : vector<1x16xf32> to vector<16xf32>
      %swap3A_2503 = vector.shape_cast %mul3A_2497 : vector<16xf32> to vector<1x16xf32>
      tpu.vector_store %arg10[%swap3A_2499, %swap3A_2500], %swap3A_2503 {strides = array<i32>} : memref<16x256xf32, #tpu.memory_space<vmem>>, vector<1x16xf32>,
      %get3A_2504 = arith.constant 11 : i32
      %get3A_2505 = arith.index_cast %get3A_2504 : i32 to index
      %get3A_2506 = arith.constant 208 : index
      %get3A_2507 = tpu.vector_load %arg9[%get3A_2505, %get3A_2506] {strides = array<i32>} : memref<16x256xf32, #tpu.memory_space<vmem>>, vector<1x16xf32>,
      %get3A_2508 = vector.shape_cast %get3A_2507 : vector<1x16xf32> to vector<16xf32>
      %mul3A_2509 = vector.broadcast %squeeze3A_2334 : f32 to vector<16xf32>
      %mul3A_2510 = arith.mulf %get3A_2508, %mul3A_2509 : vector<16xf32>
      %swap3A_2511 = arith.constant 11 : i32
      %swap3A_2512 = arith.index_cast %swap3A_2511 : i32 to index
      %swap3A_2513 = arith.constant 208 : index
      %swap3A_2514 = tpu.vector_load %arg10[%swap3A_2512, %swap3A_2513] {strides = array<i32>} : memref<16x256xf32, #tpu.memory_space<vmem>>, vector<1x16xf32>,
      %swap3A_2515 = vector.shape_cast %swap3A_2514 : vector<1x16xf32> to vector<16xf32>
      %swap3A_2516 = vector.shape_cast %mul3A_2510 : vector<16xf32> to vector<1x16xf32>
      tpu.vector_store %arg10[%swap3A_2512, %swap3A_2513], %swap3A_2516 {strides = array<i32>} : memref<16x256xf32, #tpu.memory_space<vmem>>, vector<1x16xf32>,
      %get3A_2517 = arith.constant 11 : i32
      %get3A_2518 = arith.index_cast %get3A_2517 : i32 to index
      %get3A_2519 = arith.constant 224 : index
      %get3A_2520 = tpu.vector_load %arg9[%get3A_2518, %get3A_2519] {strides = array<i32>} : memref<16x256xf32, #tpu.memory_space<vmem>>, vector<1x16xf32>,
      %get3A_2521 = vector.shape_cast %get3A_2520 : vector<1x16xf32> to vector<16xf32>
      %mul3A_2522 = vector.broadcast %squeeze3A_2334 : f32 to vector<16xf32>
      %mul3A_2523 = arith.mulf %get3A_2521, %mul3A_2522 : vector<16xf32>
      %swap3A_2524 = arith.constant 11 : i32
      %swap3A_2525 = arith.index_cast %swap3A_2524 : i32 to index
      %swap3A_2526 = arith.constant 224 : index
      %swap3A_2527 = tpu.vector_load %arg10[%swap3A_2525, %swap3A_2526] {strides = array<i32>} : memref<16x256xf32, #tpu.memory_space<vmem>>, vector<1x16xf32>,
      %swap3A_2528 = vector.shape_cast %swap3A_2527 : vector<1x16xf32> to vector<16xf32>
      %swap3A_2529 = vector.shape_cast %mul3A_2523 : vector<16xf32> to vector<1x16xf32>
      tpu.vector_store %arg10[%swap3A_2525, %swap3A_2526], %swap3A_2529 {strides = array<i32>} : memref<16x256xf32, #tpu.memory_space<vmem>>, vector<1x16xf32>,
      %get3A_2530 = arith.constant 11 : i32
      %get3A_2531 = arith.index_cast %get3A_2530 : i32 to index
      %get3A_2532 = arith.constant 240 : index
      %get3A_2533 = tpu.vector_load %arg9[%get3A_2531, %get3A_2532] {strides = array<i32>} : memref<16x256xf32, #tpu.memory_space<vmem>>, vector<1x16xf32>,
      %get3A_2534 = vector.shape_cast %get3A_2533 : vector<1x16xf32> to vector<16xf32>
      %mul3A_2535 = vector.broadcast %squeeze3A_2334 : f32 to vector<16xf32>
      %mul3A_2536 = arith.mulf %get3A_2534, %mul3A_2535 : vector<16xf32>
      %swap3A_2537 = arith.constant 11 : i32
      %swap3A_2538 = arith.index_cast %swap3A_2537 : i32 to index
      %swap3A_2539 = arith.constant 240 : index
      %swap3A_2540 = tpu.vector_load %arg10[%swap3A_2538, %swap3A_2539] {strides = array<i32>} : memref<16x256xf32, #tpu.memory_space<vmem>>, vector<1x16xf32>,
      %swap3A_2541 = vector.shape_cast %swap3A_2540 : vector<1x16xf32> to vector<16xf32>
      %swap3A_2542 = vector.shape_cast %mul3A_2536 : vector<16xf32> to vector<1x16xf32>
      tpu.vector_store %arg10[%swap3A_2538, %swap3A_2539], %swap3A_2542 {strides = array<i32>} : memref<16x256xf32, #tpu.memory_space<vmem>>, vector<1x16xf32>,
      %slice3A_2543 = vector.extract_strided_slice %get3A_24 {offsets = [12], sizes = [1], strides = [1]} : vector<16xf32> to vector<1xf32>
      %squeeze3A_2544 = vector.extract %slice3A_2543[0] : f32 from vector<1xf32>
      %get3A_2545 = arith.constant 12 : i32
      %get3A_2546 = arith.index_cast %get3A_2545 : i32 to index
      %get3A_2547 = arith.constant 0 : index
      %get3A_2548 = tpu.vector_load %arg9[%get3A_2546, %get3A_2547] {strides = array<i32>} : memref<16x256xf32, #tpu.memory_space<vmem>>, vector<1x16xf32>,
      %get3A_2549 = vector.shape_cast %get3A_2548 : vector<1x16xf32> to vector<16xf32>
      %mul3A_2550 = vector.broadcast %squeeze3A_2544 : f32 to vector<16xf32>
      %mul3A_2551 = arith.mulf %get3A_2549, %mul3A_2550 : vector<16xf32>
      %swap3A_2552 = arith.constant 12 : i32
      %swap3A_2553 = arith.index_cast %swap3A_2552 : i32 to index
      %swap3A_2554 = arith.constant 0 : index
      %swap3A_2555 = tpu.vector_load %arg10[%swap3A_2553, %swap3A_2554] {strides = array<i32>} : memref<16x256xf32, #tpu.memory_space<vmem>>, vector<1x16xf32>,
      %swap3A_2556 = vector.shape_cast %swap3A_2555 : vector<1x16xf32> to vector<16xf32>
      %swap3A_2557 = vector.shape_cast %mul3A_2551 : vector<16xf32> to vector<1x16xf32>
      tpu.vector_store %arg10[%swap3A_2553, %swap3A_2554], %swap3A_2557 {strides = array<i32>} : memref<16x256xf32, #tpu.memory_space<vmem>>, vector<1x16xf32>,
      %get3A_2558 = arith.constant 12 : i32
      %get3A_2559 = arith.index_cast %get3A_2558 : i32 to index
      %get3A_2560 = arith.constant 16 : index
      %get3A_2561 = tpu.vector_load %arg9[%get3A_2559, %get3A_2560] {strides = array<i32>} : memref<16x256xf32, #tpu.memory_space<vmem>>, vector<1x16xf32>,
      %get3A_2562 = vector.shape_cast %get3A_2561 : vector<1x16xf32> to vector<16xf32>
      %mul3A_2563 = vector.broadcast %squeeze3A_2544 : f32 to vector<16xf32>
      %mul3A_2564 = arith.mulf %get3A_2562, %mul3A_2563 : vector<16xf32>
      %swap3A_2565 = arith.constant 12 : i32
      %swap3A_2566 = arith.index_cast %swap3A_2565 : i32 to index
      %swap3A_2567 = arith.constant 16 : index
      %swap3A_2568 = tpu.vector_load %arg10[%swap3A_2566, %swap3A_2567] {strides = array<i32>} : memref<16x256xf32, #tpu.memory_space<vmem>>, vector<1x16xf32>,
      %swap3A_2569 = vector.shape_cast %swap3A_2568 : vector<1x16xf32> to vector<16xf32>
      %swap3A_2570 = vector.shape_cast %mul3A_2564 : vector<16xf32> to vector<1x16xf32>
      tpu.vector_store %arg10[%swap3A_2566, %swap3A_2567], %swap3A_2570 {strides = array<i32>} : memref<16x256xf32, #tpu.memory_space<vmem>>, vector<1x16xf32>,
      %get3A_2571 = arith.constant 12 : i32
      %get3A_2572 = arith.index_cast %get3A_2571 : i32 to index
      %get3A_2573 = arith.constant 32 : index
      %get3A_2574 = tpu.vector_load %arg9[%get3A_2572, %get3A_2573] {strides = array<i32>} : memref<16x256xf32, #tpu.memory_space<vmem>>, vector<1x16xf32>,
      %get3A_2575 = vector.shape_cast %get3A_2574 : vector<1x16xf32> to vector<16xf32>
      %mul3A_2576 = vector.broadcast %squeeze3A_2544 : f32 to vector<16xf32>
      %mul3A_2577 = arith.mulf %get3A_2575, %mul3A_2576 : vector<16xf32>
      %swap3A_2578 = arith.constant 12 : i32
      %swap3A_2579 = arith.index_cast %swap3A_2578 : i32 to index
      %swap3A_2580 = arith.constant 32 : index
      %swap3A_2581 = tpu.vector_load %arg10[%swap3A_2579, %swap3A_2580] {strides = array<i32>} : memref<16x256xf32, #tpu.memory_space<vmem>>, vector<1x16xf32>,
      %swap3A_2582 = vector.shape_cast %swap3A_2581 : vector<1x16xf32> to vector<16xf32>
      %swap3A_2583 = vector.shape_cast %mul3A_2577 : vector<16xf32> to vector<1x16xf32>
      tpu.vector_store %arg10[%swap3A_2579, %swap3A_2580], %swap3A_2583 {strides = array<i32>} : memref<16x256xf32, #tpu.memory_space<vmem>>, vector<1x16xf32>,
      %get3A_2584 = arith.constant 12 : i32
      %get3A_2585 = arith.index_cast %get3A_2584 : i32 to index
      %get3A_2586 = arith.constant 48 : index
      %get3A_2587 = tpu.vector_load %arg9[%get3A_2585, %get3A_2586] {strides = array<i32>} : memref<16x256xf32, #tpu.memory_space<vmem>>, vector<1x16xf32>,
      %get3A_2588 = vector.shape_cast %get3A_2587 : vector<1x16xf32> to vector<16xf32>
      %mul3A_2589 = vector.broadcast %squeeze3A_2544 : f32 to vector<16xf32>
      %mul3A_2590 = arith.mulf %get3A_2588, %mul3A_2589 : vector<16xf32>
      %swap3A_2591 = arith.constant 12 : i32
      %swap3A_2592 = arith.index_cast %swap3A_2591 : i32 to index
      %swap3A_2593 = arith.constant 48 : index
      %swap3A_2594 = tpu.vector_load %arg10[%swap3A_2592, %swap3A_2593] {strides = array<i32>} : memref<16x256xf32, #tpu.memory_space<vmem>>, vector<1x16xf32>,
      %swap3A_2595 = vector.shape_cast %swap3A_2594 : vector<1x16xf32> to vector<16xf32>
      %swap3A_2596 = vector.shape_cast %mul3A_2590 : vector<16xf32> to vector<1x16xf32>
      tpu.vector_store %arg10[%swap3A_2592, %swap3A_2593], %swap3A_2596 {strides = array<i32>} : memref<16x256xf32, #tpu.memory_space<vmem>>, vector<1x16xf32>,
      %get3A_2597 = arith.constant 12 : i32
      %get3A_2598 = arith.index_cast %get3A_2597 : i32 to index
      %get3A_2599 = arith.constant 64 : index
      %get3A_2600 = tpu.vector_load %arg9[%get3A_2598, %get3A_2599] {strides = array<i32>} : memref<16x256xf32, #tpu.memory_space<vmem>>, vector<1x16xf32>,
      %get3A_2601 = vector.shape_cast %get3A_2600 : vector<1x16xf32> to vector<16xf32>
      %mul3A_2602 = vector.broadcast %squeeze3A_2544 : f32 to vector<16xf32>
      %mul3A_2603 = arith.mulf %get3A_2601, %mul3A_2602 : vector<16xf32>
      %swap3A_2604 = arith.constant 12 : i32
      %swap3A_2605 = arith.index_cast %swap3A_2604 : i32 to index
      %swap3A_2606 = arith.constant 64 : index
      %swap3A_2607 = tpu.vector_load %arg10[%swap3A_2605, %swap3A_2606] {strides = array<i32>} : memref<16x256xf32, #tpu.memory_space<vmem>>, vector<1x16xf32>,
      %swap3A_2608 = vector.shape_cast %swap3A_2607 : vector<1x16xf32> to vector<16xf32>
      %swap3A_2609 = vector.shape_cast %mul3A_2603 : vector<16xf32> to vector<1x16xf32>
      tpu.vector_store %arg10[%swap3A_2605, %swap3A_2606], %swap3A_2609 {strides = array<i32>} : memref<16x256xf32, #tpu.memory_space<vmem>>, vector<1x16xf32>,
      %get3A_2610 = arith.constant 12 : i32
      %get3A_2611 = arith.index_cast %get3A_2610 : i32 to index
      %get3A_2612 = arith.constant 80 : index
      %get3A_2613 = tpu.vector_load %arg9[%get3A_2611, %get3A_2612] {strides = array<i32>} : memref<16x256xf32, #tpu.memory_space<vmem>>, vector<1x16xf32>,
      %get3A_2614 = vector.shape_cast %get3A_2613 : vector<1x16xf32> to vector<16xf32>
      %mul3A_2615 = vector.broadcast %squeeze3A_2544 : f32 to vector<16xf32>
      %mul3A_2616 = arith.mulf %get3A_2614, %mul3A_2615 : vector<16xf32>
      %swap3A_2617 = arith.constant 12 : i32
      %swap3A_2618 = arith.index_cast %swap3A_2617 : i32 to index
      %swap3A_2619 = arith.constant 80 : index
      %swap3A_2620 = tpu.vector_load %arg10[%swap3A_2618, %swap3A_2619] {strides = array<i32>} : memref<16x256xf32, #tpu.memory_space<vmem>>, vector<1x16xf32>,
      %swap3A_2621 = vector.shape_cast %swap3A_2620 : vector<1x16xf32> to vector<16xf32>
      %swap3A_2622 = vector.shape_cast %mul3A_2616 : vector<16xf32> to vector<1x16xf32>
      tpu.vector_store %arg10[%swap3A_2618, %swap3A_2619], %swap3A_2622 {strides = array<i32>} : memref<16x256xf32, #tpu.memory_space<vmem>>, vector<1x16xf32>,
      %get3A_2623 = arith.constant 12 : i32
      %get3A_2624 = arith.index_cast %get3A_2623 : i32 to index
      %get3A_2625 = arith.constant 96 : index
      %get3A_2626 = tpu.vector_load %arg9[%get3A_2624, %get3A_2625] {strides = array<i32>} : memref<16x256xf32, #tpu.memory_space<vmem>>, vector<1x16xf32>,
      %get3A_2627 = vector.shape_cast %get3A_2626 : vector<1x16xf32> to vector<16xf32>
      %mul3A_2628 = vector.broadcast %squeeze3A_2544 : f32 to vector<16xf32>
      %mul3A_2629 = arith.mulf %get3A_2627, %mul3A_2628 : vector<16xf32>
      %swap3A_2630 = arith.constant 12 : i32
      %swap3A_2631 = arith.index_cast %swap3A_2630 : i32 to index
      %swap3A_2632 = arith.constant 96 : index
      %swap3A_2633 = tpu.vector_load %arg10[%swap3A_2631, %swap3A_2632] {strides = array<i32>} : memref<16x256xf32, #tpu.memory_space<vmem>>, vector<1x16xf32>,
      %swap3A_2634 = vector.shape_cast %swap3A_2633 : vector<1x16xf32> to vector<16xf32>
      %swap3A_2635 = vector.shape_cast %mul3A_2629 : vector<16xf32> to vector<1x16xf32>
      tpu.vector_store %arg10[%swap3A_2631, %swap3A_2632], %swap3A_2635 {strides = array<i32>} : memref<16x256xf32, #tpu.memory_space<vmem>>, vector<1x16xf32>,
      %get3A_2636 = arith.constant 12 : i32
      %get3A_2637 = arith.index_cast %get3A_2636 : i32 to index
      %get3A_2638 = arith.constant 112 : index
      %get3A_2639 = tpu.vector_load %arg9[%get3A_2637, %get3A_2638] {strides = array<i32>} : memref<16x256xf32, #tpu.memory_space<vmem>>, vector<1x16xf32>,
      %get3A_2640 = vector.shape_cast %get3A_2639 : vector<1x16xf32> to vector<16xf32>
      %mul3A_2641 = vector.broadcast %squeeze3A_2544 : f32 to vector<16xf32>
      %mul3A_2642 = arith.mulf %get3A_2640, %mul3A_2641 : vector<16xf32>
      %swap3A_2643 = arith.constant 12 : i32
      %swap3A_2644 = arith.index_cast %swap3A_2643 : i32 to index
      %swap3A_2645 = arith.constant 112 : index
      %swap3A_2646 = tpu.vector_load %arg10[%swap3A_2644, %swap3A_2645] {strides = array<i32>} : memref<16x256xf32, #tpu.memory_space<vmem>>, vector<1x16xf32>,
      %swap3A_2647 = vector.shape_cast %swap3A_2646 : vector<1x16xf32> to vector<16xf32>
      %swap3A_2648 = vector.shape_cast %mul3A_2642 : vector<16xf32> to vector<1x16xf32>
      tpu.vector_store %arg10[%swap3A_2644, %swap3A_2645], %swap3A_2648 {strides = array<i32>} : memref<16x256xf32, #tpu.memory_space<vmem>>, vector<1x16xf32>,
      %get3A_2649 = arith.constant 12 : i32
      %get3A_2650 = arith.index_cast %get3A_2649 : i32 to index
      %get3A_2651 = arith.constant 128 : index
      %get3A_2652 = tpu.vector_load %arg9[%get3A_2650, %get3A_2651] {strides = array<i32>} : memref<16x256xf32, #tpu.memory_space<vmem>>, vector<1x16xf32>,
      %get3A_2653 = vector.shape_cast %get3A_2652 : vector<1x16xf32> to vector<16xf32>
      %mul3A_2654 = vector.broadcast %squeeze3A_2544 : f32 to vector<16xf32>
      %mul3A_2655 = arith.mulf %get3A_2653, %mul3A_2654 : vector<16xf32>
      %swap3A_2656 = arith.constant 12 : i32
      %swap3A_2657 = arith.index_cast %swap3A_2656 : i32 to index
      %swap3A_2658 = arith.constant 128 : index
      %swap3A_2659 = tpu.vector_load %arg10[%swap3A_2657, %swap3A_2658] {strides = array<i32>} : memref<16x256xf32, #tpu.memory_space<vmem>>, vector<1x16xf32>,
      %swap3A_2660 = vector.shape_cast %swap3A_2659 : vector<1x16xf32> to vector<16xf32>
      %swap3A_2661 = vector.shape_cast %mul3A_2655 : vector<16xf32> to vector<1x16xf32>
      tpu.vector_store %arg10[%swap3A_2657, %swap3A_2658], %swap3A_2661 {strides = array<i32>} : memref<16x256xf32, #tpu.memory_space<vmem>>, vector<1x16xf32>,
      %get3A_2662 = arith.constant 12 : i32
      %get3A_2663 = arith.index_cast %get3A_2662 : i32 to index
      %get3A_2664 = arith.constant 144 : index
      %get3A_2665 = tpu.vector_load %arg9[%get3A_2663, %get3A_2664] {strides = array<i32>} : memref<16x256xf32, #tpu.memory_space<vmem>>, vector<1x16xf32>,
      %get3A_2666 = vector.shape_cast %get3A_2665 : vector<1x16xf32> to vector<16xf32>
      %mul3A_2667 = vector.broadcast %squeeze3A_2544 : f32 to vector<16xf32>
      %mul3A_2668 = arith.mulf %get3A_2666, %mul3A_2667 : vector<16xf32>
      %swap3A_2669 = arith.constant 12 : i32
      %swap3A_2670 = arith.index_cast %swap3A_2669 : i32 to index
      %swap3A_2671 = arith.constant 144 : index
      %swap3A_2672 = tpu.vector_load %arg10[%swap3A_2670, %swap3A_2671] {strides = array<i32>} : memref<16x256xf32, #tpu.memory_space<vmem>>, vector<1x16xf32>,
      %swap3A_2673 = vector.shape_cast %swap3A_2672 : vector<1x16xf32> to vector<16xf32>
      %swap3A_2674 = vector.shape_cast %mul3A_2668 : vector<16xf32> to vector<1x16xf32>
      tpu.vector_store %arg10[%swap3A_2670, %swap3A_2671], %swap3A_2674 {strides = array<i32>} : memref<16x256xf32, #tpu.memory_space<vmem>>, vector<1x16xf32>,
      %get3A_2675 = arith.constant 12 : i32
      %get3A_2676 = arith.index_cast %get3A_2675 : i32 to index
      %get3A_2677 = arith.constant 160 : index
      %get3A_2678 = tpu.vector_load %arg9[%get3A_2676, %get3A_2677] {strides = array<i32>} : memref<16x256xf32, #tpu.memory_space<vmem>>, vector<1x16xf32>,
      %get3A_2679 = vector.shape_cast %get3A_2678 : vector<1x16xf32> to vector<16xf32>
      %mul3A_2680 = vector.broadcast %squeeze3A_2544 : f32 to vector<16xf32>
      %mul3A_2681 = arith.mulf %get3A_2679, %mul3A_2680 : vector<16xf32>
      %swap3A_2682 = arith.constant 12 : i32
      %swap3A_2683 = arith.index_cast %swap3A_2682 : i32 to index
      %swap3A_2684 = arith.constant 160 : index
      %swap3A_2685 = tpu.vector_load %arg10[%swap3A_2683, %swap3A_2684] {strides = array<i32>} : memref<16x256xf32, #tpu.memory_space<vmem>>, vector<1x16xf32>,
      %swap3A_2686 = vector.shape_cast %swap3A_2685 : vector<1x16xf32> to vector<16xf32>
      %swap3A_2687 = vector.shape_cast %mul3A_2681 : vector<16xf32> to vector<1x16xf32>
      tpu.vector_store %arg10[%swap3A_2683, %swap3A_2684], %swap3A_2687 {strides = array<i32>} : memref<16x256xf32, #tpu.memory_space<vmem>>, vector<1x16xf32>,
      %get3A_2688 = arith.constant 12 : i32
      %get3A_2689 = arith.index_cast %get3A_2688 : i32 to index
      %get3A_2690 = arith.constant 176 : index
      %get3A_2691 = tpu.vector_load %arg9[%get3A_2689, %get3A_2690] {strides = array<i32>} : memref<16x256xf32, #tpu.memory_space<vmem>>, vector<1x16xf32>,
      %get3A_2692 = vector.shape_cast %get3A_2691 : vector<1x16xf32> to vector<16xf32>
      %mul3A_2693 = vector.broadcast %squeeze3A_2544 : f32 to vector<16xf32>
      %mul3A_2694 = arith.mulf %get3A_2692, %mul3A_2693 : vector<16xf32>
      %swap3A_2695 = arith.constant 12 : i32
      %swap3A_2696 = arith.index_cast %swap3A_2695 : i32 to index
      %swap3A_2697 = arith.constant 176 : index
      %swap3A_2698 = tpu.vector_load %arg10[%swap3A_2696, %swap3A_2697] {strides = array<i32>} : memref<16x256xf32, #tpu.memory_space<vmem>>, vector<1x16xf32>,
      %swap3A_2699 = vector.shape_cast %swap3A_2698 : vector<1x16xf32> to vector<16xf32>
      %swap3A_2700 = vector.shape_cast %mul3A_2694 : vector<16xf32> to vector<1x16xf32>
      tpu.vector_store %arg10[%swap3A_2696, %swap3A_2697], %swap3A_2700 {strides = array<i32>} : memref<16x256xf32, #tpu.memory_space<vmem>>, vector<1x16xf32>,
      %get3A_2701 = arith.constant 12 : i32
      %get3A_2702 = arith.index_cast %get3A_2701 : i32 to index
      %get3A_2703 = arith.constant 192 : index
      %get3A_2704 = tpu.vector_load %arg9[%get3A_2702, %get3A_2703] {strides = array<i32>} : memref<16x256xf32, #tpu.memory_space<vmem>>, vector<1x16xf32>,
      %get3A_2705 = vector.shape_cast %get3A_2704 : vector<1x16xf32> to vector<16xf32>
      %mul3A_2706 = vector.broadcast %squeeze3A_2544 : f32 to vector<16xf32>
      %mul3A_2707 = arith.mulf %get3A_2705, %mul3A_2706 : vector<16xf32>
      %swap3A_2708 = arith.constant 12 : i32
      %swap3A_2709 = arith.index_cast %swap3A_2708 : i32 to index
      %swap3A_2710 = arith.constant 192 : index
      %swap3A_2711 = tpu.vector_load %arg10[%swap3A_2709, %swap3A_2710] {strides = array<i32>} : memref<16x256xf32, #tpu.memory_space<vmem>>, vector<1x16xf32>,
      %swap3A_2712 = vector.shape_cast %swap3A_2711 : vector<1x16xf32> to vector<16xf32>
      %swap3A_2713 = vector.shape_cast %mul3A_2707 : vector<16xf32> to vector<1x16xf32>
      tpu.vector_store %arg10[%swap3A_2709, %swap3A_2710], %swap3A_2713 {strides = array<i32>} : memref<16x256xf32, #tpu.memory_space<vmem>>, vector<1x16xf32>,
      %get3A_2714 = arith.constant 12 : i32
      %get3A_2715 = arith.index_cast %get3A_2714 : i32 to index
      %get3A_2716 = arith.constant 208 : index
      %get3A_2717 = tpu.vector_load %arg9[%get3A_2715, %get3A_2716] {strides = array<i32>} : memref<16x256xf32, #tpu.memory_space<vmem>>, vector<1x16xf32>,
      %get3A_2718 = vector.shape_cast %get3A_2717 : vector<1x16xf32> to vector<16xf32>
      %mul3A_2719 = vector.broadcast %squeeze3A_2544 : f32 to vector<16xf32>
      %mul3A_2720 = arith.mulf %get3A_2718, %mul3A_2719 : vector<16xf32>
      %swap3A_2721 = arith.constant 12 : i32
      %swap3A_2722 = arith.index_cast %swap3A_2721 : i32 to index
      %swap3A_2723 = arith.constant 208 : index
      %swap3A_2724 = tpu.vector_load %arg10[%swap3A_2722, %swap3A_2723] {strides = array<i32>} : memref<16x256xf32, #tpu.memory_space<vmem>>, vector<1x16xf32>,
      %swap3A_2725 = vector.shape_cast %swap3A_2724 : vector<1x16xf32> to vector<16xf32>
      %swap3A_2726 = vector.shape_cast %mul3A_2720 : vector<16xf32> to vector<1x16xf32>
      tpu.vector_store %arg10[%swap3A_2722, %swap3A_2723], %swap3A_2726 {strides = array<i32>} : memref<16x256xf32, #tpu.memory_space<vmem>>, vector<1x16xf32>,
      %get3A_2727 = arith.constant 12 : i32
      %get3A_2728 = arith.index_cast %get3A_2727 : i32 to index
      %get3A_2729 = arith.constant 224 : index
      %get3A_2730 = tpu.vector_load %arg9[%get3A_2728, %get3A_2729] {strides = array<i32>} : memref<16x256xf32, #tpu.memory_space<vmem>>, vector<1x16xf32>,
      %get3A_2731 = vector.shape_cast %get3A_2730 : vector<1x16xf32> to vector<16xf32>
      %mul3A_2732 = vector.broadcast %squeeze3A_2544 : f32 to vector<16xf32>
      %mul3A_2733 = arith.mulf %get3A_2731, %mul3A_2732 : vector<16xf32>
      %swap3A_2734 = arith.constant 12 : i32
      %swap3A_2735 = arith.index_cast %swap3A_2734 : i32 to index
      %swap3A_2736 = arith.constant 224 : index
      %swap3A_2737 = tpu.vector_load %arg10[%swap3A_2735, %swap3A_2736] {strides = array<i32>} : memref<16x256xf32, #tpu.memory_space<vmem>>, vector<1x16xf32>,
      %swap3A_2738 = vector.shape_cast %swap3A_2737 : vector<1x16xf32> to vector<16xf32>
      %swap3A_2739 = vector.shape_cast %mul3A_2733 : vector<16xf32> to vector<1x16xf32>
      tpu.vector_store %arg10[%swap3A_2735, %swap3A_2736], %swap3A_2739 {strides = array<i32>} : memref<16x256xf32, #tpu.memory_space<vmem>>, vector<1x16xf32>,
      %get3A_2740 = arith.constant 12 : i32
      %get3A_2741 = arith.index_cast %get3A_2740 : i32 to index
      %get3A_2742 = arith.constant 240 : index
      %get3A_2743 = tpu.vector_load %arg9[%get3A_2741, %get3A_2742] {strides = array<i32>} : memref<16x256xf32, #tpu.memory_space<vmem>>, vector<1x16xf32>,
      %get3A_2744 = vector.shape_cast %get3A_2743 : vector<1x16xf32> to vector<16xf32>
      %mul3A_2745 = vector.broadcast %squeeze3A_2544 : f32 to vector<16xf32>
      %mul3A_2746 = arith.mulf %get3A_2744, %mul3A_2745 : vector<16xf32>
      %swap3A_2747 = arith.constant 12 : i32
      %swap3A_2748 = arith.index_cast %swap3A_2747 : i32 to index
      %swap3A_2749 = arith.constant 240 : index
      %swap3A_2750 = tpu.vector_load %arg10[%swap3A_2748, %swap3A_2749] {strides = array<i32>} : memref<16x256xf32, #tpu.memory_space<vmem>>, vector<1x16xf32>,
      %swap3A_2751 = vector.shape_cast %swap3A_2750 : vector<1x16xf32> to vector<16xf32>
      %swap3A_2752 = vector.shape_cast %mul3A_2746 : vector<16xf32> to vector<1x16xf32>
      tpu.vector_store %arg10[%swap3A_2748, %swap3A_2749], %swap3A_2752 {strides = array<i32>} : memref<16x256xf32, #tpu.memory_space<vmem>>, vector<1x16xf32>,
      %slice3A_2753 = vector.extract_strided_slice %get3A_24 {offsets = [13], sizes = [1], strides = [1]} : vector<16xf32> to vector<1xf32>
      %squeeze3A_2754 = vector.extract %slice3A_2753[0] : f32 from vector<1xf32>
      %get3A_2755 = arith.constant 13 : i32
      %get3A_2756 = arith.index_cast %get3A_2755 : i32 to index
      %get3A_2757 = arith.constant 0 : index
      %get3A_2758 = tpu.vector_load %arg9[%get3A_2756, %get3A_2757] {strides = array<i32>} : memref<16x256xf32, #tpu.memory_space<vmem>>, vector<1x16xf32>,
      %get3A_2759 = vector.shape_cast %get3A_2758 : vector<1x16xf32> to vector<16xf32>
      %mul3A_2760 = vector.broadcast %squeeze3A_2754 : f32 to vector<16xf32>
      %mul3A_2761 = arith.mulf %get3A_2759, %mul3A_2760 : vector<16xf32>
      %swap3A_2762 = arith.constant 13 : i32
      %swap3A_2763 = arith.index_cast %swap3A_2762 : i32 to index
      %swap3A_2764 = arith.constant 0 : index
      %swap3A_2765 = tpu.vector_load %arg10[%swap3A_2763, %swap3A_2764] {strides = array<i32>} : memref<16x256xf32, #tpu.memory_space<vmem>>, vector<1x16xf32>,
      %swap3A_2766 = vector.shape_cast %swap3A_2765 : vector<1x16xf32> to vector<16xf32>
      %swap3A_2767 = vector.shape_cast %mul3A_2761 : vector<16xf32> to vector<1x16xf32>
      tpu.vector_store %arg10[%swap3A_2763, %swap3A_2764], %swap3A_2767 {strides = array<i32>} : memref<16x256xf32, #tpu.memory_space<vmem>>, vector<1x16xf32>,
      %get3A_2768 = arith.constant 13 : i32
      %get3A_2769 = arith.index_cast %get3A_2768 : i32 to index
      %get3A_2770 = arith.constant 16 : index
      %get3A_2771 = tpu.vector_load %arg9[%get3A_2769, %get3A_2770] {strides = array<i32>} : memref<16x256xf32, #tpu.memory_space<vmem>>, vector<1x16xf32>,
      %get3A_2772 = vector.shape_cast %get3A_2771 : vector<1x16xf32> to vector<16xf32>
      %mul3A_2773 = vector.broadcast %squeeze3A_2754 : f32 to vector<16xf32>
      %mul3A_2774 = arith.mulf %get3A_2772, %mul3A_2773 : vector<16xf32>
      %swap3A_2775 = arith.constant 13 : i32
      %swap3A_2776 = arith.index_cast %swap3A_2775 : i32 to index
      %swap3A_2777 = arith.constant 16 : index
      %swap3A_2778 = tpu.vector_load %arg10[%swap3A_2776, %swap3A_2777] {strides = array<i32>} : memref<16x256xf32, #tpu.memory_space<vmem>>, vector<1x16xf32>,
      %swap3A_2779 = vector.shape_cast %swap3A_2778 : vector<1x16xf32> to vector<16xf32>
      %swap3A_2780 = vector.shape_cast %mul3A_2774 : vector<16xf32> to vector<1x16xf32>
      tpu.vector_store %arg10[%swap3A_2776, %swap3A_2777], %swap3A_2780 {strides = array<i32>} : memref<16x256xf32, #tpu.memory_space<vmem>>, vector<1x16xf32>,
      %get3A_2781 = arith.constant 13 : i32
      %get3A_2782 = arith.index_cast %get3A_2781 : i32 to index
      %get3A_2783 = arith.constant 32 : index
      %get3A_2784 = tpu.vector_load %arg9[%get3A_2782, %get3A_2783] {strides = array<i32>} : memref<16x256xf32, #tpu.memory_space<vmem>>, vector<1x16xf32>,
      %get3A_2785 = vector.shape_cast %get3A_2784 : vector<1x16xf32> to vector<16xf32>
      %mul3A_2786 = vector.broadcast %squeeze3A_2754 : f32 to vector<16xf32>
      %mul3A_2787 = arith.mulf %get3A_2785, %mul3A_2786 : vector<16xf32>
      %swap3A_2788 = arith.constant 13 : i32
      %swap3A_2789 = arith.index_cast %swap3A_2788 : i32 to index
      %swap3A_2790 = arith.constant 32 : index
      %swap3A_2791 = tpu.vector_load %arg10[%swap3A_2789, %swap3A_2790] {strides = array<i32>} : memref<16x256xf32, #tpu.memory_space<vmem>>, vector<1x16xf32>,
      %swap3A_2792 = vector.shape_cast %swap3A_2791 : vector<1x16xf32> to vector<16xf32>
      %swap3A_2793 = vector.shape_cast %mul3A_2787 : vector<16xf32> to vector<1x16xf32>
      tpu.vector_store %arg10[%swap3A_2789, %swap3A_2790], %swap3A_2793 {strides = array<i32>} : memref<16x256xf32, #tpu.memory_space<vmem>>, vector<1x16xf32>,
      %get3A_2794 = arith.constant 13 : i32
      %get3A_2795 = arith.index_cast %get3A_2794 : i32 to index
      %get3A_2796 = arith.constant 48 : index
      %get3A_2797 = tpu.vector_load %arg9[%get3A_2795, %get3A_2796] {strides = array<i32>} : memref<16x256xf32, #tpu.memory_space<vmem>>, vector<1x16xf32>,
      %get3A_2798 = vector.shape_cast %get3A_2797 : vector<1x16xf32> to vector<16xf32>
      %mul3A_2799 = vector.broadcast %squeeze3A_2754 : f32 to vector<16xf32>
      %mul3A_2800 = arith.mulf %get3A_2798, %mul3A_2799 : vector<16xf32>
      %swap3A_2801 = arith.constant 13 : i32
      %swap3A_2802 = arith.index_cast %swap3A_2801 : i32 to index
      %swap3A_2803 = arith.constant 48 : index
      %swap3A_2804 = tpu.vector_load %arg10[%swap3A_2802, %swap3A_2803] {strides = array<i32>} : memref<16x256xf32, #tpu.memory_space<vmem>>, vector<1x16xf32>,
      %swap3A_2805 = vector.shape_cast %swap3A_2804 : vector<1x16xf32> to vector<16xf32>
      %swap3A_2806 = vector.shape_cast %mul3A_2800 : vector<16xf32> to vector<1x16xf32>
      tpu.vector_store %arg10[%swap3A_2802, %swap3A_2803], %swap3A_2806 {strides = array<i32>} : memref<16x256xf32, #tpu.memory_space<vmem>>, vector<1x16xf32>,
      %get3A_2807 = arith.constant 13 : i32
      %get3A_2808 = arith.index_cast %get3A_2807 : i32 to index
      %get3A_2809 = arith.constant 64 : index
      %get3A_2810 = tpu.vector_load %arg9[%get3A_2808, %get3A_2809] {strides = array<i32>} : memref<16x256xf32, #tpu.memory_space<vmem>>, vector<1x16xf32>,
      %get3A_2811 = vector.shape_cast %get3A_2810 : vector<1x16xf32> to vector<16xf32>
      %mul3A_2812 = vector.broadcast %squeeze3A_2754 : f32 to vector<16xf32>
      %mul3A_2813 = arith.mulf %get3A_2811, %mul3A_2812 : vector<16xf32>
      %swap3A_2814 = arith.constant 13 : i32
      %swap3A_2815 = arith.index_cast %swap3A_2814 : i32 to index
      %swap3A_2816 = arith.constant 64 : index
      %swap3A_2817 = tpu.vector_load %arg10[%swap3A_2815, %swap3A_2816] {strides = array<i32>} : memref<16x256xf32, #tpu.memory_space<vmem>>, vector<1x16xf32>,
      %swap3A_2818 = vector.shape_cast %swap3A_2817 : vector<1x16xf32> to vector<16xf32>
      %swap3A_2819 = vector.shape_cast %mul3A_2813 : vector<16xf32> to vector<1x16xf32>
      tpu.vector_store %arg10[%swap3A_2815, %swap3A_2816], %swap3A_2819 {strides = array<i32>} : memref<16x256xf32, #tpu.memory_space<vmem>>, vector<1x16xf32>,
      %get3A_2820 = arith.constant 13 : i32
      %get3A_2821 = arith.index_cast %get3A_2820 : i32 to index
      %get3A_2822 = arith.constant 80 : index
      %get3A_2823 = tpu.vector_load %arg9[%get3A_2821, %get3A_2822] {strides = array<i32>} : memref<16x256xf32, #tpu.memory_space<vmem>>, vector<1x16xf32>,
      %get3A_2824 = vector.shape_cast %get3A_2823 : vector<1x16xf32> to vector<16xf32>
      %mul3A_2825 = vector.broadcast %squeeze3A_2754 : f32 to vector<16xf32>
      %mul3A_2826 = arith.mulf %get3A_2824, %mul3A_2825 : vector<16xf32>
      %swap3A_2827 = arith.constant 13 : i32
      %swap3A_2828 = arith.index_cast %swap3A_2827 : i32 to index
      %swap3A_2829 = arith.constant 80 : index
      %swap3A_2830 = tpu.vector_load %arg10[%swap3A_2828, %swap3A_2829] {strides = array<i32>} : memref<16x256xf32, #tpu.memory_space<vmem>>, vector<1x16xf32>,
      %swap3A_2831 = vector.shape_cast %swap3A_2830 : vector<1x16xf32> to vector<16xf32>
      %swap3A_2832 = vector.shape_cast %mul3A_2826 : vector<16xf32> to vector<1x16xf32>
      tpu.vector_store %arg10[%swap3A_2828, %swap3A_2829], %swap3A_2832 {strides = array<i32>} : memref<16x256xf32, #tpu.memory_space<vmem>>, vector<1x16xf32>,
      %get3A_2833 = arith.constant 13 : i32
      %get3A_2834 = arith.index_cast %get3A_2833 : i32 to index
      %get3A_2835 = arith.constant 96 : index
      %get3A_2836 = tpu.vector_load %arg9[%get3A_2834, %get3A_2835] {strides = array<i32>} : memref<16x256xf32, #tpu.memory_space<vmem>>, vector<1x16xf32>,
      %get3A_2837 = vector.shape_cast %get3A_2836 : vector<1x16xf32> to vector<16xf32>
      %mul3A_2838 = vector.broadcast %squeeze3A_2754 : f32 to vector<16xf32>
      %mul3A_2839 = arith.mulf %get3A_2837, %mul3A_2838 : vector<16xf32>
      %swap3A_2840 = arith.constant 13 : i32
      %swap3A_2841 = arith.index_cast %swap3A_2840 : i32 to index
      %swap3A_2842 = arith.constant 96 : index
      %swap3A_2843 = tpu.vector_load %arg10[%swap3A_2841, %swap3A_2842] {strides = array<i32>} : memref<16x256xf32, #tpu.memory_space<vmem>>, vector<1x16xf32>,
      %swap3A_2844 = vector.shape_cast %swap3A_2843 : vector<1x16xf32> to vector<16xf32>
      %swap3A_2845 = vector.shape_cast %mul3A_2839 : vector<16xf32> to vector<1x16xf32>
      tpu.vector_store %arg10[%swap3A_2841, %swap3A_2842], %swap3A_2845 {strides = array<i32>} : memref<16x256xf32, #tpu.memory_space<vmem>>, vector<1x16xf32>,
      %get3A_2846 = arith.constant 13 : i32
      %get3A_2847 = arith.index_cast %get3A_2846 : i32 to index
      %get3A_2848 = arith.constant 112 : index
      %get3A_2849 = tpu.vector_load %arg9[%get3A_2847, %get3A_2848] {strides = array<i32>} : memref<16x256xf32, #tpu.memory_space<vmem>>, vector<1x16xf32>,
      %get3A_2850 = vector.shape_cast %get3A_2849 : vector<1x16xf32> to vector<16xf32>
      %mul3A_2851 = vector.broadcast %squeeze3A_2754 : f32 to vector<16xf32>
      %mul3A_2852 = arith.mulf %get3A_2850, %mul3A_2851 : vector<16xf32>
      %swap3A_2853 = arith.constant 13 : i32
      %swap3A_2854 = arith.index_cast %swap3A_2853 : i32 to index
      %swap3A_2855 = arith.constant 112 : index
      %swap3A_2856 = tpu.vector_load %arg10[%swap3A_2854, %swap3A_2855] {strides = array<i32>} : memref<16x256xf32, #tpu.memory_space<vmem>>, vector<1x16xf32>,
      %swap3A_2857 = vector.shape_cast %swap3A_2856 : vector<1x16xf32> to vector<16xf32>
      %swap3A_2858 = vector.shape_cast %mul3A_2852 : vector<16xf32> to vector<1x16xf32>
      tpu.vector_store %arg10[%swap3A_2854, %swap3A_2855], %swap3A_2858 {strides = array<i32>} : memref<16x256xf32, #tpu.memory_space<vmem>>, vector<1x16xf32>,
      %get3A_2859 = arith.constant 13 : i32
      %get3A_2860 = arith.index_cast %get3A_2859 : i32 to index
      %get3A_2861 = arith.constant 128 : index
      %get3A_2862 = tpu.vector_load %arg9[%get3A_2860, %get3A_2861] {strides = array<i32>} : memref<16x256xf32, #tpu.memory_space<vmem>>, vector<1x16xf32>,
      %get3A_2863 = vector.shape_cast %get3A_2862 : vector<1x16xf32> to vector<16xf32>
      %mul3A_2864 = vector.broadcast %squeeze3A_2754 : f32 to vector<16xf32>
      %mul3A_2865 = arith.mulf %get3A_2863, %mul3A_2864 : vector<16xf32>
      %swap3A_2866 = arith.constant 13 : i32
      %swap3A_2867 = arith.index_cast %swap3A_2866 : i32 to index
      %swap3A_2868 = arith.constant 128 : index
      %swap3A_2869 = tpu.vector_load %arg10[%swap3A_2867, %swap3A_2868] {strides = array<i32>} : memref<16x256xf32, #tpu.memory_space<vmem>>, vector<1x16xf32>,
      %swap3A_2870 = vector.shape_cast %swap3A_2869 : vector<1x16xf32> to vector<16xf32>
      %swap3A_2871 = vector.shape_cast %mul3A_2865 : vector<16xf32> to vector<1x16xf32>
      tpu.vector_store %arg10[%swap3A_2867, %swap3A_2868], %swap3A_2871 {strides = array<i32>} : memref<16x256xf32, #tpu.memory_space<vmem>>, vector<1x16xf32>,
      %get3A_2872 = arith.constant 13 : i32
      %get3A_2873 = arith.index_cast %get3A_2872 : i32 to index
      %get3A_2874 = arith.constant 144 : index
      %get3A_2875 = tpu.vector_load %arg9[%get3A_2873, %get3A_2874] {strides = array<i32>} : memref<16x256xf32, #tpu.memory_space<vmem>>, vector<1x16xf32>,
      %get3A_2876 = vector.shape_cast %get3A_2875 : vector<1x16xf32> to vector<16xf32>
      %mul3A_2877 = vector.broadcast %squeeze3A_2754 : f32 to vector<16xf32>
      %mul3A_2878 = arith.mulf %get3A_2876, %mul3A_2877 : vector<16xf32>
      %swap3A_2879 = arith.constant 13 : i32
      %swap3A_2880 = arith.index_cast %swap3A_2879 : i32 to index
      %swap3A_2881 = arith.constant 144 : index
      %swap3A_2882 = tpu.vector_load %arg10[%swap3A_2880, %swap3A_2881] {strides = array<i32>} : memref<16x256xf32, #tpu.memory_space<vmem>>, vector<1x16xf32>,
      %swap3A_2883 = vector.shape_cast %swap3A_2882 : vector<1x16xf32> to vector<16xf32>
      %swap3A_2884 = vector.shape_cast %mul3A_2878 : vector<16xf32> to vector<1x16xf32>
      tpu.vector_store %arg10[%swap3A_2880, %swap3A_2881], %swap3A_2884 {strides = array<i32>} : memref<16x256xf32, #tpu.memory_space<vmem>>, vector<1x16xf32>,
      %get3A_2885 = arith.constant 13 : i32
      %get3A_2886 = arith.index_cast %get3A_2885 : i32 to index
      %get3A_2887 = arith.constant 160 : index
      %get3A_2888 = tpu.vector_load %arg9[%get3A_2886, %get3A_2887] {strides = array<i32>} : memref<16x256xf32, #tpu.memory_space<vmem>>, vector<1x16xf32>,
      %get3A_2889 = vector.shape_cast %get3A_2888 : vector<1x16xf32> to vector<16xf32>
      %mul3A_2890 = vector.broadcast %squeeze3A_2754 : f32 to vector<16xf32>
      %mul3A_2891 = arith.mulf %get3A_2889, %mul3A_2890 : vector<16xf32>
      %swap3A_2892 = arith.constant 13 : i32
      %swap3A_2893 = arith.index_cast %swap3A_2892 : i32 to index
      %swap3A_2894 = arith.constant 160 : index
      %swap3A_2895 = tpu.vector_load %arg10[%swap3A_2893, %swap3A_2894] {strides = array<i32>} : memref<16x256xf32, #tpu.memory_space<vmem>>, vector<1x16xf32>,
      %swap3A_2896 = vector.shape_cast %swap3A_2895 : vector<1x16xf32> to vector<16xf32>
      %swap3A_2897 = vector.shape_cast %mul3A_2891 : vector<16xf32> to vector<1x16xf32>
      tpu.vector_store %arg10[%swap3A_2893, %swap3A_2894], %swap3A_2897 {strides = array<i32>} : memref<16x256xf32, #tpu.memory_space<vmem>>, vector<1x16xf32>,
      %get3A_2898 = arith.constant 13 : i32
      %get3A_2899 = arith.index_cast %get3A_2898 : i32 to index
      %get3A_2900 = arith.constant 176 : index
      %get3A_2901 = tpu.vector_load %arg9[%get3A_2899, %get3A_2900] {strides = array<i32>} : memref<16x256xf32, #tpu.memory_space<vmem>>, vector<1x16xf32>,
      %get3A_2902 = vector.shape_cast %get3A_2901 : vector<1x16xf32> to vector<16xf32>
      %mul3A_2903 = vector.broadcast %squeeze3A_2754 : f32 to vector<16xf32>
      %mul3A_2904 = arith.mulf %get3A_2902, %mul3A_2903 : vector<16xf32>
      %swap3A_2905 = arith.constant 13 : i32
      %swap3A_2906 = arith.index_cast %swap3A_2905 : i32 to index
      %swap3A_2907 = arith.constant 176 : index
      %swap3A_2908 = tpu.vector_load %arg10[%swap3A_2906, %swap3A_2907] {strides = array<i32>} : memref<16x256xf32, #tpu.memory_space<vmem>>, vector<1x16xf32>,
      %swap3A_2909 = vector.shape_cast %swap3A_2908 : vector<1x16xf32> to vector<16xf32>
      %swap3A_2910 = vector.shape_cast %mul3A_2904 : vector<16xf32> to vector<1x16xf32>
      tpu.vector_store %arg10[%swap3A_2906, %swap3A_2907], %swap3A_2910 {strides = array<i32>} : memref<16x256xf32, #tpu.memory_space<vmem>>, vector<1x16xf32>,
      %get3A_2911 = arith.constant 13 : i32
      %get3A_2912 = arith.index_cast %get3A_2911 : i32 to index
      %get3A_2913 = arith.constant 192 : index
      %get3A_2914 = tpu.vector_load %arg9[%get3A_2912, %get3A_2913] {strides = array<i32>} : memref<16x256xf32, #tpu.memory_space<vmem>>, vector<1x16xf32>,
      %get3A_2915 = vector.shape_cast %get3A_2914 : vector<1x16xf32> to vector<16xf32>
      %mul3A_2916 = vector.broadcast %squeeze3A_2754 : f32 to vector<16xf32>
      %mul3A_2917 = arith.mulf %get3A_2915, %mul3A_2916 : vector<16xf32>
      %swap3A_2918 = arith.constant 13 : i32
      %swap3A_2919 = arith.index_cast %swap3A_2918 : i32 to index
      %swap3A_2920 = arith.constant 192 : index
      %swap3A_2921 = tpu.vector_load %arg10[%swap3A_2919, %swap3A_2920] {strides = array<i32>} : memref<16x256xf32, #tpu.memory_space<vmem>>, vector<1x16xf32>,
      %swap3A_2922 = vector.shape_cast %swap3A_2921 : vector<1x16xf32> to vector<16xf32>
      %swap3A_2923 = vector.shape_cast %mul3A_2917 : vector<16xf32> to vector<1x16xf32>
      tpu.vector_store %arg10[%swap3A_2919, %swap3A_2920], %swap3A_2923 {strides = array<i32>} : memref<16x256xf32, #tpu.memory_space<vmem>>, vector<1x16xf32>,
      %get3A_2924 = arith.constant 13 : i32
      %get3A_2925 = arith.index_cast %get3A_2924 : i32 to index
      %get3A_2926 = arith.constant 208 : index
      %get3A_2927 = tpu.vector_load %arg9[%get3A_2925, %get3A_2926] {strides = array<i32>} : memref<16x256xf32, #tpu.memory_space<vmem>>, vector<1x16xf32>,
      %get3A_2928 = vector.shape_cast %get3A_2927 : vector<1x16xf32> to vector<16xf32>
      %mul3A_2929 = vector.broadcast %squeeze3A_2754 : f32 to vector<16xf32>
      %mul3A_2930 = arith.mulf %get3A_2928, %mul3A_2929 : vector<16xf32>
      %swap3A_2931 = arith.constant 13 : i32
      %swap3A_2932 = arith.index_cast %swap3A_2931 : i32 to index
      %swap3A_2933 = arith.constant 208 : index
      %swap3A_2934 = tpu.vector_load %arg10[%swap3A_2932, %swap3A_2933] {strides = array<i32>} : memref<16x256xf32, #tpu.memory_space<vmem>>, vector<1x16xf32>,
      %swap3A_2935 = vector.shape_cast %swap3A_2934 : vector<1x16xf32> to vector<16xf32>
      %swap3A_2936 = vector.shape_cast %mul3A_2930 : vector<16xf32> to vector<1x16xf32>
      tpu.vector_store %arg10[%swap3A_2932, %swap3A_2933], %swap3A_2936 {strides = array<i32>} : memref<16x256xf32, #tpu.memory_space<vmem>>, vector<1x16xf32>,
      %get3A_2937 = arith.constant 13 : i32
      %get3A_2938 = arith.index_cast %get3A_2937 : i32 to index
      %get3A_2939 = arith.constant 224 : index
      %get3A_2940 = tpu.vector_load %arg9[%get3A_2938, %get3A_2939] {strides = array<i32>} : memref<16x256xf32, #tpu.memory_space<vmem>>, vector<1x16xf32>,
      %get3A_2941 = vector.shape_cast %get3A_2940 : vector<1x16xf32> to vector<16xf32>
      %mul3A_2942 = vector.broadcast %squeeze3A_2754 : f32 to vector<16xf32>
      %mul3A_2943 = arith.mulf %get3A_2941, %mul3A_2942 : vector<16xf32>
      %swap3A_2944 = arith.constant 13 : i32
      %swap3A_2945 = arith.index_cast %swap3A_2944 : i32 to index
      %swap3A_2946 = arith.constant 224 : index
      %swap3A_2947 = tpu.vector_load %arg10[%swap3A_2945, %swap3A_2946] {strides = array<i32>} : memref<16x256xf32, #tpu.memory_space<vmem>>, vector<1x16xf32>,
      %swap3A_2948 = vector.shape_cast %swap3A_2947 : vector<1x16xf32> to vector<16xf32>
      %swap3A_2949 = vector.shape_cast %mul3A_2943 : vector<16xf32> to vector<1x16xf32>
      tpu.vector_store %arg10[%swap3A_2945, %swap3A_2946], %swap3A_2949 {strides = array<i32>} : memref<16x256xf32, #tpu.memory_space<vmem>>, vector<1x16xf32>,
      %get3A_2950 = arith.constant 13 : i32
      %get3A_2951 = arith.index_cast %get3A_2950 : i32 to index
      %get3A_2952 = arith.constant 240 : index
      %get3A_2953 = tpu.vector_load %arg9[%get3A_2951, %get3A_2952] {strides = array<i32>} : memref<16x256xf32, #tpu.memory_space<vmem>>, vector<1x16xf32>,
      %get3A_2954 = vector.shape_cast %get3A_2953 : vector<1x16xf32> to vector<16xf32>
      %mul3A_2955 = vector.broadcast %squeeze3A_2754 : f32 to vector<16xf32>
      %mul3A_2956 = arith.mulf %get3A_2954, %mul3A_2955 : vector<16xf32>
      %swap3A_2957 = arith.constant 13 : i32
      %swap3A_2958 = arith.index_cast %swap3A_2957 : i32 to index
      %swap3A_2959 = arith.constant 240 : index
      %swap3A_2960 = tpu.vector_load %arg10[%swap3A_2958, %swap3A_2959] {strides = array<i32>} : memref<16x256xf32, #tpu.memory_space<vmem>>, vector<1x16xf32>,
      %swap3A_2961 = vector.shape_cast %swap3A_2960 : vector<1x16xf32> to vector<16xf32>
      %swap3A_2962 = vector.shape_cast %mul3A_2956 : vector<16xf32> to vector<1x16xf32>
      tpu.vector_store %arg10[%swap3A_2958, %swap3A_2959], %swap3A_2962 {strides = array<i32>} : memref<16x256xf32, #tpu.memory_space<vmem>>, vector<1x16xf32>,
      %slice3A_2963 = vector.extract_strided_slice %get3A_24 {offsets = [14], sizes = [1], strides = [1]} : vector<16xf32> to vector<1xf32>
      %squeeze3A_2964 = vector.extract %slice3A_2963[0] : f32 from vector<1xf32>
      %get3A_2965 = arith.constant 14 : i32
      %get3A_2966 = arith.index_cast %get3A_2965 : i32 to index
      %get3A_2967 = arith.constant 0 : index
      %get3A_2968 = tpu.vector_load %arg9[%get3A_2966, %get3A_2967] {strides = array<i32>} : memref<16x256xf32, #tpu.memory_space<vmem>>, vector<1x16xf32>,
      %get3A_2969 = vector.shape_cast %get3A_2968 : vector<1x16xf32> to vector<16xf32>
      %mul3A_2970 = vector.broadcast %squeeze3A_2964 : f32 to vector<16xf32>
      %mul3A_2971 = arith.mulf %get3A_2969, %mul3A_2970 : vector<16xf32>
      %swap3A_2972 = arith.constant 14 : i32
      %swap3A_2973 = arith.index_cast %swap3A_2972 : i32 to index
      %swap3A_2974 = arith.constant 0 : index
      %swap3A_2975 = tpu.vector_load %arg10[%swap3A_2973, %swap3A_2974] {strides = array<i32>} : memref<16x256xf32, #tpu.memory_space<vmem>>, vector<1x16xf32>,
      %swap3A_2976 = vector.shape_cast %swap3A_2975 : vector<1x16xf32> to vector<16xf32>
      %swap3A_2977 = vector.shape_cast %mul3A_2971 : vector<16xf32> to vector<1x16xf32>
      tpu.vector_store %arg10[%swap3A_2973, %swap3A_2974], %swap3A_2977 {strides = array<i32>} : memref<16x256xf32, #tpu.memory_space<vmem>>, vector<1x16xf32>,
      %get3A_2978 = arith.constant 14 : i32
      %get3A_2979 = arith.index_cast %get3A_2978 : i32 to index
      %get3A_2980 = arith.constant 16 : index
      %get3A_2981 = tpu.vector_load %arg9[%get3A_2979, %get3A_2980] {strides = array<i32>} : memref<16x256xf32, #tpu.memory_space<vmem>>, vector<1x16xf32>,
      %get3A_2982 = vector.shape_cast %get3A_2981 : vector<1x16xf32> to vector<16xf32>
      %mul3A_2983 = vector.broadcast %squeeze3A_2964 : f32 to vector<16xf32>
      %mul3A_2984 = arith.mulf %get3A_2982, %mul3A_2983 : vector<16xf32>
      %swap3A_2985 = arith.constant 14 : i32
      %swap3A_2986 = arith.index_cast %swap3A_2985 : i32 to index
      %swap3A_2987 = arith.constant 16 : index
      %swap3A_2988 = tpu.vector_load %arg10[%swap3A_2986, %swap3A_2987] {strides = array<i32>} : memref<16x256xf32, #tpu.memory_space<vmem>>, vector<1x16xf32>,
      %swap3A_2989 = vector.shape_cast %swap3A_2988 : vector<1x16xf32> to vector<16xf32>
      %swap3A_2990 = vector.shape_cast %mul3A_2984 : vector<16xf32> to vector<1x16xf32>
      tpu.vector_store %arg10[%swap3A_2986, %swap3A_2987], %swap3A_2990 {strides = array<i32>} : memref<16x256xf32, #tpu.memory_space<vmem>>, vector<1x16xf32>,
      %get3A_2991 = arith.constant 14 : i32
      %get3A_2992 = arith.index_cast %get3A_2991 : i32 to index
      %get3A_2993 = arith.constant 32 : index
      %get3A_2994 = tpu.vector_load %arg9[%get3A_2992, %get3A_2993] {strides = array<i32>} : memref<16x256xf32, #tpu.memory_space<vmem>>, vector<1x16xf32>,
      %get3A_2995 = vector.shape_cast %get3A_2994 : vector<1x16xf32> to vector<16xf32>
      %mul3A_2996 = vector.broadcast %squeeze3A_2964 : f32 to vector<16xf32>
      %mul3A_2997 = arith.mulf %get3A_2995, %mul3A_2996 : vector<16xf32>
      %swap3A_2998 = arith.constant 14 : i32
      %swap3A_2999 = arith.index_cast %swap3A_2998 : i32 to index
      %swap3A_3000 = arith.constant 32 : index
      %swap3A_3001 = tpu.vector_load %arg10[%swap3A_2999, %swap3A_3000] {strides = array<i32>} : memref<16x256xf32, #tpu.memory_space<vmem>>, vector<1x16xf32>,
      %swap3A_3002 = vector.shape_cast %swap3A_3001 : vector<1x16xf32> to vector<16xf32>
      %swap3A_3003 = vector.shape_cast %mul3A_2997 : vector<16xf32> to vector<1x16xf32>
      tpu.vector_store %arg10[%swap3A_2999, %swap3A_3000], %swap3A_3003 {strides = array<i32>} : memref<16x256xf32, #tpu.memory_space<vmem>>, vector<1x16xf32>,
      %get3A_3004 = arith.constant 14 : i32
      %get3A_3005 = arith.index_cast %get3A_3004 : i32 to index
      %get3A_3006 = arith.constant 48 : index
      %get3A_3007 = tpu.vector_load %arg9[%get3A_3005, %get3A_3006] {strides = array<i32>} : memref<16x256xf32, #tpu.memory_space<vmem>>, vector<1x16xf32>,
      %get3A_3008 = vector.shape_cast %get3A_3007 : vector<1x16xf32> to vector<16xf32>
      %mul3A_3009 = vector.broadcast %squeeze3A_2964 : f32 to vector<16xf32>
      %mul3A_3010 = arith.mulf %get3A_3008, %mul3A_3009 : vector<16xf32>
      %swap3A_3011 = arith.constant 14 : i32
      %swap3A_3012 = arith.index_cast %swap3A_3011 : i32 to index
      %swap3A_3013 = arith.constant 48 : index
      %swap3A_3014 = tpu.vector_load %arg10[%swap3A_3012, %swap3A_3013] {strides = array<i32>} : memref<16x256xf32, #tpu.memory_space<vmem>>, vector<1x16xf32>,
      %swap3A_3015 = vector.shape_cast %swap3A_3014 : vector<1x16xf32> to vector<16xf32>
      %swap3A_3016 = vector.shape_cast %mul3A_3010 : vector<16xf32> to vector<1x16xf32>
      tpu.vector_store %arg10[%swap3A_3012, %swap3A_3013], %swap3A_3016 {strides = array<i32>} : memref<16x256xf32, #tpu.memory_space<vmem>>, vector<1x16xf32>,
      %get3A_3017 = arith.constant 14 : i32
      %get3A_3018 = arith.index_cast %get3A_3017 : i32 to index
      %get3A_3019 = arith.constant 64 : index
      %get3A_3020 = tpu.vector_load %arg9[%get3A_3018, %get3A_3019] {strides = array<i32>} : memref<16x256xf32, #tpu.memory_space<vmem>>, vector<1x16xf32>,
      %get3A_3021 = vector.shape_cast %get3A_3020 : vector<1x16xf32> to vector<16xf32>
      %mul3A_3022 = vector.broadcast %squeeze3A_2964 : f32 to vector<16xf32>
      %mul3A_3023 = arith.mulf %get3A_3021, %mul3A_3022 : vector<16xf32>
      %swap3A_3024 = arith.constant 14 : i32
      %swap3A_3025 = arith.index_cast %swap3A_3024 : i32 to index
      %swap3A_3026 = arith.constant 64 : index
      %swap3A_3027 = tpu.vector_load %arg10[%swap3A_3025, %swap3A_3026] {strides = array<i32>} : memref<16x256xf32, #tpu.memory_space<vmem>>, vector<1x16xf32>,
      %swap3A_3028 = vector.shape_cast %swap3A_3027 : vector<1x16xf32> to vector<16xf32>
      %swap3A_3029 = vector.shape_cast %mul3A_3023 : vector<16xf32> to vector<1x16xf32>
      tpu.vector_store %arg10[%swap3A_3025, %swap3A_3026], %swap3A_3029 {strides = array<i32>} : memref<16x256xf32, #tpu.memory_space<vmem>>, vector<1x16xf32>,
      %get3A_3030 = arith.constant 14 : i32
      %get3A_3031 = arith.index_cast %get3A_3030 : i32 to index
      %get3A_3032 = arith.constant 80 : index
      %get3A_3033 = tpu.vector_load %arg9[%get3A_3031, %get3A_3032] {strides = array<i32>} : memref<16x256xf32, #tpu.memory_space<vmem>>, vector<1x16xf32>,
      %get3A_3034 = vector.shape_cast %get3A_3033 : vector<1x16xf32> to vector<16xf32>
      %mul3A_3035 = vector.broadcast %squeeze3A_2964 : f32 to vector<16xf32>
      %mul3A_3036 = arith.mulf %get3A_3034, %mul3A_3035 : vector<16xf32>
      %swap3A_3037 = arith.constant 14 : i32
      %swap3A_3038 = arith.index_cast %swap3A_3037 : i32 to index
      %swap3A_3039 = arith.constant 80 : index
      %swap3A_3040 = tpu.vector_load %arg10[%swap3A_3038, %swap3A_3039] {strides = array<i32>} : memref<16x256xf32, #tpu.memory_space<vmem>>, vector<1x16xf32>,
      %swap3A_3041 = vector.shape_cast %swap3A_3040 : vector<1x16xf32> to vector<16xf32>
      %swap3A_3042 = vector.shape_cast %mul3A_3036 : vector<16xf32> to vector<1x16xf32>
      tpu.vector_store %arg10[%swap3A_3038, %swap3A_3039], %swap3A_3042 {strides = array<i32>} : memref<16x256xf32, #tpu.memory_space<vmem>>, vector<1x16xf32>,
      %get3A_3043 = arith.constant 14 : i32
      %get3A_3044 = arith.index_cast %get3A_3043 : i32 to index
      %get3A_3045 = arith.constant 96 : index
      %get3A_3046 = tpu.vector_load %arg9[%get3A_3044, %get3A_3045] {strides = array<i32>} : memref<16x256xf32, #tpu.memory_space<vmem>>, vector<1x16xf32>,
      %get3A_3047 = vector.shape_cast %get3A_3046 : vector<1x16xf32> to vector<16xf32>
      %mul3A_3048 = vector.broadcast %squeeze3A_2964 : f32 to vector<16xf32>
      %mul3A_3049 = arith.mulf %get3A_3047, %mul3A_3048 : vector<16xf32>
      %swap3A_3050 = arith.constant 14 : i32
      %swap3A_3051 = arith.index_cast %swap3A_3050 : i32 to index
      %swap3A_3052 = arith.constant 96 : index
      %swap3A_3053 = tpu.vector_load %arg10[%swap3A_3051, %swap3A_3052] {strides = array<i32>} : memref<16x256xf32, #tpu.memory_space<vmem>>, vector<1x16xf32>,
      %swap3A_3054 = vector.shape_cast %swap3A_3053 : vector<1x16xf32> to vector<16xf32>
      %swap3A_3055 = vector.shape_cast %mul3A_3049 : vector<16xf32> to vector<1x16xf32>
      tpu.vector_store %arg10[%swap3A_3051, %swap3A_3052], %swap3A_3055 {strides = array<i32>} : memref<16x256xf32, #tpu.memory_space<vmem>>, vector<1x16xf32>,
      %get3A_3056 = arith.constant 14 : i32
      %get3A_3057 = arith.index_cast %get3A_3056 : i32 to index
      %get3A_3058 = arith.constant 112 : index
      %get3A_3059 = tpu.vector_load %arg9[%get3A_3057, %get3A_3058] {strides = array<i32>} : memref<16x256xf32, #tpu.memory_space<vmem>>, vector<1x16xf32>,
      %get3A_3060 = vector.shape_cast %get3A_3059 : vector<1x16xf32> to vector<16xf32>
      %mul3A_3061 = vector.broadcast %squeeze3A_2964 : f32 to vector<16xf32>
      %mul3A_3062 = arith.mulf %get3A_3060, %mul3A_3061 : vector<16xf32>
      %swap3A_3063 = arith.constant 14 : i32
      %swap3A_3064 = arith.index_cast %swap3A_3063 : i32 to index
      %swap3A_3065 = arith.constant 112 : index
      %swap3A_3066 = tpu.vector_load %arg10[%swap3A_3064, %swap3A_3065] {strides = array<i32>} : memref<16x256xf32, #tpu.memory_space<vmem>>, vector<1x16xf32>,
      %swap3A_3067 = vector.shape_cast %swap3A_3066 : vector<1x16xf32> to vector<16xf32>
      %swap3A_3068 = vector.shape_cast %mul3A_3062 : vector<16xf32> to vector<1x16xf32>
      tpu.vector_store %arg10[%swap3A_3064, %swap3A_3065], %swap3A_3068 {strides = array<i32>} : memref<16x256xf32, #tpu.memory_space<vmem>>, vector<1x16xf32>,
      %get3A_3069 = arith.constant 14 : i32
      %get3A_3070 = arith.index_cast %get3A_3069 : i32 to index
      %get3A_3071 = arith.constant 128 : index
      %get3A_3072 = tpu.vector_load %arg9[%get3A_3070, %get3A_3071] {strides = array<i32>} : memref<16x256xf32, #tpu.memory_space<vmem>>, vector<1x16xf32>,
      %get3A_3073 = vector.shape_cast %get3A_3072 : vector<1x16xf32> to vector<16xf32>
      %mul3A_3074 = vector.broadcast %squeeze3A_2964 : f32 to vector<16xf32>
      %mul3A_3075 = arith.mulf %get3A_3073, %mul3A_3074 : vector<16xf32>
      %swap3A_3076 = arith.constant 14 : i32
      %swap3A_3077 = arith.index_cast %swap3A_3076 : i32 to index
      %swap3A_3078 = arith.constant 128 : index
      %swap3A_3079 = tpu.vector_load %arg10[%swap3A_3077, %swap3A_3078] {strides = array<i32>} : memref<16x256xf32, #tpu.memory_space<vmem>>, vector<1x16xf32>,
      %swap3A_3080 = vector.shape_cast %swap3A_3079 : vector<1x16xf32> to vector<16xf32>
      %swap3A_3081 = vector.shape_cast %mul3A_3075 : vector<16xf32> to vector<1x16xf32>
      tpu.vector_store %arg10[%swap3A_3077, %swap3A_3078], %swap3A_3081 {strides = array<i32>} : memref<16x256xf32, #tpu.memory_space<vmem>>, vector<1x16xf32>,
      %get3A_3082 = arith.constant 14 : i32
      %get3A_3083 = arith.index_cast %get3A_3082 : i32 to index
      %get3A_3084 = arith.constant 144 : index
      %get3A_3085 = tpu.vector_load %arg9[%get3A_3083, %get3A_3084] {strides = array<i32>} : memref<16x256xf32, #tpu.memory_space<vmem>>, vector<1x16xf32>,
      %get3A_3086 = vector.shape_cast %get3A_3085 : vector<1x16xf32> to vector<16xf32>
      %mul3A_3087 = vector.broadcast %squeeze3A_2964 : f32 to vector<16xf32>
      %mul3A_3088 = arith.mulf %get3A_3086, %mul3A_3087 : vector<16xf32>
      %swap3A_3089 = arith.constant 14 : i32
      %swap3A_3090 = arith.index_cast %swap3A_3089 : i32 to index
      %swap3A_3091 = arith.constant 144 : index
      %swap3A_3092 = tpu.vector_load %arg10[%swap3A_3090, %swap3A_3091] {strides = array<i32>} : memref<16x256xf32, #tpu.memory_space<vmem>>, vector<1x16xf32>,
      %swap3A_3093 = vector.shape_cast %swap3A_3092 : vector<1x16xf32> to vector<16xf32>
      %swap3A_3094 = vector.shape_cast %mul3A_3088 : vector<16xf32> to vector<1x16xf32>
      tpu.vector_store %arg10[%swap3A_3090, %swap3A_3091], %swap3A_3094 {strides = array<i32>} : memref<16x256xf32, #tpu.memory_space<vmem>>, vector<1x16xf32>,
      %get3A_3095 = arith.constant 14 : i32
      %get3A_3096 = arith.index_cast %get3A_3095 : i32 to index
      %get3A_3097 = arith.constant 160 : index
      %get3A_3098 = tpu.vector_load %arg9[%get3A_3096, %get3A_3097] {strides = array<i32>} : memref<16x256xf32, #tpu.memory_space<vmem>>, vector<1x16xf32>,
      %get3A_3099 = vector.shape_cast %get3A_3098 : vector<1x16xf32> to vector<16xf32>
      %mul3A_3100 = vector.broadcast %squeeze3A_2964 : f32 to vector<16xf32>
      %mul3A_3101 = arith.mulf %get3A_3099, %mul3A_3100 : vector<16xf32>
      %swap3A_3102 = arith.constant 14 : i32
      %swap3A_3103 = arith.index_cast %swap3A_3102 : i32 to index
      %swap3A_3104 = arith.constant 160 : index
      %swap3A_3105 = tpu.vector_load %arg10[%swap3A_3103, %swap3A_3104] {strides = array<i32>} : memref<16x256xf32, #tpu.memory_space<vmem>>, vector<1x16xf32>,
      %swap3A_3106 = vector.shape_cast %swap3A_3105 : vector<1x16xf32> to vector<16xf32>
      %swap3A_3107 = vector.shape_cast %mul3A_3101 : vector<16xf32> to vector<1x16xf32>
      tpu.vector_store %arg10[%swap3A_3103, %swap3A_3104], %swap3A_3107 {strides = array<i32>} : memref<16x256xf32, #tpu.memory_space<vmem>>, vector<1x16xf32>,
      %get3A_3108 = arith.constant 14 : i32
      %get3A_3109 = arith.index_cast %get3A_3108 : i32 to index
      %get3A_3110 = arith.constant 176 : index
      %get3A_3111 = tpu.vector_load %arg9[%get3A_3109, %get3A_3110] {strides = array<i32>} : memref<16x256xf32, #tpu.memory_space<vmem>>, vector<1x16xf32>,
      %get3A_3112 = vector.shape_cast %get3A_3111 : vector<1x16xf32> to vector<16xf32>
      %mul3A_3113 = vector.broadcast %squeeze3A_2964 : f32 to vector<16xf32>
      %mul3A_3114 = arith.mulf %get3A_3112, %mul3A_3113 : vector<16xf32>
      %swap3A_3115 = arith.constant 14 : i32
      %swap3A_3116 = arith.index_cast %swap3A_3115 : i32 to index
      %swap3A_3117 = arith.constant 176 : index
      %swap3A_3118 = tpu.vector_load %arg10[%swap3A_3116, %swap3A_3117] {strides = array<i32>} : memref<16x256xf32, #tpu.memory_space<vmem>>, vector<1x16xf32>,
      %swap3A_3119 = vector.shape_cast %swap3A_3118 : vector<1x16xf32> to vector<16xf32>
      %swap3A_3120 = vector.shape_cast %mul3A_3114 : vector<16xf32> to vector<1x16xf32>
      tpu.vector_store %arg10[%swap3A_3116, %swap3A_3117], %swap3A_3120 {strides = array<i32>} : memref<16x256xf32, #tpu.memory_space<vmem>>, vector<1x16xf32>,
      %get3A_3121 = arith.constant 14 : i32
      %get3A_3122 = arith.index_cast %get3A_3121 : i32 to index
      %get3A_3123 = arith.constant 192 : index
      %get3A_3124 = tpu.vector_load %arg9[%get3A_3122, %get3A_3123] {strides = array<i32>} : memref<16x256xf32, #tpu.memory_space<vmem>>, vector<1x16xf32>,
      %get3A_3125 = vector.shape_cast %get3A_3124 : vector<1x16xf32> to vector<16xf32>
      %mul3A_3126 = vector.broadcast %squeeze3A_2964 : f32 to vector<16xf32>
      %mul3A_3127 = arith.mulf %get3A_3125, %mul3A_3126 : vector<16xf32>
      %swap3A_3128 = arith.constant 14 : i32
      %swap3A_3129 = arith.index_cast %swap3A_3128 : i32 to index
      %swap3A_3130 = arith.constant 192 : index
      %swap3A_3131 = tpu.vector_load %arg10[%swap3A_3129, %swap3A_3130] {strides = array<i32>} : memref<16x256xf32, #tpu.memory_space<vmem>>, vector<1x16xf32>,
      %swap3A_3132 = vector.shape_cast %swap3A_3131 : vector<1x16xf32> to vector<16xf32>
      %swap3A_3133 = vector.shape_cast %mul3A_3127 : vector<16xf32> to vector<1x16xf32>
      tpu.vector_store %arg10[%swap3A_3129, %swap3A_3130], %swap3A_3133 {strides = array<i32>} : memref<16x256xf32, #tpu.memory_space<vmem>>, vector<1x16xf32>,
      %get3A_3134 = arith.constant 14 : i32
      %get3A_3135 = arith.index_cast %get3A_3134 : i32 to index
      %get3A_3136 = arith.constant 208 : index
      %get3A_3137 = tpu.vector_load %arg9[%get3A_3135, %get3A_3136] {strides = array<i32>} : memref<16x256xf32, #tpu.memory_space<vmem>>, vector<1x16xf32>,
      %get3A_3138 = vector.shape_cast %get3A_3137 : vector<1x16xf32> to vector<16xf32>
      %mul3A_3139 = vector.broadcast %squeeze3A_2964 : f32 to vector<16xf32>
      %mul3A_3140 = arith.mulf %get3A_3138, %mul3A_3139 : vector<16xf32>
      %swap3A_3141 = arith.constant 14 : i32
      %swap3A_3142 = arith.index_cast %swap3A_3141 : i32 to index
      %swap3A_3143 = arith.constant 208 : index
      %swap3A_3144 = tpu.vector_load %arg10[%swap3A_3142, %swap3A_3143] {strides = array<i32>} : memref<16x256xf32, #tpu.memory_space<vmem>>, vector<1x16xf32>,
      %swap3A_3145 = vector.shape_cast %swap3A_3144 : vector<1x16xf32> to vector<16xf32>
      %swap3A_3146 = vector.shape_cast %mul3A_3140 : vector<16xf32> to vector<1x16xf32>
      tpu.vector_store %arg10[%swap3A_3142, %swap3A_3143], %swap3A_3146 {strides = array<i32>} : memref<16x256xf32, #tpu.memory_space<vmem>>, vector<1x16xf32>,
      %get3A_3147 = arith.constant 14 : i32
      %get3A_3148 = arith.index_cast %get3A_3147 : i32 to index
      %get3A_3149 = arith.constant 224 : index
      %get3A_3150 = tpu.vector_load %arg9[%get3A_3148, %get3A_3149] {strides = array<i32>} : memref<16x256xf32, #tpu.memory_space<vmem>>, vector<1x16xf32>,
      %get3A_3151 = vector.shape_cast %get3A_3150 : vector<1x16xf32> to vector<16xf32>
      %mul3A_3152 = vector.broadcast %squeeze3A_2964 : f32 to vector<16xf32>
      %mul3A_3153 = arith.mulf %get3A_3151, %mul3A_3152 : vector<16xf32>
      %swap3A_3154 = arith.constant 14 : i32
      %swap3A_3155 = arith.index_cast %swap3A_3154 : i32 to index
      %swap3A_3156 = arith.constant 224 : index
      %swap3A_3157 = tpu.vector_load %arg10[%swap3A_3155, %swap3A_3156] {strides = array<i32>} : memref<16x256xf32, #tpu.memory_space<vmem>>, vector<1x16xf32>,
      %swap3A_3158 = vector.shape_cast %swap3A_3157 : vector<1x16xf32> to vector<16xf32>
      %swap3A_3159 = vector.shape_cast %mul3A_3153 : vector<16xf32> to vector<1x16xf32>
      tpu.vector_store %arg10[%swap3A_3155, %swap3A_3156], %swap3A_3159 {strides = array<i32>} : memref<16x256xf32, #tpu.memory_space<vmem>>, vector<1x16xf32>,
      %get3A_3160 = arith.constant 14 : i32
      %get3A_3161 = arith.index_cast %get3A_3160 : i32 to index
      %get3A_3162 = arith.constant 240 : index
      %get3A_3163 = tpu.vector_load %arg9[%get3A_3161, %get3A_3162] {strides = array<i32>} : memref<16x256xf32, #tpu.memory_space<vmem>>, vector<1x16xf32>,
      %get3A_3164 = vector.shape_cast %get3A_3163 : vector<1x16xf32> to vector<16xf32>
      %mul3A_3165 = vector.broadcast %squeeze3A_2964 : f32 to vector<16xf32>
      %mul3A_3166 = arith.mulf %get3A_3164, %mul3A_3165 : vector<16xf32>
      %swap3A_3167 = arith.constant 14 : i32
      %swap3A_3168 = arith.index_cast %swap3A_3167 : i32 to index
      %swap3A_3169 = arith.constant 240 : index
      %swap3A_3170 = tpu.vector_load %arg10[%swap3A_3168, %swap3A_3169] {strides = array<i32>} : memref<16x256xf32, #tpu.memory_space<vmem>>, vector<1x16xf32>,
      %swap3A_3171 = vector.shape_cast %swap3A_3170 : vector<1x16xf32> to vector<16xf32>
      %swap3A_3172 = vector.shape_cast %mul3A_3166 : vector<16xf32> to vector<1x16xf32>
      tpu.vector_store %arg10[%swap3A_3168, %swap3A_3169], %swap3A_3172 {strides = array<i32>} : memref<16x256xf32, #tpu.memory_space<vmem>>, vector<1x16xf32>,
      %slice3A_3173 = vector.extract_strided_slice %get3A_24 {offsets = [15], sizes = [1], strides = [1]} : vector<16xf32> to vector<1xf32>
      %squeeze3A_3174 = vector.extract %slice3A_3173[0] : f32 from vector<1xf32>
      %get3A_3175 = arith.constant 15 : i32
      %get3A_3176 = arith.index_cast %get3A_3175 : i32 to index
      %get3A_3177 = arith.constant 0 : index
      %get3A_3178 = tpu.vector_load %arg9[%get3A_3176, %get3A_3177] {strides = array<i32>} : memref<16x256xf32, #tpu.memory_space<vmem>>, vector<1x16xf32>,
      %get3A_3179 = vector.shape_cast %get3A_3178 : vector<1x16xf32> to vector<16xf32>
      %mul3A_3180 = vector.broadcast %squeeze3A_3174 : f32 to vector<16xf32>
      %mul3A_3181 = arith.mulf %get3A_3179, %mul3A_3180 : vector<16xf32>
      %swap3A_3182 = arith.constant 15 : i32
      %swap3A_3183 = arith.index_cast %swap3A_3182 : i32 to index
      %swap3A_3184 = arith.constant 0 : index
      %swap3A_3185 = tpu.vector_load %arg10[%swap3A_3183, %swap3A_3184] {strides = array<i32>} : memref<16x256xf32, #tpu.memory_space<vmem>>, vector<1x16xf32>,
      %swap3A_3186 = vector.shape_cast %swap3A_3185 : vector<1x16xf32> to vector<16xf32>
      %swap3A_3187 = vector.shape_cast %mul3A_3181 : vector<16xf32> to vector<1x16xf32>
      tpu.vector_store %arg10[%swap3A_3183, %swap3A_3184], %swap3A_3187 {strides = array<i32>} : memref<16x256xf32, #tpu.memory_space<vmem>>, vector<1x16xf32>,
      %get3A_3188 = arith.constant 15 : i32
      %get3A_3189 = arith.index_cast %get3A_3188 : i32 to index
      %get3A_3190 = arith.constant 16 : index
      %get3A_3191 = tpu.vector_load %arg9[%get3A_3189, %get3A_3190] {strides = array<i32>} : memref<16x256xf32, #tpu.memory_space<vmem>>, vector<1x16xf32>,
      %get3A_3192 = vector.shape_cast %get3A_3191 : vector<1x16xf32> to vector<16xf32>
      %mul3A_3193 = vector.broadcast %squeeze3A_3174 : f32 to vector<16xf32>
      %mul3A_3194 = arith.mulf %get3A_3192, %mul3A_3193 : vector<16xf32>
      %swap3A_3195 = arith.constant 15 : i32
      %swap3A_3196 = arith.index_cast %swap3A_3195 : i32 to index
      %swap3A_3197 = arith.constant 16 : index
      %swap3A_3198 = tpu.vector_load %arg10[%swap3A_3196, %swap3A_3197] {strides = array<i32>} : memref<16x256xf32, #tpu.memory_space<vmem>>, vector<1x16xf32>,
      %swap3A_3199 = vector.shape_cast %swap3A_3198 : vector<1x16xf32> to vector<16xf32>
      %swap3A_3200 = vector.shape_cast %mul3A_3194 : vector<16xf32> to vector<1x16xf32>
      tpu.vector_store %arg10[%swap3A_3196, %swap3A_3197], %swap3A_3200 {strides = array<i32>} : memref<16x256xf32, #tpu.memory_space<vmem>>, vector<1x16xf32>,
      %get3A_3201 = arith.constant 15 : i32
      %get3A_3202 = arith.index_cast %get3A_3201 : i32 to index
      %get3A_3203 = arith.constant 32 : index
      %get3A_3204 = tpu.vector_load %arg9[%get3A_3202, %get3A_3203] {strides = array<i32>} : memref<16x256xf32, #tpu.memory_space<vmem>>, vector<1x16xf32>,
      %get3A_3205 = vector.shape_cast %get3A_3204 : vector<1x16xf32> to vector<16xf32>
      %mul3A_3206 = vector.broadcast %squeeze3A_3174 : f32 to vector<16xf32>
      %mul3A_3207 = arith.mulf %get3A_3205, %mul3A_3206 : vector<16xf32>
      %swap3A_3208 = arith.constant 15 : i32
      %swap3A_3209 = arith.index_cast %swap3A_3208 : i32 to index
      %swap3A_3210 = arith.constant 32 : index
      %swap3A_3211 = tpu.vector_load %arg10[%swap3A_3209, %swap3A_3210] {strides = array<i32>} : memref<16x256xf32, #tpu.memory_space<vmem>>, vector<1x16xf32>,
      %swap3A_3212 = vector.shape_cast %swap3A_3211 : vector<1x16xf32> to vector<16xf32>
      %swap3A_3213 = vector.shape_cast %mul3A_3207 : vector<16xf32> to vector<1x16xf32>
      tpu.vector_store %arg10[%swap3A_3209, %swap3A_3210], %swap3A_3213 {strides = array<i32>} : memref<16x256xf32, #tpu.memory_space<vmem>>, vector<1x16xf32>,
      %get3A_3214 = arith.constant 15 : i32
      %get3A_3215 = arith.index_cast %get3A_3214 : i32 to index
      %get3A_3216 = arith.constant 48 : index
      %get3A_3217 = tpu.vector_load %arg9[%get3A_3215, %get3A_3216] {strides = array<i32>} : memref<16x256xf32, #tpu.memory_space<vmem>>, vector<1x16xf32>,
      %get3A_3218 = vector.shape_cast %get3A_3217 : vector<1x16xf32> to vector<16xf32>
      %mul3A_3219 = vector.broadcast %squeeze3A_3174 : f32 to vector<16xf32>
      %mul3A_3220 = arith.mulf %get3A_3218, %mul3A_3219 : vector<16xf32>
      %swap3A_3221 = arith.constant 15 : i32
      %swap3A_3222 = arith.index_cast %swap3A_3221 : i32 to index
      %swap3A_3223 = arith.constant 48 : index
      %swap3A_3224 = tpu.vector_load %arg10[%swap3A_3222, %swap3A_3223] {strides = array<i32>} : memref<16x256xf32, #tpu.memory_space<vmem>>, vector<1x16xf32>,
      %swap3A_3225 = vector.shape_cast %swap3A_3224 : vector<1x16xf32> to vector<16xf32>
      %swap3A_3226 = vector.shape_cast %mul3A_3220 : vector<16xf32> to vector<1x16xf32>
      tpu.vector_store %arg10[%swap3A_3222, %swap3A_3223], %swap3A_3226 {strides = array<i32>} : memref<16x256xf32, #tpu.memory_space<vmem>>, vector<1x16xf32>,
      %get3A_3227 = arith.constant 15 : i32
      %get3A_3228 = arith.index_cast %get3A_3227 : i32 to index
      %get3A_3229 = arith.constant 64 : index
      %get3A_3230 = tpu.vector_load %arg9[%get3A_3228, %get3A_3229] {strides = array<i32>} : memref<16x256xf32, #tpu.memory_space<vmem>>, vector<1x16xf32>,
      %get3A_3231 = vector.shape_cast %get3A_3230 : vector<1x16xf32> to vector<16xf32>
      %mul3A_3232 = vector.broadcast %squeeze3A_3174 : f32 to vector<16xf32>
      %mul3A_3233 = arith.mulf %get3A_3231, %mul3A_3232 : vector<16xf32>
      %swap3A_3234 = arith.constant 15 : i32
      %swap3A_3235 = arith.index_cast %swap3A_3234 : i32 to index
      %swap3A_3236 = arith.constant 64 : index
      %swap3A_3237 = tpu.vector_load %arg10[%swap3A_3235, %swap3A_3236] {strides = array<i32>} : memref<16x256xf32, #tpu.memory_space<vmem>>, vector<1x16xf32>,
      %swap3A_3238 = vector.shape_cast %swap3A_3237 : vector<1x16xf32> to vector<16xf32>
      %swap3A_3239 = vector.shape_cast %mul3A_3233 : vector<16xf32> to vector<1x16xf32>
      tpu.vector_store %arg10[%swap3A_3235, %swap3A_3236], %swap3A_3239 {strides = array<i32>} : memref<16x256xf32, #tpu.memory_space<vmem>>, vector<1x16xf32>,
      %get3A_3240 = arith.constant 15 : i32
      %get3A_3241 = arith.index_cast %get3A_3240 : i32 to index
      %get3A_3242 = arith.constant 80 : index
      %get3A_3243 = tpu.vector_load %arg9[%get3A_3241, %get3A_3242] {strides = array<i32>} : memref<16x256xf32, #tpu.memory_space<vmem>>, vector<1x16xf32>,
      %get3A_3244 = vector.shape_cast %get3A_3243 : vector<1x16xf32> to vector<16xf32>
      %mul3A_3245 = vector.broadcast %squeeze3A_3174 : f32 to vector<16xf32>
      %mul3A_3246 = arith.mulf %get3A_3244, %mul3A_3245 : vector<16xf32>
      %swap3A_3247 = arith.constant 15 : i32
      %swap3A_3248 = arith.index_cast %swap3A_3247 : i32 to index
      %swap3A_3249 = arith.constant 80 : index
      %swap3A_3250 = tpu.vector_load %arg10[%swap3A_3248, %swap3A_3249] {strides = array<i32>} : memref<16x256xf32, #tpu.memory_space<vmem>>, vector<1x16xf32>,
      %swap3A_3251 = vector.shape_cast %swap3A_3250 : vector<1x16xf32> to vector<16xf32>
      %swap3A_3252 = vector.shape_cast %mul3A_3246 : vector<16xf32> to vector<1x16xf32>
      tpu.vector_store %arg10[%swap3A_3248, %swap3A_3249], %swap3A_3252 {strides = array<i32>} : memref<16x256xf32, #tpu.memory_space<vmem>>, vector<1x16xf32>,
      %get3A_3253 = arith.constant 15 : i32
      %get3A_3254 = arith.index_cast %get3A_3253 : i32 to index
      %get3A_3255 = arith.constant 96 : index
      %get3A_3256 = tpu.vector_load %arg9[%get3A_3254, %get3A_3255] {strides = array<i32>} : memref<16x256xf32, #tpu.memory_space<vmem>>, vector<1x16xf32>,
      %get3A_3257 = vector.shape_cast %get3A_3256 : vector<1x16xf32> to vector<16xf32>
      %mul3A_3258 = vector.broadcast %squeeze3A_3174 : f32 to vector<16xf32>
      %mul3A_3259 = arith.mulf %get3A_3257, %mul3A_3258 : vector<16xf32>
      %swap3A_3260 = arith.constant 15 : i32
      %swap3A_3261 = arith.index_cast %swap3A_3260 : i32 to index
      %swap3A_3262 = arith.constant 96 : index
      %swap3A_3263 = tpu.vector_load %arg10[%swap3A_3261, %swap3A_3262] {strides = array<i32>} : memref<16x256xf32, #tpu.memory_space<vmem>>, vector<1x16xf32>,
      %swap3A_3264 = vector.shape_cast %swap3A_3263 : vector<1x16xf32> to vector<16xf32>
      %swap3A_3265 = vector.shape_cast %mul3A_3259 : vector<16xf32> to vector<1x16xf32>
      tpu.vector_store %arg10[%swap3A_3261, %swap3A_3262], %swap3A_3265 {strides = array<i32>} : memref<16x256xf32, #tpu.memory_space<vmem>>, vector<1x16xf32>,
      %get3A_3266 = arith.constant 15 : i32
      %get3A_3267 = arith.index_cast %get3A_3266 : i32 to index
      %get3A_3268 = arith.constant 112 : index
      %get3A_3269 = tpu.vector_load %arg9[%get3A_3267, %get3A_3268] {strides = array<i32>} : memref<16x256xf32, #tpu.memory_space<vmem>>, vector<1x16xf32>,
      %get3A_3270 = vector.shape_cast %get3A_3269 : vector<1x16xf32> to vector<16xf32>
      %mul3A_3271 = vector.broadcast %squeeze3A_3174 : f32 to vector<16xf32>
      %mul3A_3272 = arith.mulf %get3A_3270, %mul3A_3271 : vector<16xf32>
      %swap3A_3273 = arith.constant 15 : i32
      %swap3A_3274 = arith.index_cast %swap3A_3273 : i32 to index
      %swap3A_3275 = arith.constant 112 : index
      %swap3A_3276 = tpu.vector_load %arg10[%swap3A_3274, %swap3A_3275] {strides = array<i32>} : memref<16x256xf32, #tpu.memory_space<vmem>>, vector<1x16xf32>,
      %swap3A_3277 = vector.shape_cast %swap3A_3276 : vector<1x16xf32> to vector<16xf32>
      %swap3A_3278 = vector.shape_cast %mul3A_3272 : vector<16xf32> to vector<1x16xf32>
      tpu.vector_store %arg10[%swap3A_3274, %swap3A_3275], %swap3A_3278 {strides = array<i32>} : memref<16x256xf32, #tpu.memory_space<vmem>>, vector<1x16xf32>,
      %get3A_3279 = arith.constant 15 : i32
      %get3A_3280 = arith.index_cast %get3A_3279 : i32 to index
      %get3A_3281 = arith.constant 128 : index
      %get3A_3282 = tpu.vector_load %arg9[%get3A_3280, %get3A_3281] {strides = array<i32>} : memref<16x256xf32, #tpu.memory_space<vmem>>, vector<1x16xf32>,
      %get3A_3283 = vector.shape_cast %get3A_3282 : vector<1x16xf32> to vector<16xf32>
      %mul3A_3284 = vector.broadcast %squeeze3A_3174 : f32 to vector<16xf32>
      %mul3A_3285 = arith.mulf %get3A_3283, %mul3A_3284 : vector<16xf32>
      %swap3A_3286 = arith.constant 15 : i32
      %swap3A_3287 = arith.index_cast %swap3A_3286 : i32 to index
      %swap3A_3288 = arith.constant 128 : index
      %swap3A_3289 = tpu.vector_load %arg10[%swap3A_3287, %swap3A_3288] {strides = array<i32>} : memref<16x256xf32, #tpu.memory_space<vmem>>, vector<1x16xf32>,
      %swap3A_3290 = vector.shape_cast %swap3A_3289 : vector<1x16xf32> to vector<16xf32>
      %swap3A_3291 = vector.shape_cast %mul3A_3285 : vector<16xf32> to vector<1x16xf32>
      tpu.vector_store %arg10[%swap3A_3287, %swap3A_3288], %swap3A_3291 {strides = array<i32>} : memref<16x256xf32, #tpu.memory_space<vmem>>, vector<1x16xf32>,
      %get3A_3292 = arith.constant 15 : i32
      %get3A_3293 = arith.index_cast %get3A_3292 : i32 to index
      %get3A_3294 = arith.constant 144 : index
      %get3A_3295 = tpu.vector_load %arg9[%get3A_3293, %get3A_3294] {strides = array<i32>} : memref<16x256xf32, #tpu.memory_space<vmem>>, vector<1x16xf32>,
      %get3A_3296 = vector.shape_cast %get3A_3295 : vector<1x16xf32> to vector<16xf32>
      %mul3A_3297 = vector.broadcast %squeeze3A_3174 : f32 to vector<16xf32>
      %mul3A_3298 = arith.mulf %get3A_3296, %mul3A_3297 : vector<16xf32>
      %swap3A_3299 = arith.constant 15 : i32
      %swap3A_3300 = arith.index_cast %swap3A_3299 : i32 to index
      %swap3A_3301 = arith.constant 144 : index
      %swap3A_3302 = tpu.vector_load %arg10[%swap3A_3300, %swap3A_3301] {strides = array<i32>} : memref<16x256xf32, #tpu.memory_space<vmem>>, vector<1x16xf32>,
      %swap3A_3303 = vector.shape_cast %swap3A_3302 : vector<1x16xf32> to vector<16xf32>
      %swap3A_3304 = vector.shape_cast %mul3A_3298 : vector<16xf32> to vector<1x16xf32>
      tpu.vector_store %arg10[%swap3A_3300, %swap3A_3301], %swap3A_3304 {strides = array<i32>} : memref<16x256xf32, #tpu.memory_space<vmem>>, vector<1x16xf32>,
      %get3A_3305 = arith.constant 15 : i32
      %get3A_3306 = arith.index_cast %get3A_3305 : i32 to index
      %get3A_3307 = arith.constant 160 : index
      %get3A_3308 = tpu.vector_load %arg9[%get3A_3306, %get3A_3307] {strides = array<i32>} : memref<16x256xf32, #tpu.memory_space<vmem>>, vector<1x16xf32>,
      %get3A_3309 = vector.shape_cast %get3A_3308 : vector<1x16xf32> to vector<16xf32>
      %mul3A_3310 = vector.broadcast %squeeze3A_3174 : f32 to vector<16xf32>
      %mul3A_3311 = arith.mulf %get3A_3309, %mul3A_3310 : vector<16xf32>
      %swap3A_3312 = arith.constant 15 : i32
      %swap3A_3313 = arith.index_cast %swap3A_3312 : i32 to index
      %swap3A_3314 = arith.constant 160 : index
      %swap3A_3315 = tpu.vector_load %arg10[%swap3A_3313, %swap3A_3314] {strides = array<i32>} : memref<16x256xf32, #tpu.memory_space<vmem>>, vector<1x16xf32>,
      %swap3A_3316 = vector.shape_cast %swap3A_3315 : vector<1x16xf32> to vector<16xf32>
      %swap3A_3317 = vector.shape_cast %mul3A_3311 : vector<16xf32> to vector<1x16xf32>
      tpu.vector_store %arg10[%swap3A_3313, %swap3A_3314], %swap3A_3317 {strides = array<i32>} : memref<16x256xf32, #tpu.memory_space<vmem>>, vector<1x16xf32>,
      %get3A_3318 = arith.constant 15 : i32
      %get3A_3319 = arith.index_cast %get3A_3318 : i32 to index
      %get3A_3320 = arith.constant 176 : index
      %get3A_3321 = tpu.vector_load %arg9[%get3A_3319, %get3A_3320] {strides = array<i32>} : memref<16x256xf32, #tpu.memory_space<vmem>>, vector<1x16xf32>,
      %get3A_3322 = vector.shape_cast %get3A_3321 : vector<1x16xf32> to vector<16xf32>
      %mul3A_3323 = vector.broadcast %squeeze3A_3174 : f32 to vector<16xf32>
      %mul3A_3324 = arith.mulf %get3A_3322, %mul3A_3323 : vector<16xf32>
      %swap3A_3325 = arith.constant 15 : i32
      %swap3A_3326 = arith.index_cast %swap3A_3325 : i32 to index
      %swap3A_3327 = arith.constant 176 : index
      %swap3A_3328 = tpu.vector_load %arg10[%swap3A_3326, %swap3A_3327] {strides = array<i32>} : memref<16x256xf32, #tpu.memory_space<vmem>>, vector<1x16xf32>,
      %swap3A_3329 = vector.shape_cast %swap3A_3328 : vector<1x16xf32> to vector<16xf32>
      %swap3A_3330 = vector.shape_cast %mul3A_3324 : vector<16xf32> to vector<1x16xf32>
      tpu.vector_store %arg10[%swap3A_3326, %swap3A_3327], %swap3A_3330 {strides = array<i32>} : memref<16x256xf32, #tpu.memory_space<vmem>>, vector<1x16xf32>,
      %get3A_3331 = arith.constant 15 : i32
      %get3A_3332 = arith.index_cast %get3A_3331 : i32 to index
      %get3A_3333 = arith.constant 192 : index
      %get3A_3334 = tpu.vector_load %arg9[%get3A_3332, %get3A_3333] {strides = array<i32>} : memref<16x256xf32, #tpu.memory_space<vmem>>, vector<1x16xf32>,
      %get3A_3335 = vector.shape_cast %get3A_3334 : vector<1x16xf32> to vector<16xf32>
      %mul3A_3336 = vector.broadcast %squeeze3A_3174 : f32 to vector<16xf32>
      %mul3A_3337 = arith.mulf %get3A_3335, %mul3A_3336 : vector<16xf32>
      %swap3A_3338 = arith.constant 15 : i32
      %swap3A_3339 = arith.index_cast %swap3A_3338 : i32 to index
      %swap3A_3340 = arith.constant 192 : index
      %swap3A_3341 = tpu.vector_load %arg10[%swap3A_3339, %swap3A_3340] {strides = array<i32>} : memref<16x256xf32, #tpu.memory_space<vmem>>, vector<1x16xf32>,
      %swap3A_3342 = vector.shape_cast %swap3A_3341 : vector<1x16xf32> to vector<16xf32>
      %swap3A_3343 = vector.shape_cast %mul3A_3337 : vector<16xf32> to vector<1x16xf32>
      tpu.vector_store %arg10[%swap3A_3339, %swap3A_3340], %swap3A_3343 {strides = array<i32>} : memref<16x256xf32, #tpu.memory_space<vmem>>, vector<1x16xf32>,
      %get3A_3344 = arith.constant 15 : i32
      %get3A_3345 = arith.index_cast %get3A_3344 : i32 to index
      %get3A_3346 = arith.constant 208 : index
      %get3A_3347 = tpu.vector_load %arg9[%get3A_3345, %get3A_3346] {strides = array<i32>} : memref<16x256xf32, #tpu.memory_space<vmem>>, vector<1x16xf32>,
      %get3A_3348 = vector.shape_cast %get3A_3347 : vector<1x16xf32> to vector<16xf32>
      %mul3A_3349 = vector.broadcast %squeeze3A_3174 : f32 to vector<16xf32>
      %mul3A_3350 = arith.mulf %get3A_3348, %mul3A_3349 : vector<16xf32>
      %swap3A_3351 = arith.constant 15 : i32
      %swap3A_3352 = arith.index_cast %swap3A_3351 : i32 to index
      %swap3A_3353 = arith.constant 208 : index
      %swap3A_3354 = tpu.vector_load %arg10[%swap3A_3352, %swap3A_3353] {strides = array<i32>} : memref<16x256xf32, #tpu.memory_space<vmem>>, vector<1x16xf32>,
      %swap3A_3355 = vector.shape_cast %swap3A_3354 : vector<1x16xf32> to vector<16xf32>
      %swap3A_3356 = vector.shape_cast %mul3A_3350 : vector<16xf32> to vector<1x16xf32>
      tpu.vector_store %arg10[%swap3A_3352, %swap3A_3353], %swap3A_3356 {strides = array<i32>} : memref<16x256xf32, #tpu.memory_space<vmem>>, vector<1x16xf32>,
      %get3A_3357 = arith.constant 15 : i32
      %get3A_3358 = arith.index_cast %get3A_3357 : i32 to index
      %get3A_3359 = arith.constant 224 : index
      %get3A_3360 = tpu.vector_load %arg9[%get3A_3358, %get3A_3359] {strides = array<i32>} : memref<16x256xf32, #tpu.memory_space<vmem>>, vector<1x16xf32>,
      %get3A_3361 = vector.shape_cast %get3A_3360 : vector<1x16xf32> to vector<16xf32>
      %mul3A_3362 = vector.broadcast %squeeze3A_3174 : f32 to vector<16xf32>
      %mul3A_3363 = arith.mulf %get3A_3361, %mul3A_3362 : vector<16xf32>
      %swap3A_3364 = arith.constant 15 : i32
      %swap3A_3365 = arith.index_cast %swap3A_3364 : i32 to index
      %swap3A_3366 = arith.constant 224 : index
      %swap3A_3367 = tpu.vector_load %arg10[%swap3A_3365, %swap3A_3366] {strides = array<i32>} : memref<16x256xf32, #tpu.memory_space<vmem>>, vector<1x16xf32>,
      %swap3A_3368 = vector.shape_cast %swap3A_3367 : vector<1x16xf32> to vector<16xf32>
      %swap3A_3369 = vector.shape_cast %mul3A_3363 : vector<16xf32> to vector<1x16xf32>
      tpu.vector_store %arg10[%swap3A_3365, %swap3A_3366], %swap3A_3369 {strides = array<i32>} : memref<16x256xf32, #tpu.memory_space<vmem>>, vector<1x16xf32>,
      %get3A_3370 = arith.constant 15 : i32
      %get3A_3371 = arith.index_cast %get3A_3370 : i32 to index
      %get3A_3372 = arith.constant 240 : index
      %get3A_3373 = tpu.vector_load %arg9[%get3A_3371, %get3A_3372] {strides = array<i32>} : memref<16x256xf32, #tpu.memory_space<vmem>>, vector<1x16xf32>,
      %get3A_3374 = vector.shape_cast %get3A_3373 : vector<1x16xf32> to vector<16xf32>
      %mul3A_3375 = vector.broadcast %squeeze3A_3174 : f32 to vector<16xf32>
      %mul3A_3376 = arith.mulf %get3A_3374, %mul3A_3375 : vector<16xf32>
      %swap3A_3377 = arith.constant 15 : i32
      %swap3A_3378 = arith.index_cast %swap3A_3377 : i32 to index
      %swap3A_3379 = arith.constant 240 : index
      %swap3A_3380 = tpu.vector_load %arg10[%swap3A_3378, %swap3A_3379] {strides = array<i32>} : memref<16x256xf32, #tpu.memory_space<vmem>>, vector<1x16xf32>,
      %swap3A_3381 = vector.shape_cast %swap3A_3380 : vector<1x16xf32> to vector<16xf32>
      %swap3A_3382 = vector.shape_cast %mul3A_3376 : vector<16xf32> to vector<1x16xf32>
      tpu.vector_store %arg10[%swap3A_3378, %swap3A_3379], %swap3A_3382 {strides = array<i32>} : memref<16x256xf32, #tpu.memory_space<vmem>>, vector<1x16xf32>,
      %mul3A_3383 = arith.constant 16 : i32
      %mul3A_3384 = arith.muli %mul3A_3383, %scan3A_9 : i32
      %add3A_3385 = arith.addi %mul3A_2, %mul3A_3384 : i32
      "tpu.region"() ({
        %run_scoped3A_3387 = tpu.sem_alloc : memref<!tpu.dma_semaphore, #tpu.memory_space<semaphore_mem>>
        %dma_start3A = arith.constant 0 : i32
        %dma_start3A_3388 = tpu.memref_slice %arg5[%add3A_3385, %dma_start3A] : memref<2560x256xf32, #tpu.memory_space<hbm>> -> memref<16x256xf32, #tpu.memory_space<hbm>>
        %dma_start3A_3389 = arith.constant 0 : i32
        %dma_start3A_3390 = tpu.memref_slice %arg5[%add3A_3385, %dma_start3A_3389] : memref<2560x256xf32, #tpu.memory_space<hbm>> -> memref<16x256xf32, #tpu.memory_space<hbm>>
        tpu.enqueue_dma source(%arg10 : memref<16x256xf32, #tpu.memory_space<vmem>>) target(%dma_start3A_3390 : memref<16x256xf32, #tpu.memory_space<hbm>>) target_semaphore(%run_scoped3A_3387 : memref<!tpu.dma_semaphore, #tpu.memory_space<semaphore_mem>>)
        %dma_wait3A = arith.constant 0 : i32
        %dma_wait3A_3391 = tpu.memref_slice %arg5[%add3A_3385, %dma_wait3A] : memref<2560x256xf32, #tpu.memory_space<hbm>> -> memref<16x256xf32, #tpu.memory_space<hbm>>
        %dma_wait3A_3392 = arith.constant 0 : i32
        %dma_wait3A_3393 = tpu.memref_slice %arg5[%add3A_3385, %dma_wait3A_3392] : memref<2560x256xf32, #tpu.memory_space<hbm>> -> memref<16x256xf32, #tpu.memory_space<hbm>>
        tpu.wait_dma2 semaphore(%run_scoped3A_3387 : memref<!tpu.dma_semaphore, #tpu.memory_space<semaphore_mem>>) src(%arg10 : memref<16x256xf32, #tpu.memory_space<vmem>>) dst(%dma_wait3A_3393 : memref<16x256xf32, #tpu.memory_space<hbm>>)
        tpu.yield
      }) : () -> ()
      %scan3A_3386 = arith.constant 0 : i32
      scf.yield %scan3A_3386 : i32
    }
    %scan3A_8 = arith.constant 5 : i32
    return
  }
}

module attributes {stable_mosaic.version = 14 : i64} {
  func.func @_score_body(%arg0: memref<10000x256xf32, #tpu.memory_space<vmem>>, %arg1: memref<10000x256xf32, #tpu.memory_space<vmem>>, %arg2: memref<10000x1xf32, #tpu.memory_space<vmem>>, %arg3: memref<256x256xf32, #tpu.memory_space<vmem>>, %arg4: memref<256x256xf32, #tpu.memory_space<vmem>>, %arg5: memref<1x256xf32, #tpu.memory_space<vmem>>, %arg6: memref<256x1xf32, #tpu.memory_space<vmem>>, %arg7: memref<1x1xf32, #tpu.memory_space<vmem>>, %arg8: memref<10000x256xf32, #tpu.memory_space<vmem>>, %arg9: memref<10000x1xf32, #tpu.memory_space<vmem>>) attributes {dimension_semantics = [], scalar_prefetch = 0 : i64, scratch_operands = 0 : i64, tpu.core_type = #tpu.core_type<tc>} {
    %get3A = arith.constant 0 : index
    %get3A_0 = arith.constant 0 : index
    %get3A_1 = vector.load %arg0[%get3A, %get3A_0] : memref<10000x256xf32, #tpu.memory_space<vmem>>, vector<10000x256xf32>
    %get3A_2 = arith.constant 0 : index
    %get3A_3 = arith.constant 0 : index
    %get3A_4 = vector.load %arg1[%get3A_2, %get3A_3] : memref<10000x256xf32, #tpu.memory_space<vmem>>, vector<10000x256xf32>
    %add3A = arith.addf %get3A_4, %get3A_1 : vector<10000x256xf32>
    %get3A_5 = arith.constant 0 : index
    %get3A_6 = arith.constant 0 : index
    %get3A_7 = vector.load %arg2[%get3A_5, %get3A_6] : memref<10000x1xf32, #tpu.memory_space<vmem>>, vector<10000x1xf32>
    %add3A_8 = arith.constant 1.000000e+00 : f32
    %add3A_9 = vector.broadcast %add3A_8 : f32 to vector<10000x1xf32>
    %add3A_10 = arith.addf %get3A_7, %add3A_9 : vector<10000x1xf32>
    %div3A = vector.broadcast %add3A_10 : vector<10000x1xf32> to vector<10000x256xf32>
    %div3A_11 = arith.divf %add3A, %div3A : vector<10000x256xf32>
    %get3A_12 = arith.constant 0 : index
    %get3A_13 = arith.constant 0 : index
    %get3A_14 = vector.load %arg3[%get3A_12, %get3A_13] : memref<256x256xf32, #tpu.memory_space<vmem>>, vector<256x256xf32>
    %dot_general3A = arith.constant dense<0.000000e+00> : vector<10000x256xf32>
    %dot_general3A_15 = tpu.matmul %get3A_1, %get3A_14, %dot_general3A {dimension_numbers = #tpu.dot_dimension_numbers<[1], [0], [0], [1], [0, 0, 1, 1], [], []>, transpose_lhs_hint = false} : vector<10000x256xf32>, vector<256x256xf32>, vector<10000x256xf32> -> vector<10000x256xf32>
    %get3A_16 = arith.constant 0 : index
    %get3A_17 = arith.constant 0 : index
    %get3A_18 = vector.load %arg4[%get3A_16, %get3A_17] : memref<256x256xf32, #tpu.memory_space<vmem>>, vector<256x256xf32>
    %dot_general3A_19 = arith.constant dense<0.000000e+00> : vector<10000x256xf32>
    %dot_general3A_20 = tpu.matmul %div3A_11, %get3A_18, %dot_general3A_19 {dimension_numbers = #tpu.dot_dimension_numbers<[1], [0], [0], [1], [0, 0, 1, 1], [], []>, transpose_lhs_hint = false} : vector<10000x256xf32>, vector<256x256xf32>, vector<10000x256xf32> -> vector<10000x256xf32>
    %add3A_21 = arith.addf %dot_general3A_15, %dot_general3A_20 : vector<10000x256xf32>
    %get3A_22 = arith.constant 0 : index
    %get3A_23 = arith.constant 0 : index
    %get3A_24 = vector.load %arg5[%get3A_22, %get3A_23] : memref<1x256xf32, #tpu.memory_space<vmem>>, vector<1x256xf32>
    %add3A_25 = vector.broadcast %get3A_24 : vector<1x256xf32> to vector<10000x256xf32>
    %add3A_26 = arith.addf %add3A_21, %add3A_25 : vector<10000x256xf32>
    %swap3A = arith.constant 0 : index
    %swap3A_27 = arith.constant 0 : index
    %swap3A_28 = vector.load %arg8[%swap3A, %swap3A_27] : memref<10000x256xf32, #tpu.memory_space<vmem>>, vector<10000x256xf32>
    tpu.vector_store %arg8[%swap3A, %swap3A_27], %add3A_26 {strides = array<i32>} : memref<10000x256xf32, #tpu.memory_space<vmem>>, vector<10000x256xf32>,
    %get3A_29 = arith.constant 0 : index
    %get3A_30 = arith.constant 0 : index
    %get3A_31 = vector.load %arg6[%get3A_29, %get3A_30] : memref<256x1xf32, #tpu.memory_space<vmem>>, vector<256x1xf32>
    %dot_general3A_32 = arith.constant dense<0.000000e+00> : vector<10000x1xf32>
    %dot_general3A_33 = tpu.matmul %add3A_26, %get3A_31, %dot_general3A_32 {dimension_numbers = #tpu.dot_dimension_numbers<[1], [0], [0], [1], [0, 0, 1, 1], [], []>, transpose_lhs_hint = false} : vector<10000x256xf32>, vector<256x1xf32>, vector<10000x1xf32> -> vector<10000x1xf32>
    %get3A_34 = arith.constant 0 : index
    %get3A_35 = arith.constant 0 : index
    %get3A_36 = vector.load %arg7[%get3A_34, %get3A_35] : memref<1x1xf32, #tpu.memory_space<vmem>>, vector<1x1xf32>
    %add3A_37 = vector.broadcast %get3A_36 : vector<1x1xf32> to vector<10000x1xf32>
    %add3A_38 = arith.addf %dot_general3A_33, %add3A_37 : vector<10000x1xf32>
    %logistic3A = arith.negf %add3A_38 : vector<10000x1xf32>
    %logistic3A_39 = math.exp %logistic3A : vector<10000x1xf32>
    %logistic3A_40 = arith.constant 1.000000e+00 : f32
    %logistic3A_41 = vector.broadcast %logistic3A_40 : f32 to vector<10000x1xf32>
    %logistic3A_42 = arith.addf %logistic3A_41, %logistic3A_39 : vector<10000x1xf32>
    %logistic3A_43 = arith.divf %logistic3A_41, %logistic3A_42 : vector<10000x1xf32>
    %swap3A_44 = arith.constant 0 : index
    %swap3A_45 = arith.constant 0 : index
    %swap3A_46 = vector.load %arg9[%swap3A_44, %swap3A_45] : memref<10000x1xf32, #tpu.memory_space<vmem>>, vector<10000x1xf32>
    tpu.vector_store %arg9[%swap3A_44, %swap3A_45], %logistic3A_43 {strides = array<i32>} : memref<10000x1xf32, #tpu.memory_space<vmem>>, vector<10000x1xf32>,
    return
  }
}

</mosaic_0001>

<sc_bundles>
// kernel: kernel.4.cloned.1.call-start
scs
__scs_entry_jumppad:
0x0: {  	(pc) =	sbr.rel $0x88, $3  }
0x1: {  	(tag) =	ssettag $0x0;
	lr =	simm.s32 $0x1  }
0x2: {  	[smem:$0x3F99] =	sst lr;
	_ =	strace $0xD0000000  }
0x3: {  	_ = 	snop  }
0x4: {  	_ = 	snop  }
0x5: {  	_ = 	snop  }
0x6: {  	_ = 	snop  }
0x7: {  	_ = 	snop  }
__scs_overlays_trampoline_lowered:
0x8: {  	[smem:$0x3FA8] =	sst s0  }
0x9: {  	[smem:$0x3FA9] =	sst s1  }
0xa: {  	[smem:$0x3FAA] =	sst s2  }
0xb: {  	[smem:$0x3FAB] =	sst s3  }
0xc: {  	[smem:$0x3FAC] =	sst s4  }
0xd: {  	[smem:$0x3FAD] =	sst s5  }
0xe: {  	[smem:$0x3FAE] =	sst s6  }
0xf: {  	[smem:$0x3FAF] =	sst s7  }
0x10: {  	[smem:$0x3FB0] =	sst s8  }
0x11: {  	[smem:$0x3FB1] =	sst s9;
	s0 =	simm.s32 @!p0 $0x0  }
0x12: {  	s1 =	sld [smem:$0x3F97];
	s0 =	simm.s32 @p0 $0x1  }
0x13: {  	[smem:$0x3FB2] =	sst s0;
	s0 =	simm.s32 @!p1 $0x0  }
0x14: {  	s2 =	sld [smem:$0x3F96];
	s0 =	simm.s32 @p1 $0x1  }
0x15: {  	[smem:$0x3FB3] =	sst s0;
	s0 =	simm.s32 @!p2 $0x0  }
0x16: {  	s3 =	sld [smem:$0x3FDB];
	s0 =	simm.s32 @p2 $0x1  }
0x17: {  	s4 =	simm.s32 $0x1BF5;
	[smem:$0x3FB5] =	sst s0  }
0x18: {  	s0 =	sld [smem:$0x3F98];
	_ =	swait.ge [sflag:s4], $0x0  }
0x19: {  	s7 =	sld [smem:$0x3F99]  }
0x1a: {  	s8 =	sadd.s32 $0xFFFFE003, lr  }
0x1b: {  	s9 =	sadd.s32 $0xFFFFFEF7, lr;
	s5 =	simm.s32 $0xFFFFFFFF;
	p2 =	slt.u32 s8, $0xFFFFF086  }
0x1c: {  	p1 =	slt.u32 s9, $0xF7A;
	s5 =	simm.s32 @!p2 $0x0  }
0x1d: {  	s5 =	simm.s32 @p1 $0x1;
	p0 =	seq.s32 s7, s2  }
0x1e: {  	s7 =	smul.u32 @!p0 $0xF7A, s2;
	p2 =	seq.s32 @!p0 s5, $0x0  }
0x1f: {  	s9 =	smul.u32 $0xF7A, s1;
	s8 =	simm.s32 @!p0 $0x1BF5;
	p2 =	por !p2, p0  }
0x20: {  	[sflag:s8] =	ssyncset.s32 @!p0 $0xFFFFF086;
	s6 =	sadd.s32 @!p0 s3, s7;
	s7 =	simm.s32 @!p0 $0x108  }
0x21: {  	s3 =	sadd.s32 s3, s9;
	s6 =	sadd.s32 @!p0 $0x88, s6;
	s7 =	simm.s32 @p2 $0x1082  }
0x22: {  	[simem:s7], [sflag:s8] =	dma.local @!p0 [hbm:s6], $0xF7A  }
0x23: {  	s9 =	sor.u32 $0xD0000000, s2;
	s6 =	simm.s32 $0x108;
	_ =	swait.ge @!p0 [sflag:s8], $0x0  }
0x24: {  	s3 =	sadd.s32 $0x88, s3;
	s6 =	simm.s32 @!p1 $0x1082;
	[sflag:s4] =	ssyncset.s32 $0xFFFFF086  }
0x25: {  	[simem:s6], [sflag:s4] =	dma.local [hbm:s3], $0xF7A  }
0x26: {  	[smem:$0x3F99] =	sst s1;
	(tag) =	ssettag s2;
	_ =	strace s9  }
0x27: {  	s1 =	sld [smem:$0x3FA9]  }
0x28: {  	s2 =	sld [smem:$0x3FAA]  }
0x29: {  	s4 =	sld [smem:$0x3FAC]  }
0x2a: {  	p0 =	seq.s32 s5, $0x0;
	s5 =	sld [smem:$0x3FAD]  }
0x2b: {  	s6 =	sld [smem:$0x3FAE]  }
0x2c: {  	s7 =	sld [smem:$0x3FAF]  }
0x2d: {  	s3 =	simm.s32 $0x108;
	s8 =	sld [smem:$0x3FB0]  }
0x2e: {  	s3 =	simm.s32 @!p0 $0x1082;
	s9 =	sld [smem:$0x3FB1]  }
0x2f: {  	lr =	sadd.s32 s0, s3;
	s0 =	sld [smem:$0x3FA8]  }
0x30: {  	s3 =	sld [smem:$0x3FAB]  }
0x31: {  	[smem:$0x3FB4] =	sst s10  }
0x32: {  	s10 =	sld [smem:$0x3FB2];
	_ =	sdelay $0x3  }
0x33: {  	p0 =	seq.s32 s10, $0x1;
	s10 =	sld [smem:$0x3FB4];
	_ =	sdelay $0x3  }
0x34: {  	[smem:$0x3FB4] =	sst s10  }
0x35: {  	s10 =	sld [smem:$0x3FB3];
	_ =	sdelay $0x3  }
0x36: {  	p1 =	seq.s32 s10, $0x1;
	s10 =	sld [smem:$0x3FB4];
	_ =	sdelay $0x3  }
0x37: {  	[smem:$0x3FB4] =	sst s10  }
0x38: {  	s10 =	sld [smem:$0x3FB5]  }
0x39: {  	_ = 	snop;
	(pc) =	sbr.ind lr, $3  }
0x3a: {  	_ = 	snop  }
0x3b: {  	_ = 	snop  }
0x3c: {  	p2 =	seq.s32 s10, $0x1;
	s10 =	sld [smem:$0x3FB4]  }
0x3d: {  	_ =	shalt  }
0x3e: {  	_ =	shalt  }
0x3f: {  	_ =	shalt  }
0x40: {  	_ =	shalt  }
0x41: {  	_ =	shalt  }
0x42: {  	_ =	shalt  }
0x43: {  	_ =	shalt  }
0x44: {  	_ =	shalt  }
0x45: {  	_ =	shalt  }
0x46: {  	_ =	shalt  }
0x47: {  	_ =	shalt  }
0x48: {  	_ =	shalt  }
0x49: {  	_ =	shalt  }
0x4a: {  	_ =	shalt  }
0x4b: {  	_ =	shalt  }
0x4c: {  	_ =	shalt  }
0x4d: {  	_ =	shalt  }
0x4e: {  	_ =	shalt  }
0x4f: {  	_ =	shalt  }
0x50: {  	_ =	shalt  }
0x51: {  	_ =	shalt  }
0x52: {  	_ =	shalt  }
0x53: {  	_ =	shalt  }
0x54: {  	_ =	shalt  }
0x55: {  	_ =	shalt  }
0x56: {  	_ =	shalt  }
0x57: {  	_ =	shalt  }
0x58: {  	_ =	shalt  }
0x59: {  	_ =	shalt  }
0x5a: {  	_ =	shalt  }
0x5b: {  	_ =	shalt  }
0x5c: {  	_ =	shalt  }
0x5d: {  	_ =	shalt  }
0x5e: {  	_ =	shalt  }
0x5f: {  	_ =	shalt  }
0x60: {  	_ =	shalt  }
0x61: {  	_ =	shalt  }
0x62: {  	_ =	shalt  }
0x63: {  	_ =	shalt  }
0x64: {  	_ =	shalt  }
0x65: {  	_ =	shalt  }
0x66: {  	_ =	shalt  }
0x67: {  	_ =	shalt  }
0x68: {  	_ =	shalt  }
0x69: {  	_ =	shalt  }
0x6a: {  	_ =	shalt  }
0x6b: {  	_ =	shalt  }
0x6c: {  	_ =	shalt  }
0x6d: {  	_ =	shalt  }
0x6e: {  	_ =	shalt  }
0x6f: {  	_ =	shalt  }
0x70: {  	_ =	shalt  }
0x71: {  	_ =	shalt  }
0x72: {  	_ =	shalt  }
0x73: {  	_ =	shalt  }
0x74: {  	_ =	shalt  }
0x75: {  	_ =	shalt  }
0x76: {  	_ =	shalt  }
0x77: {  	_ =	shalt  }
0x78: {  	_ =	shalt  }
0x79: {  	_ =	shalt  }
0x7a: {  	_ =	shalt  }
0x7b: {  	_ =	shalt  }
0x7c: {  	_ =	shalt  }
0x7d: {  	_ =	shalt  }
0x7e: {  	_ =	shalt  }
0x7f: {  	_ =	shalt  }
0x80: {  	_ =	shalt  }
0x81: {  	_ =	shalt  }
0x82: {  	_ =	shalt  }
0x83: {  	_ =	shalt  }
0x84: {  	_ =	shalt  }
0x85: {  	_ =	shalt  }
0x86: {  	_ =	shalt  }
0x87: {  	_ =	shalt  }
.Lfunc_end0:
.L_simem_size_0:
called_computation.2_lowered:
.L_overlay_start_0:
0x88: {  	s2 =	sld [smem:$0x3FD9]  }
0x89: {  	s3 =	sld [smem:$0x3FFE];
	_ =	sdelay $0x1  }
0x8a: {  	s1 =	srdreg.scid  }
0x8b: {  	s0 =	sand.u32 $0x1, s1  }
0x8c: {  	s14 =	sshll.u32 s0, $0xA;
	s2 =	sadd.s32 s3, s2  }
0x8d: {  	s2 =	sadd.s32 s2, s14  }
0x8e: {  	[smem:$0x3FC0] =	sst s2  }
0x8f: {  	_ = 	snop  }
0x90: {  	s2 =	sld [smem:$0x3FD0];
	_ =	sdelay $0x2  }
0x91: {  	s15 =	simm.s32 $0xB;
	s4 =	simm.s32 $0x10  }
0x92: {  	[smem:s4], [sflag:s15] =	dma.local [hbm:s2], $0x1  }
0x93: {  	_ =	swait.eq [sflag:s15], $0x1  }
0x94: {  	[sflag:s15] =	ssyncset.done $0x0  }
0x95: {  	[sflag:s15] =	ssyncadd.s32 $0xFFFFFFFF  }
0x96: {  	s16 =	sld [smem:$0x10];
	(tm) =	ssettm $0x1  }
0x97: {  	s17 =	sld [smem:$0x3FFB];
	_ =	sdelay $0x3  }
0x98: {  	_ =	strace s17  }
0x99: {  	s3 =	sld [smem:$0x3FFC];
	_ =	sdelay $0x3  }
0x9a: {  	_ =	strace s3  }
0x9b: {  	s3 =	sld [smem:$0x3FFD];
	_ =	sdelay $0x3  }
0x9c: {  	_ =	strace s3  }
0x9d: {  	_ =	strace $0x8FFFFFFF  }
0x9e: {  	s18 =	sld [smem:$0x3FDB];
	_ =	sdelay $0x1  }
0x9f: {  	s19 =	simm.s32 $_scs_section_size  }
0xa0: {  	s5 =	simm.s32 $_size__tile_overlayer_lowered;
	s6 =	simm.s32 $_tile_overlayer_lowered  }
0xa1: {  	s22 =	simm.s32 $0x1BFF;
	s21 =	sshll.u32 s6, $0x1;
	s3 =	sadd.s32 s19, s18  }
0xa2: {  	s7 =	simm.s32 $0x0;
	s20 =	sshll.u32 s5, $0x1;
	s5 =	sadd.s32 s21, s3  }
0xa3: {  	[timem:s7], [sflag:s22] =	dma.local [hbm:s5], s20  }
0xa4: {  	_ =	swait.ge [sflag:s22], s20  }
0xa5: {  	s4 =	ssub.s32 $0x0, s20;
	[sflag:s22] =	ssyncset.done $0x0  }
0xa6: {  	[sflag:s22] =	ssyncadd.s32 s4;
	_ =	sdelay $0x1  }
0xa7: {  	s23 =	simm.s32 $0x1B8B  }
0xa8: {  	_ =	swait.ge [sflag:s23], $0x1  }
0xa9: {  	[sflag:s23] =	ssyncset.done $0x0  }
0xaa: {  	s25 =	simm.s32 $0x1B8E;
	s24 =	sld [smem:$0x3FFE];
	[sflag:s23] =	ssyncadd.s32 $0xFFFFFFFF  }
0xab: {  	s26 =	simm.s32 $execute0_lowered;
	[smem:$0x3FD2] =	sst s25  }
0xac: {  	s5 =	sshll.u32 s26, $0x1;
	_ =	strace $0x8000004C;
	[dreg:$0x1] =	wrdreg $0xFFFFFFFF  }
0xad: {  	s28 =	simm.s32 $_size_execute0_lowered;
	s3 =	sadd.s32 s3, s5;
	[dreg:$0x0] =	wrdreg $0x0  }
0xae: {  	s5 =	sshll.u32 s28, $0x1;
	[dreg:$0x2] =	wrdreg s3  }
0xaf: {  	[dreg:$0x3] =	wrdreg s5  }
0xb0: {  	[dreg:$0x4] =	wrdreg $0xC0  }
0xb1: {  	_ =	task [dreg:s7], $0x5FFFF  }
0xb2: {  	[dreg:$0x1] =	wrdreg $0xFFFFFFFF  }
0xb3: {  	[dreg:$0x0] =	wrdreg $0x60  }
0xb4: {  	[dreg:$0x2] =	wrdreg s24  }
0xb5: {  	[dreg:$0x3] =	wrdreg s16  }
0xb6: {  	[dreg:$0x4] =	wrdreg $0x9  }
0xb7: {  	_ =	task.clear_ibuf [dreg:s7], $0x5FFFF;
	_ =	strace $0x9000004C  }
0xb8: {  	s29 =	simm.s32 $0x9;
	_ =	strace $0x8000004E  }
0xb9: {  	_ =	swait.ge [sflag:s29], $0x1  }
0xba: {  	[sflag:s29] =	ssyncadd.s32 $0xFFFFFFFF  }
0xbb: {  	_ =	strace $0x9000004E  }
0xbc: {  	_ =	sfence  }
0xbd: {  	s30 =	sld [smem:$0x0];
	_ =	sdelay $0x2  }
0xbe: {  	s31 =	sshll.u32 s1, $0xD;
	s1 =	sshrl.u32 s1, $0x2  }
0xbf: {  	s3 =	sand.u32 $0x4000, s31;
	s1 =	sadd.s32 s1, s30  }
0xc0: {  	s0 =	sor.u32 s3, s0;
	s1 =	sshll.u32 s1, $0x11  }
0xc1: {  	s0 =	sor.u32 s1, s0  }
0xc2: {  	s0 =	sadd.s32 $0x8F2B, s0  }
0xc3: {  	[sflag:s0] =	ssyncadd.remote.s32 $0x1  }
0xc4: {  	_ =	sfence.sel $0xFFFF  }
0xc5: {  	[dreg:$0x0] =	wrdreg $0xFFFFFFFF;
	(pc) =	sbr.abs _section_cstart, $3  }
0xc6: {  	[dreg:$0x1] =	wrdreg $0xFFFFFFFF  }
0xc7: {  	_ =	task.clear_ibuf [dreg:s7], $0x2FFFF;
	_ =	strace $0x9FFFFFFF  }
0xc8: {  	(tm) =	ssettm $0x7FFFFFFF  }
0xc9: {  	_ =	shalt  }
tec
execute0_lowered:
.L_overlay_start_1:
0x0: {  	(tag) =	ssettag $0x1  }
0x1: {  	s0 =	srdreg.scid;
	s2 =	rddreg [dreg:$0x0]  }
0x2: {  	s5 =	rddreg [dreg:$0x1];
	s1 =	stileid.u32  }
0x3: {  	s3 =	simm.s32 $0x0;
	s11 =	simm.s32 $0x980;
	s12 =	simm.s32 $0x1180  }
0x4: {  	s13 =	simm.s32 $0x0;
	s4 =	sand.u32 $0x1, s0;
	s0 =	rddreg [dreg:$0x2]  }
0x5: {  	[smem:$0x7FF] =	sst s3;
	s6 =	sshll.u32 s4, $0x4;
	s7 =	smul.u32 $0xA000, s4  }
0x6: {  	s8 =	smul.u32 $0xA00, s1;
	s4 =	ssub.s32 $0x2, s4;
	s6 =	sor.u32 s1, s6  }
0x7: {  	s10 =	sshrl.u32 s4, $0x1;
	s6 =	smul.u32 $0x50, s6;
	s7 =	sadd.s32 s7, s2  }
0x8: {  	_ =	strace $0x8000004D;
	s10 =	ssub.s32 s4, s10;
	s7 =	sadd.s32 s8, s7  }
0x9: {  	v2 =	vlaneseq.u32;
	s8 =	simm.s32 $0x1;
	s6 =	sshrl.u32 s6, $0x3;
	s7 =	sadd.s32 $0x4E400, s7  }
0xa: {  	vm0 =	vmmov $0xffff;
	v1 =	vshrl.u32 v2, $0x3;
	s9 =	sadd.s32 s6, s2;
	s4 =	sadd.s32 s5, s6;
	s6 =	smax.u32 s10, $0x1  }
0xb: {  	v0 =	vand.u32 $0x7, v2;
	v2 =	vor.u32 $0x8, v2;
	v1 =	vmul.u32 $0x8, v1;
	s10 =	simm.s32 $0x180;
	s5 =	sadd.s32 $0x4E200, s9;
	s9 =	simm.s32 $0x80  }
.LBB2_1:
0xc: {  	[tilespmem:s3], [sflag:$0x1] =	stream.linear.gather [hbm4b:s4+s3], $0x50, $0x38;
	[tilespmem:$0x2180] =	vst v63  }
0xd: {  	_ =	swait.ge [sflag:s8], $0x50  }
0xe: {  	[sflag:s8] =	ssyncset.done $0x0  }
0xf: {  	[sflag:s8] =	ssyncadd.s32 $0xFFFFFFB0  }
0x10: {  	[tilespmem:s9], [sflag:$0x1] =	stream.linear.gather [hbm4b:s5+s3], $0x50, $0x38;
	[tilespmem:$0x2180] =	vst v63  }
0x11: {  	_ =	swait.ge [sflag:s8], $0x50  }
0x12: {  	[sflag:s8] =	ssyncset.done $0x0  }
0x13: {  	s14 =	smov.u32 s7;
	s15 =	simm.s32 $0x0;
	[sflag:s8] =	ssyncadd.s32 $0xFFFFFFB0  }
.LBB2_2:
0x14: {  	s16 =	sshra.s32 s15, $0x2  }
0x15: {  	v3 =	vld [tilespmem:s16+$0x0];
	_ =	sdelay $0x4  }
0x16: {  	v4 =	vshll.u32 v3, $0x1  }
0x17: {  	v5 =	vand.u32 $0x7, v3;
	v4 =	vand.u32 $0xFFFFFFF0, v4  }
0x18: {  	v4 =	vor.u32 v5, v4  }
0x19: {  	v5 =	vperm.xlane v4, v0;
	_ =	sdelay $0x1  }
0x1a: {  	v4 =	vperm.xlane v4, v2;
	v5 =	vadd.s32 v1, v5;
	_ =	sdelay $0x1  }
0x1b: {  	v4 =	vadd.s32 v1, v4;
	_ =	sdelay $0x1  }
0x1c: {  	[tilespmem:$0x100] =	vst v3  }
0x1d: {  	[tilespmem:s10], [sflag:$0x1] =	stream.indirect_vreg.gather [hbm4b:s2+s3], $0x80, v5, vm0, $0xb8;
	[tilespmem:$0x2180] =	vst v63  }
0x1e: {  	_ = 	snop  }
0x1f: {  	[tilespmem:s11], [sflag:$0x1] =	stream.indirect_vreg.gather [hbm4b:s2+s3], $0x80, v4, vm0, $0xb8;
	[tilespmem:$0x2180] =	vst v63  }
0x20: {  	_ =	swait.ge [sflag:s8], $0x1000  }
0x21: {  	[sflag:s8] =	ssyncset.done $0x0  }
0x22: {  	[sflag:s8] =	ssyncadd.s32 $0xFFFFF000  }
0x23: {  	v3 =	vld [tilespmem:s16+$0x80];
	_ =	sdelay $0x1  }
0x24: {  	v47 =	vld [tilespmem:$0x180]  }
0x25: {  	v48 =	vld [tilespmem:$0x190]  }
0x26: {  	v6 =	vld [tilespmem:$0x1A0]  }
0x27: {  	v8 =	vld [tilespmem:$0x1B0];
	v7 =	vbroadcast v3, $0x0  }
0x28: {  	v9 =	vld [tilespmem:$0x1C0]  }
0x29: {  	v10 =	vld [tilespmem:$0x1D0];
	v4 =	vmul.f32 v7, v47  }
0x2a: {  	v11 =	vld [tilespmem:$0x1E0];
	v5 =	vmul.f32 v48, v7  }
0x2b: {  	v50 =	vld [tilespmem:$0x1F0];
	v49 =	vmul.f32 v6, v7;
	[tilespmem:$0x1180] =	vst v4  }
0x2c: {  	v51 =	vmul.f32 v8, v7;
	[tilespmem:$0x1190] =	vst v5  }
0x2d: {  	v52 =	vmul.f32 v9, v7;
	[tilespmem:$0x11A0] =	vst v49  }
0x2e: {  	v53 =	vmul.f32 v10, v7;
	[tilespmem:$0x11B0] =	vst v51  }
0x2f: {  	v54 =	vmul.f32 v11, v7;
	[tilespmem:$0x11C0] =	vst v52  }
0x30: {  	v55 =	vmul.f32 v50, v7;
	[tilespmem:$0x11D0] =	vst v53  }
0x31: {  	[tilespmem:$0x11E0] =	vst v54  }
0x32: {  	[tilespmem:$0x11F0] =	vst v55  }
0x33: {  	v56 =	vld [tilespmem:$0x580]  }
0x34: {  	v5 =	vld [tilespmem:$0x590]  }
0x35: {  	v57 =	vld [tilespmem:$0x5A0]  }
0x36: {  	v58 =	vld [tilespmem:$0x5B0]  }
0x37: {  	v59 =	vld [tilespmem:$0x5C0]  }
0x38: {  	v60 =	vld [tilespmem:$0x5D0];
	v4 =	vmul.f32 v56, v7  }
0x39: {  	v61 =	vld [tilespmem:$0x5E0];
	v5 =	vmul.f32 v5, v7  }
0x3a: {  	v63 =	vld [tilespmem:$0x5F0];
	v62 =	vmul.f32 v57, v7;
	[tilespmem:$0x1580] =	vst v4  }
0x3b: {  	v16 =	vld [tilespmem:$0x200];
	v15 =	vmul.f32 v58, v7;
	[tilespmem:$0x1590] =	vst v5  }
0x3c: {  	v18 =	vld [tilespmem:$0x210];
	v17 =	vmul.f32 v59, v7;
	[tilespmem:$0x15A0] =	vst v62  }
0x3d: {  	v20 =	vld [tilespmem:$0x220];
	v19 =	vmul.f32 v60, v7;
	[tilespmem:$0x15B0] =	vst v15  }
0x3e: {  	v22 =	vbroadcast v3, $0x1;
	v12 =	vld [tilespmem:$0x230];
	v21 =	vmul.f32 v61, v7;
	[tilespmem:$0x15C0] =	vst v17  }
0x3f: {  	v24 =	vld [tilespmem:$0x240];
	v23 =	vmul.f32 v63, v7;
	[tilespmem:$0x15D0] =	vst v19  }
0x40: {  	v26 =	vld [tilespmem:$0x250];
	v25 =	vmul.f32 v16, v22;
	[tilespmem:$0x15E0] =	vst v21  }
0x41: {  	v28 =	vld [tilespmem:$0x260];
	v27 =	vmul.f32 v18, v22;
	[tilespmem:$0x15F0] =	vst v23  }
0x42: {  	v30 =	vld [tilespmem:$0x270];
	v29 =	vmul.f32 v20, v22;
	[tilespmem:$0x1200] =	vst v25  }
0x43: {  	v32 =	vld [tilespmem:$0x600];
	v31 =	vmul.f32 v12, v22;
	[tilespmem:$0x1210] =	vst v27  }
0x44: {  	v34 =	vld [tilespmem:$0x610];
	v33 =	vmul.f32 v24, v22;
	[tilespmem:$0x1220] =	vst v29  }
0x45: {  	v36 =	vld [tilespmem:$0x620];
	v35 =	vmul.f32 v26, v22;
	[tilespmem:$0x1230] =	vst v31  }
0x46: {  	v38 =	vld [tilespmem:$0x630];
	v37 =	vmul.f32 v28, v22;
	[tilespmem:$0x1240] =	vst v33  }
0x47: {  	v40 =	vld [tilespmem:$0x640];
	v39 =	vmul.f32 v30, v22;
	[tilespmem:$0x1250] =	vst v35  }
0x48: {  	v42 =	vld [tilespmem:$0x650];
	v41 =	vmul.f32 v32, v22;
	[tilespmem:$0x1260] =	vst v37  }
0x49: {  	v44 =	vld [tilespmem:$0x660];
	v43 =	vmul.f32 v34, v22;
	[tilespmem:$0x1270] =	vst v39  }
0x4a: {  	v46 =	vld [tilespmem:$0x670];
	v45 =	vmul.f32 v36, v22;
	[tilespmem:$0x1600] =	vst v41  }
0x4b: {  	v48 =	vld [tilespmem:$0x280];
	v47 =	vmul.f32 v38, v22;
	[tilespmem:$0x1610] =	vst v43  }
0x4c: {  	v50 =	vld [tilespmem:$0x290];
	v49 =	vmul.f32 v40, v22;
	[tilespmem:$0x1620] =	vst v45  }
0x4d: {  	v55 =	vld [tilespmem:$0x2B0];
	v51 =	vmul.f32 v42, v22;
	[tilespmem:$0x1630] =	vst v47  }
0x4e: {  	v54 =	vbroadcast v3, $0x2;
	v52 =	vld [tilespmem:$0x2A0];
	v53 =	vmul.f32 v44, v22;
	[tilespmem:$0x1640] =	vst v49  }
0x4f: {  	v14 =	vld [tilespmem:$0x680];
	v56 =	vmul.f32 v46, v22;
	[tilespmem:$0x1650] =	vst v51  }
0x50: {  	v57 =	vld [tilespmem:$0x2C0];
	v58 =	vmul.f32 v48, v54;
	[tilespmem:$0x1660] =	vst v53  }
0x51: {  	v59 =	vld [tilespmem:$0x2D0];
	v60 =	vmul.f32 v50, v54;
	[tilespmem:$0x1670] =	vst v56  }
0x52: {  	v61 =	vld [tilespmem:$0x2E0];
	v13 =	vmul.f32 v55, v54;
	[tilespmem:$0x1280] =	vst v58  }
0x53: {  	v63 =	vld [tilespmem:$0x2F0];
	v62 =	vmul.f32 v52, v54;
	[tilespmem:$0x1290] =	vst v60  }
0x54: {  	v16 =	vld [tilespmem:$0x690];
	[tilespmem:$0x12B0] =	vst v13;
	v23 =	vmul.f32 v14, v54  }
0x55: {  	v18 =	vld [tilespmem:$0x6A0];
	[tilespmem:$0x12A0] =	vst v62;
	v15 =	vmul.f32 v57, v54  }
0x56: {  	v20 =	vld [tilespmem:$0x6B0];
	[tilespmem:$0x1680] =	vst v23;
	v17 =	vmul.f32 v59, v54  }
0x57: {  	v22 =	vld [tilespmem:$0x6C0];
	v19 =	vmul.f32 v61, v54;
	[tilespmem:$0x12C0] =	vst v15  }
0x58: {  	v24 =	vld [tilespmem:$0x6D0];
	v21 =	vmul.f32 v63, v54;
	[tilespmem:$0x12D0] =	vst v17  }
0x59: {  	v26 =	vld [tilespmem:$0x6E0];
	v25 =	vmul.f32 v16, v54;
	[tilespmem:$0x12E0] =	vst v19  }
0x5a: {  	v28 =	vld [tilespmem:$0x6F0];
	v27 =	vmul.f32 v18, v54;
	[tilespmem:$0x12F0] =	vst v21  }
0x5b: {  	v30 =	vld [tilespmem:$0x300];
	v29 =	vmul.f32 v20, v54;
	[tilespmem:$0x1690] =	vst v25  }
0x5c: {  	v32 =	vld [tilespmem:$0x310];
	v31 =	vmul.f32 v22, v54;
	[tilespmem:$0x16A0] =	vst v27  }
0x5d: {  	v34 =	vld [tilespmem:$0x320];
	v33 =	vmul.f32 v24, v54;
	[tilespmem:$0x16B0] =	vst v29  }
0x5e: {  	v36 =	vbroadcast v3, $0x3;
	v55 =	vld [tilespmem:$0x740];
	v35 =	vmul.f32 v26, v54;
	[tilespmem:$0x16C0] =	vst v31  }
0x5f: {  	v37 =	vld [tilespmem:$0x330];
	v38 =	vmul.f32 v28, v54;
	[tilespmem:$0x16D0] =	vst v33  }
0x60: {  	v39 =	vld [tilespmem:$0x340];
	v40 =	vmul.f32 v30, v36;
	[tilespmem:$0x16E0] =	vst v35  }
0x61: {  	v41 =	vld [tilespmem:$0x350];
	v42 =	vmul.f32 v32, v36;
	[tilespmem:$0x16F0] =	vst v38  }
0x62: {  	v43 =	vld [tilespmem:$0x360];
	v44 =	vmul.f32 v34, v36;
	[tilespmem:$0x1300] =	vst v40  }
0x63: {  	v45 =	vld [tilespmem:$0x370];
	v16 =	vmul.f32 v55, v36;
	[tilespmem:$0x1310] =	vst v42  }
0x64: {  	v47 =	vld [tilespmem:$0x700];
	v46 =	vmul.f32 v37, v36;
	[tilespmem:$0x1320] =	vst v44  }
0x65: {  	v49 =	vld [tilespmem:$0x710];
	v48 =	vmul.f32 v39, v36;
	[tilespmem:$0x1740] =	vst v16  }
0x66: {  	v51 =	vld [tilespmem:$0x720];
	v50 =	vmul.f32 v41, v36;
	[tilespmem:$0x1330] =	vst v46  }
0x67: {  	v53 =	vld [tilespmem:$0x730];
	v52 =	vmul.f32 v43, v36;
	[tilespmem:$0x1340] =	vst v48  }
0x68: {  	v57 =	vld [tilespmem:$0x750];
	v54 =	vmul.f32 v45, v36;
	[tilespmem:$0x1350] =	vst v50  }
0x69: {  	v59 =	vld [tilespmem:$0x760];
	v56 =	vmul.f32 v47, v36;
	[tilespmem:$0x1360] =	vst v52  }
0x6a: {  	v61 =	vld [tilespmem:$0x770];
	v58 =	vmul.f32 v49, v36;
	[tilespmem:$0x1370] =	vst v54  }
0x6b: {  	v63 =	vld [tilespmem:$0x380];
	v60 =	vmul.f32 v51, v36;
	[tilespmem:$0x1700] =	vst v56  }
0x6c: {  	v22 =	vld [tilespmem:$0x3B0];
	v62 =	vmul.f32 v53, v36;
	[tilespmem:$0x1710] =	vst v58  }
0x6d: {  	v24 =	vld [tilespmem:$0x3C0];
	[tilespmem:$0x1720] =	vst v60;
	v18 =	vmul.f32 v57, v36  }
0x6e: {  	v26 =	vld [tilespmem:$0x3D0];
	v21 =	vbroadcast v3, $0x4;
	[tilespmem:$0x1730] =	vst v62;
	v20 =	vmul.f32 v59, v36  }
0x6f: {  	v28 =	vld [tilespmem:$0x3E0];
	v23 =	vmul.f32 v61, v36;
	[tilespmem:$0x1750] =	vst v18  }
0x70: {  	v30 =	vld [tilespmem:$0x3F0];
	v25 =	vmul.f32 v63, v21;
	[tilespmem:$0x1760] =	vst v20  }
0x71: {  	v32 =	vld [tilespmem:$0x780];
	v31 =	vmul.f32 v22, v21;
	[tilespmem:$0x1770] =	vst v23  }
0x72: {  	v34 =	vld [tilespmem:$0x790];
	v33 =	vmul.f32 v24, v21;
	[tilespmem:$0x1380] =	vst v25  }
0x73: {  	v55 =	vld [tilespmem:$0x430];
	v35 =	vmul.f32 v26, v21;
	[tilespmem:$0x13B0] =	vst v31  }
0x74: {  	v17 =	vld [tilespmem:$0x390];
	v37 =	vmul.f32 v28, v21;
	[tilespmem:$0x13C0] =	vst v33  }
0x75: {  	v19 =	vld [tilespmem:$0x3A0];
	v39 =	vmul.f32 v30, v21;
	[tilespmem:$0x13D0] =	vst v35  }
0x76: {  	v38 =	vld [tilespmem:$0x7B0];
	v54 =	vbroadcast v3, $0x5;
	v41 =	vmul.f32 v32, v21;
	[tilespmem:$0x13E0] =	vst v37  }
0x77: {  	v40 =	vld [tilespmem:$0x7C0];
	v43 =	vmul.f32 v34, v21;
	[tilespmem:$0x13F0] =	vst v39  }
0x78: {  	v42 =	vld [tilespmem:$0x7D0];
	v13 =	vmul.f32 v55, v54;
	[tilespmem:$0x1780] =	vst v41  }
0x79: {  	v44 =	vld [tilespmem:$0x7E0];
	v27 =	vmul.f32 v17, v21;
	[tilespmem:$0x1790] =	vst v43  }
0x7a: {  	v14 =	vld [tilespmem:$0x800];
	v29 =	vmul.f32 v19, v21;
	[tilespmem:$0x1430] =	vst v13  }
0x7b: {  	v16 =	vld [tilespmem:$0x810];
	v47 =	vmul.f32 v38, v21;
	[tilespmem:$0x1390] =	vst v27  }
0x7c: {  	v46 =	vld [tilespmem:$0x7F0];
	v49 =	vmul.f32 v40, v21;
	[tilespmem:$0x13A0] =	vst v29  }
0x7d: {  	v48 =	vld [tilespmem:$0x400];
	v51 =	vmul.f32 v42, v21;
	[tilespmem:$0x17B0] =	vst v47  }
0x7e: {  	v50 =	vld [tilespmem:$0x410];
	v53 =	vmul.f32 v44, v21;
	[tilespmem:$0x17C0] =	vst v49  }
0x7f: {  	v52 =	vld [tilespmem:$0x420];
	v23 =	vmul.f32 v14, v54;
	[tilespmem:$0x17D0] =	vst v51  }
0x80: {  	v36 =	vld [tilespmem:$0x7A0];
	v25 =	vmul.f32 v16, v54;
	[tilespmem:$0x17E0] =	vst v53  }
0x81: {  	v57 =	vld [tilespmem:$0x440];
	v56 =	vmul.f32 v46, v21;
	[tilespmem:$0x1800] =	vst v23  }
0x82: {  	v59 =	vld [tilespmem:$0x450];
	v58 =	vmul.f32 v48, v54;
	[tilespmem:$0x1810] =	vst v25  }
0x83: {  	v61 =	vld [tilespmem:$0x460];
	v60 =	vmul.f32 v50, v54;
	[tilespmem:$0x17F0] =	vst v56  }
0x84: {  	v63 =	vld [tilespmem:$0x470];
	v62 =	vmul.f32 v52, v54;
	[tilespmem:$0x1400] =	vst v58  }
0x85: {  	v22 =	vld [tilespmem:$0x840];
	v45 =	vmul.f32 v36, v21;
	[tilespmem:$0x1410] =	vst v60  }
0x86: {  	v24 =	vld [tilespmem:$0x850];
	v15 =	vmul.f32 v57, v54;
	[tilespmem:$0x1420] =	vst v62  }
0x87: {  	v26 =	vld [tilespmem:$0x860];
	v17 =	vmul.f32 v59, v54;
	[tilespmem:$0x17A0] =	vst v45  }
0x88: {  	v28 =	vld [tilespmem:$0x870];
	v19 =	vmul.f32 v61, v54;
	[tilespmem:$0x1440] =	vst v15  }
0x89: {  	v18 =	vld [tilespmem:$0x820];
	v21 =	vmul.f32 v63, v54;
	[tilespmem:$0x1450] =	vst v17  }
0x8a: {  	v20 =	vld [tilespmem:$0x830];
	v31 =	vmul.f32 v22, v54;
	[tilespmem:$0x1460] =	vst v19  }
0x8b: {  	v30 =	vld [tilespmem:$0x480];
	v33 =	vmul.f32 v24, v54;
	[tilespmem:$0x1470] =	vst v21  }
0x8c: {  	v32 =	vld [tilespmem:$0x490];
	v35 =	vmul.f32 v26, v54;
	[tilespmem:$0x1840] =	vst v31  }
0x8d: {  	v34 =	vld [tilespmem:$0x4A0];
	v38 =	vmul.f32 v28, v54;
	[tilespmem:$0x1850] =	vst v33  }
0x8e: {  	v37 =	vld [tilespmem:$0x4B0];
	v36 =	vbroadcast v3, $0x6;
	v27 =	vmul.f32 v18, v54;
	[tilespmem:$0x1860] =	vst v35  }
0x8f: {  	v39 =	vld [tilespmem:$0x4C0];
	v29 =	vmul.f32 v20, v54;
	[tilespmem:$0x1870] =	vst v38  }
0x90: {  	v41 =	vld [tilespmem:$0x4D0];
	v40 =	vmul.f32 v30, v36;
	[tilespmem:$0x1820] =	vst v27  }
0x91: {  	v43 =	vld [tilespmem:$0x4E0];
	v42 =	vmul.f32 v32, v36;
	[tilespmem:$0x1830] =	vst v29  }
0x92: {  	v55 =	vld [tilespmem:$0x8C0];
	v44 =	vmul.f32 v34, v36;
	[tilespmem:$0x1480] =	vst v40  }
0x93: {  	v47 =	vld [tilespmem:$0x880];
	v46 =	vmul.f32 v37, v36;
	[tilespmem:$0x1490] =	vst v42  }
0x94: {  	v49 =	vld [tilespmem:$0x890];
	v48 =	vmul.f32 v39, v36;
	[tilespmem:$0x14A0] =	vst v44  }
0x95: {  	v51 =	vld [tilespmem:$0x8A0];
	v50 =	vmul.f32 v41, v36;
	[tilespmem:$0x14B0] =	vst v46  }
0x96: {  	v53 =	vld [tilespmem:$0x8B0];
	v52 =	vmul.f32 v43, v36;
	[tilespmem:$0x14C0] =	vst v48  }
0x97: {  	v57 =	vld [tilespmem:$0x8D0];
	v16 =	vmul.f32 v55, v36;
	[tilespmem:$0x14D0] =	vst v50  }
0x98: {  	v59 =	vld [tilespmem:$0x8E0];
	[tilespmem:$0x14E0] =	vst v52;
	v56 =	vmul.f32 v47, v36  }
0x99: {  	v61 =	vld [tilespmem:$0x8F0];
	v58 =	vmul.f32 v49, v36;
	[tilespmem:$0x18C0] =	vst v16  }
0x9a: {  	v63 =	vld [tilespmem:$0x500];
	v60 =	vmul.f32 v51, v36;
	[tilespmem:$0x1880] =	vst v56  }
0x9b: {  	v22 =	vld [tilespmem:$0x530];
	v62 =	vmul.f32 v53, v36;
	[tilespmem:$0x1890] =	vst v58  }
0x9c: {  	v24 =	vld [tilespmem:$0x540];
	v18 =	vmul.f32 v57, v36;
	[tilespmem:$0x18A0] =	vst v60  }
0x9d: {  	v26 =	vld [tilespmem:$0x550];
	v21 =	vbroadcast v3, $0x7;
	v20 =	vmul.f32 v59, v36;
	[tilespmem:$0x18B0] =	vst v62  }
0x9e: {  	v28 =	vld [tilespmem:$0x560];
	v23 =	vmul.f32 v61, v36;
	[tilespmem:$0x18D0] =	vst v18  }
0x9f: {  	v45 =	vld [tilespmem:$0x4F0];
	v25 =	vmul.f32 v63, v21;
	[tilespmem:$0x18E0] =	vst v20  }
0xa0: {  	v17 =	vld [tilespmem:$0x510];
	v31 =	vmul.f32 v22, v21;
	[tilespmem:$0x18F0] =	vst v23  }
0xa1: {  	v19 =	vld [tilespmem:$0x520];
	v33 =	vmul.f32 v24, v21;
	[tilespmem:$0x1500] =	vst v25  }
0xa2: {  	v30 =	vld [tilespmem:$0x570];
	v35 =	vmul.f32 v26, v21;
	[tilespmem:$0x1530] =	vst v31  }
0xa3: {  	v32 =	vld [tilespmem:$0x900];
	v37 =	vmul.f32 v28, v21;
	[tilespmem:$0x1540] =	vst v33  }
0xa4: {  	v34 =	vld [tilespmem:$0x910];
	v54 =	vmul.f32 v45, v36;
	[tilespmem:$0x1550] =	vst v35  }
0xa5: {  	v38 =	vld [tilespmem:$0x930];
	v27 =	vmul.f32 v17, v21;
	[tilespmem:$0x1560] =	vst v37  }
0xa6: {  	v40 =	vld [tilespmem:$0x940];
	v29 =	vmul.f32 v19, v21;
	[tilespmem:$0x14F0] =	vst v54  }
0xa7: {  	v42 =	vld [tilespmem:$0x950];
	v39 =	vmul.f32 v30, v21;
	[tilespmem:$0x1510] =	vst v27  }
0xa8: {  	v44 =	vld [tilespmem:$0x960];
	v41 =	vmul.f32 v32, v21;
	[tilespmem:$0x1520] =	vst v29  }
0xa9: {  	v46 =	vld [tilespmem:$0x970];
	v43 =	vmul.f32 v34, v21;
	[tilespmem:$0x1570] =	vst v39  }
0xaa: {  	v48 =	vld [tilespmem:$0x980];
	v47 =	vmul.f32 v38, v21;
	[tilespmem:$0x1900] =	vst v41  }
0xab: {  	v50 =	vld [tilespmem:$0x990];
	[tilespmem:$0x1910] =	vst v43;
	v49 =	vmul.f32 v40, v21  }
0xac: {  	v52 =	vld [tilespmem:$0x9A0];
	[tilespmem:$0x1930] =	vst v47;
	v51 =	vmul.f32 v42, v21  }
0xad: {  	v55 =	vld [tilespmem:$0x9B0];
	v53 =	vmul.f32 v44, v21;
	v54 =	vbroadcast v3, $0x8;
	[tilespmem:$0x1940] =	vst v49  }
0xae: {  	v57 =	vld [tilespmem:$0x9C0];
	v56 =	vmul.f32 v46, v21;
	[tilespmem:$0x1950] =	vst v51  }
0xaf: {  	v59 =	vld [tilespmem:$0x9D0];
	[tilespmem:$0x1960] =	vst v53;
	v58 =	vmul.f32 v48, v54  }
0xb0: {  	v61 =	vld [tilespmem:$0x9E0];
	[tilespmem:$0x1970] =	vst v56;
	v60 =	vmul.f32 v50, v54  }
0xb1: {  	v14 =	vld [tilespmem:$0xD80];
	v62 =	vmul.f32 v52, v54;
	[tilespmem:$0x1980] =	vst v58  }
0xb2: {  	v16 =	vld [tilespmem:$0xD90];
	v13 =	vmul.f32 v55, v54;
	[tilespmem:$0x1990] =	vst v60  }
0xb3: {  	v22 =	vld [tilespmem:$0xDC0];
	v15 =	vmul.f32 v57, v54;
	[tilespmem:$0x19A0] =	vst v62  }
0xb4: {  	v24 =	vld [tilespmem:$0xDD0];
	v17 =	vmul.f32 v59, v54;
	[tilespmem:$0x19B0] =	vst v13  }
0xb5: {  	v26 =	vld [tilespmem:$0xDE0];
	v19 =	vmul.f32 v61, v54;
	[tilespmem:$0x19C0] =	vst v15  }
0xb6: {  	v28 =	vld [tilespmem:$0xDF0];
	v23 =	vmul.f32 v14, v54;
	[tilespmem:$0x19D0] =	vst v17  }
0xb7: {  	v36 =	vld [tilespmem:$0x920];
	v25 =	vmul.f32 v16, v54;
	[tilespmem:$0x19E0] =	vst v19  }
0xb8: {  	v63 =	vld [tilespmem:$0x9F0];
	v31 =	vmul.f32 v22, v54;
	[tilespmem:$0x1D80] =	vst v23  }
0xb9: {  	v18 =	vld [tilespmem:$0xDA0];
	v33 =	vmul.f32 v24, v54;
	[tilespmem:$0x1D90] =	vst v25  }
0xba: {  	v20 =	vld [tilespmem:$0xDB0];
	v35 =	vmul.f32 v26, v54;
	[tilespmem:$0x1DC0] =	vst v31  }
0xbb: {  	v30 =	vld [tilespmem:$0xA00];
	v38 =	vmul.f32 v28, v54;
	[tilespmem:$0x1DD0] =	vst v33  }
0xbc: {  	v32 =	vld [tilespmem:$0xA10];
	v45 =	vmul.f32 v36, v21;
	[tilespmem:$0x1DE0] =	vst v35  }
0xbd: {  	v34 =	vld [tilespmem:$0xA20];
	v21 =	vmul.f32 v63, v54;
	[tilespmem:$0x1DF0] =	vst v38  }
0xbe: {  	v37 =	vld [tilespmem:$0xA30];
	v27 =	vmul.f32 v18, v54;
	v36 =	vbroadcast v3, $0x9;
	[tilespmem:$0x1920] =	vst v45  }
0xbf: {  	v39 =	vld [tilespmem:$0xA40];
	v29 =	vmul.f32 v20, v54;
	[tilespmem:$0x19F0] =	vst v21  }
0xc0: {  	v41 =	vld [tilespmem:$0xA50];
	[tilespmem:$0x1DA0] =	vst v27;
	v40 =	vmul.f32 v30, v36  }
0xc1: {  	v43 =	vld [tilespmem:$0xA60];
	[tilespmem:$0x1DB0] =	vst v29;
	v42 =	vmul.f32 v32, v36  }
0xc2: {  	v47 =	vld [tilespmem:$0xE00];
	v44 =	vmul.f32 v34, v36;
	[tilespmem:$0x1A00] =	vst v40  }
0xc3: {  	v49 =	vld [tilespmem:$0xE10];
	v46 =	vmul.f32 v37, v36;
	[tilespmem:$0x1A10] =	vst v42  }
0xc4: {  	v51 =	vld [tilespmem:$0xE20];
	v48 =	vmul.f32 v39, v36;
	[tilespmem:$0x1A20] =	vst v44  }
0xc5: {  	v53 =	vld [tilespmem:$0xE30];
	v50 =	vmul.f32 v41, v36;
	[tilespmem:$0x1A30] =	vst v46  }
0xc6: {  	v55 =	vld [tilespmem:$0xE40];
	v52 =	vmul.f32 v43, v36;
	[tilespmem:$0x1A40] =	vst v48  }
0xc7: {  	v57 =	vld [tilespmem:$0xE50];
	v56 =	vmul.f32 v47, v36;
	[tilespmem:$0x1A50] =	vst v50  }
0xc8: {  	v59 =	vld [tilespmem:$0xE60];
	[tilespmem:$0x1A60] =	vst v52;
	v58 =	vmul.f32 v49, v36  }
0xc9: {  	v61 =	vld [tilespmem:$0xE70];
	[tilespmem:$0x1E00] =	vst v56;
	v60 =	vmul.f32 v51, v36  }
0xca: {  	v22 =	vld [tilespmem:$0xAB0];
	v62 =	vmul.f32 v53, v36;
	[tilespmem:$0x1E10] =	vst v58  }
0xcb: {  	v24 =	vld [tilespmem:$0xAC0];
	v16 =	vmul.f32 v55, v36;
	[tilespmem:$0x1E20] =	vst v60  }
0xcc: {  	v26 =	vld [tilespmem:$0xAD0];
	v18 =	vmul.f32 v57, v36;
	[tilespmem:$0x1E30] =	vst v62  }
0xcd: {  	v28 =	vld [tilespmem:$0xAE0];
	v21 =	vbroadcast v3, $0xA;
	v20 =	vmul.f32 v59, v36;
	[tilespmem:$0x1E40] =	vst v16  }
0xce: {  	v63 =	vld [tilespmem:$0xA80];
	v23 =	vmul.f32 v61, v36;
	[tilespmem:$0x1E50] =	vst v18  }
0xcf: {  	v17 =	vld [tilespmem:$0xA90];
	v31 =	vmul.f32 v22, v21;
	[tilespmem:$0x1E60] =	vst v20  }
0xd0: {  	v19 =	vld [tilespmem:$0xAA0];
	v33 =	vmul.f32 v24, v21;
	[tilespmem:$0x1E70] =	vst v23  }
0xd1: {  	v38 =	vld [tilespmem:$0xEB0];
	v35 =	vmul.f32 v26, v21;
	[tilespmem:$0x1AB0] =	vst v31  }
0xd2: {  	v45 =	vld [tilespmem:$0xA70];
	v37 =	vmul.f32 v28, v21;
	[tilespmem:$0x1AC0] =	vst v33  }
0xd3: {  	v30 =	vld [tilespmem:$0xAF0];
	v25 =	vmul.f32 v63, v21;
	[tilespmem:$0x1AD0] =	vst v35  }
0xd4: {  	v32 =	vld [tilespmem:$0xE80];
	v27 =	vmul.f32 v17, v21;
	[tilespmem:$0x1AE0] =	vst v37  }
0xd5: {  	v34 =	vld [tilespmem:$0xE90];
	v29 =	vmul.f32 v19, v21;
	[tilespmem:$0x1A80] =	vst v25  }
0xd6: {  	v40 =	vld [tilespmem:$0xEC0];
	v47 =	vmul.f32 v38, v21;
	[tilespmem:$0x1A90] =	vst v27  }
0xd7: {  	v42 =	vld [tilespmem:$0xED0];
	v54 =	vmul.f32 v45, v36;
	[tilespmem:$0x1AA0] =	vst v29  }
0xd8: {  	v44 =	vld [tilespmem:$0xEE0];
	v39 =	vmul.f32 v30, v21;
	[tilespmem:$0x1EB0] =	vst v47  }
0xd9: {  	v46 =	vld [tilespmem:$0xEF0];
	v41 =	vmul.f32 v32, v21;
	[tilespmem:$0x1A70] =	vst v54  }
0xda: {  	v48 =	vld [tilespmem:$0xB00];
	v43 =	vmul.f32 v34, v21;
	[tilespmem:$0x1AF0] =	vst v39  }
0xdb: {  	v50 =	vld [tilespmem:$0xB10];
	[tilespmem:$0x1E80] =	vst v41;
	v49 =	vmul.f32 v40, v21  }
0xdc: {  	v52 =	vld [tilespmem:$0xB20];
	[tilespmem:$0x1E90] =	vst v43;
	v51 =	vmul.f32 v42, v21  }
0xdd: {  	v55 =	vld [tilespmem:$0xB30];
	v53 =	vmul.f32 v44, v21;
	v54 =	vbroadcast v3, $0xB;
	[tilespmem:$0x1EC0] =	vst v49  }
0xde: {  	v57 =	vld [tilespmem:$0xB40];
	v56 =	vmul.f32 v46, v21;
	[tilespmem:$0x1ED0] =	vst v51  }
0xdf: {  	v59 =	vld [tilespmem:$0xB50];
	[tilespmem:$0x1EE0] =	vst v53;
	v58 =	vmul.f32 v48, v54  }
0xe0: {  	v61 =	vld [tilespmem:$0xB60];
	[tilespmem:$0x1EF0] =	vst v56;
	v60 =	vmul.f32 v50, v54  }
0xe1: {  	v14 =	vld [tilespmem:$0xF00];
	v62 =	vmul.f32 v52, v54;
	[tilespmem:$0x1B00] =	vst v58  }
0xe2: {  	v16 =	vld [tilespmem:$0xF10];
	v13 =	vmul.f32 v55, v54;
	[tilespmem:$0x1B10] =	vst v60  }
0xe3: {  	v18 =	vld [tilespmem:$0xF20];
	v15 =	vmul.f32 v57, v54;
	[tilespmem:$0x1B20] =	vst v62  }
0xe4: {  	v20 =	vld [tilespmem:$0xF30];
	v17 =	vmul.f32 v59, v54;
	[tilespmem:$0x1B30] =	vst v13  }
0xe5: {  	v22 =	vld [tilespmem:$0xF40];
	v19 =	vmul.f32 v61, v54;
	[tilespmem:$0x1B40] =	vst v15  }
0xe6: {  	v24 =	vld [tilespmem:$0xF50];
	v23 =	vmul.f32 v14, v54;
	[tilespmem:$0x1B50] =	vst v17  }
0xe7: {  	v26 =	vld [tilespmem:$0xF60];
	v25 =	vmul.f32 v16, v54;
	[tilespmem:$0x1B60] =	vst v19  }
0xe8: {  	v28 =	vld [tilespmem:$0xF70];
	v27 =	vmul.f32 v18, v54;
	[tilespmem:$0x1F00] =	vst v23  }
0xe9: {  	v36 =	vld [tilespmem:$0xEA0];
	v29 =	vmul.f32 v20, v54;
	[tilespmem:$0x1F10] =	vst v25  }
0xea: {  	v63 =	vld [tilespmem:$0xB70];
	v31 =	vmul.f32 v22, v54;
	[tilespmem:$0x1F20] =	vst v27  }
0xeb: {  	v30 =	vld [tilespmem:$0xB80];
	v33 =	vmul.f32 v24, v54;
	[tilespmem:$0x1F30] =	vst v29  }
0xec: {  	v32 =	vld [tilespmem:$0xB90];
	v35 =	vmul.f32 v26, v54;
	[tilespmem:$0x1F40] =	vst v31  }
0xed: {  	v34 =	vld [tilespmem:$0xBA0];
	v38 =	vmul.f32 v28, v54;
	[tilespmem:$0x1F50] =	vst v33  }
0xee: {  	v37 =	vld [tilespmem:$0xBB0];
	v45 =	vmul.f32 v36, v21;
	v36 =	vbroadcast v3, $0xC;
	[tilespmem:$0x1F60] =	vst v35  }
0xef: {  	v39 =	vld [tilespmem:$0xBC0];
	v21 =	vmul.f32 v63, v54;
	[tilespmem:$0x1F70] =	vst v38  }
0xf0: {  	v41 =	vld [tilespmem:$0xBD0];
	[tilespmem:$0x1EA0] =	vst v45;
	v40 =	vmul.f32 v30, v36  }
0xf1: {  	v43 =	vld [tilespmem:$0xBE0];
	[tilespmem:$0x1B70] =	vst v21;
	v42 =	vmul.f32 v32, v36  }
0xf2: {  	v47 =	vld [tilespmem:$0xF80];
	v44 =	vmul.f32 v34, v36;
	[tilespmem:$0x1B80] =	vst v40  }
0xf3: {  	v49 =	vld [tilespmem:$0xF90];
	v46 =	vmul.f32 v37, v36;
	[tilespmem:$0x1B90] =	vst v42  }
0xf4: {  	v51 =	vld [tilespmem:$0xFA0];
	v48 =	vmul.f32 v39, v36;
	[tilespmem:$0x1BA0] =	vst v44  }
0xf5: {  	v53 =	vld [tilespmem:$0xFB0];
	v50 =	vmul.f32 v41, v36;
	[tilespmem:$0x1BB0] =	vst v46  }
0xf6: {  	v55 =	vld [tilespmem:$0xFC0];
	v52 =	vmul.f32 v43, v36;
	[tilespmem:$0x1BC0] =	vst v48  }
0xf7: {  	v57 =	vld [tilespmem:$0xFD0];
	v56 =	vmul.f32 v47, v36;
	[tilespmem:$0x1BD0] =	vst v50  }
0xf8: {  	v59 =	vld [tilespmem:$0xFE0];
	[tilespmem:$0x1BE0] =	vst v52;
	v58 =	vmul.f32 v49, v36  }
0xf9: {  	v61 =	vld [tilespmem:$0xFF0];
	[tilespmem:$0x1F80] =	vst v56;
	v60 =	vmul.f32 v51, v36  }
0xfa: {  	v22 =	vld [tilespmem:$0xC30];
	v62 =	vmul.f32 v53, v36;
	[tilespmem:$0x1F90] =	vst v58  }
0xfb: {  	v24 =	vld [tilespmem:$0xC40];
	v16 =	vmul.f32 v55, v36;
	[tilespmem:$0x1FA0] =	vst v60  }
0xfc: {  	v26 =	vld [tilespmem:$0xC50];
	v18 =	vmul.f32 v57, v36;
	[tilespmem:$0x1FB0] =	vst v62  }
0xfd: {  	v28 =	vld [tilespmem:$0xC60];
	v21 =	vbroadcast v3, $0xD;
	v20 =	vmul.f32 v59, v36;
	[tilespmem:$0x1FC0] =	vst v16  }
0xfe: {  	v63 =	vld [tilespmem:$0xC00];
	v23 =	vmul.f32 v61, v36;
	[tilespmem:$0x1FD0] =	vst v18  }
0xff: {  	v17 =	vld [tilespmem:$0xC10];
	v31 =	vmul.f32 v22, v21;
	[tilespmem:$0x1FE0] =	vst v20  }
0x100: {  	v19 =	vld [tilespmem:$0xC20];
	v33 =	vmul.f32 v24, v21;
	[tilespmem:$0x1FF0] =	vst v23  }
0x101: {  	v38 =	vld [tilespmem:$0x1030];
	v35 =	vmul.f32 v26, v21;
	[tilespmem:$0x1C30] =	vst v31  }
0x102: {  	v45 =	vld [tilespmem:$0xBF0];
	v37 =	vmul.f32 v28, v21;
	[tilespmem:$0x1C40] =	vst v33  }
0x103: {  	v30 =	vld [tilespmem:$0xC70];
	v25 =	vmul.f32 v63, v21;
	[tilespmem:$0x1C50] =	vst v35  }
0x104: {  	v32 =	vld [tilespmem:$0x1000];
	v27 =	vmul.f32 v17, v21;
	[tilespmem:$0x1C60] =	vst v37  }
0x105: {  	v34 =	vld [tilespmem:$0x1010];
	v29 =	vmul.f32 v19, v21;
	[tilespmem:$0x1C00] =	vst v25  }
0x106: {  	v40 =	vld [tilespmem:$0x1040];
	v47 =	vmul.f32 v38, v21;
	[tilespmem:$0x1C10] =	vst v27  }
0x107: {  	v42 =	vld [tilespmem:$0x1050];
	v54 =	vmul.f32 v45, v36;
	[tilespmem:$0x1C20] =	vst v29  }
0x108: {  	v44 =	vld [tilespmem:$0x1060];
	v39 =	vmul.f32 v30, v21;
	[tilespmem:$0x2030] =	vst v47  }
0x109: {  	v46 =	vld [tilespmem:$0x1070];
	v41 =	vmul.f32 v32, v21;
	[tilespmem:$0x1BF0] =	vst v54  }
0x10a: {  	v48 =	vld [tilespmem:$0xC80];
	v43 =	vmul.f32 v34, v21;
	[tilespmem:$0x1C70] =	vst v39  }
0x10b: {  	v50 =	vld [tilespmem:$0xC90];
	[tilespmem:$0x2000] =	vst v41;
	v49 =	vmul.f32 v40, v21  }
0x10c: {  	v52 =	vld [tilespmem:$0xCA0];
	[tilespmem:$0x2010] =	vst v43;
	v51 =	vmul.f32 v42, v21  }
0x10d: {  	v55 =	vld [tilespmem:$0xCB0];
	v53 =	vmul.f32 v44, v21;
	v54 =	vbroadcast v3, $0xE;
	[tilespmem:$0x2040] =	vst v49  }
0x10e: {  	v57 =	vld [tilespmem:$0xCC0];
	v56 =	vmul.f32 v46, v21;
	[tilespmem:$0x2050] =	vst v51  }
0x10f: {  	v59 =	vld [tilespmem:$0xCD0];
	[tilespmem:$0x2060] =	vst v53;
	v58 =	vmul.f32 v48, v54  }
0x110: {  	v61 =	vld [tilespmem:$0xCE0];
	[tilespmem:$0x2070] =	vst v56;
	v60 =	vmul.f32 v50, v54  }
0x111: {  	v63 =	vld [tilespmem:$0xCF0];
	v62 =	vmul.f32 v52, v54;
	[tilespmem:$0x1C80] =	vst v58  }
0x112: {  	v13 =	vld [tilespmem:$0x1080];
	v12 =	vmul.f32 v55, v54;
	[tilespmem:$0x1C90] =	vst v60  }
0x113: {  	v15 =	vld [tilespmem:$0x1090];
	v14 =	vmul.f32 v57, v54;
	[tilespmem:$0x1CA0] =	vst v62  }
0x114: {  	v17 =	vld [tilespmem:$0x10A0];
	v16 =	vmul.f32 v59, v54;
	[tilespmem:$0x1CB0] =	vst v12  }
0x115: {  	v19 =	vld [tilespmem:$0x10B0];
	v18 =	vmul.f32 v61, v54;
	[tilespmem:$0x1CC0] =	vst v14  }
0x116: {  	v23 =	vld [tilespmem:$0x10D0];
	v20 =	vmul.f32 v63, v54;
	[tilespmem:$0x1CD0] =	vst v16  }
0x117: {  	v31 =	vld [tilespmem:$0xD10];
	v22 =	vmul.f32 v13, v54;
	[tilespmem:$0x1CE0] =	vst v18  }
0x118: {  	v33 =	vld [tilespmem:$0xD20];
	v24 =	vmul.f32 v15, v54;
	[tilespmem:$0x1CF0] =	vst v20  }
0x119: {  	v35 =	vld [tilespmem:$0xD30];
	v26 =	vmul.f32 v17, v54;
	[tilespmem:$0x2080] =	vst v22  }
0x11a: {  	v37 =	vld [tilespmem:$0xD40];
	v3 =	vbroadcast v3, $0xF;
	v28 =	vmul.f32 v19, v54;
	[tilespmem:$0x2090] =	vst v24  }
0x11b: {  	v36 =	vld [tilespmem:$0x1020];
	v32 =	vmul.f32 v23, v54;
	[tilespmem:$0x20A0] =	vst v26  }
0x11c: {  	v25 =	vld [tilespmem:$0x10E0];
	v40 =	vmul.f32 v31, v3;
	[tilespmem:$0x20B0] =	vst v28  }
0x11d: {  	v27 =	vld [tilespmem:$0x10F0];
	v42 =	vmul.f32 v33, v3;
	[tilespmem:$0x20D0] =	vst v32  }
0x11e: {  	v29 =	vld [tilespmem:$0xD00];
	v44 =	vmul.f32 v35, v3;
	[tilespmem:$0x1D10] =	vst v40  }
0x11f: {  	v47 =	vld [tilespmem:$0x1110];
	v46 =	vmul.f32 v37, v3;
	[tilespmem:$0x1D20] =	vst v42  }
0x120: {  	v39 =	vld [tilespmem:$0xD50];
	v45 =	vmul.f32 v36, v21;
	[tilespmem:$0x1D30] =	vst v44  }
0x121: {  	v41 =	vld [tilespmem:$0xD60];
	v34 =	vmul.f32 v25, v54;
	[tilespmem:$0x1D40] =	vst v46  }
0x122: {  	v43 =	vld [tilespmem:$0xD70];
	v36 =	vmul.f32 v27, v54;
	[tilespmem:$0x2020] =	vst v45  }
0x123: {  	v49 =	vld [tilespmem:$0x1120];
	v38 =	vmul.f32 v29, v3;
	[tilespmem:$0x20E0] =	vst v34  }
0x124: {  	v51 =	vld [tilespmem:$0x1130];
	v56 =	vmul.f32 v47, v3;
	[tilespmem:$0x20F0] =	vst v36  }
0x125: {  	v53 =	vld [tilespmem:$0x1140];
	v48 =	vmul.f32 v39, v3;
	[tilespmem:$0x1D00] =	vst v38  }
0x126: {  	v55 =	vld [tilespmem:$0x1150];
	v50 =	vmul.f32 v41, v3;
	[tilespmem:$0x2110] =	vst v56  }
0x127: {  	v57 =	vld [tilespmem:$0x1160];
	v52 =	vmul.f32 v43, v3;
	[tilespmem:$0x1D50] =	vst v48  }
0x128: {  	v21 =	vld [tilespmem:$0x10C0];
	[tilespmem:$0x1D60] =	vst v50;
	v58 =	vmul.f32 v49, v3  }
0x129: {  	v45 =	vld [tilespmem:$0x1100];
	[tilespmem:$0x1D70] =	vst v52;
	v60 =	vmul.f32 v51, v3  }
0x12a: {  	v59 =	vld [tilespmem:$0x1170];
	v61 =	vmul.f32 v53, v3;
	[tilespmem:$0x2120] =	vst v58  }
0x12b: {  	v62 =	vmul.f32 v55, v3;
	[tilespmem:$0x2130] =	vst v60  }
0x12c: {  	v63 =	vmul.f32 v57, v3;
	[tilespmem:$0x2140] =	vst v61  }
0x12d: {  	v30 =	vmul.f32 v21, v54;
	[tilespmem:$0x2150] =	vst v62  }
0x12e: {  	[tilespmem:$0x2160] =	vst v63;
	v54 =	vmul.f32 v45, v3  }
0x12f: {  	[tilespmem:$0x20C0] =	vst v30;
	v3 =	vmul.f32 v59, v3  }
0x130: {  	p0 =	sne.s32 s15, $0x100;
	[tilespmem:$0x2100] =	vst v54  }
.Ltmp0:
0x131: {  	[tilespmem:$0x2170] =	vst v3;
	(pc) =	sbr.rel @p0 .LBB2_2-.Ltmp0, $4  }
0x132: {  	[hbm4b:s14+s3] =	stream.linear.scatter [tilespmem:s12], [sflag:$0x1], $0x1000, $0x38;
	[tilespmem:$0x2180] =	vst v63  }
0x133: {  	_ =	swait.ge [sflag:s8], $0x1000  }
0x134: {  	[sflag:s8] =	ssyncset.done $0x0  }
0x135: {  	s15 =	sadd.s32 $0x40, s15;
	s14 =	sadd.s32 $0x200, s14;
	[sflag:s8] =	ssyncadd.s32 $0xFFFFF000  }
0x136: {  	s13 =	sadd.s32 $0x1, s13  }
0x137: {  	p0 =	sne.s32 s13, s6  }
.Ltmp1:
0x138: {  	_ = 	snop;
	(pc) =	sbr.rel @p0 .LBB2_1-.Ltmp1, $1  }
0x139: {  	_ =	sdelay $0x3  }
0x13a: {  	_ =	sfence.sel $0x180000  }
0x13b: {  	[bflag:$0x0] =	sbarrier.arrive $0xFFFF  }
0x13c: {  	p0 =	sne.s32 s1, $0x0;
	_ =	strace $0x9000004D  }
0x13d: {  	s0 =	sadd.s32 @!p0 $0x100000, s0;
	[bflag:$0x2] =	sbarrier.arrive $0xFFFF  }
0x13e: {  	[sflag:s0] =	ssyncadd.tile.s32 @!p0 $0x1;
	_ =	shalt  }
.Lfunc_end2:
_tile_overlayer_lowered:
.L_overlay_start_2:
0x13f: {  	(tag) =	ssettag $0x2  }
0x140: {  	s0 =	rddreg [dreg:$0x0];
	s2 =	stileid.u32  }
0x141: {  	s1 =	rddreg [dreg:$0x1];
	p0 =	sne.s32 s2, $0x0  }
0x142: {  	s3 =	rddreg [dreg:$0x2];
	[bflag:$0x3] =	sbarrier.arrive $0xFFFF;
	s2 =	simm.s32 @!p0 $0x1C01  }
0x143: {  	[timem:s3], [sflag:s2] =	dma.local @!p0 [hbm:s0], s1  }
0x144: {  	s0 =	simm.s32 @!p0 $0x1  }
0x145: {  	_ =	swait.ge @!p0 [sflag:s0], s1  }
0x146: {  	s1 =	ssub.s32 @!p0 $0x0, s1;
	[sflag:s0] =	ssyncset.done @!p0 $0x0  }
0x147: {  	[sflag:s0] =	ssyncadd.s32 @!p0 s1  }
0x148: {  	[bflag:$0x3] =	sbarrier.arrive $0xFFFF  }
0x149: {  	_ =	shalt  }

// kernel: scatter_offload_async_start.1
scs
__scs_entry_jumppad:
0x0: {  	(pc) =	sbr.rel $0x88, $3  }
0x1: {  	(tag) =	ssettag $0x0;
	lr =	simm.s32 $0x1  }
0x2: {  	[smem:$0x3F99] =	sst lr;
	_ =	strace $0xD0000000  }
0x3: {  	_ = 	snop  }
0x4: {  	_ = 	snop  }
0x5: {  	_ = 	snop  }
0x6: {  	_ = 	snop  }
0x7: {  	_ = 	snop  }
__scs_overlays_trampoline_lowered:
0x8: {  	[smem:$0x3FA8] =	sst s0  }
0x9: {  	[smem:$0x3FA9] =	sst s1  }
0xa: {  	[smem:$0x3FAA] =	sst s2  }
0xb: {  	[smem:$0x3FAB] =	sst s3  }
0xc: {  	[smem:$0x3FAC] =	sst s4  }
0xd: {  	[smem:$0x3FAD] =	sst s5  }
0xe: {  	[smem:$0x3FAE] =	sst s6  }
0xf: {  	[smem:$0x3FAF] =	sst s7  }
0x10: {  	[smem:$0x3FB0] =	sst s8  }
0x11: {  	[smem:$0x3FB1] =	sst s9;
	s0 =	simm.s32 @!p0 $0x0  }
0x12: {  	s1 =	sld [smem:$0x3F97];
	s0 =	simm.s32 @p0 $0x1  }
0x13: {  	[smem:$0x3FB2] =	sst s0;
	s0 =	simm.s32 @!p1 $0x0  }
0x14: {  	s2 =	sld [smem:$0x3F96];
	s0 =	simm.s32 @p1 $0x1  }
0x15: {  	[smem:$0x3FB3] =	sst s0;
	s0 =	simm.s32 @!p2 $0x0  }
0x16: {  	s3 =	sld [smem:$0x3FDB];
	s0 =	simm.s32 @p2 $0x1  }
0x17: {  	s4 =	simm.s32 $0x1BF5;
	[smem:$0x3FB5] =	sst s0  }
0x18: {  	s0 =	sld [smem:$0x3F98];
	_ =	swait.ge [sflag:s4], $0x0  }
0x19: {  	s7 =	sld [smem:$0x3F99]  }
0x1a: {  	s8 =	sadd.s32 $0xFFFFE003, lr  }
0x1b: {  	s9 =	sadd.s32 $0xFFFFFEF7, lr;
	s5 =	simm.s32 $0xFFFFFFFF;
	p2 =	slt.u32 s8, $0xFFFFF086  }
0x1c: {  	p1 =	slt.u32 s9, $0xF7A;
	s5 =	simm.s32 @!p2 $0x0  }
0x1d: {  	s5 =	simm.s32 @p1 $0x1;
	p0 =	seq.s32 s7, s2  }
0x1e: {  	s7 =	smul.u32 @!p0 $0xF7A, s2;
	p2 =	seq.s32 @!p0 s5, $0x0  }
0x1f: {  	s9 =	smul.u32 $0xF7A, s1;
	s8 =	simm.s32 @!p0 $0x1BF5;
	p2 =	por !p2, p0  }
0x20: {  	[sflag:s8] =	ssyncset.s32 @!p0 $0xFFFFF086;
	s6 =	sadd.s32 @!p0 s3, s7;
	s7 =	simm.s32 @!p0 $0x108  }
0x21: {  	s3 =	sadd.s32 s3, s9;
	s6 =	sadd.s32 @!p0 $0x88, s6;
	s7 =	simm.s32 @p2 $0x1082  }
0x22: {  	[simem:s7], [sflag:s8] =	dma.local @!p0 [hbm:s6], $0xF7A  }
0x23: {  	s9 =	sor.u32 $0xD0000000, s2;
	s6 =	simm.s32 $0x108;
	_ =	swait.ge @!p0 [sflag:s8], $0x0  }
0x24: {  	s3 =	sadd.s32 $0x88, s3;
	s6 =	simm.s32 @!p1 $0x1082;
	[sflag:s4] =	ssyncset.s32 $0xFFFFF086  }
0x25: {  	[simem:s6], [sflag:s4] =	dma.local [hbm:s3], $0xF7A  }
0x26: {  	[smem:$0x3F99] =	sst s1;
	(tag) =	ssettag s2;
	_ =	strace s9  }
0x27: {  	s1 =	sld [smem:$0x3FA9]  }
0x28: {  	s2 =	sld [smem:$0x3FAA]  }
0x29: {  	s4 =	sld [smem:$0x3FAC]  }
0x2a: {  	p0 =	seq.s32 s5, $0x0;
	s5 =	sld [smem:$0x3FAD]  }
0x2b: {  	s6 =	sld [smem:$0x3FAE]  }
0x2c: {  	s7 =	sld [smem:$0x3FAF]  }
0x2d: {  	s3 =	simm.s32 $0x108;
	s8 =	sld [smem:$0x3FB0]  }
0x2e: {  	s3 =	simm.s32 @!p0 $0x1082;
	s9 =	sld [smem:$0x3FB1]  }
0x2f: {  	lr =	sadd.s32 s0, s3;
	s0 =	sld [smem:$0x3FA8]  }
0x30: {  	s3 =	sld [smem:$0x3FAB]  }
0x31: {  	[smem:$0x3FB4] =	sst s10  }
0x32: {  	s10 =	sld [smem:$0x3FB2];
	_ =	sdelay $0x3  }
0x33: {  	p0 =	seq.s32 s10, $0x1;
	s10 =	sld [smem:$0x3FB4];
	_ =	sdelay $0x3  }
0x34: {  	[smem:$0x3FB4] =	sst s10  }
0x35: {  	s10 =	sld [smem:$0x3FB3];
	_ =	sdelay $0x3  }
0x36: {  	p1 =	seq.s32 s10, $0x1;
	s10 =	sld [smem:$0x3FB4];
	_ =	sdelay $0x3  }
0x37: {  	[smem:$0x3FB4] =	sst s10  }
0x38: {  	s10 =	sld [smem:$0x3FB5]  }
0x39: {  	_ = 	snop;
	(pc) =	sbr.ind lr, $3  }
0x3a: {  	_ = 	snop  }
0x3b: {  	_ = 	snop  }
0x3c: {  	p2 =	seq.s32 s10, $0x1;
	s10 =	sld [smem:$0x3FB4]  }
0x3d: {  	_ =	shalt  }
0x3e: {  	_ =	shalt  }
0x3f: {  	_ =	shalt  }
0x40: {  	_ =	shalt  }
0x41: {  	_ =	shalt  }
0x42: {  	_ =	shalt  }
0x43: {  	_ =	shalt  }
0x44: {  	_ =	shalt  }
0x45: {  	_ =	shalt  }
0x46: {  	_ =	shalt  }
0x47: {  	_ =	shalt  }
0x48: {  	_ =	shalt  }
0x49: {  	_ =	shalt  }
0x4a: {  	_ =	shalt  }
0x4b: {  	_ =	shalt  }
0x4c: {  	_ =	shalt  }
0x4d: {  	_ =	shalt  }
0x4e: {  	_ =	shalt  }
0x4f: {  	_ =	shalt  }
0x50: {  	_ =	shalt  }
0x51: {  	_ =	shalt  }
0x52: {  	_ =	shalt  }
0x53: {  	_ =	shalt  }
0x54: {  	_ =	shalt  }
0x55: {  	_ =	shalt  }
0x56: {  	_ =	shalt  }
0x57: {  	_ =	shalt  }
0x58: {  	_ =	shalt  }
0x59: {  	_ =	shalt  }
0x5a: {  	_ =	shalt  }
0x5b: {  	_ =	shalt  }
0x5c: {  	_ =	shalt  }
0x5d: {  	_ =	shalt  }
0x5e: {  	_ =	shalt  }
0x5f: {  	_ =	shalt  }
0x60: {  	_ =	shalt  }
0x61: {  	_ =	shalt  }
0x62: {  	_ =	shalt  }
0x63: {  	_ =	shalt  }
0x64: {  	_ =	shalt  }
0x65: {  	_ =	shalt  }
0x66: {  	_ =	shalt  }
0x67: {  	_ =	shalt  }
0x68: {  	_ =	shalt  }
0x69: {  	_ =	shalt  }
0x6a: {  	_ =	shalt  }
0x6b: {  	_ =	shalt  }
0x6c: {  	_ =	shalt  }
0x6d: {  	_ =	shalt  }
0x6e: {  	_ =	shalt  }
0x6f: {  	_ =	shalt  }
0x70: {  	_ =	shalt  }
0x71: {  	_ =	shalt  }
0x72: {  	_ =	shalt  }
0x73: {  	_ =	shalt  }
0x74: {  	_ =	shalt  }
0x75: {  	_ =	shalt  }
0x76: {  	_ =	shalt  }
0x77: {  	_ =	shalt  }
0x78: {  	_ =	shalt  }
0x79: {  	_ =	shalt  }
0x7a: {  	_ =	shalt  }
0x7b: {  	_ =	shalt  }
0x7c: {  	_ =	shalt  }
0x7d: {  	_ =	shalt  }
0x7e: {  	_ =	shalt  }
0x7f: {  	_ =	shalt  }
0x80: {  	_ =	shalt  }
0x81: {  	_ =	shalt  }
0x82: {  	_ =	shalt  }
0x83: {  	_ =	shalt  }
0x84: {  	_ =	shalt  }
0x85: {  	_ =	shalt  }
0x86: {  	_ =	shalt  }
0x87: {  	_ =	shalt  }
.Lfunc_end0:
.L_simem_size_0:
called_computation.1_lowered:
.L_overlay_start_0:
0x88: {  	s0 =	sld [smem:$0x3FD9]  }
0x89: {  	s1 =	sld [smem:$0x3FFE];
	_ =	sdelay $0x3  }
0x8a: {  	s0 =	sadd.s32 s1, s0  }
0x8b: {  	[smem:$0x3FC0] =	sst s0  }
0x8c: {  	_ = 	snop  }
0x8d: {  	(tm) =	ssettm $0x1  }
0x8e: {  	s15 =	sld [smem:$0x3FFB];
	_ =	sdelay $0x3  }
0x8f: {  	_ =	strace s15  }
0x90: {  	s0 =	sld [smem:$0x3FFC];
	_ =	sdelay $0x3  }
0x91: {  	_ =	strace s0  }
0x92: {  	s0 =	sld [smem:$0x3FFD];
	_ =	sdelay $0x3  }
0x93: {  	_ =	strace s0  }
0x94: {  	_ =	strace $0x8FFFFFFF  }
0x95: {  	s16 =	sld [smem:$0x3FDB];
	_ =	sdelay $0x1  }
0x96: {  	s17 =	simm.s32 $_scs_section_size  }
0x97: {  	s2 =	simm.s32 $_size__tile_overlayer_lowered;
	s3 =	simm.s32 $_tile_overlayer_lowered  }
0x98: {  	s20 =	simm.s32 $0x1BFF;
	s19 =	sshll.u32 s3, $0x1;
	s0 =	sadd.s32 s17, s16  }
0x99: {  	s4 =	simm.s32 $0x0;
	s18 =	sshll.u32 s2, $0x1;
	s2 =	sadd.s32 s19, s0  }
0x9a: {  	[timem:s4], [sflag:s20] =	dma.local [hbm:s2], s18  }
0x9b: {  	_ =	swait.ge [sflag:s20], s18  }
0x9c: {  	s1 =	ssub.s32 $0x0, s18;
	[sflag:s20] =	ssyncset.done $0x0  }
0x9d: {  	[sflag:s20] =	ssyncadd.s32 s1;
	_ =	sdelay $0x1  }
0x9e: {  	s21 =	simm.s32 $0x1B8B  }
0x9f: {  	_ =	swait.ge [sflag:s21], $0x1  }
0xa0: {  	[sflag:s21] =	ssyncset.done $0x0  }
0xa1: {  	s23 =	simm.s32 $0x1B8E;
	s22 =	sld [smem:$0x3FFE];
	[sflag:s21] =	ssyncadd.s32 $0xFFFFFFFF  }
0xa2: {  	s24 =	simm.s32 $execute0_lowered;
	[smem:$0x3FD2] =	sst s23  }
0xa3: {  	s2 =	sshll.u32 s24, $0x1;
	_ =	strace $0x80000046;
	[dreg:$0x1] =	wrdreg $0xFFFFFFFF  }
0xa4: {  	s25 =	simm.s32 $_size_execute0_lowered;
	s0 =	sadd.s32 s0, s2;
	[dreg:$0x0] =	wrdreg $0x0  }
0xa5: {  	s2 =	sshll.u32 s25, $0x1;
	[dreg:$0x2] =	wrdreg s0  }
0xa6: {  	[dreg:$0x3] =	wrdreg s2  }
0xa7: {  	[dreg:$0x4] =	wrdreg $0xC0  }
0xa8: {  	_ =	task [dreg:s4], $0x5FFFF  }
0xa9: {  	[dreg:$0x1] =	wrdreg $0xFFFFFFFF  }
0xaa: {  	[dreg:$0x0] =	wrdreg $0x60  }
0xab: {  	[dreg:$0x2] =	wrdreg s22  }
0xac: {  	[dreg:$0x3] =	wrdreg $0xA  }
0xad: {  	_ =	task.clear_ibuf [dreg:s4], $0x4FFFF;
	_ =	strace $0x90000046  }
0xae: {  	s26 =	simm.s32 $0xA;
	_ =	strace $0x80000048  }
0xaf: {  	_ =	swait.ge [sflag:s26], $0x1  }
0xb0: {  	[sflag:s26] =	ssyncadd.s32 $0xFFFFFFFF  }
0xb1: {  	_ =	strace $0x90000048  }
0xb2: {  	_ =	sfence  }
0xb3: {  	s28 =	sld [smem:$0x0];
	_ =	sdelay $0x1  }
0xb4: {  	s29 =	srdreg.scid  }
0xb5: {  	s30 =	sshll.u32 s29, $0xD;
	s31 =	sshrl.u32 s29, $0x2  }
0xb6: {  	s1 =	sand.u32 $0x1, s29;
	s2 =	sand.u32 $0x4000, s30;
	s0 =	sadd.s32 s31, s28  }
0xb7: {  	s1 =	sor.u32 s2, s1;
	s0 =	sshll.u32 s0, $0x11  }
0xb8: {  	s0 =	sor.u32 s0, s1  }
0xb9: {  	s0 =	sadd.s32 $0x8F2B, s0  }
0xba: {  	[sflag:s0] =	ssyncadd.remote.s32 $0x1  }
0xbb: {  	_ =	sfence.sel $0xFFFF  }
0xbc: {  	[dreg:$0x0] =	wrdreg $0xFFFFFFFF;
	(pc) =	sbr.abs _section_cstart, $3  }
0xbd: {  	[dreg:$0x1] =	wrdreg $0xFFFFFFFF  }
0xbe: {  	_ =	task.clear_ibuf [dreg:s4], $0x2FFFF;
	_ =	strace $0x9FFFFFFF  }
0xbf: {  	(tm) =	ssettm $0x7FFFFFFF  }
tec
execute0_lowered:
.L_overlay_start_1:
0x0: {  	(tag) =	ssettag $0x1  }
0x1: {  	s1 =	rddreg [dreg:$0x0]  }
0x2: {  	s14 =	stileid.u32;
	_ =	strace $0x80000047;
	s0 =	simm.s32 $0x1  }
0x3: {  	v1 =	vimm.s32 $0xFFFFFFFF;
	s2 =	smin.u32 s14, $0x4;
	[sflag:s0] =	ssyncpa.u1 $0x0  }
0x4: {  	s2 =	sadd.s32 s14, s2;
	[tilespmem:$0x10] =	vst v1  }
0x5: {  	v0 =	vimm.f32 $0.0e+00;
	p0 =	slt.u32 s14, $0x4;
	[tilespmem:$0x20] =	vst v1;
	s3 =	smul.u32 $0x1F40, s2;
	s2 =	simm.s32 $0x3E80  }
0x6: {  	[tilespmem:$0x30] =	vst v0;
	s2 =	simm.s32 @!p0 $0x1F40  }
0x7: {  	[tilespmem:$0x40] =	vst v0;
	s2 =	sadd.s32 s2, s3  }
0x8: {  	[tilespmem:$0x50] =	vst v0;
	s4 =	smin.u32 s2, $0x27100  }
0x9: {  	s7 =	simm.s32 $0x2;
	s8 =	simm.s32 $0x8;
	[tilespmem:$0x60] =	vst v1;
	s2 =	ssub.s32 s4, s3  }
0xa: {  	s31 =	simm.s32 $0x9;
	s16 =	simm.s32 $0x0;
	[tilespmem:$0x70] =	vst v1;
	p0 =	sgt.s32 s2, $0x0  }
0xb: {  	s17 =	simm.s32 $0xF0;
	s18 =	simm.s32 $0xFFFFFFFF;
	[tilespmem:$0x80] =	vst v1;
	s2 =	simm.s32 @!p0 $0x0  }
0xc: {  	s19 =	simm.s32 $0xFFFFC280;
	s20 =	simm.s32 $0xFFFFFFFE;
	v1 =	vimm.s32 $0x0;
	[tilespmem:$0xB0] =	vst v0;
	s5 =	smulhi.u32 $0x10624DD3, s2  }
0xd: {  	s21 =	simm.s32 $0xF;
	s25 =	simm.s32 $0x0;
	s24 =	simm.s32 $0x0;
	[tilespmem:$0x90] =	vst v1  }
0xe: {  	[tilespmem:$0xA0] =	vst v1;
	[sflag:s7] =	ssyncpa.u1 $0x0;
	s7 =	simm.s32 $0x7;
	s9 =	sshrl.u32 s5, $0x9  }
0xf: {  	s6 =	sadd.s32 $0xB400, s1;
	[sflag:s7] =	ssyncpa.u1 $0x0;
	s10 =	smul.u32 $0x1F40, s9  }
.Ltmp0:
0x10: {  	[sflag:s8] =	ssyncpa.u1 $0x0;
	s23 =	smov.u32 s3;
	(pc) =	sbr.rel .LBB2_1-.Ltmp0, $4  }
0x11: {  	[sflag:s31] =	ssyncpa.u1 $0x0;
	s5 =	sadd.s32 $0x6400, s1;
	p0 =	sne.s32 s2, s10  }
0x12: {  	s10 =	sshll.u32 s14, $0x1;
	s14 =	sshllo.u32 s14, $0x1;
	s0 =	simm.s32 @!p0 $0x0  }
0x13: {  	vm0 =	vmmov $0xffff;
	v2 =	vlaneseq.u32;
	s13 =	sor.u32 $0x81, s10;
	s15 =	sor.u32 $0x80, s10;
	s9 =	sadd.s32 s0, s9  }
0x14: {  	vm1 =	vmxor vm1, vm1;
	vm2 =	vmmov $0x1;
	vm3 =	vcmask $0x3F3C;
	p0 =	por $0x0, $0x0;
	s11 =	sadd.s32 $0x1, s9;
	s12 =	sadd.s32 $0x2, s9  }
.LBB2_9:
0x15: {  	p1 =	slt.u32 s24, $0x3  }
0x16: {  	s0 =	simm.s32 @!p1 $0x2  }
0x17: {  	_ =	swait.ge @!p1 [sflag:s0], $0x1F40  }
0x18: {  	[sflag:s0] =	ssyncset.done @!p1 $0x0  }
0x19: {  	[sflag:s0] =	ssyncadd.s32 @!p1 $0xFFFFE0C0;
	s0 =	simm.s32 @!p1 $0x9  }
0x1a: {  	_ =	swait.ge @!p1 [sflag:s0], $0x10  }
0x1b: {  	[sflag:s0] =	ssyncset.done @!p1 $0x0  }
0x1c: {  	[sflag:s0] =	ssyncadd.s32 @!p1 $0xFFFFFFF0;
	p1 =	sne.s32 s24, s12  }
.Ltmp1:
0x1d: {  	s2 =	sadd.s32 $0x1F40, s23;
	(pc) =	sbr.rel @!p1 .LBB2_10-.Ltmp1, $4  }
0x1e: {  	s22 =	smov.u32 s3;
	s31 =	sadd.s32 $0x1, s24;
	s17 =	sadd.s32 $0x1F40, s17  }
0x1f: {  	s18 =	sadd.s32 $0x1, s18;
	s25 =	smov.u32 s23;
	p2 =	slt.s32 s2, s4  }
0x20: {  	p0 =	por !p0, !p0;
	s19 =	sadd.s32 $0x1F40, s19;
	s22 =	smov.u32 @p2 s2  }
0x21: {  	s20 =	sadd.s32 $0x1, s20;
	s23 =	smov.u32 s22;
	s24 =	smov.u32 s31  }
.LBB2_1:
0x22: {  	p1 =	sge.u32 s24, s9  }
0x23: {  	s0 =	smulhi.u32 @!p1 $0xAAAAAAAB, s24;
	_ =	sdelay $0x1  }
0x24: {  	s0 =	sshrl.u32 @!p1 s0, $0x1  }
0x25: {  	s0 =	smul.u32 @!p1 $0x3, s0;
	_ =	sdelay $0x1  }
0x26: {  	s0 =	ssub.s32 @!p1 s24, s0  }
0x27: {  	s0 =	smul.u32 @!p1 $0x7D00, s0;
	_ =	sdelay $0x1  }
0x28: {  	s2 =	sshrl.u32 @!p1 s23, $0x3;
	s0 =	sshrl.u32 @!p1 s0, $0x2  }
0x29: {  	s22 =	sand.u32 @!p1 $0x7, s23;
	s2 =	sadd.s32 @!p1 s5, s2;
	s0 =	sadd.s32 @!p1 $0x100, s0  }
0x2a: {  	[tilespmem:s0], [sflag:$0x7] =	stream.linear.gather @!p1 [hbm4b:s2+s22], $0x1F40, $0x38;
	[tilespmem:$0x11A60] =	vst v63  }
0x2b: {  	s0 =	sadd.s32 $0xFFFFFFFF, s24  }
0x2c: {  	p1 =	sge.u32 s0, s9  }
.Ltmp2:
0x2d: {  	_ = 	snop;
	(pc) =	sbr.rel @p1 .LBB2_5-.Ltmp2, $1  }
0x2e: {  	_ =	sdelay $0x3  }
0x2f: {  	s2 =	smulhi.u32 $0xAAAAAAAB, s0;
	_ =	sdelay $0x1  }
0x30: {  	s2 =	sshrl.u32 s2, $0x1  }
0x31: {  	s2 =	smul.u32 $0x3, s2;
	_ =	sdelay $0x1  }
0x32: {  	s2 =	ssub.s32 s0, s2  }
0x33: {  	s2 =	smul.u32 $0x7D00, s2  }
0x34: {  	_ =	swait.ge [sflag:s7], $0x1F40  }
0x35: {  	[sflag:s7] =	ssyncset.done $0x0;
	s2 =	sshrl.u32 s2, $0x2  }
0x36: {  	[sflag:s7] =	ssyncadd.s32 $0xFFFFE0C0;
	(ifvalue) =	ssetifvalue $0xFFFFFFFF;
	v3 =	vld.msk [tilespmem:s2+$0x100 ss:$0x1], $0xffff;
	_ =	sdelay $0x2  }
0x37: {  	s30 =	smulhi.u32 $0xAAAAAAAB, s18;
	p1 =	sne.s32 s24, $0x1  }
0x38: {  	v4 =	vimm.s32 @!p1 $0x0  }
0x39: {  	s2 =	sshrl.u32 s30, $0x1;
	v4 =	vperm.xlane @!p1 v3, v4  }
0x3a: {  	s22 =	sshll.u32 s24, $0x4;
	s2 =	smul.u32 $0xFFFE8900, s2;
	vm4 =	vlt.u32 v3, $0x2800  }
0x3b: {  	s22 =	sand.u32 $0x10, s22;
	v3 =	vnsel vm4, $0xFFFFFFFE, v3;
	vm4 =	vlt.u32 @!p1 v4, $0x2800  }
0x3c: {  	s2 =	sshra.s32 s2, $0x2;
	[tilespmem:s22+$0x60] =	vst v3;
	v3 =	vnsel @!p1 vm4, $0xFFFFFFFE, v4  }
0x3d: {  	s28 =	sadd.s32 s2, s17;
	[tilespmem:$0x80] =	vst @!p1 v3  }
0x3e: {  	v3 =	vld.msk [tilespmem:s28+$0x0 ss:$0x1], $0xffff;
	_ =	sdelay $0x4  }
0x3f: {  	(xrf1) =	vunique.msk.u32 $0xffff, v3;
	_ =	sdelay $0xd  }
0x40: {  	v4 =	vimm.s32 $0xFFFFFFFF;
	v5, _, _ =	vpop (xrf1)  }
0x41: {  	vm5 =	vne.s32 v3, v4;
	vm4 =	veq.s32 v5, v2  }
0x42: {  	vm6 =	vlt.u32 v3, $0x2800;
	vm4 =	vmand vm5, vm4  }
0x43: {  	vm4 =	vmand vm6, vm4  }
0x44: {  	v4 =	vnsel vm4, $0xFFFFFFFF, v3  }
0x45: {  	s31 =	sand.u32 $0x1, s0  }
0x46: {  	s0 =	simm.s32 $0x1F40;
	p1 =	seq.s32 s31, $0x1  }
0x47: {  	s0 =	simm.s32 @!p1 $0x0  }
0x48: {  	s26 =	sadd.s32 $0x7DF0, s0;
	(ifvalue) =	ssetifvalue $0xFFFFFFFF  }
0x49: {  	v3 =	vperm.xlane v3, v1;
	[tilespmem:s26], [sflag:$0x8] =	stream.indirect_vreg.gather [hbm4b:s1+s16], $0x1, v4, vm0, $0x4038;
	v4 =	vnsel vm6, $0xFFFFFFFE, v4;
	[tilespmem:$0x11A60] =	vst v63  }
0x4a: {  	s2 =	simm.s32 $0x0;
	s22 =	sadd.s32 $0xFFFFFFF0, s28;
	[tilespmem:s28+$0x0] =	vst v4  }
.LBB2_3:
0x4b: {  	v4 =	vld.msk [tilespmem:s22+$0x0 ss:$0x1], $0xffff;
	s2 =	sadd.s32 $0x10, s2;
	v5 =	vmov v3;
	s28 =	smov.u32 s22  }
0x4c: {  	p1 =	slt.u32 s2, $0x1F30;
	_ =	sdelay $0x4  }
0x4d: {  	v3 =	vperm.xlane v4, v1;
	(xrf1) =	vunique.msk.u32 $0xffff, v4;
	_ =	sdelay $0xd  }
0x4e: {  	v6, _, _ =	vpop (xrf1)  }
0x4f: {  	vm5 =	vne.s32 v4, v5;
	vm4 =	veq.s32 v6, v2  }
0x50: {  	vm6 =	vlt.u32 v4, $0x2800;
	vm4 =	vmand vm5, vm4  }
0x51: {  	vm4 =	vmand vm6, vm4  }
0x52: {  	v4 =	vnsel vm4, $0xFFFFFFFF, v4  }
.Ltmp3:
0x53: {  	v5 =	vnsel vm6, $0xFFFFFFFE, v4;
	(pc) =	sbr.rel @p1 .LBB2_3-.Ltmp3, $3  }
0x54: {  	_ =	sdelay $0x1  }
0x55: {  	s22 =	sadd.s32 $0xFFFFFFF0, s22;
	s26 =	sadd.s32 $0xFFFFFFF0, s26;
	(ifvalue) =	ssetifvalue $0xFFFFFFFF  }
0x56: {  	[tilespmem:s26], [sflag:$0x8] =	stream.indirect_vreg.gather [hbm4b:s1+s16], $0x1, v4, vm0, $0x4038;
	[tilespmem:s28+$0x0] =	vst v5  }
0x57: {  	s2 =	sshrl.u32 s25, $0x3  }
0x58: {  	s0 =	sadd.s32 $0x9D40, s0;
	s2 =	sadd.s32 s6, s2  }
0x59: {  	[tilespmem:s0], [sflag:$0x8] =	stream.linear.gather [hbm:s2], $0x1F40, $0x38;
	[tilespmem:$0x11A60] =	vst v63  }
.LBB2_5:
0x5a: {  	p1 =	slt.u32 s24, $0x2  }
0x5b: {  	p2 =	sge.u32 @!p1 s24, s12  }
0x5c: {  	p1 =	por p1, p2  }
.Ltmp4:
0x5d: {  	_ = 	snop;
	(pc) =	sbr.rel @p1 .LBB2_9-.Ltmp4, $1  }
0x5e: {  	_ =	sdelay $0x3  }
0x5f: {  	s0 =	sadd.s32 $0xFFFFFFFE, s24  }
0x60: {  	s2 =	smulhi.u32 $0xAAAAAAAB, s0;
	_ =	sdelay $0x1  }
0x61: {  	s2 =	sshrl.u32 s2, $0x1  }
0x62: {  	s2 =	smul.u32 $0x3, s2;
	_ =	sdelay $0x1  }
0x63: {  	s0 =	ssub.s32 s0, s2  }
0x64: {  	_ =	swait.ge [sflag:s8], $0x3E80;
	s0 =	smul.u32 $0x1F40, s0  }
0x65: {  	p1 =	sne.s32 s24, s11;
	[sflag:s8] =	ssyncset.done $0x0  }
0x66: {  	[sflag:s8] =	ssyncadd.s32 $0xFFFFC180;
	s2 =	sadd.s32 @!p1 $0x203F, s0  }
0x67: {  	[spmem:s13] =	stream.linear.scatter @!p1 [tilespmem:s2], [sflag:$0x1], $0x1, $0x38;
	[tilespmem:$0x11A60] =	vst v63  }
0x68: {  	s2 =	simm.s32 @!p1 $0x1  }
0x69: {  	_ =	swait.ge @!p1 [sflag:s2], $0x1  }
0x6a: {  	s22 =	sshll.u32 s24, $0x4;
	[sflag:s2] =	ssyncset.done @!p1 $0x0  }
0x6b: {  	s25 =	sand.u32 $0x10, s22;
	[sflag:s2] =	ssyncadd.s32 @!p1 $0xFFFFFFFF  }
0x6c: {  	s2 =	sxor.u32 $0x10, s25;
	v4 =	vld [tilespmem:s25+$0x10]  }
0x6d: {  	v5 =	vld [tilespmem:s2+$0x60]  }
0x6e: {  	v3 =	vld [tilespmem:$0x80];
	_ =	sdelay $0x2  }
0x6f: {  	(v2sf) =	vpush v4, $0x0  }
0x70: {  	(v2sf) =	vpush v5, $0x0  }
0x71: {  	(v2sf) =	vpush v3, $0x0;
	_ =	sdelay $0xc  }
0x72: {  	s22 =	spop (v2sf)  }
0x73: {  	s26 =	spop (v2sf)  }
0x74: {  	s28 =	spop (v2sf)  }
0x75: {  	p2 =	seq.s32 s22, s26;
	p3 =	seq.s32 s28, s22  }
0x76: {  	p3 =	por p2, p3  }
0x77: {  	s26 =	sand.u32 $0x1, s24;
	v4 =	vpsel p3, $0xFFFFFFFF, v4  }
0x78: {  	s29 =	smul.u32 $0x1F40, s26;
	[tilespmem:s25+$0x10] =	vst.msk $0x1, v4  }
0x79: {  	v4 =	vld [tilespmem:$0x30]  }
0x7a: {  	v5 =	vld [tilespmem:s29+$0x9D40]  }
0x7b: {  	v6 =	vld [tilespmem:s25+$0x40];
	_ =	sdelay $0x3  }
0x7c: {  	vm4 =	vmmov vm1;
	v5 =	vadd.f32 v5, v4  }
0x7d: {  	vm5 =	vmmov vm2;
	vm4 =	vmmov @p2 vm2;
	s22 =	sshll.u32 s26, $0x4;
	v4 =	vadd.f32 v6, v4  }
0x7e: {  	s26 =	sor.u32 $0x11A40, s22;
	vm5 =	vmmov @p3 vm1;
	[tilespmem:s29+$0x9D40] =	vst.msk vm4, v5  }
0x7f: {  	[tilespmem:s26+$0x0] =	vst.msk vm5, v4  }
0x80: {  	v4 =	vld [tilespmem:s29+$0x7DF0];
	_ =	sdelay $0x3  }
0x81: {  	v5 =	vimm.f32 $0.0e+00  }
0x82: {  	v4 =	vshift.insert v4, v5, s21  }
0x83: {  	s22 =	sor.u32 $0x40, s2  }
0x84: {  	[tilespmem:s22+$0x0] =	vst.msk $0x1, v4  }
0x85: {  	[tilespmem:s29+$0x7DFF] =	vst.msk $0x1, v5  }
0x86: {  	v4 =	vld [tilespmem:s0+$0x2030];
	_ =	sdelay $0x1  }
0x87: {  	s22 =	smulhi.u32 $0xAAAAAAAB, s20;
	s0 =	simm.s32 $0x1  }
0x88: {  	s0 =	simm.s32 @!p0 $0x0  }
0x89: {  	s22 =	sshrl.u32 s22, $0x1;
	s0 =	smul.u32 $0x7D00, s0  }
0x8a: {  	s22 =	smul.u32 $0xFFFE8900, s22;
	v4 =	vshift.insert v4, v1, s21  }
0x8b: {  	s0 =	sshrl.u32 s0, $0x2  }
0x8c: {  	s22 =	sshra.s32 s22, $0x2;
	s30 =	sadd.s32 $0x9D40, s0;
	[tilespmem:s2+$0x10] =	vst.msk $0x1, v4  }
0x8d: {  	s22 =	sadd.s32 s22, s19;
	v6 =	vld [tilespmem:s30+$0x0]  }
0x8e: {  	v7 =	vld [tilespmem:s22+$0x0];
	_ =	sdelay $0x3  }
0x8f: {  	v5 =	vadd.f32 v6, v5  }
0x90: {  	vm4 =	vne.s32 v7, $0xFFFFFFFF  }
0x91: {  	(xrf2) =	vadd.seg.scan.f32 vm4, v5;
	_ =	sdelay $0x3  }
0x92: {  	s31 =	sadd.s32 $0x5EC0, s0;
	v5 =	vperm.xlane v4, v1  }
0x93: {  	v6 =	vld [tilespmem:s31+$0x0]  }
0x94: {  	vm5 =	veq.s32 v7, v3;
	vm6 =	veq.s32 v7, v5  }
0x95: {  	vm7 =	vgt.u32 v7, $0xFFFFFFFD;
	vm6 =	vmor vm6, vm5  }
0x96: {  	vm6 =	vmor vm6, vm7  }
0x97: {  	v9 =	vld [tilespmem:$0xA0];
	v7 =	vsel vm6, $0xFFFFFFFF, v7  }
0x98: {  	v10 =	vld [tilespmem:$0x90];
	v6 =	vsel vm5, $0x0, v6;
	v8, _, _ =	vpop (xrf2)  }
0x99: {  	v6 =	vadd.f32 v8, v6  }
0x9a: {  	s0 =	sadd.s32 $0xDBC0, s0  }
0x9b: {  	vm4 =	vmand vm4, vm3;
	[tilespmem:s0+$0x0] =	vst v6;
	(ifvalue) =	ssetifvalue $0xFFFFFFFF  }
0x9c: {  	vm6 =	veq.s32 v9, $0x1;
	[hbm4b:s1+s16] =	stream.indirect_vreg.scatter [tilespmem:s0], [sflag:$0x2], $0x1, v7, vm0, $0x4038;
	v7 =	vsel vm4, $0x0, v8;
	[tilespmem:$0x11A60] =	vst v63  }
0x9d: {  	s2 =	simm.s32 $0x0;
	s22 =	sadd.s32 $0x10, s22;
	vm4 =	vmor vm6, vm5;
	v6 =	vsel vm5, v8, v10;
	v7 =	vshift.insert v7, v0, s21  }
.LBB2_7:
0x9e: {  	v8 =	vld [tilespmem:s22+$0x0];
	s30 =	sadd.s32 $0x10, s30  }
0x9f: {  	s31 =	sadd.s32 $0x10, s31;
	v9 =	vld [tilespmem:s30+$0x0]  }
0xa0: {  	s2 =	sadd.s32 $0x10, s2;
	v10 =	vld [tilespmem:s31+$0x0]  }
0xa1: {  	p2 =	slt.u32 s2, $0x1F30;
	_ =	sdelay $0x2  }
0xa2: {  	v7 =	vadd.f32 v9, v7  }
0xa3: {  	vm5 =	vne.s32 v8, $0xFFFFFFFF  }
0xa4: {  	vm6 =	vmand vm5, vm3;
	(xrf2) =	vadd.seg.scan.f32 vm5, v7;
	_ =	sdelay $0x5  }
0xa5: {  	vm7 =	veq.s32 v8, v5;
	vm5 =	veq.s32 v8, v3  }
0xa6: {  	vm8 =	vgt.u32 v8, $0xFFFFFFFD;
	vm4 =	vmor vm4, vm5;
	vm7 =	vmor vm7, vm5  }
0xa7: {  	vm7 =	vmor vm7, vm8  }
0xa8: {  	v8 =	vsel vm7, $0xFFFFFFFF, v8  }
.Ltmp5:
0xa9: {  	v7 =	vsel vm5, $0x0, v10;
	v9, _, _ =	vpop (xrf2);
	(pc) =	sbr.rel @p2 .LBB2_7-.Ltmp5, $4  }
0xaa: {  	v6 =	vsel vm5, v9, v6;
	v10 =	vadd.f32 v9, v7;
	v7 =	vsel vm6, $0x0, v9  }
0xab: {  	s0 =	sadd.s32 $0x10, s0;
	v7 =	vshift.insert v7, v0, s21  }
0xac: {  	s22 =	sadd.s32 $0x10, s22;
	[tilespmem:s0+$0x0] =	vst v10;
	(ifvalue) =	ssetifvalue $0xFFFFFFFF  }
0xad: {  	[hbm4b:s1+s16] =	stream.indirect_vreg.scatter [tilespmem:s0], [sflag:$0x2], $0x1, v8, vm0, $0x4038;
	[tilespmem:$0x11A60] =	vst v63  }
0xae: {  	v3 =	vld [tilespmem:s29+$0xFAF0];
	_ =	sdelay $0x4  }
0xaf: {  	v3 =	vshift.insert v3, v0, s21  }
0xb0: {  	s0 =	simm.s32 $0x30  }
0xb1: {  	[tilespmem:s0+$0x0] =	vst.msk $0x1, v3  }
0xb2: {  	v3 =	vsel vm4, $0x1, v1;
	[tilespmem:$0x90] =	vst v6  }
0xb3: {  	s0 =	sadd.s32 @!p1 $0xFAFF, s29;
	[tilespmem:$0xA0] =	vst v3  }
0xb4: {  	[spmem:s14] =	stream.linear.scatter @!p1 [tilespmem:s0], [sflag:$0x1], $0x1, $0x38;
	[tilespmem:$0x11A60] =	vst v63  }
0xb5: {  	s0 =	simm.s32 @!p1 $0x1  }
0xb6: {  	v3 =	vmctz.xlane @!p1 vm4;
	_ =	swait.ge @!p1 [sflag:s0], $0x1  }
0xb7: {  	(v2sf) =	vpush @!p1 v4, $0x0  }
0xb8: {  	(v2sf) =	vpush @!p1 v3, $0x0;
	_ =	sdelay $0xd  }
0xb9: {  	s2 =	spop @!p1 (v2sf)  }
0xba: {  	s22 =	spop @!p1 (v2sf)  }
0xbb: {  	p2 =	sne.s32 @!p1 s28, s2;
	p3 =	slt.s32 @!p1 s22, $0xF  }
0xbc: {  	[sflag:s0] =	ssyncset.done @!p1 $0x0;
	p2 =	por p2, p1;
	p3 =	por !p3, p1  }
0xbd: {  	[sflag:s0] =	ssyncadd.s32 @!p1 $0xFFFFFFFF;
	v3 =	vimm.s32 @!p2 $0xFFFFFFFF;
	s22 =	simm.s32 @p3 $0xF  }
0xbe: {  	[tilespmem:$0x80] =	vst @!p2 v3;
	s2 =	sadd.s32 @!p1 $0x90, s22  }
0xbf: {  	[spmem:s10] =	stream.linear.scatter @!p1 [tilespmem:s2], [sflag:$0x1], $0x1, $0x38;
	[tilespmem:$0x11A60] =	vst v63  }
0xc0: {  	_ =	swait.ge @!p1 [sflag:s0], $0x1  }
0xc1: {  	[sflag:s0] =	ssyncset.done @!p1 $0x0  }
0xc2: {  	s2 =	simm.s32 @!p1 $0x80;
	[sflag:s0] =	ssyncadd.s32 @!p1 $0xFFFFFFFF  }
0xc3: {  	[spmem:s15] =	stream.linear.scatter @!p1 [tilespmem:s2], [sflag:$0x1], $0x1, $0x38;
	[tilespmem:$0x11A60] =	vst v63  }
0xc4: {  	_ =	swait.ge @!p1 [sflag:s0], $0x1  }
0xc5: {  	[sflag:s0] =	ssyncset.done @!p1 $0x0  }
0xc6: {  	[sflag:s0] =	ssyncadd.s32 @!p1 $0xFFFFFFFF;
	(ifvalue) =	ssetifvalue $0xFFFFFFFF;
	v3 =	vld [tilespmem:s25+$0x10];
	_ =	sdelay $0x3  }
.Ltmp6:
0xc7: {  	_ = 	snop;
	(pc) =	sbr.rel .LBB2_9-.Ltmp6, $3  }
0xc8: {  	_ =	sdelay $0x1  }
0xc9: {  	(ifvalue) =	ssetifvalue $0xFFFFFFFF  }
0xca: {  	[hbm4b:s1+s16] =	stream.indirect_vreg.scatter [tilespmem:s26], [sflag:$0x9], $0x1, v3, vm0, $0x4038;
	[tilespmem:$0x11A60] =	vst v63  }
.LBB2_10:
0xcb: {  	_ =	sfence.sel $0x180000  }
0xcc: {  	s0 =	simm.s32 $0x7;
	[bflag:$0x0] =	sbarrier.arrive $0xFFFF  }
0xcd: {  	s26 =	simm.s32 $0x8;
	[sflag:s0] =	ssyncpa.u1 $0x1  }
0xce: {  	s28 =	simm.s32 $0x9;
	[sflag:s26] =	ssyncpa.u1 $0x1  }
0xcf: {  	[sflag:s28] =	ssyncpa.u1 $0x1  }
0xd0: {  	_ =	sfence.stream.spmem  }
0xd1: {  	s29 =	simm.s32 $0x3;
	[bflag:$0x0] =	sbarrier.arrive $0xFFFF  }
0xd2: {  	s30 =	simm.s32 $0x4;
	[sflag:s29] =	ssyncpa.u1 $0x1  }
0xd3: {  	s31 =	simm.s32 $0x3C;
	s2 =	stileid.u32;
	[sflag:s30] =	ssyncpa.u1 $0x1  }
0xd4: {  	p0 =	sne.s32 s2, $0x0;
	[sflag:s31] =	ssyncpa.u1 $0x1  }
0xd5: {  	s0 =	simm.s32 @p0 $0x1;
	_ =	sfence @p0  }
0xd6: {  	[sflag:s0] =	ssyncpa.u1 @p0 $0x1;
	s0 =	simm.s32 @p0 $0x2  }
0xd7: {  	[sflag:s0] =	ssyncpa.u1 @p0 $0x1  }
0xd8: {  	_ =	strace @p0 $0x90000047  }
0xd9: {  	[bflag:$0x2] =	sbarrier.arrive @p0 $0xFFFF  }
0xda: {  	_ =	shalt @p0  }
.LBB2_11:
0xdb: {  	_ =	sfence.stream.spmem;
	s0 =	simm.s32 $0x5  }
0xdc: {  	s2 =	simm.s32 $0x80;
	s3 =	simm.s32 $0xC0;
	[sflag:s0] =	ssyncpa.u1 $0x0  }
0xdd: {  	[tilespmem:s3], [sflag:$0x5] =	stream.linear.gather [spmem:s2], $0x20, $0x38;
	[tilespmem:$0x11A60] =	vst v63  }
0xde: {  	s2 =	simm.s32 $0x0;
	s3 =	simm.s32 $0xE0  }
0xdf: {  	[tilespmem:s3], [sflag:$0x5] =	stream.linear.gather [spmem:s2], $0x20, $0x38;
	[tilespmem:$0x11A60] =	vst v63  }
.Ltmp7:
0xe0: {  	_ = 	snop;
	(pc) =	sbr.rel .LBB2_12-.Ltmp7, $4  }
0xe1: {  	_ =	swait.ge [sflag:s0], $0x40  }
0xe2: {  	[sflag:s0] =	ssyncset.done $0x0  }
0xe3: {  	s31 =	simm.s32 $0x6;
	[sflag:s0] =	ssyncadd.s32 $0xFFFFFFC0  }
0xe4: {  	s4 =	simm.s32 $0x0;
	[sflag:s31] =	ssyncpa.u1 $0x0  }
.LBB2_17:
0xe5: {  	p0 =	sgt.u32 s5, $0x27FF  }
0xe6: {  	s0 =	sshrl.u32 @!p0 s5, $0x3  }
0xe7: {  	s5 =	sand.u32 @!p0 $0x7, s5;
	s6 =	simm.s32 @!p0 $0xB0;
	s0 =	sadd.s32 @!p0 s1, s0  }
0xe8: {  	[tilespmem:s6], [sflag:$0x6] =	stream.linear.gather @!p0 [hbm4b:s0+s5], $0x1, $0x38;
	[tilespmem:$0x11A60] =	vst v63  }
0xe9: {  	s0 =	simm.s32 @!p0 $0x6  }
0xea: {  	_ =	swait.ge @!p0 [sflag:s0], $0x1  }
0xeb: {  	[sflag:s0] =	ssyncset.done @!p0 $0x0  }
0xec: {  	[sflag:s0] =	ssyncadd.s32 @!p0 $0xFFFFFFFF  }
0xed: {  	v2 =	vmov @!p0 s4;
	v1 =	vld.msk @!p0 [tilespmem:$0xB0], $0x1;
	_ =	sdelay $0x3  }
0xee: {  	s0 =	simm.s32 @!p0 $0xE0  }
0xef: {  	[tilespmem:v2+s0+$0x0], v1 =	vst.idx.ret.add.f32.msk @!p0 $0x1, v1  }
0xf0: {  	[tilespmem:s2+$0xC0] =	vst.msk $0x1, v0  }
0xf1: {  	v0 =	vld.msk [tilespmem:s4+$0xE0], $0x1;
	_ =	sdelay $0x4  }
0xf2: {  	[tilespmem:s2+$0xE0] =	vst.msk $0x1, v0;
	s2 =	sadd.s32 $0x1, s2  }
.LBB2_19:
0xf3: {  	s4 =	sadd.s32 $0x1, s4  }
0xf4: {  	p0 =	sne.s32 s4, $0x20  }
.Ltmp8:
0xf5: {  	_ = 	snop;
	(pc) =	sbr.rel @!p0 .LBB2_20-.Ltmp8, $1  }
0xf6: {  	_ =	sdelay $0x3  }
.LBB2_12:
0xf7: {  	v0 =	vld.msk [tilespmem:s4+$0xC0], $0x1;
	_ =	sdelay $0x4  }
0xf8: {  	(v2sf) =	vpush v0, $0x0;
	_ =	sdelay $0xe  }
0xf9: {  	s5 =	spop (v2sf)  }
0xfa: {  	p0 =	seq.s32 s5, $0xFFFFFFFF  }
.Ltmp9:
0xfb: {  	_ = 	snop;
	(pc) =	sbr.rel @p0 .LBB2_19-.Ltmp9, $1  }
0xfc: {  	_ =	sdelay $0x3  }
0xfd: {  	p0 =	slt.s32 s2, $0x1  }
.Ltmp10:
0xfe: {  	_ = 	snop;
	(pc) =	sbr.rel @p0 .LBB2_17-.Ltmp10, $1  }
0xff: {  	_ =	sdelay $0x3  }
0x100: {  	s0 =	simm.s32 $0xC0;
	p0 =	por $0x0, $0x0  }
0x101: {  	v1 =	vld.msk @!p0 [tilespmem:s0+$0x0], $0x1;
	_ =	sdelay $0x4  }
0x102: {  	(v2sf) =	vpush @!p0 v1, $0x0;
	_ =	sdelay $0xd  }
0x103: {  	p2 =	sne.s32 s2, $0x1  }
.Ltmp11:
0x104: {  	s6 =	spop @!p0 (v2sf);
	(pc) =	sbr.rel @!p2 .LBB2_16-.Ltmp11, $4  }
0x105: {  	p1 =	seq.s32 @!p0 s5, s6  }
0x106: {  	s6 =	simm.s32 $0x0;
	p1 =	por !p1, p0  }
0x107: {  	s8 =	simm.s32 $0xFFFFFFFF;
	s6 =	simm.s32 @p1 $0xFFFFFFFF  }
0x108: {  	s7 =	simm.s32 $0x1;
	s6 =	smov.u32 @p0 s8  }
.LBB2_15:
0x109: {  	s8 =	smov.u32 s6;
	p0 =	sne.s32 s6, $0xFFFFFFFF  }
0x10a: {  	s0 =	sadd.s32 $0x1, s0;
	s6 =	smov.u32 s7;
	s7 =	sadd.s32 $0x1, s7  }
0x10b: {  	p1 =	sne.s32 s2, s7;
	v1 =	vld.msk @!p0 [tilespmem:s0+$0x0], $0x1;
	_ =	sdelay $0x4  }
0x10c: {  	(v2sf) =	vpush @!p0 v1, $0x0;
	_ =	sdelay $0xe  }
.Ltmp12:
0x10d: {  	s9 =	spop @!p0 (v2sf);
	(pc) =	sbr.rel @p1 .LBB2_15-.Ltmp12, $4  }
0x10e: {  	p2 =	seq.s32 @!p0 s5, s9  }
0x10f: {  	p2 =	por !p2, p0  }
0x110: {  	s6 =	simm.s32 @p2 $0xFFFFFFFF  }
0x111: {  	s6 =	smov.u32 @p0 s8  }
.LBB2_16:
0x112: {  	p0 =	sne.s32 s6, $0xFFFFFFFF  }
.Ltmp13:
0x113: {  	_ = 	snop;
	(pc) =	sbr.rel @!p0 .LBB2_17-.Ltmp13, $1  }
0x114: {  	_ =	sdelay $0x3  }
0x115: {  	v0 =	vld.msk [tilespmem:s4+$0xE0], $0x1;
	v1 =	vmov s6  }
.Ltmp14:
0x116: {  	_ = 	snop;
	(pc) =	sbr.rel .LBB2_19-.Ltmp14, $2  }
0x117: {  	_ =	sdelay $0x2  }
0x118: {  	[tilespmem:v1+s3+$0x0], v0 =	vst.idx.ret.add.f32.msk $0x1, v0  }
.LBB2_20:
0x119: {  	p0 =	slt.s32 s2, $0x1  }
.Ltmp15:
0x11a: {  	_ = 	snop;
	(pc) =	sbr.rel @p0 .LBB2_24-.Ltmp15, $3  }
0x11b: {  	_ =	sdelay $0x1  }
0x11c: {  	s0 =	simm.s32 $0x6  }
0x11d: {  	s3 =	simm.s32 $0x0;
	[sflag:s0] =	ssyncpa.u1 $0x1  }
0x11e: {  	s0 =	simm.s32 $0xC0  }
0x11f: {  	v0 =	vld.msk [tilespmem:s0+$0x0], $0x1;
	_ =	sdelay $0x4  }
0x120: {  	(v2sf) =	vpush v0, $0x0;
	_ =	sdelay $0xe  }
0x121: {  	s2 =	sadd.s32 $0xFFFFFFFF, s2;
	s4 =	spop (v2sf)  }
0x122: {  	p1 =	sne.s32 s2, $0x0;
	p0 =	sgt.u32 s4, $0x27FF  }
.Ltmp16:
0x123: {  	s5 =	sshrl.u32 @!p0 s4, $0x3;
	(pc) =	sbr.rel @!p1 .LBB2_23-.Ltmp16, $4  }
0x124: {  	s0 =	simm.s32 $0xE0;
	s4 =	sand.u32 @!p0 $0x7, s4;
	s5 =	sadd.s32 @!p0 s1, s5  }
0x125: {  	[hbm4b:s5+s4] =	stream.linear.scatter @!p0 [tilespmem:s0], [sflag:$0x5], $0x1, $0x38;
	[tilespmem:$0x11A60] =	vst v63  }
0x126: {  	s5 =	simm.s32 $0x0  }
0x127: {  	s4 =	simm.s32 $0xC1;
	s5 =	simm.s32 @!p0 $0x4  }
.LBB2_22:
0x128: {  	v0 =	vld.msk [tilespmem:s4+$0x0], $0x1;
	s2 =	sadd.s32 $0xFFFFFFFF, s2;
	s3 =	sadd.s32 s3, s5  }
0x129: {  	p0 =	sne.s32 s2, $0x0;
	_ =	sdelay $0x3  }
0x12a: {  	(v2sf) =	vpush v0, $0x0;
	_ =	sdelay $0xe  }
.Ltmp17:
0x12b: {  	s6 =	spop (v2sf);
	(pc) =	sbr.rel @p0 .LBB2_22-.Ltmp17, $4  }
0x12c: {  	s5 =	simm.s32 $0x0;
	p1 =	sgt.u32 s6, $0x27FF  }
0x12d: {  	s0 =	sadd.s32 $0x1, s0;
	s5 =	simm.s32 @!p1 $0x4;
	s7 =	sshrl.u32 @!p1 s6, $0x3  }
0x12e: {  	s4 =	sadd.s32 $0x1, s4;
	s6 =	sand.u32 @!p1 $0x7, s6;
	s7 =	sadd.s32 @!p1 s1, s7  }
0x12f: {  	[hbm4b:s7+s6] =	stream.linear.scatter @!p1 [tilespmem:s0], [sflag:$0x5], $0x1, $0x38;
	[tilespmem:$0x11A60] =	vst v63  }
.LBB2_23:
0x130: {  	s0 =	sadd.s32 s3, s5  }
0x131: {  	s3 =	sshrl.u32 s0, $0x2  }
.LBB2_24:
0x132: {  	s0 =	simm.s32 $0x5  }
0x133: {  	_ =	swait.ge [sflag:s0], s3  }
0x134: {  	s1 =	ssub.s32 $0x0, s3;
	[sflag:s0] =	ssyncset.done $0x0  }
0x135: {  	[sflag:s0] =	ssyncadd.s32 s1  }
0x136: {  	[sflag:s0] =	ssyncpa.u1 $0x1  }
0x137: {  	s29 =	simm.s32 $0x1;
	_ =	sfence  }
0x138: {  	s30 =	simm.s32 $0x2;
	[sflag:s29] =	ssyncpa.u1 $0x1  }
0x139: {  	[sflag:s30] =	ssyncpa.u1 $0x1  }
0x13a: {  	_ =	strace $0x90000047  }
0x13b: {  	[bflag:$0x2] =	sbarrier.arrive $0xFFFF  }
0x13c: {  	s31 =	rddreg [dreg:$0x1]  }
0x13d: {  	s0 =	sadd.s32 $0x100000, s31  }
0x13e: {  	[sflag:s0] =	ssyncadd.tile.s32 $0x1;
	_ =	shalt  }
.Lfunc_end2:
_tile_overlayer_lowered:
.L_overlay_start_2:
0x13f: {  	(tag) =	ssettag $0x2  }
0x140: {  	s0 =	rddreg [dreg:$0x0];
	s2 =	stileid.u32  }
0x141: {  	s1 =	rddreg [dreg:$0x1];
	p0 =	sne.s32 s2, $0x0  }
0x142: {  	s3 =	rddreg [dreg:$0x2];
	[bflag:$0x3] =	sbarrier.arrive $0xFFFF;
	s2 =	simm.s32 @!p0 $0x1C01  }
0x143: {  	[timem:s3], [sflag:s2] =	dma.local @!p0 [hbm:s0], s1  }
0x144: {  	s0 =	simm.s32 @!p0 $0x1  }
0x145: {  	_ =	swait.ge @!p0 [sflag:s0], s1  }
0x146: {  	s1 =	ssub.s32 @!p0 $0x0, s1;
	[sflag:s0] =	ssyncset.done @!p0 $0x0  }
0x147: {  	[sflag:s0] =	ssyncadd.s32 @!p0 s1  }
0x148: {  	[bflag:$0x3] =	sbarrier.arrive $0xFFFF  }
0x149: {  	_ =	shalt  }

// kernel: scatter_offload_async_start
scs
__scs_entry_jumppad:
0x0: {  	(pc) =	sbr.rel $0x88, $3  }
0x1: {  	(tag) =	ssettag $0x0;
	lr =	simm.s32 $0x1  }
0x2: {  	[smem:$0x3F99] =	sst lr;
	_ =	strace $0xD0000000  }
0x3: {  	_ = 	snop  }
0x4: {  	_ = 	snop  }
0x5: {  	_ = 	snop  }
0x6: {  	_ = 	snop  }
0x7: {  	_ = 	snop  }
__scs_overlays_trampoline_lowered:
0x8: {  	[smem:$0x3FA8] =	sst s0  }
0x9: {  	[smem:$0x3FA9] =	sst s1  }
0xa: {  	[smem:$0x3FAA] =	sst s2  }
0xb: {  	[smem:$0x3FAB] =	sst s3  }
0xc: {  	[smem:$0x3FAC] =	sst s4  }
0xd: {  	[smem:$0x3FAD] =	sst s5  }
0xe: {  	[smem:$0x3FAE] =	sst s6  }
0xf: {  	[smem:$0x3FAF] =	sst s7  }
0x10: {  	[smem:$0x3FB0] =	sst s8  }
0x11: {  	[smem:$0x3FB1] =	sst s9;
	s0 =	simm.s32 @!p0 $0x0  }
0x12: {  	s1 =	sld [smem:$0x3F97];
	s0 =	simm.s32 @p0 $0x1  }
0x13: {  	[smem:$0x3FB2] =	sst s0;
	s0 =	simm.s32 @!p1 $0x0  }
0x14: {  	s2 =	sld [smem:$0x3F96];
	s0 =	simm.s32 @p1 $0x1  }
0x15: {  	[smem:$0x3FB3] =	sst s0;
	s0 =	simm.s32 @!p2 $0x0  }
0x16: {  	s3 =	sld [smem:$0x3FDB];
	s0 =	simm.s32 @p2 $0x1  }
0x17: {  	s4 =	simm.s32 $0x1BF5;
	[smem:$0x3FB5] =	sst s0  }
0x18: {  	s0 =	sld [smem:$0x3F98];
	_ =	swait.ge [sflag:s4], $0x0  }
0x19: {  	s7 =	sld [smem:$0x3F99]  }
0x1a: {  	s8 =	sadd.s32 $0xFFFFE003, lr  }
0x1b: {  	s9 =	sadd.s32 $0xFFFFFEF7, lr;
	s5 =	simm.s32 $0xFFFFFFFF;
	p2 =	slt.u32 s8, $0xFFFFF086  }
0x1c: {  	p1 =	slt.u32 s9, $0xF7A;
	s5 =	simm.s32 @!p2 $0x0  }
0x1d: {  	s5 =	simm.s32 @p1 $0x1;
	p0 =	seq.s32 s7, s2  }
0x1e: {  	s7 =	smul.u32 @!p0 $0xF7A, s2;
	p2 =	seq.s32 @!p0 s5, $0x0  }
0x1f: {  	s9 =	smul.u32 $0xF7A, s1;
	s8 =	simm.s32 @!p0 $0x1BF5;
	p2 =	por !p2, p0  }
0x20: {  	[sflag:s8] =	ssyncset.s32 @!p0 $0xFFFFF086;
	s6 =	sadd.s32 @!p0 s3, s7;
	s7 =	simm.s32 @!p0 $0x108  }
0x21: {  	s3 =	sadd.s32 s3, s9;
	s6 =	sadd.s32 @!p0 $0x88, s6;
	s7 =	simm.s32 @p2 $0x1082  }
0x22: {  	[simem:s7], [sflag:s8] =	dma.local @!p0 [hbm:s6], $0xF7A  }
0x23: {  	s9 =	sor.u32 $0xD0000000, s2;
	s6 =	simm.s32 $0x108;
	_ =	swait.ge @!p0 [sflag:s8], $0x0  }
0x24: {  	s3 =	sadd.s32 $0x88, s3;
	s6 =	simm.s32 @!p1 $0x1082;
	[sflag:s4] =	ssyncset.s32 $0xFFFFF086  }
0x25: {  	[simem:s6], [sflag:s4] =	dma.local [hbm:s3], $0xF7A  }
0x26: {  	[smem:$0x3F99] =	sst s1;
	(tag) =	ssettag s2;
	_ =	strace s9  }
0x27: {  	s1 =	sld [smem:$0x3FA9]  }
0x28: {  	s2 =	sld [smem:$0x3FAA]  }
0x29: {  	s4 =	sld [smem:$0x3FAC]  }
0x2a: {  	p0 =	seq.s32 s5, $0x0;
	s5 =	sld [smem:$0x3FAD]  }
0x2b: {  	s6 =	sld [smem:$0x3FAE]  }
0x2c: {  	s7 =	sld [smem:$0x3FAF]  }
0x2d: {  	s3 =	simm.s32 $0x108;
	s8 =	sld [smem:$0x3FB0]  }
0x2e: {  	s3 =	simm.s32 @!p0 $0x1082;
	s9 =	sld [smem:$0x3FB1]  }
0x2f: {  	lr =	sadd.s32 s0, s3;
	s0 =	sld [smem:$0x3FA8]  }
0x30: {  	s3 =	sld [smem:$0x3FAB]  }
0x31: {  	[smem:$0x3FB4] =	sst s10  }
0x32: {  	s10 =	sld [smem:$0x3FB2];
	_ =	sdelay $0x3  }
0x33: {  	p0 =	seq.s32 s10, $0x1;
	s10 =	sld [smem:$0x3FB4];
	_ =	sdelay $0x3  }
0x34: {  	[smem:$0x3FB4] =	sst s10  }
0x35: {  	s10 =	sld [smem:$0x3FB3];
	_ =	sdelay $0x3  }
0x36: {  	p1 =	seq.s32 s10, $0x1;
	s10 =	sld [smem:$0x3FB4];
	_ =	sdelay $0x3  }
0x37: {  	[smem:$0x3FB4] =	sst s10  }
0x38: {  	s10 =	sld [smem:$0x3FB5]  }
0x39: {  	_ = 	snop;
	(pc) =	sbr.ind lr, $3  }
0x3a: {  	_ = 	snop  }
0x3b: {  	_ = 	snop  }
0x3c: {  	p2 =	seq.s32 s10, $0x1;
	s10 =	sld [smem:$0x3FB4]  }
0x3d: {  	_ =	shalt  }
0x3e: {  	_ =	shalt  }
0x3f: {  	_ =	shalt  }
0x40: {  	_ =	shalt  }
0x41: {  	_ =	shalt  }
0x42: {  	_ =	shalt  }
0x43: {  	_ =	shalt  }
0x44: {  	_ =	shalt  }
0x45: {  	_ =	shalt  }
0x46: {  	_ =	shalt  }
0x47: {  	_ =	shalt  }
0x48: {  	_ =	shalt  }
0x49: {  	_ =	shalt  }
0x4a: {  	_ =	shalt  }
0x4b: {  	_ =	shalt  }
0x4c: {  	_ =	shalt  }
0x4d: {  	_ =	shalt  }
0x4e: {  	_ =	shalt  }
0x4f: {  	_ =	shalt  }
0x50: {  	_ =	shalt  }
0x51: {  	_ =	shalt  }
0x52: {  	_ =	shalt  }
0x53: {  	_ =	shalt  }
0x54: {  	_ =	shalt  }
0x55: {  	_ =	shalt  }
0x56: {  	_ =	shalt  }
0x57: {  	_ =	shalt  }
0x58: {  	_ =	shalt  }
0x59: {  	_ =	shalt  }
0x5a: {  	_ =	shalt  }
0x5b: {  	_ =	shalt  }
0x5c: {  	_ =	shalt  }
0x5d: {  	_ =	shalt  }
0x5e: {  	_ =	shalt  }
0x5f: {  	_ =	shalt  }
0x60: {  	_ =	shalt  }
0x61: {  	_ =	shalt  }
0x62: {  	_ =	shalt  }
0x63: {  	_ =	shalt  }
0x64: {  	_ =	shalt  }
0x65: {  	_ =	shalt  }
0x66: {  	_ =	shalt  }
0x67: {  	_ =	shalt  }
0x68: {  	_ =	shalt  }
0x69: {  	_ =	shalt  }
0x6a: {  	_ =	shalt  }
0x6b: {  	_ =	shalt  }
0x6c: {  	_ =	shalt  }
0x6d: {  	_ =	shalt  }
0x6e: {  	_ =	shalt  }
0x6f: {  	_ =	shalt  }
0x70: {  	_ =	shalt  }
0x71: {  	_ =	shalt  }
0x72: {  	_ =	shalt  }
0x73: {  	_ =	shalt  }
0x74: {  	_ =	shalt  }
0x75: {  	_ =	shalt  }
0x76: {  	_ =	shalt  }
0x77: {  	_ =	shalt  }
0x78: {  	_ =	shalt  }
0x79: {  	_ =	shalt  }
0x7a: {  	_ =	shalt  }
0x7b: {  	_ =	shalt  }
0x7c: {  	_ =	shalt  }
0x7d: {  	_ =	shalt  }
0x7e: {  	_ =	shalt  }
0x7f: {  	_ =	shalt  }
0x80: {  	_ =	shalt  }
0x81: {  	_ =	shalt  }
0x82: {  	_ =	shalt  }
0x83: {  	_ =	shalt  }
0x84: {  	_ =	shalt  }
0x85: {  	_ =	shalt  }
0x86: {  	_ =	shalt  }
0x87: {  	_ =	shalt  }
.Lfunc_end0:
.L_simem_size_0:
called_computation_lowered:
.L_overlay_start_0:
0x88: {  	s2 =	sld [smem:$0x3FD9]  }
0x89: {  	s3 =	sld [smem:$0x3FFE];
	_ =	sdelay $0x1  }
0x8a: {  	s1 =	srdreg.scid  }
0x8b: {  	s0 =	sand.u32 $0x1, s1  }
0x8c: {  	s15 =	sshll.u32 s0, $0xA;
	s2 =	sadd.s32 s3, s2  }
0x8d: {  	s2 =	sadd.s32 s2, s15  }
0x8e: {  	[smem:$0x3FC0] =	sst s2  }
0x8f: {  	_ = 	snop  }
0x90: {  	s2 =	sld [smem:$0x3FD0];
	_ =	sdelay $0x2  }
0x91: {  	s16 =	simm.s32 $0xB;
	s4 =	simm.s32 $0x10  }
0x92: {  	[smem:s4], [sflag:s16] =	dma.local [hbm:s2], $0x1  }
0x93: {  	_ =	swait.eq [sflag:s16], $0x1  }
0x94: {  	[sflag:s16] =	ssyncset.done $0x0  }
0x95: {  	[sflag:s16] =	ssyncadd.s32 $0xFFFFFFFF  }
0x96: {  	s17 =	sld [smem:$0x10];
	(tm) =	ssettm $0x1  }
0x97: {  	s18 =	sld [smem:$0x3FFB];
	_ =	sdelay $0x3  }
0x98: {  	_ =	strace s18  }
0x99: {  	s2 =	sld [smem:$0x3FFC];
	_ =	sdelay $0x3  }
0x9a: {  	_ =	strace s2  }
0x9b: {  	s2 =	sld [smem:$0x3FFD];
	_ =	sdelay $0x3  }
0x9c: {  	_ =	strace s2  }
0x9d: {  	_ =	strace $0x8FFFFFFF  }
0x9e: {  	s19 =	sld [smem:$0x3FDB];
	_ =	sdelay $0x1  }
0x9f: {  	s20 =	simm.s32 $_scs_section_size  }
0xa0: {  	s5 =	simm.s32 $_size__tile_overlayer_lowered;
	s6 =	simm.s32 $_tile_overlayer_lowered  }
0xa1: {  	s7 =	simm.s32 $0x1BFF;
	s21 =	sshll.u32 s6, $0x1;
	s4 =	sadd.s32 s20, s19  }
0xa2: {  	s22 =	simm.s32 $0x0;
	s5 =	sshll.u32 s5, $0x1;
	s6 =	sadd.s32 s21, s4  }
0xa3: {  	[timem:s22], [sflag:s7] =	dma.local [hbm:s6], s5  }
0xa4: {  	_ =	swait.ge [sflag:s7], s5  }
0xa5: {  	s5 =	ssub.s32 $0x0, s5;
	[sflag:s7] =	ssyncset.done $0x0  }
0xa6: {  	[sflag:s7] =	ssyncadd.s32 s5;
	_ =	sdelay $0x1  }
0xa7: {  	s23 =	simm.s32 $0x1B8B  }
0xa8: {  	_ =	swait.ge [sflag:s23], $0x1  }
0xa9: {  	[sflag:s23] =	ssyncset.done $0x0  }
0xaa: {  	[sflag:s23] =	ssyncadd.s32 $0xFFFFFFFF  }
0xab: {  	s5 =	sld [smem:$0x0]  }
0xac: {  	s6 =	sand.u32 $0xFFFFFFFE, s1  }
0xad: {  	p0 =	sne.s32 s1, s6  }
0xae: {  	s6 =	sshll.u32 @p0 s6, $0xE  }
0xaf: {  	s6 =	sadd.s32 @p0 $0x11B8D, s6;
	s7 =	sshll.u32 @p0 s5, $0x11  }
0xb0: {  	s6 =	sor.u32 @p0 s7, s6  }
0xb1: {  	[sflag:s6] =	ssyncadd.remote.s32 @p0 $0x1;
	_ =	sdelay $0x1  }
0xb2: {  	s6 =	simm.s32 @p0 $0x1B8D  }
0xb3: {  	_ =	swait.eq @p0 [sflag:s6], $0x1  }
0xb4: {  	[sflag:s6] =	ssyncadd.s32 @p0 $0xFFFFFFFF  }
0xb5: {  	s7 =	sshll.u32 @!p0 s1, $0xE  }
0xb6: {  	s7 =	sor.u32 @!p0 $0x4000, s7;
	s6 =	simm.s32 @!p0 $0x1B8D  }
0xb7: {  	s8 =	sshll.u32 @!p0 s5, $0x11;
	s7 =	sadd.s32 @!p0 $0x11B8D, s7;
	_ =	swait.eq @!p0 [sflag:s6], $0x1  }
0xb8: {  	[sflag:s6] =	ssyncadd.s32 @!p0 $0xFFFFFFFF;
	s6 =	sor.u32 @!p0 s8, s7  }
0xb9: {  	s25 =	simm.s32 $0x1B8E;
	s24 =	sld [smem:$0x3FFE];
	[sflag:s6] =	ssyncadd.remote.s32 @!p0 $0x1  }
0xba: {  	s26 =	simm.s32 $execute0_lowered;
	[smem:$0x3FD2] =	sst s25  }
0xbb: {  	s7 =	sshll.u32 s26, $0x1;
	_ =	strace $0x80000049;
	[dreg:$0x1] =	wrdreg $0xFFFFFFFF  }
0xbc: {  	s28 =	simm.s32 $_size_execute0_lowered;
	s4 =	sadd.s32 s4, s7;
	[dreg:$0x0] =	wrdreg $0x0  }
0xbd: {  	s7 =	sshll.u32 s28, $0x1;
	[dreg:$0x2] =	wrdreg s4  }
0xbe: {  	[dreg:$0x3] =	wrdreg s7  }
0xbf: {  	[dreg:$0x4] =	wrdreg $0xC0  }
0xc0: {  	_ =	task [dreg:s22], $0x5FFFF  }
0xc1: {  	[dreg:$0x1] =	wrdreg $0xFFFFFFFF  }
0xc2: {  	[dreg:$0x0] =	wrdreg $0x60  }
0xc3: {  	[dreg:$0x2] =	wrdreg s24  }
0xc4: {  	[dreg:$0x3] =	wrdreg s17  }
0xc5: {  	[dreg:$0x4] =	wrdreg s1  }
0xc6: {  	[dreg:$0x5] =	wrdreg s5  }
0xc7: {  	[dreg:$0x6] =	wrdreg $0x9  }
0xc8: {  	_ =	task.clear_ibuf [dreg:s22], $0x7FFFF;
	_ =	strace $0x90000049  }
0xc9: {  	s29 =	simm.s32 $0x9;
	_ =	strace $0x8000004B  }
0xca: {  	_ =	swait.ge [sflag:s29], $0x1  }
0xcb: {  	[sflag:s29] =	ssyncadd.s32 $0xFFFFFFFF  }
0xcc: {  	_ =	strace $0x9000004B  }
0xcd: {  	_ =	sfence  }
0xce: {  	s30 =	sld [smem:$0x0];
	_ =	sdelay $0x2  }
0xcf: {  	s31 =	sshll.u32 s1, $0xD;
	s1 =	sshrl.u32 s1, $0x2  }
0xd0: {  	s4 =	sand.u32 $0x4000, s31;
	s1 =	sadd.s32 s1, s30  }
0xd1: {  	s0 =	sor.u32 s4, s0;
	s1 =	sshll.u32 s1, $0x11  }
0xd2: {  	s0 =	sor.u32 s1, s0  }
0xd3: {  	s0 =	sadd.s32 $0x8F2B, s0  }
0xd4: {  	[sflag:s0] =	ssyncadd.remote.s32 $0x1  }
0xd5: {  	_ =	sfence.sel $0xFFFF  }
0xd6: {  	[dreg:$0x0] =	wrdreg $0xFFFFFFFF;
	(pc) =	sbr.abs _section_cstart, $3  }
0xd7: {  	[dreg:$0x1] =	wrdreg $0xFFFFFFFF  }
0xd8: {  	_ =	task.clear_ibuf [dreg:s22], $0x2FFFF;
	_ =	strace $0x9FFFFFFF  }
0xd9: {  	(tm) =	ssettm $0x7FFFFFFF  }
tec
execute0_lowered:
.L_overlay_start_1:
0x0: {  	(tag) =	ssettag $0x1  }
0x1: {  	s2 =	rddreg [dreg:$0x0]  }
0x2: {  	s0 =	rddreg [dreg:$0x1]  }
0x3: {  	s3 =	rddreg [dreg:$0x2];
	_ =	strace $0x8000004A;
	s1 =	simm.s32 $0x1  }
0x4: {  	s5 =	simm.s32 $0x208;
	v0 =	vimm.s32 $0x0;
	[sflag:s1] =	ssyncpa.u1 $0x0  }
0x5: {  	[tilespmem:s5+$0x70] =	vst v0  }
0x6: {  	[tilespmem:s5+$0x60] =	vst v0  }
0x7: {  	[tilespmem:s5+$0x50] =	vst v0  }
0x8: {  	[tilespmem:s5+$0x40] =	vst v0  }
0x9: {  	[tilespmem:s5+$0x30] =	vst v0  }
0xa: {  	s1 =	sadd.s32 $0x4F2400, s2;
	s6 =	sadd.s32 $0x10400, s2;
	[tilespmem:s5+$0x20] =	vst v0  }
0xb: {  	s4 =	sadd.s32 $0x1400, s2;
	s10 =	sand.u32 $0x1, s3;
	s2 =	simm.s32 $0x40;
	[tilespmem:s5+$0x10] =	vst v0  }
.LBB2_1:
0xc: {  	s2 =	sadd.s32 $0x40, s2;
	[tilespmem:s5+$0x0] =	vst v0;
	s5 =	sadd.s32 $0x80, s5  }
0xd: {  	p0 =	slt.u32 s2, $0x3880;
	[tilespmem:s5+$0x70] =	vst v0  }
0xe: {  	[tilespmem:s5+$0x60] =	vst v0  }
.Ltmp0:
0xf: {  	[tilespmem:s5+$0x50] =	vst v0;
	(pc) =	sbr.rel @p0 .LBB2_1-.Ltmp0, $4  }
0x10: {  	[tilespmem:s5+$0x40] =	vst v0  }
0x11: {  	[tilespmem:s5+$0x30] =	vst v0  }
0x12: {  	[tilespmem:s5+$0x20] =	vst v0  }
0x13: {  	[tilespmem:s5+$0x10] =	vst v0  }
0x14: {  	s11 =	stileid.u32  }
0x15: {  	s2 =	smul.u32 $0x2C, s11  }
0x16: {  	s3 =	smin.u32 s11, $0xB  }
0x17: {  	s2 =	sadd.s32 s3, s2  }
0x18: {  	p0 =	slt.u32 s11, $0xB;
	s20 =	smul.u32 $0x70, s2;
	s2 =	simm.s32 $0x13B0  }
0x19: {  	s2 =	simm.s32 @!p0 $0x1340  }
0x1a: {  	s2 =	sadd.s32 s2, s20  }
0x1b: {  	s8 =	smin.u32 s2, $0x13880  }
0x1c: {  	s26 =	simm.s32 $0x2;
	s2 =	ssub.s32 s8, s20  }
0x1d: {  	s9 =	simm.s32 $0x9;
	s29 =	simm.s32 $0xA;
	p0 =	sgt.s32 s2, $0x0  }
0x1e: {  	s30 =	simm.s32 $0xB;
	s31 =	smul.u32 $0x2710, s10;
	s2 =	simm.s32 @!p0 $0x0  }
0x1f: {  	[dreg:$0x5] =	wrdreg s10;
	s12 =	simm.s32 $0x1;
	s25 =	smulhi.u32 $0x92492493, s2  }
0x20: {  	s24 =	simm.s32 $0x0;
	p1 =	por $0x0, $0x0;
	s18 =	simm.s32 $0x80  }
0x21: {  	s19 =	simm.s32 $0x400;
	s17 =	simm.s32 $0xC;
	s3 =	sshrl.u32 s25, $0x6  }
0x22: {  	s21 =	simm.s32 $0x0;
	s23 =	simm.s32 $0x0;
	s28 =	smul.u32 $0x70, s3  }
.Ltmp1:
0x23: {  	[tilespmem:s5+$0x0] =	vst v0;
	v0 =	vimm.s32 $0xFFFFFFFF;
	[sflag:s26] =	ssyncpa.u1 $0x0;
	s16 =	sshll.u32 s11, $0x9;
	(pc) =	sbr.rel .LBB2_3-.Ltmp1, $4  }
0x24: {  	[tilespmem:$0xE408] =	vst v0;
	[sflag:s9] =	ssyncpa.u1 $0x0;
	p0 =	sne.s32 s2, s28;
	s2 =	simm.s32 $0x1  }
0x25: {  	s14 =	sadd.s32 s31, s4;
	[sflag:s29] =	ssyncpa.u1 $0x0;
	s2 =	simm.s32 @!p0 $0x0  }
0x26: {  	s15 =	sadd.s32 s31, s0;
	[sflag:s30] =	ssyncpa.u1 $0x0;
	s13 =	sadd.s32 s2, s3  }
0x27: {  	v0 =	vlaneseq.u32;
	s22 =	smov.u32 s20;
	p0 =	por $0x1, $0x1;
	s11 =	sadd.s32 $0x1, s13  }
.LBB2_24:
0x28: {  	s2 =	sshrl.u32 s4, $0x2  }
.LBB2_26:
0x29: {  	_ =	swait.ge [sflag:s17], s2  }
0x2a: {  	s31 =	ssub.s32 $0x0, s2;
	v1 =	vmov s26;
	vm0 =	veq.s32 v0, $0x0;
	[sflag:s17] =	ssyncset.done $0x0  }
0x2b: {  	vm15 =	veq.s32 v0, $0x2;
	v1 =	vsel vm0, s0, v1;
	[sflag:s17] =	ssyncadd.s32 s31  }
0x2c: {  	v1 =	vsel vm15, s24, v1;
	[sflag:s17] =	ssyncpa.u1 $0x1  }
0x2d: {  	[tilespmem:$0xE408] =	vst v1  }
.LBB2_27:
0x2e: {  	s0 =	sadd.s32 $0x70, s22  }
0x2f: {  	s2 =	smov.u32 s20;
	p2 =	slt.s32 s0, s8  }
0x30: {  	s2 =	smov.u32 @p2 s0;
	p2 =	sne.s32 s23, s11  }
.Ltmp2:
0x31: {  	_ = 	snop;
	(pc) =	sbr.rel @!p2 .LBB2_28-.Ltmp2, $4  }
0x32: {  	_ = 	snop  }
0x33: {  	s24 =	smov.u32 s21  }
0x34: {  	s31 =	sadd.s32 $0x1, s23;
	s21 =	smov.u32 s22;
	p0 =	por !p0, !p0  }
0x35: {  	p1 =	por !p1, !p1;
	s23 =	smov.u32 s31;
	s22 =	smov.u32 s2  }
.LBB2_3:
0x36: {  	p2 =	sge.u32 s23, s13  }
0x37: {  	s0 =	smulhi.u32 @!p2 $0xAAAAAAAB, s23  }
0x38: {  	s2 =	smov.u32 s22;
	p3 =	sgt.s32 @!p2 s22, $0x13810  }
0x39: {  	s3 =	sshra.s32 @!p2 s22, $0x1F;
	p3 =	por !p3, p2;
	s0 =	sshrl.u32 @!p2 s0, $0x1  }
0x3a: {  	s3 =	sand.u32 @!p2 s3, s22;
	s2 =	simm.s32 @p3 $0x13810;
	s0 =	smul.u32 @!p2 $0x3, s0  }
0x3b: {  	s2 =	ssub.s32 @!p2 s2, s3  }
0x3c: {  	s2 =	sadd.s32 @!p2 $0xFFFEC7F0, s2;
	s0 =	ssub.s32 @!p2 s23, s0  }
0x3d: {  	s3 =	sshll.u32 @!p2 s2, $0x2;
	p3 =	sgt.s32 @!p2 s2, $0x6F;
	s0 =	smul.u32 @!p2 $0x1C0, s0  }
0x3e: {  	s4 =	sand.u32 @!p2 $0x7, s22;
	s2 =	ssub.s32 @!p2 $0x1C0, s3;
	p3 =	por !p3, p2  }
0x3f: {  	s3 =	sshrl.u32 @!p2 s22, $0x3;
	s2 =	sshrl.u32 @!p2 s2, $0x2;
	s0 =	sshrl.u32 @!p2 s0, $0x2  }
0x40: {  	s3 =	sadd.s32 @!p2 s3, s14;
	s2 =	simm.s32 @!p3 $0x0;
	s0 =	sadd.s32 @!p2 $0x10448, s0  }
0x41: {  	[tilespmem:s0], [sflag:$0xA] =	stream.linear.gather @!p2 [hbm4b:s3+s4], s2, $0x38;
	[tilespmem:$0x1E678] =	vst v63  }
0x42: {  	s2 =	sadd.s32 $0xFFFFFFFF, s23  }
0x43: {  	p2 =	sge.u32 s2, s13  }
0x44: {  	p3 =	sgt.s32 @!p2 s21, $0x13810  }
0x45: {  	s0 =	smov.u32 s21;
	s3 =	sshra.s32 @!p2 s21, $0x1F;
	p3 =	por !p3, p2  }
0x46: {  	s3 =	sand.u32 @!p2 s3, s21;
	s0 =	simm.s32 @p3 $0x13810  }
0x47: {  	s0 =	ssub.s32 @!p2 s0, s3  }
0x48: {  	s0 =	sadd.s32 @!p2 $0xFFFEC7F0, s0  }
0x49: {  	s3 =	sshll.u32 @!p2 s0, $0x2  }
0x4a: {  	p3 =	sgt.s32 @!p2 s0, $0x6F;
	s0 =	ssub.s32 @!p2 $0x1C0, s3  }
0x4b: {  	p3 =	por !p3, p2;
	s0 =	sshrl.u32 @!p2 s0, $0x2  }
0x4c: {  	s4 =	simm.s32 @!p2 $0xA;
	s3 =	sand.u32 @!p2 $0x1, s2;
	s0 =	simm.s32 @!p3 $0x0  }
0x4d: {  	s3 =	smul.u32 @!p2 $0x1C0, s3;
	_ =	swait.ge @!p2 [sflag:s4], s0  }
0x4e: {  	s5 =	ssub.s32 @!p2 $0x0, s0;
	[sflag:s4] =	ssyncset.done @!p2 $0x0  }
0x4f: {  	s3 =	sshrl.u32 @!p2 s3, $0x2;
	[sflag:s4] =	ssyncadd.s32 @!p2 s5;
	s4 =	sshrl.u32 @!p2 s21, $0x3  }
0x50: {  	s3 =	sadd.s32 @!p2 $0x10598, s3;
	s5 =	sand.u32 @!p2 $0x7, s21;
	s4 =	sadd.s32 @!p2 s4, s15  }
0x51: {  	[tilespmem:s3], [sflag:$0xB] =	stream.linear.gather @!p2 [hbm4b:s4+s5], s0, $0x38;
	[tilespmem:$0x1E678] =	vst v63  }
0x52: {  	s0 =	ssub.s32 @!p2 $0x13880, s21  }
0x53: {  	p3 =	slt.s32 @!p2 s0, $0x1  }
0x54: {  	p3 =	por p2, p3  }
.Ltmp3:
0x55: {  	_ = 	snop;
	(pc) =	sbr.rel @p3 .LBB2_9-.Ltmp3, $1  }
0x56: {  	_ =	sdelay $0x3  }
0x57: {  	s3 =	smulhi.u32 $0xAAAAAAAB, s2;
	_ =	sdelay $0x1  }
0x58: {  	s3 =	sshrl.u32 s3, $0x1  }
0x59: {  	s3 =	smul.u32 $0x3, s3;
	_ =	sdelay $0x1  }
0x5a: {  	s30 =	ssub.s32 s2, s3  }
0x5b: {  	s4 =	simm.s32 $0x1;
	s2 =	smul.u32 $0x1C0, s30  }
.Ltmp4:
0x5c: {  	s4 =	simm.s32 @!p0 $0x0;
	(pc) =	sbr.rel .LBB2_6-.Ltmp4, $4  }
0x5d: {  	s31 =	smul.u32 $0x1C000, s4  }
0x5e: {  	p3 =	slt.s32 @!p2 s0, $0x70;
	s2 =	sshrl.u32 s2, $0x2  }
0x5f: {  	p2 =	por !p3, p2;
	s3 =	sshrl.u32 s31, $0x2;
	s5 =	sadd.s32 $0x10448, s2  }
0x60: {  	s0 =	simm.s32 @p2 $0x70;
	s4 =	sor.u32 $0x10678, s3;
	s2 =	simm.s32 $0x0;
	v1 =	vmov s5  }
.LBB2_5:
0x61: {  	p2 =	sge.s32 s2, s0  }
.Ltmp5:
0x62: {  	_ = 	snop;
	(pc) =	sbr.rel @p2 .LBB2_9-.Ltmp5, $2  }
0x63: {  	_ =	sdelay $0x2  }
0x64: {  	s4 =	sadd.s32 $0x1000, s4  }
.LBB2_6:
0x65: {  	p2 =	sle.s32 s0, s2  }
.Ltmp6:
0x66: {  	_ = 	snop;
	(pc) =	sbr.rel @p2 .LBB2_5-.Ltmp6, $2  }
0x67: {  	_ =	sdelay $0x2  }
0x68: {  	s5 =	smov.u32 s2;
	s2 =	sadd.s32 $0x10, s2  }
0x69: {  	s3 =	ssub.s32 s0, s5  }
0x6a: {  	p2 =	slt.s32 s3, $0x10  }
0x6b: {  	s3 =	simm.s32 @!p2 $0x10  }
0x6c: {  	v2 =	vmov s3  }
0x6d: {  	vm0 =	vgt.s32 v2, v0;
	_ =	sdelay $0x5  }
0x6e: {  	v2 =	vld.idx.msk [tilespmem:v1+s5+$0x0 ss:$0x1], vm0;
	_ =	sdelay $0x2  }
0x6f: {  	p2 =	slt.s32 s2, s0;
	s3 =	smov.u32 s0  }
0x70: {  	s9 =	smov.u32 s4;
	s25 =	simm.s32 $0x0;
	s3 =	smov.u32 @p2 s2  }
.LBB2_8:
0x71: {  	(v2sf) =	vpush v2, s25;
	_ =	sdelay $0xe  }
0x72: {  	s25 =	sadd.s32 $0x1, s25;
	s10 =	spop (v2sf)  }
0x73: {  	s31 =	sadd.s32 s25, s5;
	s26 =	sshll.u32 s10, $0x8;
	s10 =	sshll.u32 s10, $0x7  }
0x74: {  	p2 =	slt.s32 s31, s3;
	s26 =	sand.u32 $0xFFFFF800, s26;
	s10 =	sand.u32 $0x380, s10  }
.Ltmp7:
0x75: {  	s10 =	sor.u32 s10, s26;
	(pc) =	sbr.rel @p2 .LBB2_8-.Ltmp7, $4  }
0x76: {  	s10 =	sshrl.u32 s10, $0x3  }
0x77: {  	s10 =	sadd.s32 s6, s10  }
0x78: {  	[tilespmem:s9], [sflag:$0x9] =	stream.strided.gather [hbm4b:s10+s18], $0x100, s19, s18, $0x38;
	[tilespmem:$0x1E678] =	vst v63  }
0x79: {  	s9 =	sadd.s32 $0x100, s9  }
.Ltmp8:
0x7a: {  	_ = 	snop;
	(pc) =	sbr.rel .LBB2_5-.Ltmp8, $1  }
0x7b: {  	_ =	sdelay $0x3  }
.LBB2_9:
0x7c: {  	p2 =	slt.u32 s23, $0x2  }
.Ltmp9:
0x7d: {  	_ = 	snop;
	(pc) =	sbr.rel @p2 .LBB2_27-.Ltmp9, $1  }
0x7e: {  	_ =	sdelay $0x3  }
0x7f: {  	p2 =	sgt.s32 s24, $0x13810  }
0x80: {  	s0 =	smov.u32 s24;
	s2 =	sshra.s32 s24, $0x1F;
	s3 =	ssub.s32 $0x13880, s24  }
0x81: {  	s0 =	simm.s32 @!p2 $0x13810;
	s2 =	sand.u32 s2, s24;
	p2 =	slt.s32 s3, $0x70  }
0x82: {  	s0 =	ssub.s32 s0, s2;
	s3 =	simm.s32 @!p2 $0x70  }
0x83: {  	s0 =	sadd.s32 $0xFFFEC7F0, s0;
	s9 =	sshll.u32 s3, $0x8  }
0x84: {  	s26 =	simm.s32 $0x9;
	s10 =	sshll.u32 s0, $0x2;
	s2 =	sand.u32 $0x3FFFFF00, s9  }
0x85: {  	p2 =	sgt.s32 s0, $0x6F;
	s25 =	ssub.s32 $0x1C0, s10;
	_ =	swait.ge [sflag:s26], s2  }
0x86: {  	s2 =	ssub.s32 $0x0, s2;
	[sflag:s26] =	ssyncset.done $0x0;
	s0 =	sshrl.u32 s25, $0x2  }
0x87: {  	s29 =	simm.s32 $0xB;
	[sflag:s26] =	ssyncadd.s32 s2;
	s0 =	simm.s32 @p2 $0x0  }
0x88: {  	_ =	swait.ge [sflag:s29], s0  }
0x89: {  	s0 =	ssub.s32 $0x0, s0;
	[sflag:s29] =	ssyncset.done $0x0  }
0x8a: {  	[sflag:s29] =	ssyncadd.s32 s0  }
0x8b: {  	v1 =	vld [tilespmem:$0xE408];
	_ =	sdelay $0x4  }
0x8c: {  	(v2sf) =	vpush v1, $0x0  }
0x8d: {  	(v2sf) =	vpush v1, $0x1  }
0x8e: {  	(v2sf) =	vpush v1, $0x2;
	_ =	sdelay $0x3  }
0x8f: {  	s0 =	sadd.s32 $0x70, s24  }
0x90: {  	s2 =	ssub.s32 $0x27100, s24;
	p2 =	slt.s32 s8, s0  }
0x91: {  	s0 =	smov.u32 @p2 s8;
	p2 =	sgt.s32 s2, $0x0  }
0x92: {  	s0 =	ssub.s32 s0, s24;
	s2 =	simm.s32 @!p2 $0x0  }
0x93: {  	p2 =	slt.s32 s2, s0  }
0x94: {  	s0 =	smov.u32 @p2 s2  }
0x95: {  	s4 =	simm.s32 $0x1;
	p2 =	slt.s32 s0, $0x1  }
.Ltmp10:
0x96: {  	s4 =	simm.s32 @!p1 $0x0;
	(pc) =	sbr.rel @p2 .LBB2_14-.Ltmp10, $4  }
0x97: {  	s30 =	smul.u32 $0x1C0, s4  }
0x98: {  	s5 =	spop (v2sf)  }
0x99: {  	s31 =	sshrl.u32 s30, $0x2;
	s28 =	spop (v2sf)  }
0x9a: {  	s25 =	sadd.s32 $0x10598, s31;
	s24 =	spop (v2sf)  }
0x9b: {  	s2 =	smin.u32 s0, $0x10  }
0x9c: {  	v1 =	vmov s2  }
0x9d: {  	vm1 =	vgt.u32 v1, v0  }
0x9e: {  	p3 =	sgt.s32 s0, $0x10  }
.Ltmp11:
0x9f: {  	_ = 	snop;
	(pc) =	sbr.rel @!p3 .LBB2_13-.Ltmp11, $2  }
0xa0: {  	_ =	sdelay $0x2  }
0xa1: {  	s26 =	simm.s32 $0x10;
	s29 =	sadd.s32 $0xFFFFFFF0, s0;
	s2 =	smov.u32 s25;
	vm0 =	vmmov vm1;
	v1 =	vld.msk [tilespmem:s25+$0x0 ss:$0x1], vm1  }
.LBB2_12:
0xa2: {  	s3 =	smin.u32 s29, $0x10;
	s26 =	sadd.s32 $0x10, s26  }
0xa3: {  	v2 =	vmov s3;
	p3 =	slt.s32 s26, s0  }
0xa4: {  	vm1 =	vgt.u32 v2, v0;
	_ =	sdelay $0x1  }
0xa5: {  	v2 =	vshll.u32 v1, $0x5;
	v1 =	vshll.u32 v1, $0x4  }
.Ltmp12:
0xa6: {  	v2 =	vand.u32 $0xFFFFFF00, v2;
	v1 =	vand.u32 $0x70, v1;
	(pc) =	sbr.rel @p3 .LBB2_12-.Ltmp12, $4  }
0xa7: {  	v1 =	vor.u32 v1, v2  }
0xa8: {  	[tilespmem:s2+$0x0] =	vst.msk vm0, v1;
	s2 =	sadd.s32 $0x10, s2;
	vm0 =	vmmov vm1  }
0xa9: {  	v1 =	vld.msk [tilespmem:s2+$0x0 ss:$0x1], vm1  }
0xaa: {  	s29 =	sadd.s32 $0xFFFFFFF0, s29  }
.LBB2_13:
0xab: {  	_ =	sdelay $0x3  }
0xac: {  	v2 =	vshll.u32 v1, $0x5;
	v1 =	vshll.u32 v1, $0x4  }
0xad: {  	v2 =	vand.u32 $0xFFFFFF00, v2;
	v1 =	vand.u32 $0x70, v1  }
0xae: {  	v1 =	vor.u32 v1, v2  }
0xaf: {  	[tilespmem:s2+$0x0] =	vst.msk vm0, v1  }
.LBB2_14:
0xb0: {  	s2 =	sand.u32 $0x1, s23  }
0xb1: {  	s2 =	smul.u32 $0x70, s2  }
0xb2: {  	p3 =	sne.s32 s28, $0xFFFFFFFF  }
0xb3: {  	v1 =	vld.msk @!p3 [tilespmem:s2+$0x10598], $0x1;
	_ =	sdelay $0x4  }
0xb4: {  	(v2sf) =	vpush @!p3 v1, $0x0;
	_ =	sdelay $0xc  }
.Ltmp13:
0xb5: {  	_ = 	snop;
	(pc) =	sbr.rel @p2 .LBB2_25-.Ltmp13, $4  }
0xb6: {  	_ = 	snop  }
0xb7: {  	s31 =	spop @!p3 (v2sf)  }
0xb8: {  	s24 =	simm.s32 @!p3 $0x0;
	s26 =	smov.u32 s31  }
0xb9: {  	[sflag:s17] =	ssyncpa.u1 $0x0;
	s31 =	smov.u32 @p3 s5;
	s26 =	smov.u32 @p3 s28  }
0xba: {  	v1 =	vld.msk [tilespmem:s25+$0x0], $0x1;
	_ =	sdelay $0x4  }
0xbb: {  	(v2sf) =	vpush v1, $0x0;
	_ =	sdelay $0xe  }
0xbc: {  	s7 =	smov.u32 s11;
	s5 =	spop (v2sf)  }
0xbd: {  	s17 =	smov.u32 s15;
	s2 =	smul.u32 $0x1C000, s4;
	p2 =	seq.s32 s31, s5  }
0xbe: {  	s3 =	smov.u32 s31;
	s29 =	ssub.s32 $0x0, s0;
	p3 =	sgt.s32 @!p2 s31, $0x0  }
0xbf: {  	s30 =	simm.s32 $0x0;
	s2 =	sshrl.u32 s2, $0x2;
	p3 =	por !p3, p2  }
0xc0: {  	s0 =	sadd.s32 $0x1, s29;
	s28 =	sor.u32 $0x106F8, s2;
	s3 =	simm.s32 @p3 $0x0  }
0xc1: {  	s2 =	simm.s32 @!p2 $0x1;
	p3 =	seq.s32 s0, $0x0;
	s3 =	smin.u32 @!p2 s3, $0x4E170  }
.Ltmp14:
0xc2: {  	s4 =	simm.s32 @!p2 $0x7308;
	s9 =	sand.u32 @!p2 $0x7FFF8, s3;
	(pc) =	sbr.rel @p3 .LBB2_17-.Ltmp14, $4  }
0xc3: {  	s10 =	sadd.s32 @!p2 $0x80, s3;
	s11 =	sadd.s32 @!p2 s1, s9;
	s9 =	sand.u32 @!p2 $0x7, s3  }
0xc4: {  	[tilespmem:s4], [sflag:$0x2] =	stream.linear.gather @!p2 [hbm4b:s11+s9], $0x80, $0x38;
	[tilespmem:$0x1E678] =	vst v63  }
0xc5: {  	s15 =	smov.u32 s14;
	s2 =	smov.u32 @p2 s30;
	s4 =	sand.u32 @!p2 $0xFFFF8, s10  }
0xc6: {  	s3 =	simm.s32 @!p2 $0x7388;
	s10 =	sadd.s32 @!p2 s1, s4;
	s4 =	sadd.s32 $0x1, s25  }
.LBB2_16:
0xc7: {  	s11 =	smov.u32 s2  }
0xc8: {  	[tilespmem:s3], [sflag:$0x2] =	stream.linear.gather @!p2 [hbm4b:s10+s9], $0x80, $0x38;
	[tilespmem:$0x1E678] =	vst v63  }
0xc9: {  	s0 =	sadd.s32 $0x1, s0;
	s9 =	smov.u32 s5;
	v1 =	vld.msk [tilespmem:s4+$0x0], $0x1  }
0xca: {  	p3 =	seq.s32 s0, $0x0;
	_ =	sdelay $0x3  }
0xcb: {  	(v2sf) =	vpush v1, $0x0;
	_ =	sdelay $0xe  }
0xcc: {  	s5 =	spop (v2sf)  }
0xcd: {  	p2 =	seq.s32 s9, s5  }
0xce: {  	p4 =	sgt.s32 @!p2 s9, $0x0;
	s3 =	sshll.u32 @!p2 s2, $0xA;
	s2 =	sadd.s32 @!p2 $0x1, s2  }
0xcf: {  	p4 =	por !p4, p2;
	s3 =	sshra.s32 @!p2 s3, $0x2;
	s2 =	smov.u32 @p2 s11  }
0xd0: {  	s9 =	simm.s32 @p4 $0x0;
	s10 =	sadd.s32 @!p2 $0x7308, s3;
	s3 =	sadd.s32 @!p2 $0x7388, s3  }
.Ltmp15:
0xd1: {  	s9 =	smin.u32 @!p2 s9, $0x4E170;
	(pc) =	sbr.rel @!p3 .LBB2_16-.Ltmp15, $4  }
0xd2: {  	s11 =	sand.u32 @!p2 $0x7FFF8, s9;
	s14 =	sadd.s32 @!p2 $0x80, s9  }
0xd3: {  	s9 =	sand.u32 @!p2 $0x7, s9;
	s11 =	sadd.s32 @!p2 s1, s11;
	s14 =	sand.u32 @!p2 $0xFFFF8, s14  }
0xd4: {  	[tilespmem:s10], [sflag:$0x2] =	stream.linear.gather @!p2 [hbm4b:s11+s9], $0x80, $0x38;
	[tilespmem:$0x1E678] =	vst v63  }
0xd5: {  	s4 =	sadd.s32 $0x1, s4;
	s10 =	sadd.s32 @!p2 s1, s14  }
.LBB2_17:
0xd6: {  	[tilespmem:s3], [sflag:$0x2] =	stream.linear.gather @!p2 [hbm4b:s10+s9], $0x80, $0x38;
	[tilespmem:$0x1E678] =	vst v63  }
0xd7: {  	s0 =	sshll.u32 s2, $0x8  }
.Ltmp16:
0xd8: {  	s14 =	simm.s32 $0x2;
	s0 =	sand.u32 $0x3FFFFF00, s0;
	(pc) =	sbr.rel .LBB2_18-.Ltmp16, $4  }
0xd9: {  	_ =	swait.ge [sflag:s14], s0  }
0xda: {  	s0 =	ssub.s32 $0x0, s0;
	[sflag:s14] =	ssyncset.done $0x0  }
0xdb: {  	s4 =	simm.s32 $0x0;
	s11 =	smov.u32 s7;
	[sflag:s14] =	ssyncadd.s32 s0  }
0xdc: {  	s14 =	smov.u32 s15;
	s15 =	smov.u32 s17;
	s17 =	simm.s32 $0xC  }
.LBB2_19:
0xdd: {  	v1 =	vld [tilespmem:s28+$0xFFFFFF80];
	_ =	sdelay $0x4  }
0xde: {  	[tilespmem:s5+$0x208] =	vst.add.f32.msk $0xffff, v1  }
0xdf: {  	v1 =	vld [tilespmem:s28+$0xFFFFFF90];
	_ =	sdelay $0x4  }
0xe0: {  	[tilespmem:s5+$0x218] =	vst.add.f32.msk $0xffff, v1  }
0xe1: {  	v1 =	vld [tilespmem:s28+$0xFFFFFFA0];
	_ =	sdelay $0x4  }
0xe2: {  	[tilespmem:s5+$0x228] =	vst.add.f32.msk $0xffff, v1  }
0xe3: {  	v1 =	vld [tilespmem:s28+$0xFFFFFFB0];
	_ =	sdelay $0x4  }
0xe4: {  	[tilespmem:s5+$0x238] =	vst.add.f32.msk $0xffff, v1  }
0xe5: {  	v1 =	vld [tilespmem:s28+$0xFFFFFFC0];
	_ =	sdelay $0x4  }
0xe6: {  	[tilespmem:s5+$0x248] =	vst.add.f32.msk $0xffff, v1  }
0xe7: {  	v1 =	vld [tilespmem:s28+$0xFFFFFFD0];
	_ =	sdelay $0x4  }
0xe8: {  	[tilespmem:s5+$0x258] =	vst.add.f32.msk $0xffff, v1  }
0xe9: {  	v1 =	vld [tilespmem:s28+$0xFFFFFFE0];
	_ =	sdelay $0x4  }
0xea: {  	[tilespmem:s5+$0x268] =	vst.add.f32.msk $0xffff, v1  }
0xeb: {  	v1 =	vld [tilespmem:s28+$0xFFFFFFF0];
	_ =	sdelay $0x4  }
0xec: {  	[tilespmem:s5+$0x278] =	vst.add.f32.msk $0xffff, v1  }
0xed: {  	v1 =	vld [tilespmem:s28+$0x0];
	_ =	sdelay $0x4  }
0xee: {  	[tilespmem:s5+$0x288] =	vst.add.f32.msk $0xffff, v1  }
0xef: {  	v1 =	vld [tilespmem:s28+$0x10];
	_ =	sdelay $0x4  }
0xf0: {  	[tilespmem:s5+$0x298] =	vst.add.f32.msk $0xffff, v1  }
0xf1: {  	v1 =	vld [tilespmem:s28+$0x20];
	_ =	sdelay $0x4  }
0xf2: {  	[tilespmem:s5+$0x2A8] =	vst.add.f32.msk $0xffff, v1  }
0xf3: {  	v1 =	vld [tilespmem:s28+$0x30];
	_ =	sdelay $0x4  }
0xf4: {  	[tilespmem:s5+$0x2B8] =	vst.add.f32.msk $0xffff, v1  }
0xf5: {  	v1 =	vld [tilespmem:s28+$0x40];
	_ =	sdelay $0x4  }
0xf6: {  	[tilespmem:s5+$0x2C8] =	vst.add.f32.msk $0xffff, v1  }
0xf7: {  	v1 =	vld [tilespmem:s28+$0x50];
	_ =	sdelay $0x4  }
0xf8: {  	[tilespmem:s5+$0x2D8] =	vst.add.f32.msk $0xffff, v1  }
0xf9: {  	v1 =	vld [tilespmem:s28+$0x60];
	_ =	sdelay $0x4  }
0xfa: {  	[tilespmem:s5+$0x2E8] =	vst.add.f32.msk $0xffff, v1  }
0xfb: {  	v1 =	vld [tilespmem:s28+$0x70];
	_ =	sdelay $0x4  }
0xfc: {  	[tilespmem:s5+$0x2F8] =	vst.add.f32.msk $0xffff, v1  }
.LBB2_23:
0xfd: {  	s29 =	sadd.s32 $0x1, s29  }
0xfe: {  	p2 =	seq.s32 s29, $0x0  }
.Ltmp17:
0xff: {  	_ = 	snop;
	(pc) =	sbr.rel @p2 .LBB2_24-.Ltmp17, $2  }
0x100: {  	_ =	sdelay $0x2  }
0x101: {  	s25 =	sadd.s32 $0x1, s25;
	s28 =	sadd.s32 $0x100, s28;
	s31 =	smov.u32 s0  }
.LBB2_18:
0x102: {  	v1 =	vld.msk [tilespmem:s25+$0x0], $0x1;
	_ =	sdelay $0x4  }
0x103: {  	(v2sf) =	vpush v1, $0x0;
	_ =	sdelay $0xe  }
0x104: {  	s0 =	spop (v2sf)  }
0x105: {  	p2 =	sne.s32 s31, s0  }
.Ltmp18:
0x106: {  	_ = 	snop;
	(pc) =	sbr.rel @!p2 .LBB2_19-.Ltmp18, $3  }
0x107: {  	_ =	sdelay $0x1  }
0x108: {  	s2 =	sshll.u32 s24, $0xA  }
0x109: {  	s5 =	sshra.s32 s2, $0x2  }
0x10a: {  	p2 =	seq.s32 s31, s26  }
.Ltmp19:
0x10b: {  	_ = 	snop;
	(pc) =	sbr.rel @!p2 .LBB2_21-.Ltmp19, $1  }
0x10c: {  	_ =	sdelay $0x3  }
.Ltmp20:
0x10d: {  	s2 =	sadd.s32 $0x208, s5;
	(pc) =	sbr.rel .LBB2_22-.Ltmp20, $4  }
0x10e: {  	[spmem:s16] =	stream.linear.scatter [tilespmem:s2], [sflag:$0x1], $0x100, $0x38;
	[tilespmem:$0x1E678] =	vst v63  }
0x10f: {  	_ =	swait.ge [sflag:s12], $0x100  }
0x110: {  	[sflag:s12] =	ssyncset.done $0x0  }
0x111: {  	[sflag:s12] =	ssyncadd.s32 $0xFFFFFF00  }
.LBB2_21:
0x112: {  	s2 =	sshll.u32 s30, $0xA  }
0x113: {  	s2 =	sshra.s32 s2, $0x2  }
0x114: {  	v1 =	vld [tilespmem:s2+$0x7308];
	_ =	sdelay $0x4  }
0x115: {  	[tilespmem:s5+$0x208] =	vst.add.f32.msk $0xffff, v1  }
0x116: {  	v1 =	vld [tilespmem:s2+$0x7318];
	_ =	sdelay $0x4  }
0x117: {  	[tilespmem:s5+$0x218] =	vst.add.f32.msk $0xffff, v1  }
0x118: {  	v1 =	vld [tilespmem:s2+$0x7328];
	_ =	sdelay $0x4  }
0x119: {  	[tilespmem:s5+$0x228] =	vst.add.f32.msk $0xffff, v1  }
0x11a: {  	v1 =	vld [tilespmem:s2+$0x7338];
	_ =	sdelay $0x4  }
0x11b: {  	[tilespmem:s5+$0x238] =	vst.add.f32.msk $0xffff, v1  }
0x11c: {  	v1 =	vld [tilespmem:s2+$0x7348];
	_ =	sdelay $0x4  }
0x11d: {  	[tilespmem:s5+$0x248] =	vst.add.f32.msk $0xffff, v1  }
0x11e: {  	v1 =	vld [tilespmem:s2+$0x7358];
	_ =	sdelay $0x4  }
0x11f: {  	[tilespmem:s5+$0x258] =	vst.add.f32.msk $0xffff, v1  }
0x120: {  	v1 =	vld [tilespmem:s2+$0x7368];
	_ =	sdelay $0x4  }
0x121: {  	[tilespmem:s5+$0x268] =	vst.add.f32.msk $0xffff, v1  }
0x122: {  	v1 =	vld [tilespmem:s2+$0x7378];
	_ =	sdelay $0x4  }
0x123: {  	[tilespmem:s5+$0x278] =	vst.add.f32.msk $0xffff, v1  }
0x124: {  	v1 =	vld [tilespmem:s2+$0x7388];
	_ =	sdelay $0x4  }
0x125: {  	[tilespmem:s5+$0x288] =	vst.add.f32.msk $0xffff, v1  }
0x126: {  	v1 =	vld [tilespmem:s2+$0x7398];
	_ =	sdelay $0x4  }
0x127: {  	[tilespmem:s5+$0x298] =	vst.add.f32.msk $0xffff, v1  }
0x128: {  	v1 =	vld [tilespmem:s2+$0x73A8];
	_ =	sdelay $0x4  }
0x129: {  	[tilespmem:s5+$0x2A8] =	vst.add.f32.msk $0xffff, v1  }
0x12a: {  	v1 =	vld [tilespmem:s2+$0x73B8];
	_ =	sdelay $0x4  }
0x12b: {  	[tilespmem:s5+$0x2B8] =	vst.add.f32.msk $0xffff, v1  }
0x12c: {  	v1 =	vld [tilespmem:s2+$0x73C8];
	_ =	sdelay $0x4  }
0x12d: {  	[tilespmem:s5+$0x2C8] =	vst.add.f32.msk $0xffff, v1  }
0x12e: {  	v1 =	vld [tilespmem:s2+$0x73D8];
	_ =	sdelay $0x4  }
0x12f: {  	[tilespmem:s5+$0x2D8] =	vst.add.f32.msk $0xffff, v1  }
0x130: {  	v1 =	vld [tilespmem:s2+$0x73E8];
	_ =	sdelay $0x4  }
0x131: {  	[tilespmem:s5+$0x2E8] =	vst.add.f32.msk $0xffff, v1  }
0x132: {  	v1 =	vld [tilespmem:s2+$0x73F8];
	_ =	sdelay $0x2  }
0x133: {  	p2 =	sgt.u32 s31, $0x4E170  }
0x134: {  	s2 =	sand.u32 @!p2 $0x7FFF8, s31  }
0x135: {  	s3 =	sadd.s32 $0x208, s5;
	s9 =	sand.u32 @!p2 $0x7, s31;
	s2 =	sadd.s32 @!p2 s1, s2;
	[tilespmem:s5+$0x2F8] =	vst.add.f32.msk $0xffff, v1  }
0x136: {  	[hbm4b:s2+s9] =	stream.linear.scatter @!p2 [tilespmem:s3], [sflag:$0xC], $0x80, $0x38;
	[tilespmem:$0x1E678] =	vst v63  }
0x137: {  	s2 =	sadd.s32 @!p2 $0x80, s31  }
0x138: {  	s2 =	sand.u32 @!p2 $0xFFFF8, s2  }
0x139: {  	s3 =	sadd.s32 $0x288, s5;
	s2 =	sadd.s32 @!p2 s1, s2  }
0x13a: {  	[hbm4b:s2+s9] =	stream.linear.scatter @!p2 [tilespmem:s3], [sflag:$0xC], $0x80, $0x38;
	[tilespmem:$0x1E678] =	vst v63  }
0x13b: {  	s2 =	simm.s32 $0x0  }
0x13c: {  	s2 =	simm.s32 @!p2 $0x400  }
0x13d: {  	s4 =	sadd.s32 s2, s4  }
.LBB2_22:
0x13e: {  	s2 =	sadd.s32 $0x1, s24  }
0x13f: {  	s3 =	sshrl.u32 s2, $0x4  }
0x140: {  	s3 =	smulhi.u32 $0x24924925, s3  }
0x141: {  	v1 =	vld [tilespmem:s28+$0xFFFFFF80]  }
0x142: {  	s3 =	smul.u32 $0x70, s3;
	_ =	sdelay $0x1  }
0x143: {  	s24 =	ssub.s32 s2, s3  }
0x144: {  	s2 =	sshll.u32 s24, $0x8  }
0x145: {  	[tilespmem:s2+$0x208] =	vst v1  }
0x146: {  	v1 =	vld [tilespmem:s28+$0xFFFFFF90];
	_ =	sdelay $0x4  }
0x147: {  	[tilespmem:s2+$0x218] =	vst v1  }
0x148: {  	v1 =	vld [tilespmem:s28+$0xFFFFFFA0];
	_ =	sdelay $0x4  }
0x149: {  	[tilespmem:s2+$0x228] =	vst v1  }
0x14a: {  	v1 =	vld [tilespmem:s28+$0xFFFFFFB0];
	_ =	sdelay $0x4  }
0x14b: {  	[tilespmem:s2+$0x238] =	vst v1  }
0x14c: {  	v1 =	vld [tilespmem:s28+$0xFFFFFFC0];
	_ =	sdelay $0x4  }
0x14d: {  	[tilespmem:s2+$0x248] =	vst v1  }
0x14e: {  	v1 =	vld [tilespmem:s28+$0xFFFFFFD0];
	_ =	sdelay $0x4  }
0x14f: {  	[tilespmem:s2+$0x258] =	vst v1  }
0x150: {  	v1 =	vld [tilespmem:s28+$0xFFFFFFE0];
	_ =	sdelay $0x4  }
0x151: {  	[tilespmem:s2+$0x268] =	vst v1  }
0x152: {  	v1 =	vld [tilespmem:s28+$0xFFFFFFF0];
	_ =	sdelay $0x4  }
0x153: {  	[tilespmem:s2+$0x278] =	vst v1  }
0x154: {  	v1 =	vld [tilespmem:s28+$0x0];
	_ =	sdelay $0x4  }
0x155: {  	[tilespmem:s2+$0x288] =	vst v1  }
0x156: {  	v1 =	vld [tilespmem:s28+$0x10];
	_ =	sdelay $0x4  }
0x157: {  	[tilespmem:s2+$0x298] =	vst v1  }
0x158: {  	v1 =	vld [tilespmem:s28+$0x20];
	_ =	sdelay $0x4  }
0x159: {  	[tilespmem:s2+$0x2A8] =	vst v1  }
0x15a: {  	v1 =	vld [tilespmem:s28+$0x30];
	_ =	sdelay $0x4  }
0x15b: {  	[tilespmem:s2+$0x2B8] =	vst v1  }
0x15c: {  	v1 =	vld [tilespmem:s28+$0x40];
	_ =	sdelay $0x4  }
0x15d: {  	[tilespmem:s2+$0x2C8] =	vst v1  }
0x15e: {  	v1 =	vld [tilespmem:s28+$0x50];
	_ =	sdelay $0x4  }
0x15f: {  	[tilespmem:s2+$0x2D8] =	vst v1  }
0x160: {  	v1 =	vld [tilespmem:s28+$0x60];
	_ =	sdelay $0x4  }
0x161: {  	[tilespmem:s2+$0x2E8] =	vst v1  }
0x162: {  	v1 =	vld [tilespmem:s28+$0x70]  }
.Ltmp21:
0x163: {  	_ = 	snop;
	(pc) =	sbr.rel .LBB2_23-.Ltmp21, $2  }
0x164: {  	_ =	sdelay $0x2  }
0x165: {  	s30 =	sadd.s32 $0x1, s30;
	[tilespmem:s2+$0x2F8] =	vst v1  }
.LBB2_25:
.Ltmp22:
0x166: {  	(pc) =	sbr.rel .LBB2_26-.Ltmp22, $4  }
0x167: {  	_ = 	snop  }
0x168: {  	s0 =	simm.s32 $0x2  }
0x169: {  	_ =	swait.ge [sflag:s0], $0x0  }
0x16a: {  	s2 =	simm.s32 $0x0;
	[sflag:s0] =	ssyncset.done $0x0;
	s0 =	smov.u32 s31  }
.LBB2_28:
0x16b: {  	_ =	sfence.sel $0x180000  }
0x16c: {  	s0 =	simm.s32 $0x9;
	[bflag:$0x0] =	sbarrier.arrive $0xFFFF  }
0x16d: {  	s24 =	simm.s32 $0xA;
	[sflag:s0] =	ssyncpa.u1 $0x1  }
0x16e: {  	s25 =	simm.s32 $0xB;
	[sflag:s24] =	ssyncpa.u1 $0x1  }
0x16f: {  	s26 =	simm.s32 $0x2;
	[sflag:s25] =	ssyncpa.u1 $0x1  }
0x170: {  	[sflag:s26] =	ssyncpa.u1 $0x1  }
0x171: {  	v0 =	vld [tilespmem:$0xE408];
	_ =	sdelay $0x4  }
0x172: {  	(v2sf) =	vpush v0, $0x0  }
0x173: {  	(v2sf) =	vpush v0, $0x1;
	_ =	sdelay $0x1  }
0x174: {  	(v2sf) =	vpush v0, $0x2;
	_ =	sdelay $0xb  }
0x175: {  	s0 =	spop (v2sf)  }
0x176: {  	s2 =	spop (v2sf)  }
0x177: {  	s3 =	smov.u32 s0;
	p0 =	sne.s32 s0, s2  }
0x178: {  	s4 =	spop (v2sf);
	s3 =	simm.s32 @!p0 $0xFFFFFFFF  }
0x179: {  	v2 =	vimm.s32 $0x1;
	v3 =	vlaneseq.u32;
	p0 =	seq.s32 s4, $0xFFFFFFFF;
	v1 =	vmov s3  }
0x17a: {  	s15 =	stileid.u32;
	v0 =	vperm.xlane v0, v2;
	p1 =	sne.s32 @!p0 s0, s2;
	v1 =	vperm.xlane v1, v3  }
0x17b: {  	vm0 =	vcmask $0x3F04;
	s6 =	simm.s32 $0xE408;
	s0 =	simm.s32 @!p0 $0x1;
	p1 =	por !p1, p0  }
0x17c: {  	s3 =	sshll.u32 s15, $0x1;
	s2 =	sshll.u32 @!p0 s4, $0xA;
	s0 =	simm.s32 @p1 $0x0;
	v0 =	vsel vm0, v1, v0  }
0x17d: {  	s5 =	sor.u32 $0x2000, s3;
	s2 =	sshra.s32 @!p0 s2, $0x2;
	s0 =	sor.u32 @!p0 s0, s3;
	[tilespmem:$0xE408] =	vst v0  }
0x17e: {  	[spmem:s5] =	stream.linear.scatter [tilespmem:s6], [sflag:$0x1], $0x2, $0x38;
	[tilespmem:$0x1E678] =	vst v63  }
0x17f: {  	s2 =	sadd.s32 @!p0 $0x208, s2;
	s0 =	sshll.u32 @!p0 s0, $0x8  }
0x180: {  	[spmem:s0] =	stream.linear.scatter @!p0 [tilespmem:s2], [sflag:$0x1], $0x100, $0x38;
	[tilespmem:$0x1E678] =	vst v63  }
0x181: {  	s0 =	simm.s32 @!p0 $0x102  }
0x182: {  	s28 =	simm.s32 $0x1;
	s0 =	simm.s32 @p0 $0x2  }
0x183: {  	_ =	swait.ge [sflag:s28], s0  }
0x184: {  	s0 =	ssub.s32 $0x0, s0;
	[sflag:s28] =	ssyncset.done $0x0  }
0x185: {  	p0 =	sne.s32 s15, $0x0;
	[sflag:s28] =	ssyncadd.s32 s0  }
.Ltmp23:
0x186: {  	_ =	sfence.stream.spmem;
	(pc) =	sbr.rel @p0 .LBB2_45-.Ltmp23, $4  }
0x187: {  	s29 =	simm.s32 $0x3;
	[bflag:$0x0] =	sbarrier.arrive $0xFFFF  }
0x188: {  	s30 =	simm.s32 $0x4;
	[sflag:s29] =	ssyncpa.u1 $0x1  }
0x189: {  	s31 =	simm.s32 $0x3C;
	[sflag:s30] =	ssyncpa.u1 $0x1  }
0x18a: {  	s14 =	rddreg [dreg:$0x5];
	[sflag:s31] =	ssyncpa.u1 $0x1  }
0x18b: {  	_ =	sfence.stream.spmem;
	s0 =	simm.s32 $0x5  }
0x18c: {  	s2 =	simm.s32 $0x2000;
	s3 =	simm.s32 $0xE418;
	[sflag:s0] =	ssyncpa.u1 $0x0  }
0x18d: {  	[tilespmem:s3], [sflag:$0x5] =	stream.linear.gather [spmem:s2], $0x20, $0x38;
	[tilespmem:$0x1E678] =	vst v63  }
0x18e: {  	s26 =	simm.s32 $0x0;
	s28 =	simm.s32 $0xE438  }
0x18f: {  	[tilespmem:s28], [sflag:$0x5] =	stream.linear.gather [spmem:s26], $0x2000, $0x38;
	[tilespmem:$0x1E678] =	vst v63  }
0x190: {  	_ =	swait.ge [sflag:s0], $0x2020  }
0x191: {  	[sflag:s0] =	ssyncset.done $0x0  }
0x192: {  	s29 =	simm.s32 $0x0;
	[sflag:s0] =	ssyncadd.s32 $0xFFFFDFE0  }
0x193: {  	v0 =	vld.msk [tilespmem:s29+$0xE418], $0x1;
	_ =	sdelay $0x1  }
0x194: {  	s30 =	simm.s32 $0x1  }
0x195: {  	v1 =	vld.msk [tilespmem:s30+$0xE418], $0x1;
	_ =	sdelay $0x1  }
0x196: {  	(v2sf) =	vpush v0, $0x0;
	_ =	sdelay $0x2  }
0x197: {  	(v2sf) =	vpush v1, $0x0;
	_ =	sdelay $0x2  }
0x198: {  	s31 =	simm.s32 $0x2  }
0x199: {  	v0 =	vld.msk [tilespmem:s31+$0xE418], $0x1;
	_ =	sdelay $0x2  }
0x19a: {  	s2 =	simm.s32 $0xFFFFFFFF;
	s3 =	simm.s32 $0xFFFFFFFF;
	s0 =	simm.s32 $0xC  }
.LBB2_30:
0x19b: {  	s4 =	smov.u32 s3;
	s5 =	smov.u32 s2  }
0x19c: {  	s2 =	sshra.s32 s0, $0x2;
	p1 =	sne.s32 s0, $0x7C;
	s0 =	sadd.s32 $0x4, s0;
	(v2sf) =	vpush v0, $0x0  }
0x19d: {  	v0 =	vld.msk [tilespmem:s2+$0xE418], $0x1  }
.Ltmp24:
0x19e: {  	(pc) =	sbr.rel @p1 .LBB2_30-.Ltmp24, $4  }
0x19f: {  	s3 =	spop (v2sf)  }
0x1a0: {  	p2 =	sne.s32 s5, $0xFFFFFFFF;
	s2 =	smov.u32 s3  }
0x1a1: {  	p3 =	seq.s32 s3, $0xFFFFFFFF;
	s2 =	smov.u32 @p2 s5  }
0x1a2: {  	s3 =	smov.u32 @p3 s4;
	s2 =	smov.u32 @p3 s5  }
0x1a3: {  	(v2sf) =	vpush v0, $0x0;
	_ =	sdelay $0x8  }
0x1a4: {  	s0 =	spop (v2sf)  }
0x1a5: {  	p1 =	sne.s32 s2, $0xFFFFFFFF;
	s9 =	simm.s32 $0x6;
	s4 =	smov.u32 s0  }
0x1a6: {  	s6 =	simm.s32 $0x0;
	p2 =	seq.s32 s0, $0xFFFFFFFF;
	s4 =	smov.u32 @p1 s2  }
0x1a7: {  	s10 =	simm.s32 $0xE308;
	s4 =	smov.u32 @p2 s2;
	s2 =	spop (v2sf)  }
0x1a8: {  	s0 =	smov.u32 @p2 s3;
	p1 =	sne.s32 s4, $0xFFFFFFFF;
	s5 =	smov.u32 s2  }
.Ltmp25:
0x1a9: {  	p2 =	seq.s32 s2, $0xFFFFFFFF;
	s5 =	smov.u32 @p1 s4;
	(pc) =	sbr.rel .LBB2_32-.Ltmp25, $4  }
0x1aa: {  	s11 =	simm.s32 $0xE388;
	s5 =	smov.u32 @p2 s4;
	s7 =	spop (v2sf)  }
0x1ab: {  	s12 =	simm.s32 $0x0;
	p1 =	sne.s32 s5, $0xFFFFFFFF;
	s8 =	smov.u32 s7  }
0x1ac: {  	s2 =	smov.u32 @p2 s0;
	p2 =	seq.s32 s7, $0xFFFFFFFF;
	s8 =	smov.u32 @p1 s5  }
0x1ad: {  	[sflag:s9] =	ssyncpa.u1 $0x0;
	s7 =	smov.u32 @p2 s2;
	s8 =	smov.u32 @p2 s5  }
.LBB2_38:
0x1ae: {  	p1 =	sgt.u32 s0, $0x4E170  }
0x1af: {  	p2 =	seq.s32 @!p1 s0, s8  }
0x1b0: {  	p1 =	por p1, p2  }
0x1b1: {  	p2 =	sne.s32 @!p1 s0, s7  }
0x1b2: {  	p1 =	por p1, !p2  }
0x1b3: {  	s0 =	sshll.u32 @p1 s12, $0xA  }
0x1b4: {  	s2 =	sand.u32 @!p1 $0x7FFF8, s0;
	s3 =	sand.u32 @!p1 $0x7, s0;
	s0 =	sadd.s32 @!p1 $0x80, s0  }
0x1b5: {  	s2 =	sadd.s32 @!p1 s1, s2;
	s0 =	sand.u32 @!p1 $0xFFFF8, s0  }
0x1b6: {  	[tilespmem:s10], [sflag:$0x6] =	stream.linear.gather @!p1 [hbm4b:s2+s3], $0x80, $0x38;
	[tilespmem:$0x1E678] =	vst v63  }
0x1b7: {  	s0 =	sadd.s32 @!p1 s1, s0  }
0x1b8: {  	[tilespmem:s11], [sflag:$0x6] =	stream.linear.gather @!p1 [hbm4b:s0+s3], $0x80, $0x38;
	[tilespmem:$0x1E678] =	vst v63  }
0x1b9: {  	_ =	swait.ge @!p1 [sflag:s9], $0x100  }
0x1ba: {  	[sflag:s9] =	ssyncset.done @!p1 $0x0  }
0x1bb: {  	[sflag:s9] =	ssyncadd.s32 @!p1 $0xFFFFFF00  }
0x1bc: {  	v1 =	vld @!p1 [tilespmem:$0xE308];
	_ =	sdelay $0x2  }
0x1bd: {  	s0 =	sshll.u32 @!p1 s12, $0xA  }
0x1be: {  	s2 =	sshrl.u32 @!p1 s0, $0x2  }
0x1bf: {  	[tilespmem:s2+$0xE438] =	vst.add.f32.msk @!p1 $0xffff, v1  }
0x1c0: {  	v1 =	vld @!p1 [tilespmem:$0xE318];
	_ =	sdelay $0x4  }
0x1c1: {  	[tilespmem:s2+$0xE448] =	vst.add.f32.msk @!p1 $0xffff, v1  }
0x1c2: {  	v1 =	vld @!p1 [tilespmem:$0xE328];
	_ =	sdelay $0x4  }
0x1c3: {  	[tilespmem:s2+$0xE458] =	vst.add.f32.msk @!p1 $0xffff, v1  }
0x1c4: {  	v1 =	vld @!p1 [tilespmem:$0xE338];
	_ =	sdelay $0x4  }
0x1c5: {  	[tilespmem:s2+$0xE468] =	vst.add.f32.msk @!p1 $0xffff, v1  }
0x1c6: {  	v1 =	vld @!p1 [tilespmem:$0xE348];
	_ =	sdelay $0x4  }
0x1c7: {  	[tilespmem:s2+$0xE478] =	vst.add.f32.msk @!p1 $0xffff, v1  }
0x1c8: {  	v1 =	vld @!p1 [tilespmem:$0xE358];
	_ =	sdelay $0x4  }
0x1c9: {  	[tilespmem:s2+$0xE488] =	vst.add.f32.msk @!p1 $0xffff, v1  }
0x1ca: {  	v1 =	vld @!p1 [tilespmem:$0xE368];
	_ =	sdelay $0x4  }
0x1cb: {  	[tilespmem:s2+$0xE498] =	vst.add.f32.msk @!p1 $0xffff, v1  }
0x1cc: {  	v1 =	vld @!p1 [tilespmem:$0xE378];
	_ =	sdelay $0x4  }
0x1cd: {  	[tilespmem:s2+$0xE4A8] =	vst.add.f32.msk @!p1 $0xffff, v1  }
0x1ce: {  	v1 =	vld @!p1 [tilespmem:$0xE388];
	_ =	sdelay $0x4  }
0x1cf: {  	[tilespmem:s2+$0xE4B8] =	vst.add.f32.msk @!p1 $0xffff, v1  }
0x1d0: {  	v1 =	vld @!p1 [tilespmem:$0xE398];
	_ =	sdelay $0x4  }
0x1d1: {  	[tilespmem:s2+$0xE4C8] =	vst.add.f32.msk @!p1 $0xffff, v1  }
0x1d2: {  	v1 =	vld @!p1 [tilespmem:$0xE3A8];
	_ =	sdelay $0x4  }
0x1d3: {  	[tilespmem:s2+$0xE4D8] =	vst.add.f32.msk @!p1 $0xffff, v1  }
0x1d4: {  	v1 =	vld @!p1 [tilespmem:$0xE3B8];
	_ =	sdelay $0x4  }
0x1d5: {  	[tilespmem:s2+$0xE4E8] =	vst.add.f32.msk @!p1 $0xffff, v1  }
0x1d6: {  	v1 =	vld @!p1 [tilespmem:$0xE3C8];
	_ =	sdelay $0x4  }
0x1d7: {  	[tilespmem:s2+$0xE4F8] =	vst.add.f32.msk @!p1 $0xffff, v1  }
0x1d8: {  	v1 =	vld @!p1 [tilespmem:$0xE3D8];
	_ =	sdelay $0x4  }
0x1d9: {  	[tilespmem:s2+$0xE508] =	vst.add.f32.msk @!p1 $0xffff, v1  }
0x1da: {  	v1 =	vld @!p1 [tilespmem:$0xE3E8];
	_ =	sdelay $0x4  }
0x1db: {  	[tilespmem:s2+$0xE518] =	vst.add.f32.msk @!p1 $0xffff, v1  }
0x1dc: {  	v1 =	vld @!p1 [tilespmem:$0xE3F8];
	_ =	sdelay $0x4  }
0x1dd: {  	[tilespmem:s2+$0xE528] =	vst.add.f32.msk @!p1 $0xffff, v1  }
0x1de: {  	s0 =	sshrl.u32 s0, $0x2;
	[tilespmem:s6+$0xE418] =	vst.msk $0x1, v0  }
0x1df: {  	v0 =	vld [tilespmem:s0+$0xE438];
	_ =	sdelay $0x2  }
0x1e0: {  	s31 =	sshll.u32 s6, $0xA  }
0x1e1: {  	s2 =	sshra.s32 s31, $0x2  }
0x1e2: {  	[tilespmem:s2+$0xE438] =	vst v0  }
0x1e3: {  	v0 =	vld [tilespmem:s0+$0xE448];
	_ =	sdelay $0x4  }
0x1e4: {  	[tilespmem:s2+$0xE448] =	vst v0  }
0x1e5: {  	v0 =	vld [tilespmem:s0+$0xE458];
	_ =	sdelay $0x4  }
0x1e6: {  	[tilespmem:s2+$0xE458] =	vst v0  }
0x1e7: {  	v0 =	vld [tilespmem:s0+$0xE468];
	_ =	sdelay $0x4  }
0x1e8: {  	[tilespmem:s2+$0xE468] =	vst v0  }
0x1e9: {  	v0 =	vld [tilespmem:s0+$0xE478];
	_ =	sdelay $0x4  }
0x1ea: {  	[tilespmem:s2+$0xE478] =	vst v0  }
0x1eb: {  	v0 =	vld [tilespmem:s0+$0xE488];
	_ =	sdelay $0x4  }
0x1ec: {  	[tilespmem:s2+$0xE488] =	vst v0  }
0x1ed: {  	v0 =	vld [tilespmem:s0+$0xE498];
	_ =	sdelay $0x4  }
0x1ee: {  	[tilespmem:s2+$0xE498] =	vst v0  }
0x1ef: {  	v0 =	vld [tilespmem:s0+$0xE4A8];
	_ =	sdelay $0x4  }
0x1f0: {  	[tilespmem:s2+$0xE4A8] =	vst v0  }
0x1f1: {  	v0 =	vld [tilespmem:s0+$0xE4B8];
	_ =	sdelay $0x4  }
0x1f2: {  	[tilespmem:s2+$0xE4B8] =	vst v0  }
0x1f3: {  	v0 =	vld [tilespmem:s0+$0xE4C8];
	_ =	sdelay $0x4  }
0x1f4: {  	[tilespmem:s2+$0xE4C8] =	vst v0  }
0x1f5: {  	v0 =	vld [tilespmem:s0+$0xE4D8];
	_ =	sdelay $0x4  }
0x1f6: {  	[tilespmem:s2+$0xE4D8] =	vst v0  }
0x1f7: {  	v0 =	vld [tilespmem:s0+$0xE4E8];
	_ =	sdelay $0x4  }
0x1f8: {  	[tilespmem:s2+$0xE4E8] =	vst v0  }
0x1f9: {  	v0 =	vld [tilespmem:s0+$0xE4F8];
	_ =	sdelay $0x4  }
0x1fa: {  	[tilespmem:s2+$0xE4F8] =	vst v0  }
0x1fb: {  	v0 =	vld [tilespmem:s0+$0xE508];
	_ =	sdelay $0x4  }
0x1fc: {  	[tilespmem:s2+$0xE508] =	vst v0  }
0x1fd: {  	v0 =	vld [tilespmem:s0+$0xE518];
	_ =	sdelay $0x4  }
0x1fe: {  	[tilespmem:s2+$0xE518] =	vst v0  }
0x1ff: {  	v0 =	vld [tilespmem:s0+$0xE528];
	_ =	sdelay $0x4  }
0x200: {  	s6 =	sadd.s32 $0x1, s6;
	[tilespmem:s2+$0xE528] =	vst v0  }
.LBB2_39:
0x201: {  	s12 =	sadd.s32 $0x1, s12  }
0x202: {  	p1 =	sne.s32 s12, $0x20  }
.Ltmp26:
0x203: {  	_ = 	snop;
	(pc) =	sbr.rel @!p1 .LBB2_40-.Ltmp26, $1  }
0x204: {  	_ =	sdelay $0x3  }
.LBB2_32:
0x205: {  	v0 =	vld.msk [tilespmem:s12+$0xE418], $0x1;
	_ =	sdelay $0x4  }
0x206: {  	(v2sf) =	vpush v0, $0x0;
	_ =	sdelay $0xe  }
0x207: {  	s0 =	spop (v2sf)  }
0x208: {  	p1 =	seq.s32 s0, $0xFFFFFFFF  }
.Ltmp27:
0x209: {  	_ = 	snop;
	(pc) =	sbr.rel @p1 .LBB2_39-.Ltmp27, $1  }
0x20a: {  	_ =	sdelay $0x3  }
0x20b: {  	p1 =	slt.s32 s6, $0x1  }
.Ltmp28:
0x20c: {  	_ = 	snop;
	(pc) =	sbr.rel @p1 .LBB2_38-.Ltmp28, $1  }
0x20d: {  	_ =	sdelay $0x3  }
0x20e: {  	s4 =	simm.s32 $0xE418;
	p1 =	por $0x0, $0x0  }
0x20f: {  	v1 =	vld.msk @!p1 [tilespmem:s4+$0x0], $0x1;
	_ =	sdelay $0x4  }
0x210: {  	(v2sf) =	vpush @!p1 v1, $0x0;
	_ =	sdelay $0xd  }
0x211: {  	p3 =	sne.s32 s6, $0x1  }
.Ltmp29:
0x212: {  	s2 =	spop @!p1 (v2sf);
	(pc) =	sbr.rel @!p3 .LBB2_36-.Ltmp29, $4  }
0x213: {  	p2 =	seq.s32 @!p1 s0, s2  }
0x214: {  	s5 =	simm.s32 $0x0;
	p2 =	por !p2, p1  }
0x215: {  	s2 =	simm.s32 $0xFFFFFFFF;
	s5 =	simm.s32 @p2 $0xFFFFFFFF  }
0x216: {  	s13 =	simm.s32 $0x1;
	s5 =	smov.u32 @p1 s2  }
.LBB2_35:
0x217: {  	s2 =	smov.u32 s5;
	p1 =	sne.s32 s5, $0xFFFFFFFF  }
0x218: {  	s4 =	sadd.s32 $0x1, s4;
	s5 =	smov.u32 s13;
	s13 =	sadd.s32 $0x1, s13  }
0x219: {  	p2 =	sne.s32 s6, s13;
	v1 =	vld.msk @!p1 [tilespmem:s4+$0x0], $0x1;
	_ =	sdelay $0x4  }
0x21a: {  	(v2sf) =	vpush @!p1 v1, $0x0;
	_ =	sdelay $0xe  }
.Ltmp30:
0x21b: {  	s3 =	spop @!p1 (v2sf);
	(pc) =	sbr.rel @p2 .LBB2_35-.Ltmp30, $4  }
0x21c: {  	p3 =	seq.s32 @!p1 s0, s3  }
0x21d: {  	p3 =	por !p3, p1  }
0x21e: {  	s5 =	simm.s32 @p3 $0xFFFFFFFF  }
0x21f: {  	s5 =	smov.u32 @p1 s2  }
.LBB2_36:
0x220: {  	p1 =	seq.s32 s5, $0xFFFFFFFF  }
.Ltmp31:
0x221: {  	_ = 	snop;
	(pc) =	sbr.rel @p1 .LBB2_38-.Ltmp31, $1  }
0x222: {  	_ =	sdelay $0x3  }
0x223: {  	s0 =	sshll.u32 s12, $0x8  }
0x224: {  	s0 =	sand.u32 $0x3FFFFF00, s0  }
0x225: {  	v0 =	vld [tilespmem:s0+$0xE438];
	_ =	sdelay $0x2  }
0x226: {  	s2 =	sshll.u32 s5, $0xA  }
0x227: {  	s2 =	sshra.s32 s2, $0x2  }
0x228: {  	[tilespmem:s2+$0xE438] =	vst.add.f32.msk $0xffff, v0  }
0x229: {  	v0 =	vld [tilespmem:s0+$0xE448];
	_ =	sdelay $0x4  }
0x22a: {  	[tilespmem:s2+$0xE448] =	vst.add.f32.msk $0xffff, v0  }
0x22b: {  	v0 =	vld [tilespmem:s0+$0xE458];
	_ =	sdelay $0x4  }
0x22c: {  	[tilespmem:s2+$0xE458] =	vst.add.f32.msk $0xffff, v0  }
0x22d: {  	v0 =	vld [tilespmem:s0+$0xE468];
	_ =	sdelay $0x4  }
0x22e: {  	[tilespmem:s2+$0xE468] =	vst.add.f32.msk $0xffff, v0  }
0x22f: {  	v0 =	vld [tilespmem:s0+$0xE478];
	_ =	sdelay $0x4  }
0x230: {  	[tilespmem:s2+$0xE478] =	vst.add.f32.msk $0xffff, v0  }
0x231: {  	v0 =	vld [tilespmem:s0+$0xE488];
	_ =	sdelay $0x4  }
0x232: {  	[tilespmem:s2+$0xE488] =	vst.add.f32.msk $0xffff, v0  }
0x233: {  	v0 =	vld [tilespmem:s0+$0xE498];
	_ =	sdelay $0x4  }
0x234: {  	[tilespmem:s2+$0xE498] =	vst.add.f32.msk $0xffff, v0  }
0x235: {  	v0 =	vld [tilespmem:s0+$0xE4A8];
	_ =	sdelay $0x4  }
0x236: {  	[tilespmem:s2+$0xE4A8] =	vst.add.f32.msk $0xffff, v0  }
0x237: {  	v0 =	vld [tilespmem:s0+$0xE4B8];
	_ =	sdelay $0x4  }
0x238: {  	[tilespmem:s2+$0xE4B8] =	vst.add.f32.msk $0xffff, v0  }
0x239: {  	v0 =	vld [tilespmem:s0+$0xE4C8];
	_ =	sdelay $0x4  }
0x23a: {  	[tilespmem:s2+$0xE4C8] =	vst.add.f32.msk $0xffff, v0  }
0x23b: {  	v0 =	vld [tilespmem:s0+$0xE4D8];
	_ =	sdelay $0x4  }
0x23c: {  	[tilespmem:s2+$0xE4D8] =	vst.add.f32.msk $0xffff, v0  }
0x23d: {  	v0 =	vld [tilespmem:s0+$0xE4E8];
	_ =	sdelay $0x4  }
0x23e: {  	[tilespmem:s2+$0xE4E8] =	vst.add.f32.msk $0xffff, v0  }
0x23f: {  	v0 =	vld [tilespmem:s0+$0xE4F8];
	_ =	sdelay $0x4  }
0x240: {  	[tilespmem:s2+$0xE4F8] =	vst.add.f32.msk $0xffff, v0  }
0x241: {  	v0 =	vld [tilespmem:s0+$0xE508];
	_ =	sdelay $0x4  }
0x242: {  	[tilespmem:s2+$0xE508] =	vst.add.f32.msk $0xffff, v0  }
0x243: {  	v0 =	vld [tilespmem:s0+$0xE518];
	_ =	sdelay $0x4  }
0x244: {  	[tilespmem:s2+$0xE518] =	vst.add.f32.msk $0xffff, v0  }
0x245: {  	v0 =	vld [tilespmem:s0+$0xE528]  }
.Ltmp32:
0x246: {  	_ = 	snop;
	(pc) =	sbr.rel .LBB2_39-.Ltmp32, $2  }
0x247: {  	_ =	sdelay $0x2  }
0x248: {  	[tilespmem:s2+$0xE528] =	vst.add.f32.msk $0xffff, v0  }
.LBB2_40:
0x249: {  	s0 =	simm.s32 $0x6;
	p1 =	seq.s32 s6, $0x0  }
0x24a: {  	[sflag:s0] =	ssyncpa.u1 $0x1;
	v0 =	vimm.s32 @p1 $0xFFFFFFFF  }
0x24b: {  	s0 =	sadd.s32 $0xFFFFFFFF, s6;
	[tilespmem:$0x10438] =	vst @p1 v0  }
0x24c: {  	v0 =	vld.msk @!p1 [tilespmem:s0+$0xE418], $0x1;
	_ =	sdelay $0x1  }
0x24d: {  	v1 =	vld.msk @!p1 [tilespmem:$0xE418], $0x1;
	_ =	sdelay $0x2  }
0x24e: {  	p2 =	seq.s32 @!p1 s0, $0x0;
	v0 =	vbroadcast @!p1 v0, $0x0  }
0x24f: {  	vm0 =	vmmov @!p1 $0x1;
	p2 =	por !p2, p1  }
0x250: {  	v1 =	vnsel @!p1 vm0, $0xFFFFFFFF, v1;
	vm0 =	vcmask @!p1 $0x308;
	v0 =	vpsel !p2, $0xFFFFFFFF, v0  }
0x251: {  	p2 =	sne.s32 @!p1 s8, s7;
	v0 =	vsel @!p1 vm0, v1, v0  }
0x252: {  	s2 =	simm.s32 @!p1 $0xE438;
	s3 =	simm.s32 @!p1 $0x0;
	p3 =	por !p2, p1;
	[tilespmem:$0x10438] =	vst @!p1 v0  }
0x253: {  	[spmem:s3] =	stream.linear.scatter @!p1 [tilespmem:s2], [sflag:$0x1], $0x100, $0x38;
	[tilespmem:$0x1E678] =	vst v63  }
0x254: {  	s2 =	sshll.u32 @!p3 s0, $0xA  }
0x255: {  	s2 =	sshra.s32 @!p3 s2, $0x2  }
0x256: {  	s3 =	simm.s32 @!p3 $0x100;
	s2 =	sadd.s32 @!p3 $0xE438, s2  }
0x257: {  	[spmem:s3] =	stream.linear.scatter @!p3 [tilespmem:s2], [sflag:$0x1], $0x100, $0x38;
	[tilespmem:$0x1E678] =	vst v63  }
0x258: {  	s2 =	simm.s32 @!p3 $0x1  }
0x259: {  	_ =	swait.ge @!p3 [sflag:s2], $0x200  }
0x25a: {  	p1 =	por p2, p1;
	[sflag:s2] =	ssyncset.done @!p3 $0x0  }
0x25b: {  	[sflag:s2] =	ssyncadd.s32 @!p3 $0xFFFFFE00;
	s2 =	simm.s32 @!p1 $0x1  }
0x25c: {  	_ =	swait.ge @!p1 [sflag:s2], $0x100  }
0x25d: {  	s29 =	simm.s32 $0x10438;
	[sflag:s2] =	ssyncset.done @!p1 $0x0  }
0x25e: {  	s30 =	simm.s32 $0x2000;
	s31 =	simm.s32 $0x1;
	[sflag:s2] =	ssyncadd.s32 @!p1 $0xFFFFFF00  }
0x25f: {  	[spmem:s30] =	stream.linear.scatter [tilespmem:s29], [sflag:$0x1], $0x10, $0x38;
	[tilespmem:$0x1E678] =	vst v63  }
0x260: {  	_ =	swait.ge [sflag:s31], $0x10  }
0x261: {  	[sflag:s31] =	ssyncset.done $0x0  }
0x262: {  	p1 =	seq.s32 s14, $0x0;
	s9 =	rddreg [dreg:$0x2];
	[sflag:s31] =	ssyncadd.s32 $0xFFFFFFF0  }
0x263: {  	s3 =	sshll.u32 @p1 s9, $0xE;
	s8 =	rddreg [dreg:$0x3]  }
0x264: {  	s2 =	sadd.s32 @p1 $0x15C3C, s3;
	s3 =	sshll.u32 @p1 s8, $0x11  }
0x265: {  	_ =	sfence.stream.spmem;
	s2 =	sor.u32 @p1 s3, s2  }
0x266: {  	[sflag:s2] =	ssyncadd.remote.s32 @p1 $0x1;
	s2 =	simm.s32 @p1 $0x4  }
0x267: {  	s4 =	simm.s32 @!p1 $0x3C;
	s3 =	sand.u32 $0xFFFFFFFE, s9;
	_ =	swait.ge @p1 [sflag:s2], $0x42  }
0x268: {  	s5 =	simm.s32 @!p1 $0x0;
	s3 =	sadd.s32 @!p1 $0x4, s3;
	[sflag:s2] =	ssyncset.done @p1 $0x0  }
0x269: {  	s7 =	simm.s32 @!p1 $0x200;
	[sflag:s2] =	ssyncadd.s32 @p1 $0xFFFFFFBE;
	s2 =	sshll.u32 @!p1 s3, $0x1A  }
0x26a: {  	s3 =	sshll.u32 @!p1 s3, $0xD;
	s2 =	sor.u32 @!p1 s2, s8;
	_ =	swait.eq @!p1 [sflag:s4], $0x1  }
0x26b: {  	s3 =	sor.u32 @!p1 $0x1C04, s3;
	s4 =	simm.s32 @!p1 $0x1C03;
	s2 =	sor.u32 @!p1 $0x80004000, s2  }
0x26c: {  	[spmem:s7], [sflag:s3] =	dma.general @!p1 [spmem:s5], [sflag:s4], length:$0x40, [dreg:$0x0], stride_count:$0x0, ici_dest:s2, dma_misc:DstOpCode:WRITE  }
0x26d: {  	p2 =	slt.s32 s0, $0x2;
	s5 =	simm.s32 @!p1 $0x400;
	s7 =	simm.s32 @!p1 $0x402  }
0x26e: {  	[spmem:s7], [sflag:s3] =	dma.general @!p1 [spmem:s5], [sflag:s4], length:$0x2, [dreg:$0x0], stride_count:$0x0, ici_dest:s2, dma_misc:DstOpCode:WRITE  }
.Ltmp33:
0x26f: {  	s2 =	simm.s32 @!p1 $0x3;
	(pc) =	sbr.rel @p2 .LBB2_44-.Ltmp33, $4  }
0x270: {  	s3 =	sshll.u32 @!p1 s9, $0xE;
	_ =	swait.ge @!p1 [sflag:s2], $0x42  }
0x271: {  	s4 =	sshll.u32 @!p1 s8, $0x11;
	s3 =	sadd.s32 @!p1 $0x11C3C, s3;
	[sflag:s2] =	ssyncset.done @!p1 $0x0  }
0x272: {  	[sflag:s2] =	ssyncadd.s32 @!p1 $0xFFFFFFBE;
	s2 =	sor.u32 @!p1 s4, s3  }
0x273: {  	s0 =	simm.s32 $0x0;
	[sflag:s2] =	ssyncadd.remote.s32 @!p1 $0xFFFFFFFF  }
0x274: {  	s0 =	simm.s32 $0xE419  }
0x275: {  	v0 =	vld.msk [tilespmem:s0+$0x0], $0x1;
	_ =	sdelay $0x4  }
0x276: {  	(v2sf) =	vpush v0, $0x0;
	_ =	sdelay $0xd  }
0x277: {  	s31 =	sadd.s32 $0xFFFFFFFE, s6  }
0x278: {  	s6 =	simm.s32 $0x0;
	s0 =	sadd.s32 $0xFFFFFFFF, s31;
	s2 =	spop (v2sf)  }
0x279: {  	s3 =	simm.s32 $0xE538;
	p1 =	sne.s32 s0, $0x0;
	p2 =	sgt.u32 s2, $0x4E170  }
.Ltmp34:
0x27a: {  	s4 =	simm.s32 $0xE638;
	s5 =	sand.u32 @!p2 $0x7FFF8, s2;
	(pc) =	sbr.rel @!p1 .LBB2_43-.Ltmp34, $4  }
0x27b: {  	s7 =	sadd.s32 @!p2 $0x80, s2;
	s2 =	sand.u32 @!p2 $0x7, s2;
	s6 =	simm.s32 @!p2 $0x400  }
0x27c: {  	s5 =	sadd.s32 @!p2 s1, s5;
	s7 =	sand.u32 @!p2 $0xFFFF8, s7;
	s6 =	sadd.s32 $0x0, s6  }
0x27d: {  	[hbm4b:s5+s2] =	stream.linear.scatter @!p2 [tilespmem:s3], [sflag:$0x5], $0x80, $0x38;
	[tilespmem:$0x1E678] =	vst v63  }
0x27e: {  	s5 =	simm.s32 $0xE41A;
	s3 =	simm.s32 @!p2 $0xE5B8;
	s7 =	sadd.s32 @!p2 s1, s7  }
.LBB2_42:
0x27f: {  	[hbm4b:s7+s2] =	stream.linear.scatter @!p2 [tilespmem:s3], [sflag:$0x5], $0x80, $0x38;
	[tilespmem:$0x1E678] =	vst v63  }
0x280: {  	s0 =	sadd.s32 $0xFFFFFFFF, s0;
	s3 =	smov.u32 s4;
	v0 =	vld.msk [tilespmem:s5+$0x0], $0x1  }
0x281: {  	p1 =	sne.s32 s0, $0x0;
	_ =	sdelay $0x3  }
0x282: {  	(v2sf) =	vpush v0, $0x0;
	_ =	sdelay $0xe  }
0x283: {  	s4 =	sadd.s32 $0x100, s4;
	s8 =	simm.s32 $0x0;
	s2 =	spop (v2sf)  }
.Ltmp35:
0x284: {  	s5 =	sadd.s32 $0x1, s5;
	p2 =	sgt.u32 s2, $0x4E170;
	(pc) =	sbr.rel @p1 .LBB2_42-.Ltmp35, $4  }
0x285: {  	s8 =	simm.s32 @!p2 $0x400;
	s7 =	sand.u32 @!p2 $0x7FFF8, s2;
	s9 =	sadd.s32 @!p2 $0x80, s2  }
0x286: {  	s2 =	sand.u32 @!p2 $0x7, s2;
	s7 =	sadd.s32 @!p2 s1, s7;
	s9 =	sand.u32 @!p2 $0xFFFF8, s9  }
0x287: {  	[hbm4b:s7+s2] =	stream.linear.scatter @!p2 [tilespmem:s3], [sflag:$0x5], $0x80, $0x38;
	[tilespmem:$0x1E678] =	vst v63  }
0x288: {  	s6 =	sadd.s32 s6, s8;
	s3 =	sadd.s32 @!p2 $0x80, s3;
	s7 =	sadd.s32 @!p2 s1, s9  }
.LBB2_43:
0x289: {  	[hbm4b:s7+s2] =	stream.linear.scatter @!p2 [tilespmem:s3], [sflag:$0x5], $0x80, $0x38;
	[tilespmem:$0x1E678] =	vst v63  }
0x28a: {  	s0 =	sshrl.u32 s6, $0x2  }
.LBB2_44:
0x28b: {  	s2 =	simm.s32 $0x5  }
0x28c: {  	_ =	swait.ge [sflag:s2], s0  }
0x28d: {  	s31 =	ssub.s32 $0x0, s0;
	[sflag:s2] =	ssyncset.done $0x0  }
0x28e: {  	[sflag:s2] =	ssyncadd.s32 s31  }
0x28f: {  	[sflag:s2] =	ssyncpa.u1 $0x1  }
.LBB2_45:
0x290: {  	s0 =	sor.u32 s14, s15  }
0x291: {  	p1 =	sne.s32 s0, $0x0  }
.Ltmp36:
0x292: {  	_ = 	snop;
	(pc) =	sbr.rel @p1 .LBB2_60-.Ltmp36, $3  }
0x293: {  	_ =	sdelay $0x1  }
0x294: {  	[bflag:$0x0] =	sbarrier.arrive $0xFFFF  }
0x295: {  	_ =	sfence  }
0x296: {  	s0 =	simm.s32 $0x7  }
0x297: {  	s2 =	simm.s32 $0x2000;
	s3 =	simm.s32 $0xE418;
	[sflag:s0] =	ssyncpa.u1 $0x0  }
0x298: {  	[tilespmem:s3], [sflag:$0x7] =	stream.linear.gather [spmem:s2], $0x20, $0x38;
	[tilespmem:$0x1E678] =	vst v63  }
0x299: {  	s30 =	simm.s32 $0xE438;
	s2 =	simm.s32 $0x0  }
0x29a: {  	[tilespmem:s30], [sflag:$0x7] =	stream.linear.gather [spmem:s2], $0x2000, $0x38;
	[tilespmem:$0x1E678] =	vst v63  }
.Ltmp37:
0x29b: {  	_ = 	snop;
	(pc) =	sbr.rel .LBB2_47-.Ltmp37, $4  }
0x29c: {  	_ =	swait.ge [sflag:s0], $0x2020  }
0x29d: {  	[sflag:s0] =	ssyncset.done $0x0  }
0x29e: {  	s31 =	simm.s32 $0x8;
	[sflag:s0] =	ssyncadd.s32 $0xFFFFDFE0  }
0x29f: {  	s3 =	simm.s32 $0x0;
	[sflag:s31] =	ssyncpa.u1 $0x0  }
.LBB2_53:
0x2a0: {  	p1 =	slt.u32 s0, $0x4E171  }
0x2a1: {  	s4 =	sand.u32 @p1 $0x7FFF8, s0;
	s5 =	sand.u32 @p1 $0x7, s0;
	s0 =	sadd.s32 @p1 $0x80, s0  }
0x2a2: {  	s6 =	simm.s32 @p1 $0xE308;
	s4 =	sadd.s32 @p1 s1, s4;
	s0 =	sand.u32 @p1 $0xFFFF8, s0  }
0x2a3: {  	[tilespmem:s6], [sflag:$0x8] =	stream.linear.gather @p1 [hbm4b:s4+s5], $0x80, $0x38;
	[tilespmem:$0x1E678] =	vst v63  }
0x2a4: {  	s0 =	sadd.s32 @p1 s1, s0;
	s4 =	simm.s32 @p1 $0xE388  }
0x2a5: {  	[tilespmem:s4], [sflag:$0x8] =	stream.linear.gather @p1 [hbm4b:s0+s5], $0x80, $0x38;
	[tilespmem:$0x1E678] =	vst v63  }
0x2a6: {  	s0 =	simm.s32 @p1 $0x8  }
0x2a7: {  	_ =	swait.ge @p1 [sflag:s0], $0x100  }
0x2a8: {  	[sflag:s0] =	ssyncset.done @p1 $0x0  }
0x2a9: {  	[sflag:s0] =	ssyncadd.s32 @p1 $0xFFFFFF00  }
0x2aa: {  	v1 =	vld @p1 [tilespmem:$0xE308];
	_ =	sdelay $0x2  }
0x2ab: {  	s0 =	sshll.u32 @p1 s3, $0xA  }
0x2ac: {  	s4 =	sshrl.u32 @p1 s0, $0x2  }
0x2ad: {  	[tilespmem:s4+$0xE438] =	vst.add.f32.msk @p1 $0xffff, v1  }
0x2ae: {  	v1 =	vld @p1 [tilespmem:$0xE318];
	_ =	sdelay $0x4  }
0x2af: {  	[tilespmem:s4+$0xE448] =	vst.add.f32.msk @p1 $0xffff, v1  }
0x2b0: {  	v1 =	vld @p1 [tilespmem:$0xE328];
	_ =	sdelay $0x4  }
0x2b1: {  	[tilespmem:s4+$0xE458] =	vst.add.f32.msk @p1 $0xffff, v1  }
0x2b2: {  	v1 =	vld @p1 [tilespmem:$0xE338];
	_ =	sdelay $0x4  }
0x2b3: {  	[tilespmem:s4+$0xE468] =	vst.add.f32.msk @p1 $0xffff, v1  }
0x2b4: {  	v1 =	vld @p1 [tilespmem:$0xE348];
	_ =	sdelay $0x4  }
0x2b5: {  	[tilespmem:s4+$0xE478] =	vst.add.f32.msk @p1 $0xffff, v1  }
0x2b6: {  	v1 =	vld @p1 [tilespmem:$0xE358];
	_ =	sdelay $0x4  }
0x2b7: {  	[tilespmem:s4+$0xE488] =	vst.add.f32.msk @p1 $0xffff, v1  }
0x2b8: {  	v1 =	vld @p1 [tilespmem:$0xE368];
	_ =	sdelay $0x4  }
0x2b9: {  	[tilespmem:s4+$0xE498] =	vst.add.f32.msk @p1 $0xffff, v1  }
0x2ba: {  	v1 =	vld @p1 [tilespmem:$0xE378];
	_ =	sdelay $0x4  }
0x2bb: {  	[tilespmem:s4+$0xE4A8] =	vst.add.f32.msk @p1 $0xffff, v1  }
0x2bc: {  	v1 =	vld @p1 [tilespmem:$0xE388];
	_ =	sdelay $0x4  }
0x2bd: {  	[tilespmem:s4+$0xE4B8] =	vst.add.f32.msk @p1 $0xffff, v1  }
0x2be: {  	v1 =	vld @p1 [tilespmem:$0xE398];
	_ =	sdelay $0x4  }
0x2bf: {  	[tilespmem:s4+$0xE4C8] =	vst.add.f32.msk @p1 $0xffff, v1  }
0x2c0: {  	v1 =	vld @p1 [tilespmem:$0xE3A8];
	_ =	sdelay $0x4  }
0x2c1: {  	[tilespmem:s4+$0xE4D8] =	vst.add.f32.msk @p1 $0xffff, v1  }
0x2c2: {  	v1 =	vld @p1 [tilespmem:$0xE3B8];
	_ =	sdelay $0x4  }
0x2c3: {  	[tilespmem:s4+$0xE4E8] =	vst.add.f32.msk @p1 $0xffff, v1  }
0x2c4: {  	v1 =	vld @p1 [tilespmem:$0xE3C8];
	_ =	sdelay $0x4  }
0x2c5: {  	[tilespmem:s4+$0xE4F8] =	vst.add.f32.msk @p1 $0xffff, v1  }
0x2c6: {  	v1 =	vld @p1 [tilespmem:$0xE3D8];
	_ =	sdelay $0x4  }
0x2c7: {  	[tilespmem:s4+$0xE508] =	vst.add.f32.msk @p1 $0xffff, v1  }
0x2c8: {  	v1 =	vld @p1 [tilespmem:$0xE3E8];
	_ =	sdelay $0x4  }
0x2c9: {  	[tilespmem:s4+$0xE518] =	vst.add.f32.msk @p1 $0xffff, v1  }
0x2ca: {  	v1 =	vld @p1 [tilespmem:$0xE3F8];
	_ =	sdelay $0x3  }
0x2cb: {  	s5 =	sshll.u32 @!p1 s3, $0xA  }
0x2cc: {  	s5 =	smov.u32 @p1 s0;
	[tilespmem:s4+$0xE528] =	vst.add.f32.msk @p1 $0xffff, v1  }
0x2cd: {  	s0 =	sshrl.u32 s5, $0x2;
	[tilespmem:s2+$0xE418] =	vst.msk $0x1, v0  }
0x2ce: {  	v0 =	vld [tilespmem:s0+$0xE438];
	_ =	sdelay $0x2  }
0x2cf: {  	s31 =	sshll.u32 s2, $0xA  }
0x2d0: {  	s4 =	sshra.s32 s31, $0x2  }
0x2d1: {  	[tilespmem:s4+$0xE438] =	vst v0  }
0x2d2: {  	v0 =	vld [tilespmem:s0+$0xE448];
	_ =	sdelay $0x4  }
0x2d3: {  	[tilespmem:s4+$0xE448] =	vst v0  }
0x2d4: {  	v0 =	vld [tilespmem:s0+$0xE458];
	_ =	sdelay $0x4  }
0x2d5: {  	[tilespmem:s4+$0xE458] =	vst v0  }
0x2d6: {  	v0 =	vld [tilespmem:s0+$0xE468];
	_ =	sdelay $0x4  }
0x2d7: {  	[tilespmem:s4+$0xE468] =	vst v0  }
0x2d8: {  	v0 =	vld [tilespmem:s0+$0xE478];
	_ =	sdelay $0x4  }
0x2d9: {  	[tilespmem:s4+$0xE478] =	vst v0  }
0x2da: {  	v0 =	vld [tilespmem:s0+$0xE488];
	_ =	sdelay $0x4  }
0x2db: {  	[tilespmem:s4+$0xE488] =	vst v0  }
0x2dc: {  	v0 =	vld [tilespmem:s0+$0xE498];
	_ =	sdelay $0x4  }
0x2dd: {  	[tilespmem:s4+$0xE498] =	vst v0  }
0x2de: {  	v0 =	vld [tilespmem:s0+$0xE4A8];
	_ =	sdelay $0x4  }
0x2df: {  	[tilespmem:s4+$0xE4A8] =	vst v0  }
0x2e0: {  	v0 =	vld [tilespmem:s0+$0xE4B8];
	_ =	sdelay $0x4  }
0x2e1: {  	[tilespmem:s4+$0xE4B8] =	vst v0  }
0x2e2: {  	v0 =	vld [tilespmem:s0+$0xE4C8];
	_ =	sdelay $0x4  }
0x2e3: {  	[tilespmem:s4+$0xE4C8] =	vst v0  }
0x2e4: {  	v0 =	vld [tilespmem:s0+$0xE4D8];
	_ =	sdelay $0x4  }
0x2e5: {  	[tilespmem:s4+$0xE4D8] =	vst v0  }
0x2e6: {  	v0 =	vld [tilespmem:s0+$0xE4E8];
	_ =	sdelay $0x4  }
0x2e7: {  	[tilespmem:s4+$0xE4E8] =	vst v0  }
0x2e8: {  	v0 =	vld [tilespmem:s0+$0xE4F8];
	_ =	sdelay $0x4  }
0x2e9: {  	[tilespmem:s4+$0xE4F8] =	vst v0  }
0x2ea: {  	v0 =	vld [tilespmem:s0+$0xE508];
	_ =	sdelay $0x4  }
0x2eb: {  	[tilespmem:s4+$0xE508] =	vst v0  }
0x2ec: {  	v0 =	vld [tilespmem:s0+$0xE518];
	_ =	sdelay $0x4  }
0x2ed: {  	[tilespmem:s4+$0xE518] =	vst v0  }
0x2ee: {  	v0 =	vld [tilespmem:s0+$0xE528];
	_ =	sdelay $0x4  }
0x2ef: {  	s2 =	sadd.s32 $0x1, s2;
	[tilespmem:s4+$0xE528] =	vst v0  }
.LBB2_54:
0x2f0: {  	s3 =	sadd.s32 $0x1, s3  }
0x2f1: {  	p1 =	sne.s32 s3, $0x20  }
.Ltmp38:
0x2f2: {  	_ = 	snop;
	(pc) =	sbr.rel @!p1 .LBB2_55-.Ltmp38, $1  }
0x2f3: {  	_ =	sdelay $0x3  }
.LBB2_47:
0x2f4: {  	v0 =	vld.msk [tilespmem:s3+$0xE418], $0x1;
	_ =	sdelay $0x4  }
0x2f5: {  	(v2sf) =	vpush v0, $0x0;
	_ =	sdelay $0xe  }
0x2f6: {  	s0 =	spop (v2sf)  }
0x2f7: {  	p1 =	seq.s32 s0, $0xFFFFFFFF  }
.Ltmp39:
0x2f8: {  	_ = 	snop;
	(pc) =	sbr.rel @p1 .LBB2_54-.Ltmp39, $1  }
0x2f9: {  	_ =	sdelay $0x3  }
0x2fa: {  	p1 =	slt.s32 s2, $0x1  }
.Ltmp40:
0x2fb: {  	_ = 	snop;
	(pc) =	sbr.rel @p1 .LBB2_53-.Ltmp40, $1  }
0x2fc: {  	_ =	sdelay $0x3  }
0x2fd: {  	s4 =	simm.s32 $0xE418;
	p1 =	por $0x0, $0x0  }
0x2fe: {  	v1 =	vld.msk @!p1 [tilespmem:s4+$0x0], $0x1;
	_ =	sdelay $0x4  }
0x2ff: {  	(v2sf) =	vpush @!p1 v1, $0x0;
	_ =	sdelay $0xd  }
0x300: {  	p3 =	sne.s32 s2, $0x1  }
.Ltmp41:
0x301: {  	s5 =	spop @!p1 (v2sf);
	(pc) =	sbr.rel @!p3 .LBB2_51-.Ltmp41, $4  }
0x302: {  	p2 =	seq.s32 @!p1 s0, s5  }
0x303: {  	s5 =	simm.s32 $0x0;
	p2 =	por !p2, p1  }
0x304: {  	s7 =	simm.s32 $0xFFFFFFFF;
	s5 =	simm.s32 @p2 $0xFFFFFFFF  }
0x305: {  	s6 =	simm.s32 $0x1;
	s5 =	smov.u32 @p1 s7  }
.LBB2_50:
0x306: {  	s7 =	smov.u32 s5;
	p1 =	sne.s32 s5, $0xFFFFFFFF  }
0x307: {  	s4 =	sadd.s32 $0x1, s4;
	s5 =	smov.u32 s6;
	s6 =	sadd.s32 $0x1, s6  }
0x308: {  	p2 =	sne.s32 s2, s6;
	v1 =	vld.msk @!p1 [tilespmem:s4+$0x0], $0x1;
	_ =	sdelay $0x4  }
0x309: {  	(v2sf) =	vpush @!p1 v1, $0x0;
	_ =	sdelay $0xe  }
.Ltmp42:
0x30a: {  	s8 =	spop @!p1 (v2sf);
	(pc) =	sbr.rel @p2 .LBB2_50-.Ltmp42, $4  }
0x30b: {  	p3 =	seq.s32 @!p1 s0, s8  }
0x30c: {  	p3 =	por !p3, p1  }
0x30d: {  	s5 =	simm.s32 @p3 $0xFFFFFFFF  }
0x30e: {  	s5 =	smov.u32 @p1 s7  }
.LBB2_51:
0x30f: {  	p1 =	seq.s32 s5, $0xFFFFFFFF  }
.Ltmp43:
0x310: {  	_ = 	snop;
	(pc) =	sbr.rel @p1 .LBB2_53-.Ltmp43, $1  }
0x311: {  	_ =	sdelay $0x3  }
0x312: {  	s0 =	sshll.u32 s3, $0x8  }
0x313: {  	s0 =	sand.u32 $0x3FFFFF00, s0  }
0x314: {  	v0 =	vld [tilespmem:s0+$0xE438];
	_ =	sdelay $0x2  }
0x315: {  	s4 =	sshll.u32 s5, $0xA  }
0x316: {  	s4 =	sshra.s32 s4, $0x2  }
0x317: {  	[tilespmem:s4+$0xE438] =	vst.add.f32.msk $0xffff, v0  }
0x318: {  	v0 =	vld [tilespmem:s0+$0xE448];
	_ =	sdelay $0x4  }
0x319: {  	[tilespmem:s4+$0xE448] =	vst.add.f32.msk $0xffff, v0  }
0x31a: {  	v0 =	vld [tilespmem:s0+$0xE458];
	_ =	sdelay $0x4  }
0x31b: {  	[tilespmem:s4+$0xE458] =	vst.add.f32.msk $0xffff, v0  }
0x31c: {  	v0 =	vld [tilespmem:s0+$0xE468];
	_ =	sdelay $0x4  }
0x31d: {  	[tilespmem:s4+$0xE468] =	vst.add.f32.msk $0xffff, v0  }
0x31e: {  	v0 =	vld [tilespmem:s0+$0xE478];
	_ =	sdelay $0x4  }
0x31f: {  	[tilespmem:s4+$0xE478] =	vst.add.f32.msk $0xffff, v0  }
0x320: {  	v0 =	vld [tilespmem:s0+$0xE488];
	_ =	sdelay $0x4  }
0x321: {  	[tilespmem:s4+$0xE488] =	vst.add.f32.msk $0xffff, v0  }
0x322: {  	v0 =	vld [tilespmem:s0+$0xE498];
	_ =	sdelay $0x4  }
0x323: {  	[tilespmem:s4+$0xE498] =	vst.add.f32.msk $0xffff, v0  }
0x324: {  	v0 =	vld [tilespmem:s0+$0xE4A8];
	_ =	sdelay $0x4  }
0x325: {  	[tilespmem:s4+$0xE4A8] =	vst.add.f32.msk $0xffff, v0  }
0x326: {  	v0 =	vld [tilespmem:s0+$0xE4B8];
	_ =	sdelay $0x4  }
0x327: {  	[tilespmem:s4+$0xE4B8] =	vst.add.f32.msk $0xffff, v0  }
0x328: {  	v0 =	vld [tilespmem:s0+$0xE4C8];
	_ =	sdelay $0x4  }
0x329: {  	[tilespmem:s4+$0xE4C8] =	vst.add.f32.msk $0xffff, v0  }
0x32a: {  	v0 =	vld [tilespmem:s0+$0xE4D8];
	_ =	sdelay $0x4  }
0x32b: {  	[tilespmem:s4+$0xE4D8] =	vst.add.f32.msk $0xffff, v0  }
0x32c: {  	v0 =	vld [tilespmem:s0+$0xE4E8];
	_ =	sdelay $0x4  }
0x32d: {  	[tilespmem:s4+$0xE4E8] =	vst.add.f32.msk $0xffff, v0  }
0x32e: {  	v0 =	vld [tilespmem:s0+$0xE4F8];
	_ =	sdelay $0x4  }
0x32f: {  	[tilespmem:s4+$0xE4F8] =	vst.add.f32.msk $0xffff, v0  }
0x330: {  	v0 =	vld [tilespmem:s0+$0xE508];
	_ =	sdelay $0x4  }
0x331: {  	[tilespmem:s4+$0xE508] =	vst.add.f32.msk $0xffff, v0  }
0x332: {  	v0 =	vld [tilespmem:s0+$0xE518];
	_ =	sdelay $0x4  }
0x333: {  	[tilespmem:s4+$0xE518] =	vst.add.f32.msk $0xffff, v0  }
0x334: {  	v0 =	vld [tilespmem:s0+$0xE528]  }
.Ltmp44:
0x335: {  	_ = 	snop;
	(pc) =	sbr.rel .LBB2_54-.Ltmp44, $2  }
0x336: {  	_ =	sdelay $0x2  }
0x337: {  	[tilespmem:s4+$0xE528] =	vst.add.f32.msk $0xffff, v0  }
.LBB2_55:
0x338: {  	p1 =	slt.s32 s2, $0x1  }
.Ltmp45:
0x339: {  	_ = 	snop;
	(pc) =	sbr.rel @p1 .LBB2_59-.Ltmp45, $3  }
0x33a: {  	_ =	sdelay $0x1  }
0x33b: {  	s0 =	simm.s32 $0x8  }
0x33c: {  	s4 =	simm.s32 $0x0;
	[sflag:s0] =	ssyncpa.u1 $0x1  }
0x33d: {  	s0 =	simm.s32 $0xE418  }
0x33e: {  	v0 =	vld.msk [tilespmem:s0+$0x0], $0x1;
	_ =	sdelay $0x4  }
0x33f: {  	(v2sf) =	vpush v0, $0x0;
	_ =	sdelay $0xe  }
0x340: {  	s0 =	sadd.s32 $0xFFFFFFFF, s2;
	s3 =	spop (v2sf)  }
0x341: {  	s6 =	simm.s32 $0xE438;
	p1 =	sne.s32 s0, $0x0;
	p2 =	sgt.u32 s3, $0x4E170  }
.Ltmp46:
0x342: {  	s2 =	simm.s32 $0xE538;
	s5 =	sand.u32 @!p2 $0x7FFF8, s3;
	(pc) =	sbr.rel @!p1 .LBB2_58-.Ltmp46, $4  }
0x343: {  	s7 =	sadd.s32 @!p2 $0x80, s3;
	s4 =	simm.s32 @!p2 $0x400;
	s8 =	sadd.s32 @!p2 s1, s5  }
0x344: {  	s5 =	sand.u32 @!p2 $0x7, s3;
	s3 =	simm.s32 $0xE419;
	s7 =	sand.u32 @!p2 $0xFFFF8, s7  }
0x345: {  	[hbm4b:s8+s5] =	stream.linear.scatter @!p2 [tilespmem:s6], [sflag:$0x7], $0x80, $0x38;
	[tilespmem:$0x1E678] =	vst v63  }
0x346: {  	s4 =	sadd.s32 $0x0, s4;
	s6 =	simm.s32 @!p2 $0xE4B8;
	s7 =	sadd.s32 @!p2 s1, s7  }
.LBB2_57:
0x347: {  	[hbm4b:s7+s5] =	stream.linear.scatter @!p2 [tilespmem:s6], [sflag:$0x7], $0x80, $0x38;
	[tilespmem:$0x1E678] =	vst v63  }
0x348: {  	s0 =	sadd.s32 $0xFFFFFFFF, s0;
	s6 =	smov.u32 s2;
	v0 =	vld.msk [tilespmem:s3+$0x0], $0x1  }
0x349: {  	p1 =	sne.s32 s0, $0x0;
	_ =	sdelay $0x3  }
0x34a: {  	(v2sf) =	vpush v0, $0x0;
	_ =	sdelay $0xe  }
0x34b: {  	s2 =	sadd.s32 $0x100, s2;
	s8 =	simm.s32 $0x0;
	s5 =	spop (v2sf)  }
.Ltmp47:
0x34c: {  	s3 =	sadd.s32 $0x1, s3;
	p2 =	sgt.u32 s5, $0x4E170;
	(pc) =	sbr.rel @p1 .LBB2_57-.Ltmp47, $4  }
0x34d: {  	s8 =	simm.s32 @!p2 $0x400;
	s7 =	sand.u32 @!p2 $0x7FFF8, s5;
	s9 =	sadd.s32 @!p2 $0x80, s5  }
0x34e: {  	s5 =	sand.u32 @!p2 $0x7, s5;
	s7 =	sadd.s32 @!p2 s1, s7;
	s9 =	sand.u32 @!p2 $0xFFFF8, s9  }
0x34f: {  	[hbm4b:s7+s5] =	stream.linear.scatter @!p2 [tilespmem:s6], [sflag:$0x7], $0x80, $0x38;
	[tilespmem:$0x1E678] =	vst v63  }
0x350: {  	s4 =	sadd.s32 s4, s8;
	s6 =	sadd.s32 @!p2 $0x80, s6;
	s7 =	sadd.s32 @!p2 s1, s9  }
.LBB2_58:
0x351: {  	[hbm4b:s7+s5] =	stream.linear.scatter @!p2 [tilespmem:s6], [sflag:$0x7], $0x80, $0x38;
	[tilespmem:$0x1E678] =	vst v63  }
0x352: {  	s4 =	sshrl.u32 s4, $0x2  }
.LBB2_59:
0x353: {  	s0 =	simm.s32 $0x7  }
0x354: {  	_ =	swait.ge [sflag:s0], s4  }
0x355: {  	s1 =	ssub.s32 $0x0, s4;
	[sflag:s0] =	ssyncset.done $0x0  }
0x356: {  	[sflag:s0] =	ssyncadd.s32 s1  }
0x357: {  	[sflag:s0] =	ssyncpa.u1 $0x1  }
.LBB2_60:
0x358: {  	_ =	sfence;
	s0 =	simm.s32 $0x1  }
0x359: {  	[sflag:s0] =	ssyncpa.u1 $0x1  }
0x35a: {  	_ =	strace $0x9000004A  }
0x35b: {  	[bflag:$0x2] =	sbarrier.arrive $0xFFFF  }
0x35c: {  	s0 =	rddreg [dreg:$0x4]  }
0x35d: {  	s0 =	sadd.s32 @!p0 $0x100000, s0  }
0x35e: {  	[sflag:s0] =	ssyncadd.tile.s32 @!p0 $0x1;
	_ =	shalt  }
.Lfunc_end2:
_tile_overlayer_lowered:
.L_overlay_start_2:
0x35f: {  	(tag) =	ssettag $0x2  }
0x360: {  	s0 =	rddreg [dreg:$0x0];
	s2 =	stileid.u32  }
0x361: {  	s1 =	rddreg [dreg:$0x1];
	p0 =	sne.s32 s2, $0x0  }
0x362: {  	s3 =	rddreg [dreg:$0x2];
	[bflag:$0x3] =	sbarrier.arrive $0xFFFF;
	s2 =	simm.s32 @!p0 $0x1C01  }
0x363: {  	[timem:s3], [sflag:s2] =	dma.local @!p0 [hbm:s0], s1  }
0x364: {  	s0 =	simm.s32 @!p0 $0x1  }
0x365: {  	_ =	swait.ge @!p0 [sflag:s0], s1  }
0x366: {  	s1 =	ssub.s32 @!p0 $0x0, s1;
	[sflag:s0] =	ssyncset.done @!p0 $0x0  }
0x367: {  	[sflag:s0] =	ssyncadd.s32 @!p0 s1  }
0x368: {  	[bflag:$0x3] =	sbarrier.arrive $0xFFFF  }
0x369: {  	_ =	shalt  }

</sc_bundles>
